<compile_context>
chip_gen: v7x
topology: tpu7x:2x2x1
jax: 0.10.2.dev20260603
libtpu: 0.0.44.dev20260713+nightly
codegen_flags: <defaults>
</compile_context>

<pallas_src>
import functools

import jax
import jax.numpy as jnp
from jax import lax
from jax.experimental import pallas as pl
from jax.experimental.pallas import tpu as pltpu
from jax.experimental.pallas import tpu_sc as plsc

_B, _L, _E, _V = 1024, 200, 128, 100000
_NC, _NS = 2, 16
_NW = _NC * _NS
_ROWS_W = _B * _L // _NW
_CHUNK = 128
_NCH = _ROWS_W // _CHUNK
_LANE = 16
_NBUF = 4

_mesh = plsc.VectorSubcoreMesh(core_axis_name="c", subcore_axis_name="s")


@functools.partial(
    pl.kernel,
    out_type=jax.ShapeDtypeStruct((_B * _L, _E), jnp.float32),
    mesh=_mesh,
    scratch_types=(
        [pltpu.VMEM((_NCH, _CHUNK), jnp.int32)]
        + [pltpu.VMEM((_L * _E,), jnp.float32)]
        + [pltpu.VMEM((_CHUNK, _E), jnp.float32)] * _NBUF
        + [pltpu.SemaphoreType.DMA] * (2 * _NBUF)
    ),
)
def _emb_kernel(x_hbm, tok_hbm, pos_hbm, out_hbm, idx_v, pos_v, *scratch):
    bufs = scratch[:_NBUF]
    gsem = scratch[_NBUF:2 * _NBUF]
    ssem = scratch[2 * _NBUF:]

    wid = lax.axis_index("s") * _NC + lax.axis_index("c")
    base_row = wid * _ROWS_W

    pltpu.sync_copy(x_hbm.at[wid], idx_v)
    pltpu.sync_copy(pos_hbm, pos_v)

    def start_gather(j, b):
        pltpu.async_copy(tok_hbm.at[idx_v.at[j]], bufs[b], gsem[b])

    def wait_gather(j, b):
        pltpu.make_async_copy(tok_hbm.at[idx_v.at[j]], bufs[b], gsem[b]).wait()

    def out_slice(j):
        return out_hbm.at[pl.ds(base_row + j * _CHUNK, _CHUNK)]

    def start_store(j, b):
        pltpu.async_copy(bufs[b], out_slice(j), ssem[b])

    def wait_store(j, b):
        pltpu.make_async_copy(bufs[b], out_slice(j), ssem[b]).wait()

    def add_pos(j, b):
        buf = bufs[b]
        base = j * _CHUNK

        @plsc.parallel_loop(0, _CHUNK, step=1, unroll=4)
        def row_body(i):
            le = lax.rem(base + i, _L) * _E
            for k in range(_E // _LANE):
                buf[i, pl.ds(k * _LANE, _LANE)] += pos_v[
                    pl.ds(le + k * _LANE, _LANE)
                ]

    start_gather(0, 0)
    start_gather(1, 1)
    wait_gather(0, 0)
    add_pos(0, 0)
    start_store(0, 0)
    start_gather(2, 2)
    wait_gather(1, 1)
    add_pos(1, 1)
    start_store(1, 1)
    start_gather(3, 3)
    wait_gather(2, 2)
    add_pos(2, 2)
    start_store(2, 2)
    wait_store(0, 0)
    start_gather(4, 0)
    wait_gather(3, 3)
    add_pos(3, 3)
    start_store(3, 3)
    wait_store(1, 1)
    start_gather(5, 1)

    n_outer = (_NCH - 4 - 2) // _NBUF

    def outer(jo, _):
        for bb in range(_NBUF):
            j = 4 + jo * _NBUF + bb
            wait_store(j - 2, (bb + 2) % _NBUF)
            start_gather(j + 2, (bb + 2) % _NBUF)
            wait_gather(j, bb)
            add_pos(j, bb)
            start_store(j, bb)
        return 0

    lax.fori_loop(0, n_outer, outer, 0)

    wait_gather(48, 0)
    add_pos(48, 0)
    start_store(48, 0)
    wait_store(46, 2)
    wait_gather(49, 1)
    add_pos(49, 1)
    start_store(49, 1)
    wait_store(47, 3)
    wait_store(48, 0)
    wait_store(49, 1)


def kernel(x, token_table, pos_table):
    x_flat = x.astype(jnp.int32).reshape(_NW, _NCH, _CHUNK)
    out = _emb_kernel(x_flat, token_table, pos_table.reshape(-1))
    return out.reshape(_B, _L, _E)

# --- scband reference (transcript-rebuilt; emitter-appended) ---
"""Pipeline reference for scband-token-and-position-embedding-34162169872940 (READ-ONLY COPY).

The authoritative reference and input builder live on the scoring server;
editing this copy changes nothing except your own understanding.
"""

import jax, jax.numpy as jnp
import numpy as np

VOCAB = 100000
MAX_LEN = 200
EMBED = 128
BATCH = 1024

def setup_inputs(seed: int = 0) -> dict:
    key = jax.random.key(seed)
    k1, k2, k3 = jax.random.split(key, 3)
    x = jax.random.randint(k1, (BATCH, MAX_LEN), 0, VOCAB, dtype=jnp.int64) if jax.config.jax_enable_x64 else jax.random.randint(k1, (BATCH, MAX_LEN), 0, VOCAB, dtype=jnp.int32)
    token_table = jax.random.normal(k2, (VOCAB, EMBED), dtype=jnp.float32) * 0.02
    pos_table = jax.random.normal(k3, (MAX_LEN, EMBED), dtype=jnp.float32) * 0.02
    return {"x": x, "token_table": token_table, "pos_table": pos_table}

def reference(x, token_table, pos_table):
    # Faithful translation of TokenAndPositionEmbedding.call:
    #   positions = range(seq_len); pos = pos_emb(positions); tok = token_emb(x); return tok + pos
    seq_len = x.shape[-1]
    positions = jnp.arange(0, seq_len, dtype=jnp.int32)
    pos = jnp.take(pos_table, positions, axis=0)          # [L, E]
    tok = jnp.take(token_table, x, axis=0)                # [B, L, E]
    return tok + pos[None, :, :]

if __name__ == "__main__":
    import jax
    _d = setup_inputs()
    print(jax.jit(kernel)(*tuple(_d.values())))

</pallas_src>

<mosaic_0001>
#map = affine_map<(d0, d1) -> (0, 0, 0)>
#map1 = affine_map<(d0, d1) -> (0, 0)>
#map2 = affine_map<(d0, d1) -> (0)>
module attributes {stable_mosaic.version = 14 : i64} {
  func.func @_emb_kernel(%arg0: i32, %arg1: i32, %arg2: memref<32x50x128xi32, #tpu.memory_space<hbm>>, %arg3: memref<100000x128xf32, #tpu.memory_space<hbm>>, %arg4: memref<25600xf32, #tpu.memory_space<hbm>>, %arg5: memref<204800x128xf32, #tpu.memory_space<hbm>>, %arg6: memref<50x128xi32, #tpu.memory_space<vmem>>, %arg7: memref<25600xf32, #tpu.memory_space<vmem>>, %arg8: memref<128x128xf32, #tpu.memory_space<vmem>>, %arg9: memref<128x128xf32, #tpu.memory_space<vmem>>, %arg10: memref<128x128xf32, #tpu.memory_space<vmem>>, %arg11: memref<128x128xf32, #tpu.memory_space<vmem>>, %arg12: memref<!tpu.dma_semaphore, #tpu.memory_space<semaphore_mem>>, %arg13: memref<!tpu.dma_semaphore, #tpu.memory_space<semaphore_mem>>, %arg14: memref<!tpu.dma_semaphore, #tpu.memory_space<semaphore_mem>>, %arg15: memref<!tpu.dma_semaphore, #tpu.memory_space<semaphore_mem>>, %arg16: memref<!tpu.dma_semaphore, #tpu.memory_space<semaphore_mem>>, %arg17: memref<!tpu.dma_semaphore, #tpu.memory_space<semaphore_mem>>, %arg18: memref<!tpu.dma_semaphore, #tpu.memory_space<semaphore_mem>>, %arg19: memref<!tpu.dma_semaphore, #tpu.memory_space<semaphore_mem>>) attributes {dimension_semantics = [#tpu.dimension_semantics<core_parallel>, #tpu.dimension_semantics<subcore_parallel>], iteration_bounds = array<i64: 2, 16>, scalar_prefetch = 0 : i64, scratch_operands = 14 : i64, tpu.core_type = #tpu.core_type<sc_vector_subcore>, window_params = [{transform_indices = #map}, {transform_indices = #map1}, {transform_indices = #map2}, {transform_indices = #map1}]} {
    %mul3A = arith.constant 2 : i32
    %mul3A_0 = arith.muli %arg1, %mul3A : i32
    %add3A = arith.addi %mul3A_0, %arg0 : i32
    %mul3A_1 = arith.constant 6400 : i32
    %mul3A_2 = arith.muli %add3A, %mul3A_1 : i32
    "tpu.region"() ({
      %run_scoped3A = tpu.sem_alloc : memref<!tpu.dma_semaphore, #tpu.memory_space<semaphore_mem>>
      %dma_start3A_180 = arith.constant 0 : i32
      %dma_start3A_181 = arith.constant 0 : i32
      %dma_start3A_182 = tpu.memref_slice %arg2[%add3A, %dma_start3A_180, %dma_start3A_181] : memref<32x50x128xi32, #tpu.memory_space<hbm>> -> memref<1x50x128xi32, #tpu.memory_space<hbm>>
      %dma_start3A_183 = tpu.memref_squeeze %dma_start3A_182 : memref<1x50x128xi32, #tpu.memory_space<hbm>> -> memref<50x128xi32, #tpu.memory_space<hbm>>
      %dma_start3A_184 = arith.constant 0 : i32
      %dma_start3A_185 = arith.constant 0 : i32
      %dma_start3A_186 = tpu.memref_slice %arg2[%add3A, %dma_start3A_184, %dma_start3A_185] : memref<32x50x128xi32, #tpu.memory_space<hbm>> -> memref<1x50x128xi32, #tpu.memory_space<hbm>>
      %dma_start3A_187 = tpu.memref_squeeze %dma_start3A_186 : memref<1x50x128xi32, #tpu.memory_space<hbm>> -> memref<50x128xi32, #tpu.memory_space<hbm>>
      tpu.enqueue_dma source(%dma_start3A_187 : memref<50x128xi32, #tpu.memory_space<hbm>>) target(%arg6 : memref<50x128xi32, #tpu.memory_space<vmem>>) target_semaphore(%run_scoped3A : memref<!tpu.dma_semaphore, #tpu.memory_space<semaphore_mem>>)
      %dma_wait3A_188 = arith.constant 0 : i32
      %dma_wait3A_189 = arith.constant 0 : i32
      %dma_wait3A_190 = tpu.memref_slice %arg2[%add3A, %dma_wait3A_188, %dma_wait3A_189] : memref<32x50x128xi32, #tpu.memory_space<hbm>> -> memref<1x50x128xi32, #tpu.memory_space<hbm>>
      %dma_wait3A_191 = tpu.memref_squeeze %dma_wait3A_190 : memref<1x50x128xi32, #tpu.memory_space<hbm>> -> memref<50x128xi32, #tpu.memory_space<hbm>>
      %dma_wait3A_192 = arith.constant 0 : i32
      %dma_wait3A_193 = arith.constant 0 : i32
      %dma_wait3A_194 = tpu.memref_slice %arg2[%add3A, %dma_wait3A_192, %dma_wait3A_193] : memref<32x50x128xi32, #tpu.memory_space<hbm>> -> memref<1x50x128xi32, #tpu.memory_space<hbm>>
      %dma_wait3A_195 = tpu.memref_squeeze %dma_wait3A_194 : memref<1x50x128xi32, #tpu.memory_space<hbm>> -> memref<50x128xi32, #tpu.memory_space<hbm>>
      tpu.wait_dma2 semaphore(%run_scoped3A : memref<!tpu.dma_semaphore, #tpu.memory_space<semaphore_mem>>) src(%dma_wait3A_195 : memref<50x128xi32, #tpu.memory_space<hbm>>) dst(%arg6 : memref<50x128xi32, #tpu.memory_space<vmem>>)
      tpu.yield
    }) : () -> ()
    "tpu.region"() ({
      %run_scoped3A = tpu.sem_alloc : memref<!tpu.dma_semaphore, #tpu.memory_space<semaphore_mem>>
      tpu.enqueue_dma source(%arg4 : memref<25600xf32, #tpu.memory_space<hbm>>) target(%arg7 : memref<25600xf32, #tpu.memory_space<vmem>>) target_semaphore(%run_scoped3A : memref<!tpu.dma_semaphore, #tpu.memory_space<semaphore_mem>>)
      tpu.wait_dma2 semaphore(%run_scoped3A : memref<!tpu.dma_semaphore, #tpu.memory_space<semaphore_mem>>) src(%arg4 : memref<25600xf32, #tpu.memory_space<hbm>>) dst(%arg7 : memref<25600xf32, #tpu.memory_space<vmem>>)
      tpu.yield
    }) : () -> ()
    %dma_start3A = arith.constant 0 : i32
    %dma_start3A_3 = arith.constant 0 : i32
    %dma_start3A_4 = tpu.memref_slice %arg6[%dma_start3A, %dma_start3A_3] : memref<50x128xi32, #tpu.memory_space<vmem>> -> memref<1x128xi32, #tpu.memory_space<vmem>>
    %dma_start3A_5 = tpu.memref_squeeze %dma_start3A_4 : memref<1x128xi32, #tpu.memory_space<vmem>> -> memref<128xi32, #tpu.memory_space<vmem>>
    %dma_start3A_6 = arith.constant 0 : i32
    %dma_start3A_7 = arith.constant 0 : i32
    %dma_start3A_8 = tpu.memref_slice %arg3[%dma_start3A_6, %dma_start3A_7] : memref<100000x128xf32, #tpu.memory_space<hbm>> -> memref<100000x128xf32, #tpu.memory_space<hbm>>
    tpu.enqueue_indirect_dma source(%dma_start3A_8 : memref<100000x128xf32, #tpu.memory_space<hbm>>) target(%arg8 : memref<128x128xf32, #tpu.memory_space<vmem>>) offsets(%dma_start3A_5 : memref<128xi32, #tpu.memory_space<vmem>>) semaphore(%arg12 : memref<!tpu.dma_semaphore, #tpu.memory_space<semaphore_mem>>)
    %dma_start3A_9 = arith.constant 1 : i32
    %dma_start3A_10 = arith.constant 0 : i32
    %dma_start3A_11 = tpu.memref_slice %arg6[%dma_start3A_9, %dma_start3A_10] : memref<50x128xi32, #tpu.memory_space<vmem>> -> memref<1x128xi32, #tpu.memory_space<vmem>>
    %dma_start3A_12 = tpu.memref_squeeze %dma_start3A_11 : memref<1x128xi32, #tpu.memory_space<vmem>> -> memref<128xi32, #tpu.memory_space<vmem>>
    %dma_start3A_13 = arith.constant 0 : i32
    %dma_start3A_14 = arith.constant 0 : i32
    %dma_start3A_15 = tpu.memref_slice %arg3[%dma_start3A_13, %dma_start3A_14] : memref<100000x128xf32, #tpu.memory_space<hbm>> -> memref<100000x128xf32, #tpu.memory_space<hbm>>
    tpu.enqueue_indirect_dma source(%dma_start3A_15 : memref<100000x128xf32, #tpu.memory_space<hbm>>) target(%arg9 : memref<128x128xf32, #tpu.memory_space<vmem>>) offsets(%dma_start3A_12 : memref<128xi32, #tpu.memory_space<vmem>>) semaphore(%arg13 : memref<!tpu.dma_semaphore, #tpu.memory_space<semaphore_mem>>)
    %dma_wait3A = arith.constant 0 : i32
    %dma_wait3A_16 = arith.constant 0 : i32
    %dma_wait3A_17 = tpu.memref_slice %arg6[%dma_wait3A, %dma_wait3A_16] : memref<50x128xi32, #tpu.memory_space<vmem>> -> memref<1x128xi32, #tpu.memory_space<vmem>>
    %dma_wait3A_18 = tpu.memref_squeeze %dma_wait3A_17 : memref<1x128xi32, #tpu.memory_space<vmem>> -> memref<128xi32, #tpu.memory_space<vmem>>
    %dma_wait3A_19 = arith.constant 0 : i32
    %dma_wait3A_20 = arith.constant 0 : i32
    %dma_wait3A_21 = tpu.memref_slice %arg3[%dma_wait3A_19, %dma_wait3A_20] : memref<100000x128xf32, #tpu.memory_space<hbm>> -> memref<100000x128xf32, #tpu.memory_space<hbm>>
    tpu.wait_indirect_dma semaphore(%arg12 : memref<!tpu.dma_semaphore, #tpu.memory_space<semaphore_mem>>) src(%dma_wait3A_21 : memref<100000x128xf32, #tpu.memory_space<hbm>>) dst(%arg8 : memref<128x128xf32, #tpu.memory_space<vmem>>)
    %parallel_loop3A = arith.constant 0 : i32
    %parallel_loop3A_22 = arith.constant 128 : i32
    %parallel_loop3A_23 = arith.constant 1 : i32
    scf.for %parallel_loop3A_180 = %parallel_loop3A to %parallel_loop3A_22 step %parallel_loop3A_23  : i32 {
      %parallel_loop3A_181 = arith.constant 0 : i32
      %parallel_loop3A_182 = arith.addi %parallel_loop3A_181, %parallel_loop3A_180 : i32
      %parallel_loop3A_183 = arith.constant 200 : i32
      %parallel_loop3A_184 = arith.remsi %parallel_loop3A_182, %parallel_loop3A_183 : i32
      %parallel_loop3A_185 = arith.constant 128 : i32
      %parallel_loop3A_186 = arith.muli %parallel_loop3A_184, %parallel_loop3A_185 : i32
      %parallel_loop3A_187 = arith.index_cast %parallel_loop3A_180 : i32 to index
      %parallel_loop3A_188 = arith.constant 0 : index
      %parallel_loop3A_189 = tpu.vector_load %arg8[%parallel_loop3A_187, %parallel_loop3A_188] {strides = array<i32>} : memref<128x128xf32, #tpu.memory_space<vmem>>, vector<1x16xf32>,
      %parallel_loop3A_190 = vector.shape_cast %parallel_loop3A_189 : vector<1x16xf32> to vector<16xf32>
      %parallel_loop3A_191 = arith.constant 0 : i32
      %parallel_loop3A_192 = arith.addi %parallel_loop3A_186, %parallel_loop3A_191 : i32
      %parallel_loop3A_193 = arith.index_cast %parallel_loop3A_192 : i32 to index
      %parallel_loop3A_194 = tpu.vector_load %arg7[%parallel_loop3A_193] {strides = array<i32>} : memref<25600xf32, #tpu.memory_space<vmem>>, vector<16xf32>,
      %parallel_loop3A_195 = vector.shape_cast %parallel_loop3A_194 : vector<16xf32> to vector<16xf32>
      %parallel_loop3A_196 = arith.addf %parallel_loop3A_190, %parallel_loop3A_195 : vector<16xf32>
      %parallel_loop3A_197 = arith.index_cast %parallel_loop3A_180 : i32 to index
      %parallel_loop3A_198 = arith.constant 0 : index
      %parallel_loop3A_199 = tpu.vector_load %arg8[%parallel_loop3A_197, %parallel_loop3A_198] {strides = array<i32>} : memref<128x128xf32, #tpu.memory_space<vmem>>, vector<1x16xf32>,
      %parallel_loop3A_200 = vector.shape_cast %parallel_loop3A_199 : vector<1x16xf32> to vector<16xf32>
      %parallel_loop3A_201 = vector.shape_cast %parallel_loop3A_196 : vector<16xf32> to vector<1x16xf32>
      tpu.vector_store %arg8[%parallel_loop3A_197, %parallel_loop3A_198], %parallel_loop3A_201 {strides = array<i32>} : memref<128x128xf32, #tpu.memory_space<vmem>>, vector<1x16xf32>,
      %parallel_loop3A_202 = arith.index_cast %parallel_loop3A_180 : i32 to index
      %parallel_loop3A_203 = arith.constant 16 : index
      %parallel_loop3A_204 = tpu.vector_load %arg8[%parallel_loop3A_202, %parallel_loop3A_203] {strides = array<i32>} : memref<128x128xf32, #tpu.memory_space<vmem>>, vector<1x16xf32>,
      %parallel_loop3A_205 = vector.shape_cast %parallel_loop3A_204 : vector<1x16xf32> to vector<16xf32>
      %parallel_loop3A_206 = arith.constant 16 : i32
      %parallel_loop3A_207 = arith.addi %parallel_loop3A_186, %parallel_loop3A_206 : i32
      %parallel_loop3A_208 = arith.index_cast %parallel_loop3A_207 : i32 to index
      %parallel_loop3A_209 = tpu.vector_load %arg7[%parallel_loop3A_208] {strides = array<i32>} : memref<25600xf32, #tpu.memory_space<vmem>>, vector<16xf32>,
      %parallel_loop3A_210 = vector.shape_cast %parallel_loop3A_209 : vector<16xf32> to vector<16xf32>
      %parallel_loop3A_211 = arith.addf %parallel_loop3A_205, %parallel_loop3A_210 : vector<16xf32>
      %parallel_loop3A_212 = arith.index_cast %parallel_loop3A_180 : i32 to index
      %parallel_loop3A_213 = arith.constant 16 : index
      %parallel_loop3A_214 = tpu.vector_load %arg8[%parallel_loop3A_212, %parallel_loop3A_213] {strides = array<i32>} : memref<128x128xf32, #tpu.memory_space<vmem>>, vector<1x16xf32>,
      %parallel_loop3A_215 = vector.shape_cast %parallel_loop3A_214 : vector<1x16xf32> to vector<16xf32>
      %parallel_loop3A_216 = vector.shape_cast %parallel_loop3A_211 : vector<16xf32> to vector<1x16xf32>
      tpu.vector_store %arg8[%parallel_loop3A_212, %parallel_loop3A_213], %parallel_loop3A_216 {strides = array<i32>} : memref<128x128xf32, #tpu.memory_space<vmem>>, vector<1x16xf32>,
      %parallel_loop3A_217 = arith.index_cast %parallel_loop3A_180 : i32 to index
      %parallel_loop3A_218 = arith.constant 32 : index
      %parallel_loop3A_219 = tpu.vector_load %arg8[%parallel_loop3A_217, %parallel_loop3A_218] {strides = array<i32>} : memref<128x128xf32, #tpu.memory_space<vmem>>, vector<1x16xf32>,
      %parallel_loop3A_220 = vector.shape_cast %parallel_loop3A_219 : vector<1x16xf32> to vector<16xf32>
      %parallel_loop3A_221 = arith.constant 32 : i32
      %parallel_loop3A_222 = arith.addi %parallel_loop3A_186, %parallel_loop3A_221 : i32
      %parallel_loop3A_223 = arith.index_cast %parallel_loop3A_222 : i32 to index
      %parallel_loop3A_224 = tpu.vector_load %arg7[%parallel_loop3A_223] {strides = array<i32>} : memref<25600xf32, #tpu.memory_space<vmem>>, vector<16xf32>,
      %parallel_loop3A_225 = vector.shape_cast %parallel_loop3A_224 : vector<16xf32> to vector<16xf32>
      %parallel_loop3A_226 = arith.addf %parallel_loop3A_220, %parallel_loop3A_225 : vector<16xf32>
      %parallel_loop3A_227 = arith.index_cast %parallel_loop3A_180 : i32 to index
      %parallel_loop3A_228 = arith.constant 32 : index
      %parallel_loop3A_229 = tpu.vector_load %arg8[%parallel_loop3A_227, %parallel_loop3A_228] {strides = array<i32>} : memref<128x128xf32, #tpu.memory_space<vmem>>, vector<1x16xf32>,
      %parallel_loop3A_230 = vector.shape_cast %parallel_loop3A_229 : vector<1x16xf32> to vector<16xf32>
      %parallel_loop3A_231 = vector.shape_cast %parallel_loop3A_226 : vector<16xf32> to vector<1x16xf32>
      tpu.vector_store %arg8[%parallel_loop3A_227, %parallel_loop3A_228], %parallel_loop3A_231 {strides = array<i32>} : memref<128x128xf32, #tpu.memory_space<vmem>>, vector<1x16xf32>,
      %parallel_loop3A_232 = arith.index_cast %parallel_loop3A_180 : i32 to index
      %parallel_loop3A_233 = arith.constant 48 : index
      %parallel_loop3A_234 = tpu.vector_load %arg8[%parallel_loop3A_232, %parallel_loop3A_233] {strides = array<i32>} : memref<128x128xf32, #tpu.memory_space<vmem>>, vector<1x16xf32>,
      %parallel_loop3A_235 = vector.shape_cast %parallel_loop3A_234 : vector<1x16xf32> to vector<16xf32>
      %parallel_loop3A_236 = arith.constant 48 : i32
      %parallel_loop3A_237 = arith.addi %parallel_loop3A_186, %parallel_loop3A_236 : i32
      %parallel_loop3A_238 = arith.index_cast %parallel_loop3A_237 : i32 to index
      %parallel_loop3A_239 = tpu.vector_load %arg7[%parallel_loop3A_238] {strides = array<i32>} : memref<25600xf32, #tpu.memory_space<vmem>>, vector<16xf32>,
      %parallel_loop3A_240 = vector.shape_cast %parallel_loop3A_239 : vector<16xf32> to vector<16xf32>
      %parallel_loop3A_241 = arith.addf %parallel_loop3A_235, %parallel_loop3A_240 : vector<16xf32>
      %parallel_loop3A_242 = arith.index_cast %parallel_loop3A_180 : i32 to index
      %parallel_loop3A_243 = arith.constant 48 : index
      %parallel_loop3A_244 = tpu.vector_load %arg8[%parallel_loop3A_242, %parallel_loop3A_243] {strides = array<i32>} : memref<128x128xf32, #tpu.memory_space<vmem>>, vector<1x16xf32>,
      %parallel_loop3A_245 = vector.shape_cast %parallel_loop3A_244 : vector<1x16xf32> to vector<16xf32>
      %parallel_loop3A_246 = vector.shape_cast %parallel_loop3A_241 : vector<16xf32> to vector<1x16xf32>
      tpu.vector_store %arg8[%parallel_loop3A_242, %parallel_loop3A_243], %parallel_loop3A_246 {strides = array<i32>} : memref<128x128xf32, #tpu.memory_space<vmem>>, vector<1x16xf32>,
      %parallel_loop3A_247 = arith.index_cast %parallel_loop3A_180 : i32 to index
      %parallel_loop3A_248 = arith.constant 64 : index
      %parallel_loop3A_249 = tpu.vector_load %arg8[%parallel_loop3A_247, %parallel_loop3A_248] {strides = array<i32>} : memref<128x128xf32, #tpu.memory_space<vmem>>, vector<1x16xf32>,
      %parallel_loop3A_250 = vector.shape_cast %parallel_loop3A_249 : vector<1x16xf32> to vector<16xf32>
      %parallel_loop3A_251 = arith.constant 64 : i32
      %parallel_loop3A_252 = arith.addi %parallel_loop3A_186, %parallel_loop3A_251 : i32
      %parallel_loop3A_253 = arith.index_cast %parallel_loop3A_252 : i32 to index
      %parallel_loop3A_254 = tpu.vector_load %arg7[%parallel_loop3A_253] {strides = array<i32>} : memref<25600xf32, #tpu.memory_space<vmem>>, vector<16xf32>,
      %parallel_loop3A_255 = vector.shape_cast %parallel_loop3A_254 : vector<16xf32> to vector<16xf32>
      %parallel_loop3A_256 = arith.addf %parallel_loop3A_250, %parallel_loop3A_255 : vector<16xf32>
      %parallel_loop3A_257 = arith.index_cast %parallel_loop3A_180 : i32 to index
      %parallel_loop3A_258 = arith.constant 64 : index
      %parallel_loop3A_259 = tpu.vector_load %arg8[%parallel_loop3A_257, %parallel_loop3A_258] {strides = array<i32>} : memref<128x128xf32, #tpu.memory_space<vmem>>, vector<1x16xf32>,
      %parallel_loop3A_260 = vector.shape_cast %parallel_loop3A_259 : vector<1x16xf32> to vector<16xf32>
      %parallel_loop3A_261 = vector.shape_cast %parallel_loop3A_256 : vector<16xf32> to vector<1x16xf32>
      tpu.vector_store %arg8[%parallel_loop3A_257, %parallel_loop3A_258], %parallel_loop3A_261 {strides = array<i32>} : memref<128x128xf32, #tpu.memory_space<vmem>>, vector<1x16xf32>,
      %parallel_loop3A_262 = arith.index_cast %parallel_loop3A_180 : i32 to index
      %parallel_loop3A_263 = arith.constant 80 : index
      %parallel_loop3A_264 = tpu.vector_load %arg8[%parallel_loop3A_262, %parallel_loop3A_263] {strides = array<i32>} : memref<128x128xf32, #tpu.memory_space<vmem>>, vector<1x16xf32>,
      %parallel_loop3A_265 = vector.shape_cast %parallel_loop3A_264 : vector<1x16xf32> to vector<16xf32>
      %parallel_loop3A_266 = arith.constant 80 : i32
      %parallel_loop3A_267 = arith.addi %parallel_loop3A_186, %parallel_loop3A_266 : i32
      %parallel_loop3A_268 = arith.index_cast %parallel_loop3A_267 : i32 to index
      %parallel_loop3A_269 = tpu.vector_load %arg7[%parallel_loop3A_268] {strides = array<i32>} : memref<25600xf32, #tpu.memory_space<vmem>>, vector<16xf32>,
      %parallel_loop3A_270 = vector.shape_cast %parallel_loop3A_269 : vector<16xf32> to vector<16xf32>
      %parallel_loop3A_271 = arith.addf %parallel_loop3A_265, %parallel_loop3A_270 : vector<16xf32>
      %parallel_loop3A_272 = arith.index_cast %parallel_loop3A_180 : i32 to index
      %parallel_loop3A_273 = arith.constant 80 : index
      %parallel_loop3A_274 = tpu.vector_load %arg8[%parallel_loop3A_272, %parallel_loop3A_273] {strides = array<i32>} : memref<128x128xf32, #tpu.memory_space<vmem>>, vector<1x16xf32>,
      %parallel_loop3A_275 = vector.shape_cast %parallel_loop3A_274 : vector<1x16xf32> to vector<16xf32>
      %parallel_loop3A_276 = vector.shape_cast %parallel_loop3A_271 : vector<16xf32> to vector<1x16xf32>
      tpu.vector_store %arg8[%parallel_loop3A_272, %parallel_loop3A_273], %parallel_loop3A_276 {strides = array<i32>} : memref<128x128xf32, #tpu.memory_space<vmem>>, vector<1x16xf32>,
      %parallel_loop3A_277 = arith.index_cast %parallel_loop3A_180 : i32 to index
      %parallel_loop3A_278 = arith.constant 96 : index
      %parallel_loop3A_279 = tpu.vector_load %arg8[%parallel_loop3A_277, %parallel_loop3A_278] {strides = array<i32>} : memref<128x128xf32, #tpu.memory_space<vmem>>, vector<1x16xf32>,
      %parallel_loop3A_280 = vector.shape_cast %parallel_loop3A_279 : vector<1x16xf32> to vector<16xf32>
      %parallel_loop3A_281 = arith.constant 96 : i32
      %parallel_loop3A_282 = arith.addi %parallel_loop3A_186, %parallel_loop3A_281 : i32
      %parallel_loop3A_283 = arith.index_cast %parallel_loop3A_282 : i32 to index
      %parallel_loop3A_284 = tpu.vector_load %arg7[%parallel_loop3A_283] {strides = array<i32>} : memref<25600xf32, #tpu.memory_space<vmem>>, vector<16xf32>,
      %parallel_loop3A_285 = vector.shape_cast %parallel_loop3A_284 : vector<16xf32> to vector<16xf32>
      %parallel_loop3A_286 = arith.addf %parallel_loop3A_280, %parallel_loop3A_285 : vector<16xf32>
      %parallel_loop3A_287 = arith.index_cast %parallel_loop3A_180 : i32 to index
      %parallel_loop3A_288 = arith.constant 96 : index
      %parallel_loop3A_289 = tpu.vector_load %arg8[%parallel_loop3A_287, %parallel_loop3A_288] {strides = array<i32>} : memref<128x128xf32, #tpu.memory_space<vmem>>, vector<1x16xf32>,
      %parallel_loop3A_290 = vector.shape_cast %parallel_loop3A_289 : vector<1x16xf32> to vector<16xf32>
      %parallel_loop3A_291 = vector.shape_cast %parallel_loop3A_286 : vector<16xf32> to vector<1x16xf32>
      tpu.vector_store %arg8[%parallel_loop3A_287, %parallel_loop3A_288], %parallel_loop3A_291 {strides = array<i32>} : memref<128x128xf32, #tpu.memory_space<vmem>>, vector<1x16xf32>,
      %parallel_loop3A_292 = arith.index_cast %parallel_loop3A_180 : i32 to index
      %parallel_loop3A_293 = arith.constant 112 : index
      %parallel_loop3A_294 = tpu.vector_load %arg8[%parallel_loop3A_292, %parallel_loop3A_293] {strides = array<i32>} : memref<128x128xf32, #tpu.memory_space<vmem>>, vector<1x16xf32>,
      %parallel_loop3A_295 = vector.shape_cast %parallel_loop3A_294 : vector<1x16xf32> to vector<16xf32>
      %parallel_loop3A_296 = arith.constant 112 : i32
      %parallel_loop3A_297 = arith.addi %parallel_loop3A_186, %parallel_loop3A_296 : i32
      %parallel_loop3A_298 = arith.index_cast %parallel_loop3A_297 : i32 to index
      %parallel_loop3A_299 = tpu.vector_load %arg7[%parallel_loop3A_298] {strides = array<i32>} : memref<25600xf32, #tpu.memory_space<vmem>>, vector<16xf32>,
      %parallel_loop3A_300 = vector.shape_cast %parallel_loop3A_299 : vector<16xf32> to vector<16xf32>
      %parallel_loop3A_301 = arith.addf %parallel_loop3A_295, %parallel_loop3A_300 : vector<16xf32>
      %parallel_loop3A_302 = arith.index_cast %parallel_loop3A_180 : i32 to index
      %parallel_loop3A_303 = arith.constant 112 : index
      %parallel_loop3A_304 = tpu.vector_load %arg8[%parallel_loop3A_302, %parallel_loop3A_303] {strides = array<i32>} : memref<128x128xf32, #tpu.memory_space<vmem>>, vector<1x16xf32>,
      %parallel_loop3A_305 = vector.shape_cast %parallel_loop3A_304 : vector<1x16xf32> to vector<16xf32>
      %parallel_loop3A_306 = vector.shape_cast %parallel_loop3A_301 : vector<16xf32> to vector<1x16xf32>
      tpu.vector_store %arg8[%parallel_loop3A_302, %parallel_loop3A_303], %parallel_loop3A_306 {strides = array<i32>} : memref<128x128xf32, #tpu.memory_space<vmem>>, vector<1x16xf32>,
    } {sc.loop_unroll_factor = 4 : i64, sc.parallel_access}
    %add3A_24 = arith.constant 0 : i32
    %add3A_25 = arith.addi %mul3A_2, %add3A_24 : i32
    %dma_start3A_26 = arith.constant 0 : i32
    %dma_start3A_27 = tpu.memref_slice %arg5[%add3A_25, %dma_start3A_26] : memref<204800x128xf32, #tpu.memory_space<hbm>> -> memref<128x128xf32, #tpu.memory_space<hbm>>
    %dma_start3A_28 = arith.constant 0 : i32
    %dma_start3A_29 = tpu.memref_slice %arg5[%add3A_25, %dma_start3A_28] : memref<204800x128xf32, #tpu.memory_space<hbm>> -> memref<128x128xf32, #tpu.memory_space<hbm>>
    tpu.enqueue_dma source(%arg8 : memref<128x128xf32, #tpu.memory_space<vmem>>) target(%dma_start3A_29 : memref<128x128xf32, #tpu.memory_space<hbm>>) target_semaphore(%arg16 : memref<!tpu.dma_semaphore, #tpu.memory_space<semaphore_mem>>)
    %dma_start3A_30 = arith.constant 2 : i32
    %dma_start3A_31 = arith.constant 0 : i32
    %dma_start3A_32 = tpu.memref_slice %arg6[%dma_start3A_30, %dma_start3A_31] : memref<50x128xi32, #tpu.memory_space<vmem>> -> memref<1x128xi32, #tpu.memory_space<vmem>>
    %dma_start3A_33 = tpu.memref_squeeze %dma_start3A_32 : memref<1x128xi32, #tpu.memory_space<vmem>> -> memref<128xi32, #tpu.memory_space<vmem>>
    %dma_start3A_34 = arith.constant 0 : i32
    %dma_start3A_35 = arith.constant 0 : i32
    %dma_start3A_36 = tpu.memref_slice %arg3[%dma_start3A_34, %dma_start3A_35] : memref<100000x128xf32, #tpu.memory_space<hbm>> -> memref<100000x128xf32, #tpu.memory_space<hbm>>
    tpu.enqueue_indirect_dma source(%dma_start3A_36 : memref<100000x128xf32, #tpu.memory_space<hbm>>) target(%arg10 : memref<128x128xf32, #tpu.memory_space<vmem>>) offsets(%dma_start3A_33 : memref<128xi32, #tpu.memory_space<vmem>>) semaphore(%arg14 : memref<!tpu.dma_semaphore, #tpu.memory_space<semaphore_mem>>)
    %dma_wait3A_37 = arith.constant 1 : i32
    %dma_wait3A_38 = arith.constant 0 : i32
    %dma_wait3A_39 = tpu.memref_slice %arg6[%dma_wait3A_37, %dma_wait3A_38] : memref<50x128xi32, #tpu.memory_space<vmem>> -> memref<1x128xi32, #tpu.memory_space<vmem>>
    %dma_wait3A_40 = tpu.memref_squeeze %dma_wait3A_39 : memref<1x128xi32, #tpu.memory_space<vmem>> -> memref<128xi32, #tpu.memory_space<vmem>>
    %dma_wait3A_41 = arith.constant 0 : i32
    %dma_wait3A_42 = arith.constant 0 : i32
    %dma_wait3A_43 = tpu.memref_slice %arg3[%dma_wait3A_41, %dma_wait3A_42] : memref<100000x128xf32, #tpu.memory_space<hbm>> -> memref<100000x128xf32, #tpu.memory_space<hbm>>
    tpu.wait_indirect_dma semaphore(%arg13 : memref<!tpu.dma_semaphore, #tpu.memory_space<semaphore_mem>>) src(%dma_wait3A_43 : memref<100000x128xf32, #tpu.memory_space<hbm>>) dst(%arg9 : memref<128x128xf32, #tpu.memory_space<vmem>>)
    %parallel_loop3A_44 = arith.constant 0 : i32
    %parallel_loop3A_45 = arith.constant 128 : i32
    %parallel_loop3A_46 = arith.constant 1 : i32
    scf.for %parallel_loop3A_180 = %parallel_loop3A_44 to %parallel_loop3A_45 step %parallel_loop3A_46  : i32 {
      %parallel_loop3A_181 = arith.constant 128 : i32
      %parallel_loop3A_182 = arith.addi %parallel_loop3A_181, %parallel_loop3A_180 : i32
      %parallel_loop3A_183 = arith.constant 200 : i32
      %parallel_loop3A_184 = arith.remsi %parallel_loop3A_182, %parallel_loop3A_183 : i32
      %parallel_loop3A_185 = arith.constant 128 : i32
      %parallel_loop3A_186 = arith.muli %parallel_loop3A_184, %parallel_loop3A_185 : i32
      %parallel_loop3A_187 = arith.index_cast %parallel_loop3A_180 : i32 to index
      %parallel_loop3A_188 = arith.constant 0 : index
      %parallel_loop3A_189 = tpu.vector_load %arg9[%parallel_loop3A_187, %parallel_loop3A_188] {strides = array<i32>} : memref<128x128xf32, #tpu.memory_space<vmem>>, vector<1x16xf32>,
      %parallel_loop3A_190 = vector.shape_cast %parallel_loop3A_189 : vector<1x16xf32> to vector<16xf32>
      %parallel_loop3A_191 = arith.constant 0 : i32
      %parallel_loop3A_192 = arith.addi %parallel_loop3A_186, %parallel_loop3A_191 : i32
      %parallel_loop3A_193 = arith.index_cast %parallel_loop3A_192 : i32 to index
      %parallel_loop3A_194 = tpu.vector_load %arg7[%parallel_loop3A_193] {strides = array<i32>} : memref<25600xf32, #tpu.memory_space<vmem>>, vector<16xf32>,
      %parallel_loop3A_195 = vector.shape_cast %parallel_loop3A_194 : vector<16xf32> to vector<16xf32>
      %parallel_loop3A_196 = arith.addf %parallel_loop3A_190, %parallel_loop3A_195 : vector<16xf32>
      %parallel_loop3A_197 = arith.index_cast %parallel_loop3A_180 : i32 to index
      %parallel_loop3A_198 = arith.constant 0 : index
      %parallel_loop3A_199 = tpu.vector_load %arg9[%parallel_loop3A_197, %parallel_loop3A_198] {strides = array<i32>} : memref<128x128xf32, #tpu.memory_space<vmem>>, vector<1x16xf32>,
      %parallel_loop3A_200 = vector.shape_cast %parallel_loop3A_199 : vector<1x16xf32> to vector<16xf32>
      %parallel_loop3A_201 = vector.shape_cast %parallel_loop3A_196 : vector<16xf32> to vector<1x16xf32>
      tpu.vector_store %arg9[%parallel_loop3A_197, %parallel_loop3A_198], %parallel_loop3A_201 {strides = array<i32>} : memref<128x128xf32, #tpu.memory_space<vmem>>, vector<1x16xf32>,
      %parallel_loop3A_202 = arith.index_cast %parallel_loop3A_180 : i32 to index
      %parallel_loop3A_203 = arith.constant 16 : index
      %parallel_loop3A_204 = tpu.vector_load %arg9[%parallel_loop3A_202, %parallel_loop3A_203] {strides = array<i32>} : memref<128x128xf32, #tpu.memory_space<vmem>>, vector<1x16xf32>,
      %parallel_loop3A_205 = vector.shape_cast %parallel_loop3A_204 : vector<1x16xf32> to vector<16xf32>
      %parallel_loop3A_206 = arith.constant 16 : i32
      %parallel_loop3A_207 = arith.addi %parallel_loop3A_186, %parallel_loop3A_206 : i32
      %parallel_loop3A_208 = arith.index_cast %parallel_loop3A_207 : i32 to index
      %parallel_loop3A_209 = tpu.vector_load %arg7[%parallel_loop3A_208] {strides = array<i32>} : memref<25600xf32, #tpu.memory_space<vmem>>, vector<16xf32>,
      %parallel_loop3A_210 = vector.shape_cast %parallel_loop3A_209 : vector<16xf32> to vector<16xf32>
      %parallel_loop3A_211 = arith.addf %parallel_loop3A_205, %parallel_loop3A_210 : vector<16xf32>
      %parallel_loop3A_212 = arith.index_cast %parallel_loop3A_180 : i32 to index
      %parallel_loop3A_213 = arith.constant 16 : index
      %parallel_loop3A_214 = tpu.vector_load %arg9[%parallel_loop3A_212, %parallel_loop3A_213] {strides = array<i32>} : memref<128x128xf32, #tpu.memory_space<vmem>>, vector<1x16xf32>,
      %parallel_loop3A_215 = vector.shape_cast %parallel_loop3A_214 : vector<1x16xf32> to vector<16xf32>
      %parallel_loop3A_216 = vector.shape_cast %parallel_loop3A_211 : vector<16xf32> to vector<1x16xf32>
      tpu.vector_store %arg9[%parallel_loop3A_212, %parallel_loop3A_213], %parallel_loop3A_216 {strides = array<i32>} : memref<128x128xf32, #tpu.memory_space<vmem>>, vector<1x16xf32>,
      %parallel_loop3A_217 = arith.index_cast %parallel_loop3A_180 : i32 to index
      %parallel_loop3A_218 = arith.constant 32 : index
      %parallel_loop3A_219 = tpu.vector_load %arg9[%parallel_loop3A_217, %parallel_loop3A_218] {strides = array<i32>} : memref<128x128xf32, #tpu.memory_space<vmem>>, vector<1x16xf32>,
      %parallel_loop3A_220 = vector.shape_cast %parallel_loop3A_219 : vector<1x16xf32> to vector<16xf32>
      %parallel_loop3A_221 = arith.constant 32 : i32
      %parallel_loop3A_222 = arith.addi %parallel_loop3A_186, %parallel_loop3A_221 : i32
      %parallel_loop3A_223 = arith.index_cast %parallel_loop3A_222 : i32 to index
      %parallel_loop3A_224 = tpu.vector_load %arg7[%parallel_loop3A_223] {strides = array<i32>} : memref<25600xf32, #tpu.memory_space<vmem>>, vector<16xf32>,
      %parallel_loop3A_225 = vector.shape_cast %parallel_loop3A_224 : vector<16xf32> to vector<16xf32>
      %parallel_loop3A_226 = arith.addf %parallel_loop3A_220, %parallel_loop3A_225 : vector<16xf32>
      %parallel_loop3A_227 = arith.index_cast %parallel_loop3A_180 : i32 to index
      %parallel_loop3A_228 = arith.constant 32 : index
      %parallel_loop3A_229 = tpu.vector_load %arg9[%parallel_loop3A_227, %parallel_loop3A_228] {strides = array<i32>} : memref<128x128xf32, #tpu.memory_space<vmem>>, vector<1x16xf32>,
      %parallel_loop3A_230 = vector.shape_cast %parallel_loop3A_229 : vector<1x16xf32> to vector<16xf32>
      %parallel_loop3A_231 = vector.shape_cast %parallel_loop3A_226 : vector<16xf32> to vector<1x16xf32>
      tpu.vector_store %arg9[%parallel_loop3A_227, %parallel_loop3A_228], %parallel_loop3A_231 {strides = array<i32>} : memref<128x128xf32, #tpu.memory_space<vmem>>, vector<1x16xf32>,
      %parallel_loop3A_232 = arith.index_cast %parallel_loop3A_180 : i32 to index
      %parallel_loop3A_233 = arith.constant 48 : index
      %parallel_loop3A_234 = tpu.vector_load %arg9[%parallel_loop3A_232, %parallel_loop3A_233] {strides = array<i32>} : memref<128x128xf32, #tpu.memory_space<vmem>>, vector<1x16xf32>,
      %parallel_loop3A_235 = vector.shape_cast %parallel_loop3A_234 : vector<1x16xf32> to vector<16xf32>
      %parallel_loop3A_236 = arith.constant 48 : i32
      %parallel_loop3A_237 = arith.addi %parallel_loop3A_186, %parallel_loop3A_236 : i32
      %parallel_loop3A_238 = arith.index_cast %parallel_loop3A_237 : i32 to index
      %parallel_loop3A_239 = tpu.vector_load %arg7[%parallel_loop3A_238] {strides = array<i32>} : memref<25600xf32, #tpu.memory_space<vmem>>, vector<16xf32>,
      %parallel_loop3A_240 = vector.shape_cast %parallel_loop3A_239 : vector<16xf32> to vector<16xf32>
      %parallel_loop3A_241 = arith.addf %parallel_loop3A_235, %parallel_loop3A_240 : vector<16xf32>
      %parallel_loop3A_242 = arith.index_cast %parallel_loop3A_180 : i32 to index
      %parallel_loop3A_243 = arith.constant 48 : index
      %parallel_loop3A_244 = tpu.vector_load %arg9[%parallel_loop3A_242, %parallel_loop3A_243] {strides = array<i32>} : memref<128x128xf32, #tpu.memory_space<vmem>>, vector<1x16xf32>,
      %parallel_loop3A_245 = vector.shape_cast %parallel_loop3A_244 : vector<1x16xf32> to vector<16xf32>
      %parallel_loop3A_246 = vector.shape_cast %parallel_loop3A_241 : vector<16xf32> to vector<1x16xf32>
      tpu.vector_store %arg9[%parallel_loop3A_242, %parallel_loop3A_243], %parallel_loop3A_246 {strides = array<i32>} : memref<128x128xf32, #tpu.memory_space<vmem>>, vector<1x16xf32>,
      %parallel_loop3A_247 = arith.index_cast %parallel_loop3A_180 : i32 to index
      %parallel_loop3A_248 = arith.constant 64 : index
      %parallel_loop3A_249 = tpu.vector_load %arg9[%parallel_loop3A_247, %parallel_loop3A_248] {strides = array<i32>} : memref<128x128xf32, #tpu.memory_space<vmem>>, vector<1x16xf32>,
      %parallel_loop3A_250 = vector.shape_cast %parallel_loop3A_249 : vector<1x16xf32> to vector<16xf32>
      %parallel_loop3A_251 = arith.constant 64 : i32
      %parallel_loop3A_252 = arith.addi %parallel_loop3A_186, %parallel_loop3A_251 : i32
      %parallel_loop3A_253 = arith.index_cast %parallel_loop3A_252 : i32 to index
      %parallel_loop3A_254 = tpu.vector_load %arg7[%parallel_loop3A_253] {strides = array<i32>} : memref<25600xf32, #tpu.memory_space<vmem>>, vector<16xf32>,
      %parallel_loop3A_255 = vector.shape_cast %parallel_loop3A_254 : vector<16xf32> to vector<16xf32>
      %parallel_loop3A_256 = arith.addf %parallel_loop3A_250, %parallel_loop3A_255 : vector<16xf32>
      %parallel_loop3A_257 = arith.index_cast %parallel_loop3A_180 : i32 to index
      %parallel_loop3A_258 = arith.constant 64 : index
      %parallel_loop3A_259 = tpu.vector_load %arg9[%parallel_loop3A_257, %parallel_loop3A_258] {strides = array<i32>} : memref<128x128xf32, #tpu.memory_space<vmem>>, vector<1x16xf32>,
      %parallel_loop3A_260 = vector.shape_cast %parallel_loop3A_259 : vector<1x16xf32> to vector<16xf32>
      %parallel_loop3A_261 = vector.shape_cast %parallel_loop3A_256 : vector<16xf32> to vector<1x16xf32>
      tpu.vector_store %arg9[%parallel_loop3A_257, %parallel_loop3A_258], %parallel_loop3A_261 {strides = array<i32>} : memref<128x128xf32, #tpu.memory_space<vmem>>, vector<1x16xf32>,
      %parallel_loop3A_262 = arith.index_cast %parallel_loop3A_180 : i32 to index
      %parallel_loop3A_263 = arith.constant 80 : index
      %parallel_loop3A_264 = tpu.vector_load %arg9[%parallel_loop3A_262, %parallel_loop3A_263] {strides = array<i32>} : memref<128x128xf32, #tpu.memory_space<vmem>>, vector<1x16xf32>,
      %parallel_loop3A_265 = vector.shape_cast %parallel_loop3A_264 : vector<1x16xf32> to vector<16xf32>
      %parallel_loop3A_266 = arith.constant 80 : i32
      %parallel_loop3A_267 = arith.addi %parallel_loop3A_186, %parallel_loop3A_266 : i32
      %parallel_loop3A_268 = arith.index_cast %parallel_loop3A_267 : i32 to index
      %parallel_loop3A_269 = tpu.vector_load %arg7[%parallel_loop3A_268] {strides = array<i32>} : memref<25600xf32, #tpu.memory_space<vmem>>, vector<16xf32>,
      %parallel_loop3A_270 = vector.shape_cast %parallel_loop3A_269 : vector<16xf32> to vector<16xf32>
      %parallel_loop3A_271 = arith.addf %parallel_loop3A_265, %parallel_loop3A_270 : vector<16xf32>
      %parallel_loop3A_272 = arith.index_cast %parallel_loop3A_180 : i32 to index
      %parallel_loop3A_273 = arith.constant 80 : index
      %parallel_loop3A_274 = tpu.vector_load %arg9[%parallel_loop3A_272, %parallel_loop3A_273] {strides = array<i32>} : memref<128x128xf32, #tpu.memory_space<vmem>>, vector<1x16xf32>,
      %parallel_loop3A_275 = vector.shape_cast %parallel_loop3A_274 : vector<1x16xf32> to vector<16xf32>
      %parallel_loop3A_276 = vector.shape_cast %parallel_loop3A_271 : vector<16xf32> to vector<1x16xf32>
      tpu.vector_store %arg9[%parallel_loop3A_272, %parallel_loop3A_273], %parallel_loop3A_276 {strides = array<i32>} : memref<128x128xf32, #tpu.memory_space<vmem>>, vector<1x16xf32>,
      %parallel_loop3A_277 = arith.index_cast %parallel_loop3A_180 : i32 to index
      %parallel_loop3A_278 = arith.constant 96 : index
      %parallel_loop3A_279 = tpu.vector_load %arg9[%parallel_loop3A_277, %parallel_loop3A_278] {strides = array<i32>} : memref<128x128xf32, #tpu.memory_space<vmem>>, vector<1x16xf32>,
      %parallel_loop3A_280 = vector.shape_cast %parallel_loop3A_279 : vector<1x16xf32> to vector<16xf32>
      %parallel_loop3A_281 = arith.constant 96 : i32
      %parallel_loop3A_282 = arith.addi %parallel_loop3A_186, %parallel_loop3A_281 : i32
      %parallel_loop3A_283 = arith.index_cast %parallel_loop3A_282 : i32 to index
      %parallel_loop3A_284 = tpu.vector_load %arg7[%parallel_loop3A_283] {strides = array<i32>} : memref<25600xf32, #tpu.memory_space<vmem>>, vector<16xf32>,
      %parallel_loop3A_285 = vector.shape_cast %parallel_loop3A_284 : vector<16xf32> to vector<16xf32>
      %parallel_loop3A_286 = arith.addf %parallel_loop3A_280, %parallel_loop3A_285 : vector<16xf32>
      %parallel_loop3A_287 = arith.index_cast %parallel_loop3A_180 : i32 to index
      %parallel_loop3A_288 = arith.constant 96 : index
      %parallel_loop3A_289 = tpu.vector_load %arg9[%parallel_loop3A_287, %parallel_loop3A_288] {strides = array<i32>} : memref<128x128xf32, #tpu.memory_space<vmem>>, vector<1x16xf32>,
      %parallel_loop3A_290 = vector.shape_cast %parallel_loop3A_289 : vector<1x16xf32> to vector<16xf32>
      %parallel_loop3A_291 = vector.shape_cast %parallel_loop3A_286 : vector<16xf32> to vector<1x16xf32>
      tpu.vector_store %arg9[%parallel_loop3A_287, %parallel_loop3A_288], %parallel_loop3A_291 {strides = array<i32>} : memref<128x128xf32, #tpu.memory_space<vmem>>, vector<1x16xf32>,
      %parallel_loop3A_292 = arith.index_cast %parallel_loop3A_180 : i32 to index
      %parallel_loop3A_293 = arith.constant 112 : index
      %parallel_loop3A_294 = tpu.vector_load %arg9[%parallel_loop3A_292, %parallel_loop3A_293] {strides = array<i32>} : memref<128x128xf32, #tpu.memory_space<vmem>>, vector<1x16xf32>,
      %parallel_loop3A_295 = vector.shape_cast %parallel_loop3A_294 : vector<1x16xf32> to vector<16xf32>
      %parallel_loop3A_296 = arith.constant 112 : i32
      %parallel_loop3A_297 = arith.addi %parallel_loop3A_186, %parallel_loop3A_296 : i32
      %parallel_loop3A_298 = arith.index_cast %parallel_loop3A_297 : i32 to index
      %parallel_loop3A_299 = tpu.vector_load %arg7[%parallel_loop3A_298] {strides = array<i32>} : memref<25600xf32, #tpu.memory_space<vmem>>, vector<16xf32>,
      %parallel_loop3A_300 = vector.shape_cast %parallel_loop3A_299 : vector<16xf32> to vector<16xf32>
      %parallel_loop3A_301 = arith.addf %parallel_loop3A_295, %parallel_loop3A_300 : vector<16xf32>
      %parallel_loop3A_302 = arith.index_cast %parallel_loop3A_180 : i32 to index
      %parallel_loop3A_303 = arith.constant 112 : index
      %parallel_loop3A_304 = tpu.vector_load %arg9[%parallel_loop3A_302, %parallel_loop3A_303] {strides = array<i32>} : memref<128x128xf32, #tpu.memory_space<vmem>>, vector<1x16xf32>,
      %parallel_loop3A_305 = vector.shape_cast %parallel_loop3A_304 : vector<1x16xf32> to vector<16xf32>
      %parallel_loop3A_306 = vector.shape_cast %parallel_loop3A_301 : vector<16xf32> to vector<1x16xf32>
      tpu.vector_store %arg9[%parallel_loop3A_302, %parallel_loop3A_303], %parallel_loop3A_306 {strides = array<i32>} : memref<128x128xf32, #tpu.memory_space<vmem>>, vector<1x16xf32>,
    } {sc.loop_unroll_factor = 4 : i64, sc.parallel_access}
    %add3A_47 = arith.constant 128 : i32
    %add3A_48 = arith.addi %mul3A_2, %add3A_47 : i32
    %dma_start3A_49 = arith.constant 0 : i32
    %dma_start3A_50 = tpu.memref_slice %arg5[%add3A_48, %dma_start3A_49] : memref<204800x128xf32, #tpu.memory_space<hbm>> -> memref<128x128xf32, #tpu.memory_space<hbm>>
    %dma_start3A_51 = arith.constant 0 : i32
    %dma_start3A_52 = tpu.memref_slice %arg5[%add3A_48, %dma_start3A_51] : memref<204800x128xf32, #tpu.memory_space<hbm>> -> memref<128x128xf32, #tpu.memory_space<hbm>>
    tpu.enqueue_dma source(%arg9 : memref<128x128xf32, #tpu.memory_space<vmem>>) target(%dma_start3A_52 : memref<128x128xf32, #tpu.memory_space<hbm>>) target_semaphore(%arg17 : memref<!tpu.dma_semaphore, #tpu.memory_space<semaphore_mem>>)
    %dma_start3A_53 = arith.constant 3 : i32
    %dma_start3A_54 = arith.constant 0 : i32
    %dma_start3A_55 = tpu.memref_slice %arg6[%dma_start3A_53, %dma_start3A_54] : memref<50x128xi32, #tpu.memory_space<vmem>> -> memref<1x128xi32, #tpu.memory_space<vmem>>
    %dma_start3A_56 = tpu.memref_squeeze %dma_start3A_55 : memref<1x128xi32, #tpu.memory_space<vmem>> -> memref<128xi32, #tpu.memory_space<vmem>>
    %dma_start3A_57 = arith.constant 0 : i32
    %dma_start3A_58 = arith.constant 0 : i32
    %dma_start3A_59 = tpu.memref_slice %arg3[%dma_start3A_57, %dma_start3A_58] : memref<100000x128xf32, #tpu.memory_space<hbm>> -> memref<100000x128xf32, #tpu.memory_space<hbm>>
    tpu.enqueue_indirect_dma source(%dma_start3A_59 : memref<100000x128xf32, #tpu.memory_space<hbm>>) target(%arg11 : memref<128x128xf32, #tpu.memory_space<vmem>>) offsets(%dma_start3A_56 : memref<128xi32, #tpu.memory_space<vmem>>) semaphore(%arg15 : memref<!tpu.dma_semaphore, #tpu.memory_space<semaphore_mem>>)
    %dma_wait3A_60 = arith.constant 2 : i32
    %dma_wait3A_61 = arith.constant 0 : i32
    %dma_wait3A_62 = tpu.memref_slice %arg6[%dma_wait3A_60, %dma_wait3A_61] : memref<50x128xi32, #tpu.memory_space<vmem>> -> memref<1x128xi32, #tpu.memory_space<vmem>>
    %dma_wait3A_63 = tpu.memref_squeeze %dma_wait3A_62 : memref<1x128xi32, #tpu.memory_space<vmem>> -> memref<128xi32, #tpu.memory_space<vmem>>
    %dma_wait3A_64 = arith.constant 0 : i32
    %dma_wait3A_65 = arith.constant 0 : i32
    %dma_wait3A_66 = tpu.memref_slice %arg3[%dma_wait3A_64, %dma_wait3A_65] : memref<100000x128xf32, #tpu.memory_space<hbm>> -> memref<100000x128xf32, #tpu.memory_space<hbm>>
    tpu.wait_indirect_dma semaphore(%arg14 : memref<!tpu.dma_semaphore, #tpu.memory_space<semaphore_mem>>) src(%dma_wait3A_66 : memref<100000x128xf32, #tpu.memory_space<hbm>>) dst(%arg10 : memref<128x128xf32, #tpu.memory_space<vmem>>)
    %parallel_loop3A_67 = arith.constant 0 : i32
    %parallel_loop3A_68 = arith.constant 128 : i32
    %parallel_loop3A_69 = arith.constant 1 : i32
    scf.for %parallel_loop3A_180 = %parallel_loop3A_67 to %parallel_loop3A_68 step %parallel_loop3A_69  : i32 {
      %parallel_loop3A_181 = arith.constant 256 : i32
      %parallel_loop3A_182 = arith.addi %parallel_loop3A_181, %parallel_loop3A_180 : i32
      %parallel_loop3A_183 = arith.constant 200 : i32
      %parallel_loop3A_184 = arith.remsi %parallel_loop3A_182, %parallel_loop3A_183 : i32
      %parallel_loop3A_185 = arith.constant 128 : i32
      %parallel_loop3A_186 = arith.muli %parallel_loop3A_184, %parallel_loop3A_185 : i32
      %parallel_loop3A_187 = arith.index_cast %parallel_loop3A_180 : i32 to index
      %parallel_loop3A_188 = arith.constant 0 : index
      %parallel_loop3A_189 = tpu.vector_load %arg10[%parallel_loop3A_187, %parallel_loop3A_188] {strides = array<i32>} : memref<128x128xf32, #tpu.memory_space<vmem>>, vector<1x16xf32>,
      %parallel_loop3A_190 = vector.shape_cast %parallel_loop3A_189 : vector<1x16xf32> to vector<16xf32>
      %parallel_loop3A_191 = arith.constant 0 : i32
      %parallel_loop3A_192 = arith.addi %parallel_loop3A_186, %parallel_loop3A_191 : i32
      %parallel_loop3A_193 = arith.index_cast %parallel_loop3A_192 : i32 to index
      %parallel_loop3A_194 = tpu.vector_load %arg7[%parallel_loop3A_193] {strides = array<i32>} : memref<25600xf32, #tpu.memory_space<vmem>>, vector<16xf32>,
      %parallel_loop3A_195 = vector.shape_cast %parallel_loop3A_194 : vector<16xf32> to vector<16xf32>
      %parallel_loop3A_196 = arith.addf %parallel_loop3A_190, %parallel_loop3A_195 : vector<16xf32>
      %parallel_loop3A_197 = arith.index_cast %parallel_loop3A_180 : i32 to index
      %parallel_loop3A_198 = arith.constant 0 : index
      %parallel_loop3A_199 = tpu.vector_load %arg10[%parallel_loop3A_197, %parallel_loop3A_198] {strides = array<i32>} : memref<128x128xf32, #tpu.memory_space<vmem>>, vector<1x16xf32>,
      %parallel_loop3A_200 = vector.shape_cast %parallel_loop3A_199 : vector<1x16xf32> to vector<16xf32>
      %parallel_loop3A_201 = vector.shape_cast %parallel_loop3A_196 : vector<16xf32> to vector<1x16xf32>
      tpu.vector_store %arg10[%parallel_loop3A_197, %parallel_loop3A_198], %parallel_loop3A_201 {strides = array<i32>} : memref<128x128xf32, #tpu.memory_space<vmem>>, vector<1x16xf32>,
      %parallel_loop3A_202 = arith.index_cast %parallel_loop3A_180 : i32 to index
      %parallel_loop3A_203 = arith.constant 16 : index
      %parallel_loop3A_204 = tpu.vector_load %arg10[%parallel_loop3A_202, %parallel_loop3A_203] {strides = array<i32>} : memref<128x128xf32, #tpu.memory_space<vmem>>, vector<1x16xf32>,
      %parallel_loop3A_205 = vector.shape_cast %parallel_loop3A_204 : vector<1x16xf32> to vector<16xf32>
      %parallel_loop3A_206 = arith.constant 16 : i32
      %parallel_loop3A_207 = arith.addi %parallel_loop3A_186, %parallel_loop3A_206 : i32
      %parallel_loop3A_208 = arith.index_cast %parallel_loop3A_207 : i32 to index
      %parallel_loop3A_209 = tpu.vector_load %arg7[%parallel_loop3A_208] {strides = array<i32>} : memref<25600xf32, #tpu.memory_space<vmem>>, vector<16xf32>,
      %parallel_loop3A_210 = vector.shape_cast %parallel_loop3A_209 : vector<16xf32> to vector<16xf32>
      %parallel_loop3A_211 = arith.addf %parallel_loop3A_205, %parallel_loop3A_210 : vector<16xf32>
      %parallel_loop3A_212 = arith.index_cast %parallel_loop3A_180 : i32 to index
      %parallel_loop3A_213 = arith.constant 16 : index
      %parallel_loop3A_214 = tpu.vector_load %arg10[%parallel_loop3A_212, %parallel_loop3A_213] {strides = array<i32>} : memref<128x128xf32, #tpu.memory_space<vmem>>, vector<1x16xf32>,
      %parallel_loop3A_215 = vector.shape_cast %parallel_loop3A_214 : vector<1x16xf32> to vector<16xf32>
      %parallel_loop3A_216 = vector.shape_cast %parallel_loop3A_211 : vector<16xf32> to vector<1x16xf32>
      tpu.vector_store %arg10[%parallel_loop3A_212, %parallel_loop3A_213], %parallel_loop3A_216 {strides = array<i32>} : memref<128x128xf32, #tpu.memory_space<vmem>>, vector<1x16xf32>,
      %parallel_loop3A_217 = arith.index_cast %parallel_loop3A_180 : i32 to index
      %parallel_loop3A_218 = arith.constant 32 : index
      %parallel_loop3A_219 = tpu.vector_load %arg10[%parallel_loop3A_217, %parallel_loop3A_218] {strides = array<i32>} : memref<128x128xf32, #tpu.memory_space<vmem>>, vector<1x16xf32>,
      %parallel_loop3A_220 = vector.shape_cast %parallel_loop3A_219 : vector<1x16xf32> to vector<16xf32>
      %parallel_loop3A_221 = arith.constant 32 : i32
      %parallel_loop3A_222 = arith.addi %parallel_loop3A_186, %parallel_loop3A_221 : i32
      %parallel_loop3A_223 = arith.index_cast %parallel_loop3A_222 : i32 to index
      %parallel_loop3A_224 = tpu.vector_load %arg7[%parallel_loop3A_223] {strides = array<i32>} : memref<25600xf32, #tpu.memory_space<vmem>>, vector<16xf32>,
      %parallel_loop3A_225 = vector.shape_cast %parallel_loop3A_224 : vector<16xf32> to vector<16xf32>
      %parallel_loop3A_226 = arith.addf %parallel_loop3A_220, %parallel_loop3A_225 : vector<16xf32>
      %parallel_loop3A_227 = arith.index_cast %parallel_loop3A_180 : i32 to index
      %parallel_loop3A_228 = arith.constant 32 : index
      %parallel_loop3A_229 = tpu.vector_load %arg10[%parallel_loop3A_227, %parallel_loop3A_228] {strides = array<i32>} : memref<128x128xf32, #tpu.memory_space<vmem>>, vector<1x16xf32>,
      %parallel_loop3A_230 = vector.shape_cast %parallel_loop3A_229 : vector<1x16xf32> to vector<16xf32>
      %parallel_loop3A_231 = vector.shape_cast %parallel_loop3A_226 : vector<16xf32> to vector<1x16xf32>
      tpu.vector_store %arg10[%parallel_loop3A_227, %parallel_loop3A_228], %parallel_loop3A_231 {strides = array<i32>} : memref<128x128xf32, #tpu.memory_space<vmem>>, vector<1x16xf32>,
      %parallel_loop3A_232 = arith.index_cast %parallel_loop3A_180 : i32 to index
      %parallel_loop3A_233 = arith.constant 48 : index
      %parallel_loop3A_234 = tpu.vector_load %arg10[%parallel_loop3A_232, %parallel_loop3A_233] {strides = array<i32>} : memref<128x128xf32, #tpu.memory_space<vmem>>, vector<1x16xf32>,
      %parallel_loop3A_235 = vector.shape_cast %parallel_loop3A_234 : vector<1x16xf32> to vector<16xf32>
      %parallel_loop3A_236 = arith.constant 48 : i32
      %parallel_loop3A_237 = arith.addi %parallel_loop3A_186, %parallel_loop3A_236 : i32
      %parallel_loop3A_238 = arith.index_cast %parallel_loop3A_237 : i32 to index
      %parallel_loop3A_239 = tpu.vector_load %arg7[%parallel_loop3A_238] {strides = array<i32>} : memref<25600xf32, #tpu.memory_space<vmem>>, vector<16xf32>,
      %parallel_loop3A_240 = vector.shape_cast %parallel_loop3A_239 : vector<16xf32> to vector<16xf32>
      %parallel_loop3A_241 = arith.addf %parallel_loop3A_235, %parallel_loop3A_240 : vector<16xf32>
      %parallel_loop3A_242 = arith.index_cast %parallel_loop3A_180 : i32 to index
      %parallel_loop3A_243 = arith.constant 48 : index
      %parallel_loop3A_244 = tpu.vector_load %arg10[%parallel_loop3A_242, %parallel_loop3A_243] {strides = array<i32>} : memref<128x128xf32, #tpu.memory_space<vmem>>, vector<1x16xf32>,
      %parallel_loop3A_245 = vector.shape_cast %parallel_loop3A_244 : vector<1x16xf32> to vector<16xf32>
      %parallel_loop3A_246 = vector.shape_cast %parallel_loop3A_241 : vector<16xf32> to vector<1x16xf32>
      tpu.vector_store %arg10[%parallel_loop3A_242, %parallel_loop3A_243], %parallel_loop3A_246 {strides = array<i32>} : memref<128x128xf32, #tpu.memory_space<vmem>>, vector<1x16xf32>,
      %parallel_loop3A_247 = arith.index_cast %parallel_loop3A_180 : i32 to index
      %parallel_loop3A_248 = arith.constant 64 : index
      %parallel_loop3A_249 = tpu.vector_load %arg10[%parallel_loop3A_247, %parallel_loop3A_248] {strides = array<i32>} : memref<128x128xf32, #tpu.memory_space<vmem>>, vector<1x16xf32>,
      %parallel_loop3A_250 = vector.shape_cast %parallel_loop3A_249 : vector<1x16xf32> to vector<16xf32>
      %parallel_loop3A_251 = arith.constant 64 : i32
      %parallel_loop3A_252 = arith.addi %parallel_loop3A_186, %parallel_loop3A_251 : i32
      %parallel_loop3A_253 = arith.index_cast %parallel_loop3A_252 : i32 to index
      %parallel_loop3A_254 = tpu.vector_load %arg7[%parallel_loop3A_253] {strides = array<i32>} : memref<25600xf32, #tpu.memory_space<vmem>>, vector<16xf32>,
      %parallel_loop3A_255 = vector.shape_cast %parallel_loop3A_254 : vector<16xf32> to vector<16xf32>
      %parallel_loop3A_256 = arith.addf %parallel_loop3A_250, %parallel_loop3A_255 : vector<16xf32>
      %parallel_loop3A_257 = arith.index_cast %parallel_loop3A_180 : i32 to index
      %parallel_loop3A_258 = arith.constant 64 : index
      %parallel_loop3A_259 = tpu.vector_load %arg10[%parallel_loop3A_257, %parallel_loop3A_258] {strides = array<i32>} : memref<128x128xf32, #tpu.memory_space<vmem>>, vector<1x16xf32>,
      %parallel_loop3A_260 = vector.shape_cast %parallel_loop3A_259 : vector<1x16xf32> to vector<16xf32>
      %parallel_loop3A_261 = vector.shape_cast %parallel_loop3A_256 : vector<16xf32> to vector<1x16xf32>
      tpu.vector_store %arg10[%parallel_loop3A_257, %parallel_loop3A_258], %parallel_loop3A_261 {strides = array<i32>} : memref<128x128xf32, #tpu.memory_space<vmem>>, vector<1x16xf32>,
      %parallel_loop3A_262 = arith.index_cast %parallel_loop3A_180 : i32 to index
      %parallel_loop3A_263 = arith.constant 80 : index
      %parallel_loop3A_264 = tpu.vector_load %arg10[%parallel_loop3A_262, %parallel_loop3A_263] {strides = array<i32>} : memref<128x128xf32, #tpu.memory_space<vmem>>, vector<1x16xf32>,
      %parallel_loop3A_265 = vector.shape_cast %parallel_loop3A_264 : vector<1x16xf32> to vector<16xf32>
      %parallel_loop3A_266 = arith.constant 80 : i32
      %parallel_loop3A_267 = arith.addi %parallel_loop3A_186, %parallel_loop3A_266 : i32
      %parallel_loop3A_268 = arith.index_cast %parallel_loop3A_267 : i32 to index
      %parallel_loop3A_269 = tpu.vector_load %arg7[%parallel_loop3A_268] {strides = array<i32>} : memref<25600xf32, #tpu.memory_space<vmem>>, vector<16xf32>,
      %parallel_loop3A_270 = vector.shape_cast %parallel_loop3A_269 : vector<16xf32> to vector<16xf32>
      %parallel_loop3A_271 = arith.addf %parallel_loop3A_265, %parallel_loop3A_270 : vector<16xf32>
      %parallel_loop3A_272 = arith.index_cast %parallel_loop3A_180 : i32 to index
      %parallel_loop3A_273 = arith.constant 80 : index
      %parallel_loop3A_274 = tpu.vector_load %arg10[%parallel_loop3A_272, %parallel_loop3A_273] {strides = array<i32>} : memref<128x128xf32, #tpu.memory_space<vmem>>, vector<1x16xf32>,
      %parallel_loop3A_275 = vector.shape_cast %parallel_loop3A_274 : vector<1x16xf32> to vector<16xf32>
      %parallel_loop3A_276 = vector.shape_cast %parallel_loop3A_271 : vector<16xf32> to vector<1x16xf32>
      tpu.vector_store %arg10[%parallel_loop3A_272, %parallel_loop3A_273], %parallel_loop3A_276 {strides = array<i32>} : memref<128x128xf32, #tpu.memory_space<vmem>>, vector<1x16xf32>,
      %parallel_loop3A_277 = arith.index_cast %parallel_loop3A_180 : i32 to index
      %parallel_loop3A_278 = arith.constant 96 : index
      %parallel_loop3A_279 = tpu.vector_load %arg10[%parallel_loop3A_277, %parallel_loop3A_278] {strides = array<i32>} : memref<128x128xf32, #tpu.memory_space<vmem>>, vector<1x16xf32>,
      %parallel_loop3A_280 = vector.shape_cast %parallel_loop3A_279 : vector<1x16xf32> to vector<16xf32>
      %parallel_loop3A_281 = arith.constant 96 : i32
      %parallel_loop3A_282 = arith.addi %parallel_loop3A_186, %parallel_loop3A_281 : i32
      %parallel_loop3A_283 = arith.index_cast %parallel_loop3A_282 : i32 to index
      %parallel_loop3A_284 = tpu.vector_load %arg7[%parallel_loop3A_283] {strides = array<i32>} : memref<25600xf32, #tpu.memory_space<vmem>>, vector<16xf32>,
      %parallel_loop3A_285 = vector.shape_cast %parallel_loop3A_284 : vector<16xf32> to vector<16xf32>
      %parallel_loop3A_286 = arith.addf %parallel_loop3A_280, %parallel_loop3A_285 : vector<16xf32>
      %parallel_loop3A_287 = arith.index_cast %parallel_loop3A_180 : i32 to index
      %parallel_loop3A_288 = arith.constant 96 : index
      %parallel_loop3A_289 = tpu.vector_load %arg10[%parallel_loop3A_287, %parallel_loop3A_288] {strides = array<i32>} : memref<128x128xf32, #tpu.memory_space<vmem>>, vector<1x16xf32>,
      %parallel_loop3A_290 = vector.shape_cast %parallel_loop3A_289 : vector<1x16xf32> to vector<16xf32>
      %parallel_loop3A_291 = vector.shape_cast %parallel_loop3A_286 : vector<16xf32> to vector<1x16xf32>
      tpu.vector_store %arg10[%parallel_loop3A_287, %parallel_loop3A_288], %parallel_loop3A_291 {strides = array<i32>} : memref<128x128xf32, #tpu.memory_space<vmem>>, vector<1x16xf32>,
      %parallel_loop3A_292 = arith.index_cast %parallel_loop3A_180 : i32 to index
      %parallel_loop3A_293 = arith.constant 112 : index
      %parallel_loop3A_294 = tpu.vector_load %arg10[%parallel_loop3A_292, %parallel_loop3A_293] {strides = array<i32>} : memref<128x128xf32, #tpu.memory_space<vmem>>, vector<1x16xf32>,
      %parallel_loop3A_295 = vector.shape_cast %parallel_loop3A_294 : vector<1x16xf32> to vector<16xf32>
      %parallel_loop3A_296 = arith.constant 112 : i32
      %parallel_loop3A_297 = arith.addi %parallel_loop3A_186, %parallel_loop3A_296 : i32
      %parallel_loop3A_298 = arith.index_cast %parallel_loop3A_297 : i32 to index
      %parallel_loop3A_299 = tpu.vector_load %arg7[%parallel_loop3A_298] {strides = array<i32>} : memref<25600xf32, #tpu.memory_space<vmem>>, vector<16xf32>,
      %parallel_loop3A_300 = vector.shape_cast %parallel_loop3A_299 : vector<16xf32> to vector<16xf32>
      %parallel_loop3A_301 = arith.addf %parallel_loop3A_295, %parallel_loop3A_300 : vector<16xf32>
      %parallel_loop3A_302 = arith.index_cast %parallel_loop3A_180 : i32 to index
      %parallel_loop3A_303 = arith.constant 112 : index
      %parallel_loop3A_304 = tpu.vector_load %arg10[%parallel_loop3A_302, %parallel_loop3A_303] {strides = array<i32>} : memref<128x128xf32, #tpu.memory_space<vmem>>, vector<1x16xf32>,
      %parallel_loop3A_305 = vector.shape_cast %parallel_loop3A_304 : vector<1x16xf32> to vector<16xf32>
      %parallel_loop3A_306 = vector.shape_cast %parallel_loop3A_301 : vector<16xf32> to vector<1x16xf32>
      tpu.vector_store %arg10[%parallel_loop3A_302, %parallel_loop3A_303], %parallel_loop3A_306 {strides = array<i32>} : memref<128x128xf32, #tpu.memory_space<vmem>>, vector<1x16xf32>,
    } {sc.loop_unroll_factor = 4 : i64, sc.parallel_access}
    %add3A_70 = arith.constant 256 : i32
    %add3A_71 = arith.addi %mul3A_2, %add3A_70 : i32
    %dma_start3A_72 = arith.constant 0 : i32
    %dma_start3A_73 = tpu.memref_slice %arg5[%add3A_71, %dma_start3A_72] : memref<204800x128xf32, #tpu.memory_space<hbm>> -> memref<128x128xf32, #tpu.memory_space<hbm>>
    %dma_start3A_74 = arith.constant 0 : i32
    %dma_start3A_75 = tpu.memref_slice %arg5[%add3A_71, %dma_start3A_74] : memref<204800x128xf32, #tpu.memory_space<hbm>> -> memref<128x128xf32, #tpu.memory_space<hbm>>
    tpu.enqueue_dma source(%arg10 : memref<128x128xf32, #tpu.memory_space<vmem>>) target(%dma_start3A_75 : memref<128x128xf32, #tpu.memory_space<hbm>>) target_semaphore(%arg18 : memref<!tpu.dma_semaphore, #tpu.memory_space<semaphore_mem>>)
    %add3A_76 = arith.constant 0 : i32
    %add3A_77 = arith.addi %mul3A_2, %add3A_76 : i32
    %dma_wait3A_78 = arith.constant 0 : i32
    %dma_wait3A_79 = tpu.memref_slice %arg5[%add3A_77, %dma_wait3A_78] : memref<204800x128xf32, #tpu.memory_space<hbm>> -> memref<128x128xf32, #tpu.memory_space<hbm>>
    %dma_wait3A_80 = arith.constant 0 : i32
    %dma_wait3A_81 = tpu.memref_slice %arg5[%add3A_77, %dma_wait3A_80] : memref<204800x128xf32, #tpu.memory_space<hbm>> -> memref<128x128xf32, #tpu.memory_space<hbm>>
    tpu.wait_dma2 semaphore(%arg16 : memref<!tpu.dma_semaphore, #tpu.memory_space<semaphore_mem>>) src(%arg8 : memref<128x128xf32, #tpu.memory_space<vmem>>) dst(%dma_wait3A_81 : memref<128x128xf32, #tpu.memory_space<hbm>>)
    %dma_start3A_82 = arith.constant 4 : i32
    %dma_start3A_83 = arith.constant 0 : i32
    %dma_start3A_84 = tpu.memref_slice %arg6[%dma_start3A_82, %dma_start3A_83] : memref<50x128xi32, #tpu.memory_space<vmem>> -> memref<1x128xi32, #tpu.memory_space<vmem>>
    %dma_start3A_85 = tpu.memref_squeeze %dma_start3A_84 : memref<1x128xi32, #tpu.memory_space<vmem>> -> memref<128xi32, #tpu.memory_space<vmem>>
    %dma_start3A_86 = arith.constant 0 : i32
    %dma_start3A_87 = arith.constant 0 : i32
    %dma_start3A_88 = tpu.memref_slice %arg3[%dma_start3A_86, %dma_start3A_87] : memref<100000x128xf32, #tpu.memory_space<hbm>> -> memref<100000x128xf32, #tpu.memory_space<hbm>>
    tpu.enqueue_indirect_dma source(%dma_start3A_88 : memref<100000x128xf32, #tpu.memory_space<hbm>>) target(%arg8 : memref<128x128xf32, #tpu.memory_space<vmem>>) offsets(%dma_start3A_85 : memref<128xi32, #tpu.memory_space<vmem>>) semaphore(%arg12 : memref<!tpu.dma_semaphore, #tpu.memory_space<semaphore_mem>>)
    %dma_wait3A_89 = arith.constant 3 : i32
    %dma_wait3A_90 = arith.constant 0 : i32
    %dma_wait3A_91 = tpu.memref_slice %arg6[%dma_wait3A_89, %dma_wait3A_90] : memref<50x128xi32, #tpu.memory_space<vmem>> -> memref<1x128xi32, #tpu.memory_space<vmem>>
    %dma_wait3A_92 = tpu.memref_squeeze %dma_wait3A_91 : memref<1x128xi32, #tpu.memory_space<vmem>> -> memref<128xi32, #tpu.memory_space<vmem>>
    %dma_wait3A_93 = arith.constant 0 : i32
    %dma_wait3A_94 = arith.constant 0 : i32
    %dma_wait3A_95 = tpu.memref_slice %arg3[%dma_wait3A_93, %dma_wait3A_94] : memref<100000x128xf32, #tpu.memory_space<hbm>> -> memref<100000x128xf32, #tpu.memory_space<hbm>>
    tpu.wait_indirect_dma semaphore(%arg15 : memref<!tpu.dma_semaphore, #tpu.memory_space<semaphore_mem>>) src(%dma_wait3A_95 : memref<100000x128xf32, #tpu.memory_space<hbm>>) dst(%arg11 : memref<128x128xf32, #tpu.memory_space<vmem>>)
    %parallel_loop3A_96 = arith.constant 0 : i32
    %parallel_loop3A_97 = arith.constant 128 : i32
    %parallel_loop3A_98 = arith.constant 1 : i32
    scf.for %parallel_loop3A_180 = %parallel_loop3A_96 to %parallel_loop3A_97 step %parallel_loop3A_98  : i32 {
      %parallel_loop3A_181 = arith.constant 384 : i32
      %parallel_loop3A_182 = arith.addi %parallel_loop3A_181, %parallel_loop3A_180 : i32
      %parallel_loop3A_183 = arith.constant 200 : i32
      %parallel_loop3A_184 = arith.remsi %parallel_loop3A_182, %parallel_loop3A_183 : i32
      %parallel_loop3A_185 = arith.constant 128 : i32
      %parallel_loop3A_186 = arith.muli %parallel_loop3A_184, %parallel_loop3A_185 : i32
      %parallel_loop3A_187 = arith.index_cast %parallel_loop3A_180 : i32 to index
      %parallel_loop3A_188 = arith.constant 0 : index
      %parallel_loop3A_189 = tpu.vector_load %arg11[%parallel_loop3A_187, %parallel_loop3A_188] {strides = array<i32>} : memref<128x128xf32, #tpu.memory_space<vmem>>, vector<1x16xf32>,
      %parallel_loop3A_190 = vector.shape_cast %parallel_loop3A_189 : vector<1x16xf32> to vector<16xf32>
      %parallel_loop3A_191 = arith.constant 0 : i32
      %parallel_loop3A_192 = arith.addi %parallel_loop3A_186, %parallel_loop3A_191 : i32
      %parallel_loop3A_193 = arith.index_cast %parallel_loop3A_192 : i32 to index
      %parallel_loop3A_194 = tpu.vector_load %arg7[%parallel_loop3A_193] {strides = array<i32>} : memref<25600xf32, #tpu.memory_space<vmem>>, vector<16xf32>,
      %parallel_loop3A_195 = vector.shape_cast %parallel_loop3A_194 : vector<16xf32> to vector<16xf32>
      %parallel_loop3A_196 = arith.addf %parallel_loop3A_190, %parallel_loop3A_195 : vector<16xf32>
      %parallel_loop3A_197 = arith.index_cast %parallel_loop3A_180 : i32 to index
      %parallel_loop3A_198 = arith.constant 0 : index
      %parallel_loop3A_199 = tpu.vector_load %arg11[%parallel_loop3A_197, %parallel_loop3A_198] {strides = array<i32>} : memref<128x128xf32, #tpu.memory_space<vmem>>, vector<1x16xf32>,
      %parallel_loop3A_200 = vector.shape_cast %parallel_loop3A_199 : vector<1x16xf32> to vector<16xf32>
      %parallel_loop3A_201 = vector.shape_cast %parallel_loop3A_196 : vector<16xf32> to vector<1x16xf32>
      tpu.vector_store %arg11[%parallel_loop3A_197, %parallel_loop3A_198], %parallel_loop3A_201 {strides = array<i32>} : memref<128x128xf32, #tpu.memory_space<vmem>>, vector<1x16xf32>,
      %parallel_loop3A_202 = arith.index_cast %parallel_loop3A_180 : i32 to index
      %parallel_loop3A_203 = arith.constant 16 : index
      %parallel_loop3A_204 = tpu.vector_load %arg11[%parallel_loop3A_202, %parallel_loop3A_203] {strides = array<i32>} : memref<128x128xf32, #tpu.memory_space<vmem>>, vector<1x16xf32>,
      %parallel_loop3A_205 = vector.shape_cast %parallel_loop3A_204 : vector<1x16xf32> to vector<16xf32>
      %parallel_loop3A_206 = arith.constant 16 : i32
      %parallel_loop3A_207 = arith.addi %parallel_loop3A_186, %parallel_loop3A_206 : i32
      %parallel_loop3A_208 = arith.index_cast %parallel_loop3A_207 : i32 to index
      %parallel_loop3A_209 = tpu.vector_load %arg7[%parallel_loop3A_208] {strides = array<i32>} : memref<25600xf32, #tpu.memory_space<vmem>>, vector<16xf32>,
      %parallel_loop3A_210 = vector.shape_cast %parallel_loop3A_209 : vector<16xf32> to vector<16xf32>
      %parallel_loop3A_211 = arith.addf %parallel_loop3A_205, %parallel_loop3A_210 : vector<16xf32>
      %parallel_loop3A_212 = arith.index_cast %parallel_loop3A_180 : i32 to index
      %parallel_loop3A_213 = arith.constant 16 : index
      %parallel_loop3A_214 = tpu.vector_load %arg11[%parallel_loop3A_212, %parallel_loop3A_213] {strides = array<i32>} : memref<128x128xf32, #tpu.memory_space<vmem>>, vector<1x16xf32>,
      %parallel_loop3A_215 = vector.shape_cast %parallel_loop3A_214 : vector<1x16xf32> to vector<16xf32>
      %parallel_loop3A_216 = vector.shape_cast %parallel_loop3A_211 : vector<16xf32> to vector<1x16xf32>
      tpu.vector_store %arg11[%parallel_loop3A_212, %parallel_loop3A_213], %parallel_loop3A_216 {strides = array<i32>} : memref<128x128xf32, #tpu.memory_space<vmem>>, vector<1x16xf32>,
      %parallel_loop3A_217 = arith.index_cast %parallel_loop3A_180 : i32 to index
      %parallel_loop3A_218 = arith.constant 32 : index
      %parallel_loop3A_219 = tpu.vector_load %arg11[%parallel_loop3A_217, %parallel_loop3A_218] {strides = array<i32>} : memref<128x128xf32, #tpu.memory_space<vmem>>, vector<1x16xf32>,
      %parallel_loop3A_220 = vector.shape_cast %parallel_loop3A_219 : vector<1x16xf32> to vector<16xf32>
      %parallel_loop3A_221 = arith.constant 32 : i32
      %parallel_loop3A_222 = arith.addi %parallel_loop3A_186, %parallel_loop3A_221 : i32
      %parallel_loop3A_223 = arith.index_cast %parallel_loop3A_222 : i32 to index
      %parallel_loop3A_224 = tpu.vector_load %arg7[%parallel_loop3A_223] {strides = array<i32>} : memref<25600xf32, #tpu.memory_space<vmem>>, vector<16xf32>,
      %parallel_loop3A_225 = vector.shape_cast %parallel_loop3A_224 : vector<16xf32> to vector<16xf32>
      %parallel_loop3A_226 = arith.addf %parallel_loop3A_220, %parallel_loop3A_225 : vector<16xf32>
      %parallel_loop3A_227 = arith.index_cast %parallel_loop3A_180 : i32 to index
      %parallel_loop3A_228 = arith.constant 32 : index
      %parallel_loop3A_229 = tpu.vector_load %arg11[%parallel_loop3A_227, %parallel_loop3A_228] {strides = array<i32>} : memref<128x128xf32, #tpu.memory_space<vmem>>, vector<1x16xf32>,
      %parallel_loop3A_230 = vector.shape_cast %parallel_loop3A_229 : vector<1x16xf32> to vector<16xf32>
      %parallel_loop3A_231 = vector.shape_cast %parallel_loop3A_226 : vector<16xf32> to vector<1x16xf32>
      tpu.vector_store %arg11[%parallel_loop3A_227, %parallel_loop3A_228], %parallel_loop3A_231 {strides = array<i32>} : memref<128x128xf32, #tpu.memory_space<vmem>>, vector<1x16xf32>,
      %parallel_loop3A_232 = arith.index_cast %parallel_loop3A_180 : i32 to index
      %parallel_loop3A_233 = arith.constant 48 : index
      %parallel_loop3A_234 = tpu.vector_load %arg11[%parallel_loop3A_232, %parallel_loop3A_233] {strides = array<i32>} : memref<128x128xf32, #tpu.memory_space<vmem>>, vector<1x16xf32>,
      %parallel_loop3A_235 = vector.shape_cast %parallel_loop3A_234 : vector<1x16xf32> to vector<16xf32>
      %parallel_loop3A_236 = arith.constant 48 : i32
      %parallel_loop3A_237 = arith.addi %parallel_loop3A_186, %parallel_loop3A_236 : i32
      %parallel_loop3A_238 = arith.index_cast %parallel_loop3A_237 : i32 to index
      %parallel_loop3A_239 = tpu.vector_load %arg7[%parallel_loop3A_238] {strides = array<i32>} : memref<25600xf32, #tpu.memory_space<vmem>>, vector<16xf32>,
      %parallel_loop3A_240 = vector.shape_cast %parallel_loop3A_239 : vector<16xf32> to vector<16xf32>
      %parallel_loop3A_241 = arith.addf %parallel_loop3A_235, %parallel_loop3A_240 : vector<16xf32>
      %parallel_loop3A_242 = arith.index_cast %parallel_loop3A_180 : i32 to index
      %parallel_loop3A_243 = arith.constant 48 : index
      %parallel_loop3A_244 = tpu.vector_load %arg11[%parallel_loop3A_242, %parallel_loop3A_243] {strides = array<i32>} : memref<128x128xf32, #tpu.memory_space<vmem>>, vector<1x16xf32>,
      %parallel_loop3A_245 = vector.shape_cast %parallel_loop3A_244 : vector<1x16xf32> to vector<16xf32>
      %parallel_loop3A_246 = vector.shape_cast %parallel_loop3A_241 : vector<16xf32> to vector<1x16xf32>
      tpu.vector_store %arg11[%parallel_loop3A_242, %parallel_loop3A_243], %parallel_loop3A_246 {strides = array<i32>} : memref<128x128xf32, #tpu.memory_space<vmem>>, vector<1x16xf32>,
      %parallel_loop3A_247 = arith.index_cast %parallel_loop3A_180 : i32 to index
      %parallel_loop3A_248 = arith.constant 64 : index
      %parallel_loop3A_249 = tpu.vector_load %arg11[%parallel_loop3A_247, %parallel_loop3A_248] {strides = array<i32>} : memref<128x128xf32, #tpu.memory_space<vmem>>, vector<1x16xf32>,
      %parallel_loop3A_250 = vector.shape_cast %parallel_loop3A_249 : vector<1x16xf32> to vector<16xf32>
      %parallel_loop3A_251 = arith.constant 64 : i32
      %parallel_loop3A_252 = arith.addi %parallel_loop3A_186, %parallel_loop3A_251 : i32
      %parallel_loop3A_253 = arith.index_cast %parallel_loop3A_252 : i32 to index
      %parallel_loop3A_254 = tpu.vector_load %arg7[%parallel_loop3A_253] {strides = array<i32>} : memref<25600xf32, #tpu.memory_space<vmem>>, vector<16xf32>,
      %parallel_loop3A_255 = vector.shape_cast %parallel_loop3A_254 : vector<16xf32> to vector<16xf32>
      %parallel_loop3A_256 = arith.addf %parallel_loop3A_250, %parallel_loop3A_255 : vector<16xf32>
      %parallel_loop3A_257 = arith.index_cast %parallel_loop3A_180 : i32 to index
      %parallel_loop3A_258 = arith.constant 64 : index
      %parallel_loop3A_259 = tpu.vector_load %arg11[%parallel_loop3A_257, %parallel_loop3A_258] {strides = array<i32>} : memref<128x128xf32, #tpu.memory_space<vmem>>, vector<1x16xf32>,
      %parallel_loop3A_260 = vector.shape_cast %parallel_loop3A_259 : vector<1x16xf32> to vector<16xf32>
      %parallel_loop3A_261 = vector.shape_cast %parallel_loop3A_256 : vector<16xf32> to vector<1x16xf32>
      tpu.vector_store %arg11[%parallel_loop3A_257, %parallel_loop3A_258], %parallel_loop3A_261 {strides = array<i32>} : memref<128x128xf32, #tpu.memory_space<vmem>>, vector<1x16xf32>,
      %parallel_loop3A_262 = arith.index_cast %parallel_loop3A_180 : i32 to index
      %parallel_loop3A_263 = arith.constant 80 : index
      %parallel_loop3A_264 = tpu.vector_load %arg11[%parallel_loop3A_262, %parallel_loop3A_263] {strides = array<i32>} : memref<128x128xf32, #tpu.memory_space<vmem>>, vector<1x16xf32>,
      %parallel_loop3A_265 = vector.shape_cast %parallel_loop3A_264 : vector<1x16xf32> to vector<16xf32>
      %parallel_loop3A_266 = arith.constant 80 : i32
      %parallel_loop3A_267 = arith.addi %parallel_loop3A_186, %parallel_loop3A_266 : i32
      %parallel_loop3A_268 = arith.index_cast %parallel_loop3A_267 : i32 to index
      %parallel_loop3A_269 = tpu.vector_load %arg7[%parallel_loop3A_268] {strides = array<i32>} : memref<25600xf32, #tpu.memory_space<vmem>>, vector<16xf32>,
      %parallel_loop3A_270 = vector.shape_cast %parallel_loop3A_269 : vector<16xf32> to vector<16xf32>
      %parallel_loop3A_271 = arith.addf %parallel_loop3A_265, %parallel_loop3A_270 : vector<16xf32>
      %parallel_loop3A_272 = arith.index_cast %parallel_loop3A_180 : i32 to index
      %parallel_loop3A_273 = arith.constant 80 : index
      %parallel_loop3A_274 = tpu.vector_load %arg11[%parallel_loop3A_272, %parallel_loop3A_273] {strides = array<i32>} : memref<128x128xf32, #tpu.memory_space<vmem>>, vector<1x16xf32>,
      %parallel_loop3A_275 = vector.shape_cast %parallel_loop3A_274 : vector<1x16xf32> to vector<16xf32>
      %parallel_loop3A_276 = vector.shape_cast %parallel_loop3A_271 : vector<16xf32> to vector<1x16xf32>
      tpu.vector_store %arg11[%parallel_loop3A_272, %parallel_loop3A_273], %parallel_loop3A_276 {strides = array<i32>} : memref<128x128xf32, #tpu.memory_space<vmem>>, vector<1x16xf32>,
      %parallel_loop3A_277 = arith.index_cast %parallel_loop3A_180 : i32 to index
      %parallel_loop3A_278 = arith.constant 96 : index
      %parallel_loop3A_279 = tpu.vector_load %arg11[%parallel_loop3A_277, %parallel_loop3A_278] {strides = array<i32>} : memref<128x128xf32, #tpu.memory_space<vmem>>, vector<1x16xf32>,
      %parallel_loop3A_280 = vector.shape_cast %parallel_loop3A_279 : vector<1x16xf32> to vector<16xf32>
      %parallel_loop3A_281 = arith.constant 96 : i32
      %parallel_loop3A_282 = arith.addi %parallel_loop3A_186, %parallel_loop3A_281 : i32
      %parallel_loop3A_283 = arith.index_cast %parallel_loop3A_282 : i32 to index
      %parallel_loop3A_284 = tpu.vector_load %arg7[%parallel_loop3A_283] {strides = array<i32>} : memref<25600xf32, #tpu.memory_space<vmem>>, vector<16xf32>,
      %parallel_loop3A_285 = vector.shape_cast %parallel_loop3A_284 : vector<16xf32> to vector<16xf32>
      %parallel_loop3A_286 = arith.addf %parallel_loop3A_280, %parallel_loop3A_285 : vector<16xf32>
      %parallel_loop3A_287 = arith.index_cast %parallel_loop3A_180 : i32 to index
      %parallel_loop3A_288 = arith.constant 96 : index
      %parallel_loop3A_289 = tpu.vector_load %arg11[%parallel_loop3A_287, %parallel_loop3A_288] {strides = array<i32>} : memref<128x128xf32, #tpu.memory_space<vmem>>, vector<1x16xf32>,
      %parallel_loop3A_290 = vector.shape_cast %parallel_loop3A_289 : vector<1x16xf32> to vector<16xf32>
      %parallel_loop3A_291 = vector.shape_cast %parallel_loop3A_286 : vector<16xf32> to vector<1x16xf32>
      tpu.vector_store %arg11[%parallel_loop3A_287, %parallel_loop3A_288], %parallel_loop3A_291 {strides = array<i32>} : memref<128x128xf32, #tpu.memory_space<vmem>>, vector<1x16xf32>,
      %parallel_loop3A_292 = arith.index_cast %parallel_loop3A_180 : i32 to index
      %parallel_loop3A_293 = arith.constant 112 : index
      %parallel_loop3A_294 = tpu.vector_load %arg11[%parallel_loop3A_292, %parallel_loop3A_293] {strides = array<i32>} : memref<128x128xf32, #tpu.memory_space<vmem>>, vector<1x16xf32>,
      %parallel_loop3A_295 = vector.shape_cast %parallel_loop3A_294 : vector<1x16xf32> to vector<16xf32>
      %parallel_loop3A_296 = arith.constant 112 : i32
      %parallel_loop3A_297 = arith.addi %parallel_loop3A_186, %parallel_loop3A_296 : i32
      %parallel_loop3A_298 = arith.index_cast %parallel_loop3A_297 : i32 to index
      %parallel_loop3A_299 = tpu.vector_load %arg7[%parallel_loop3A_298] {strides = array<i32>} : memref<25600xf32, #tpu.memory_space<vmem>>, vector<16xf32>,
      %parallel_loop3A_300 = vector.shape_cast %parallel_loop3A_299 : vector<16xf32> to vector<16xf32>
      %parallel_loop3A_301 = arith.addf %parallel_loop3A_295, %parallel_loop3A_300 : vector<16xf32>
      %parallel_loop3A_302 = arith.index_cast %parallel_loop3A_180 : i32 to index
      %parallel_loop3A_303 = arith.constant 112 : index
      %parallel_loop3A_304 = tpu.vector_load %arg11[%parallel_loop3A_302, %parallel_loop3A_303] {strides = array<i32>} : memref<128x128xf32, #tpu.memory_space<vmem>>, vector<1x16xf32>,
      %parallel_loop3A_305 = vector.shape_cast %parallel_loop3A_304 : vector<1x16xf32> to vector<16xf32>
      %parallel_loop3A_306 = vector.shape_cast %parallel_loop3A_301 : vector<16xf32> to vector<1x16xf32>
      tpu.vector_store %arg11[%parallel_loop3A_302, %parallel_loop3A_303], %parallel_loop3A_306 {strides = array<i32>} : memref<128x128xf32, #tpu.memory_space<vmem>>, vector<1x16xf32>,
    } {sc.loop_unroll_factor = 4 : i64, sc.parallel_access}
    %add3A_99 = arith.constant 384 : i32
    %add3A_100 = arith.addi %mul3A_2, %add3A_99 : i32
    %dma_start3A_101 = arith.constant 0 : i32
    %dma_start3A_102 = tpu.memref_slice %arg5[%add3A_100, %dma_start3A_101] : memref<204800x128xf32, #tpu.memory_space<hbm>> -> memref<128x128xf32, #tpu.memory_space<hbm>>
    %dma_start3A_103 = arith.constant 0 : i32
    %dma_start3A_104 = tpu.memref_slice %arg5[%add3A_100, %dma_start3A_103] : memref<204800x128xf32, #tpu.memory_space<hbm>> -> memref<128x128xf32, #tpu.memory_space<hbm>>
    tpu.enqueue_dma source(%arg11 : memref<128x128xf32, #tpu.memory_space<vmem>>) target(%dma_start3A_104 : memref<128x128xf32, #tpu.memory_space<hbm>>) target_semaphore(%arg19 : memref<!tpu.dma_semaphore, #tpu.memory_space<semaphore_mem>>)
    %add3A_105 = arith.constant 128 : i32
    %add3A_106 = arith.addi %mul3A_2, %add3A_105 : i32
    %dma_wait3A_107 = arith.constant 0 : i32
    %dma_wait3A_108 = tpu.memref_slice %arg5[%add3A_106, %dma_wait3A_107] : memref<204800x128xf32, #tpu.memory_space<hbm>> -> memref<128x128xf32, #tpu.memory_space<hbm>>
    %dma_wait3A_109 = arith.constant 0 : i32
    %dma_wait3A_110 = tpu.memref_slice %arg5[%add3A_106, %dma_wait3A_109] : memref<204800x128xf32, #tpu.memory_space<hbm>> -> memref<128x128xf32, #tpu.memory_space<hbm>>
    tpu.wait_dma2 semaphore(%arg17 : memref<!tpu.dma_semaphore, #tpu.memory_space<semaphore_mem>>) src(%arg9 : memref<128x128xf32, #tpu.memory_space<vmem>>) dst(%dma_wait3A_110 : memref<128x128xf32, #tpu.memory_space<hbm>>)
    %dma_start3A_111 = arith.constant 5 : i32
    %dma_start3A_112 = arith.constant 0 : i32
    %dma_start3A_113 = tpu.memref_slice %arg6[%dma_start3A_111, %dma_start3A_112] : memref<50x128xi32, #tpu.memory_space<vmem>> -> memref<1x128xi32, #tpu.memory_space<vmem>>
    %dma_start3A_114 = tpu.memref_squeeze %dma_start3A_113 : memref<1x128xi32, #tpu.memory_space<vmem>> -> memref<128xi32, #tpu.memory_space<vmem>>
    %dma_start3A_115 = arith.constant 0 : i32
    %dma_start3A_116 = arith.constant 0 : i32
    %dma_start3A_117 = tpu.memref_slice %arg3[%dma_start3A_115, %dma_start3A_116] : memref<100000x128xf32, #tpu.memory_space<hbm>> -> memref<100000x128xf32, #tpu.memory_space<hbm>>
    tpu.enqueue_indirect_dma source(%dma_start3A_117 : memref<100000x128xf32, #tpu.memory_space<hbm>>) target(%arg9 : memref<128x128xf32, #tpu.memory_space<vmem>>) offsets(%dma_start3A_114 : memref<128xi32, #tpu.memory_space<vmem>>) semaphore(%arg13 : memref<!tpu.dma_semaphore, #tpu.memory_space<semaphore_mem>>)
    %scan3A = arith.constant 0 : i32
    %scan3A_118 = arith.constant 0 : i32
    %scan3A_119 = arith.constant 11 : i32
    %scan3A_120 = arith.addi %scan3A_118, %scan3A_119 : i32
    %scan3A_121 = arith.constant 1 : i32
    %scan3A_122 = scf.for %scan3A_180 = %scan3A_118 to %scan3A_120 step %scan3A_121 iter_args(%scan3A_181 = %scan3A) -> (i32)  : i32 {
      %mul3A_182 = arith.constant 4 : i32
      %mul3A_183 = arith.muli %scan3A_180, %mul3A_182 : i32
      %add3A_184 = arith.constant 4 : i32
      %add3A_185 = arith.addi %add3A_184, %mul3A_183 : i32
      %add3A_186 = arith.constant 0 : i32
      %add3A_187 = arith.addi %add3A_185, %add3A_186 : i32
      %sub3A = arith.constant 2 : i32
      %sub3A_188 = arith.subi %add3A_187, %sub3A : i32
      %mul3A_189 = arith.constant 128 : i32
      %mul3A_190 = arith.muli %sub3A_188, %mul3A_189 : i32
      %add3A_191 = arith.addi %mul3A_2, %mul3A_190 : i32
      %dma_wait3A_192 = arith.constant 0 : i32
      %dma_wait3A_193 = tpu.memref_slice %arg5[%add3A_191, %dma_wait3A_192] : memref<204800x128xf32, #tpu.memory_space<hbm>> -> memref<128x128xf32, #tpu.memory_space<hbm>>
      %dma_wait3A_194 = arith.constant 0 : i32
      %dma_wait3A_195 = tpu.memref_slice %arg5[%add3A_191, %dma_wait3A_194] : memref<204800x128xf32, #tpu.memory_space<hbm>> -> memref<128x128xf32, #tpu.memory_space<hbm>>
      tpu.wait_dma2 semaphore(%arg18 : memref<!tpu.dma_semaphore, #tpu.memory_space<semaphore_mem>>) src(%arg10 : memref<128x128xf32, #tpu.memory_space<vmem>>) dst(%dma_wait3A_195 : memref<128x128xf32, #tpu.memory_space<hbm>>)
      %add3A_196 = arith.constant 2 : i32
      %add3A_197 = arith.addi %add3A_187, %add3A_196 : i32
      %dma_start3A_198 = arith.constant 0 : i32
      %dma_start3A_199 = tpu.memref_slice %arg6[%add3A_197, %dma_start3A_198] : memref<50x128xi32, #tpu.memory_space<vmem>> -> memref<1x128xi32, #tpu.memory_space<vmem>>
      %dma_start3A_200 = tpu.memref_squeeze %dma_start3A_199 : memref<1x128xi32, #tpu.memory_space<vmem>> -> memref<128xi32, #tpu.memory_space<vmem>>
      %dma_start3A_201 = arith.constant 0 : i32
      %dma_start3A_202 = arith.constant 0 : i32
      %dma_start3A_203 = tpu.memref_slice %arg3[%dma_start3A_201, %dma_start3A_202] : memref<100000x128xf32, #tpu.memory_space<hbm>> -> memref<100000x128xf32, #tpu.memory_space<hbm>>
      tpu.enqueue_indirect_dma source(%dma_start3A_203 : memref<100000x128xf32, #tpu.memory_space<hbm>>) target(%arg10 : memref<128x128xf32, #tpu.memory_space<vmem>>) offsets(%dma_start3A_200 : memref<128xi32, #tpu.memory_space<vmem>>) semaphore(%arg14 : memref<!tpu.dma_semaphore, #tpu.memory_space<semaphore_mem>>)
      %dma_wait3A_204 = arith.constant 0 : i32
      %dma_wait3A_205 = tpu.memref_slice %arg6[%add3A_187, %dma_wait3A_204] : memref<50x128xi32, #tpu.memory_space<vmem>> -> memref<1x128xi32, #tpu.memory_space<vmem>>
      %dma_wait3A_206 = tpu.memref_squeeze %dma_wait3A_205 : memref<1x128xi32, #tpu.memory_space<vmem>> -> memref<128xi32, #tpu.memory_space<vmem>>
      %dma_wait3A_207 = arith.constant 0 : i32
      %dma_wait3A_208 = arith.constant 0 : i32
      %dma_wait3A_209 = tpu.memref_slice %arg3[%dma_wait3A_207, %dma_wait3A_208] : memref<100000x128xf32, #tpu.memory_space<hbm>> -> memref<100000x128xf32, #tpu.memory_space<hbm>>
      tpu.wait_indirect_dma semaphore(%arg12 : memref<!tpu.dma_semaphore, #tpu.memory_space<semaphore_mem>>) src(%dma_wait3A_209 : memref<100000x128xf32, #tpu.memory_space<hbm>>) dst(%arg8 : memref<128x128xf32, #tpu.memory_space<vmem>>)
      %mul3A_210 = arith.constant 128 : i32
      %mul3A_211 = arith.muli %add3A_187, %mul3A_210 : i32
      %parallel_loop3A_212 = arith.constant 0 : i32
      %parallel_loop3A_213 = arith.constant 128 : i32
      %parallel_loop3A_214 = arith.constant 1 : i32
      scf.for %parallel_loop3A_346 = %parallel_loop3A_212 to %parallel_loop3A_213 step %parallel_loop3A_214  : i32 {
        %parallel_loop3A_347 = arith.addi %mul3A_211, %parallel_loop3A_346 : i32
        %parallel_loop3A_348 = arith.constant 200 : i32
        %parallel_loop3A_349 = arith.remsi %parallel_loop3A_347, %parallel_loop3A_348 : i32
        %parallel_loop3A_350 = arith.constant 128 : i32
        %parallel_loop3A_351 = arith.muli %parallel_loop3A_349, %parallel_loop3A_350 : i32
        %parallel_loop3A_352 = arith.index_cast %parallel_loop3A_346 : i32 to index
        %parallel_loop3A_353 = arith.constant 0 : index
        %parallel_loop3A_354 = tpu.vector_load %arg8[%parallel_loop3A_352, %parallel_loop3A_353] {strides = array<i32>} : memref<128x128xf32, #tpu.memory_space<vmem>>, vector<1x16xf32>,
        %parallel_loop3A_355 = vector.shape_cast %parallel_loop3A_354 : vector<1x16xf32> to vector<16xf32>
        %parallel_loop3A_356 = arith.constant 0 : i32
        %parallel_loop3A_357 = arith.addi %parallel_loop3A_351, %parallel_loop3A_356 : i32
        %parallel_loop3A_358 = arith.index_cast %parallel_loop3A_357 : i32 to index
        %parallel_loop3A_359 = tpu.vector_load %arg7[%parallel_loop3A_358] {strides = array<i32>} : memref<25600xf32, #tpu.memory_space<vmem>>, vector<16xf32>,
        %parallel_loop3A_360 = vector.shape_cast %parallel_loop3A_359 : vector<16xf32> to vector<16xf32>
        %parallel_loop3A_361 = arith.addf %parallel_loop3A_355, %parallel_loop3A_360 : vector<16xf32>
        %parallel_loop3A_362 = arith.index_cast %parallel_loop3A_346 : i32 to index
        %parallel_loop3A_363 = arith.constant 0 : index
        %parallel_loop3A_364 = tpu.vector_load %arg8[%parallel_loop3A_362, %parallel_loop3A_363] {strides = array<i32>} : memref<128x128xf32, #tpu.memory_space<vmem>>, vector<1x16xf32>,
        %parallel_loop3A_365 = vector.shape_cast %parallel_loop3A_364 : vector<1x16xf32> to vector<16xf32>
        %parallel_loop3A_366 = vector.shape_cast %parallel_loop3A_361 : vector<16xf32> to vector<1x16xf32>
        tpu.vector_store %arg8[%parallel_loop3A_362, %parallel_loop3A_363], %parallel_loop3A_366 {strides = array<i32>} : memref<128x128xf32, #tpu.memory_space<vmem>>, vector<1x16xf32>,
        %parallel_loop3A_367 = arith.index_cast %parallel_loop3A_346 : i32 to index
        %parallel_loop3A_368 = arith.constant 16 : index
        %parallel_loop3A_369 = tpu.vector_load %arg8[%parallel_loop3A_367, %parallel_loop3A_368] {strides = array<i32>} : memref<128x128xf32, #tpu.memory_space<vmem>>, vector<1x16xf32>,
        %parallel_loop3A_370 = vector.shape_cast %parallel_loop3A_369 : vector<1x16xf32> to vector<16xf32>
        %parallel_loop3A_371 = arith.constant 16 : i32
        %parallel_loop3A_372 = arith.addi %parallel_loop3A_351, %parallel_loop3A_371 : i32
        %parallel_loop3A_373 = arith.index_cast %parallel_loop3A_372 : i32 to index
        %parallel_loop3A_374 = tpu.vector_load %arg7[%parallel_loop3A_373] {strides = array<i32>} : memref<25600xf32, #tpu.memory_space<vmem>>, vector<16xf32>,
        %parallel_loop3A_375 = vector.shape_cast %parallel_loop3A_374 : vector<16xf32> to vector<16xf32>
        %parallel_loop3A_376 = arith.addf %parallel_loop3A_370, %parallel_loop3A_375 : vector<16xf32>
        %parallel_loop3A_377 = arith.index_cast %parallel_loop3A_346 : i32 to index
        %parallel_loop3A_378 = arith.constant 16 : index
        %parallel_loop3A_379 = tpu.vector_load %arg8[%parallel_loop3A_377, %parallel_loop3A_378] {strides = array<i32>} : memref<128x128xf32, #tpu.memory_space<vmem>>, vector<1x16xf32>,
        %parallel_loop3A_380 = vector.shape_cast %parallel_loop3A_379 : vector<1x16xf32> to vector<16xf32>
        %parallel_loop3A_381 = vector.shape_cast %parallel_loop3A_376 : vector<16xf32> to vector<1x16xf32>
        tpu.vector_store %arg8[%parallel_loop3A_377, %parallel_loop3A_378], %parallel_loop3A_381 {strides = array<i32>} : memref<128x128xf32, #tpu.memory_space<vmem>>, vector<1x16xf32>,
        %parallel_loop3A_382 = arith.index_cast %parallel_loop3A_346 : i32 to index
        %parallel_loop3A_383 = arith.constant 32 : index
        %parallel_loop3A_384 = tpu.vector_load %arg8[%parallel_loop3A_382, %parallel_loop3A_383] {strides = array<i32>} : memref<128x128xf32, #tpu.memory_space<vmem>>, vector<1x16xf32>,
        %parallel_loop3A_385 = vector.shape_cast %parallel_loop3A_384 : vector<1x16xf32> to vector<16xf32>
        %parallel_loop3A_386 = arith.constant 32 : i32
        %parallel_loop3A_387 = arith.addi %parallel_loop3A_351, %parallel_loop3A_386 : i32
        %parallel_loop3A_388 = arith.index_cast %parallel_loop3A_387 : i32 to index
        %parallel_loop3A_389 = tpu.vector_load %arg7[%parallel_loop3A_388] {strides = array<i32>} : memref<25600xf32, #tpu.memory_space<vmem>>, vector<16xf32>,
        %parallel_loop3A_390 = vector.shape_cast %parallel_loop3A_389 : vector<16xf32> to vector<16xf32>
        %parallel_loop3A_391 = arith.addf %parallel_loop3A_385, %parallel_loop3A_390 : vector<16xf32>
        %parallel_loop3A_392 = arith.index_cast %parallel_loop3A_346 : i32 to index
        %parallel_loop3A_393 = arith.constant 32 : index
        %parallel_loop3A_394 = tpu.vector_load %arg8[%parallel_loop3A_392, %parallel_loop3A_393] {strides = array<i32>} : memref<128x128xf32, #tpu.memory_space<vmem>>, vector<1x16xf32>,
        %parallel_loop3A_395 = vector.shape_cast %parallel_loop3A_394 : vector<1x16xf32> to vector<16xf32>
        %parallel_loop3A_396 = vector.shape_cast %parallel_loop3A_391 : vector<16xf32> to vector<1x16xf32>
        tpu.vector_store %arg8[%parallel_loop3A_392, %parallel_loop3A_393], %parallel_loop3A_396 {strides = array<i32>} : memref<128x128xf32, #tpu.memory_space<vmem>>, vector<1x16xf32>,
        %parallel_loop3A_397 = arith.index_cast %parallel_loop3A_346 : i32 to index
        %parallel_loop3A_398 = arith.constant 48 : index
        %parallel_loop3A_399 = tpu.vector_load %arg8[%parallel_loop3A_397, %parallel_loop3A_398] {strides = array<i32>} : memref<128x128xf32, #tpu.memory_space<vmem>>, vector<1x16xf32>,
        %parallel_loop3A_400 = vector.shape_cast %parallel_loop3A_399 : vector<1x16xf32> to vector<16xf32>
        %parallel_loop3A_401 = arith.constant 48 : i32
        %parallel_loop3A_402 = arith.addi %parallel_loop3A_351, %parallel_loop3A_401 : i32
        %parallel_loop3A_403 = arith.index_cast %parallel_loop3A_402 : i32 to index
        %parallel_loop3A_404 = tpu.vector_load %arg7[%parallel_loop3A_403] {strides = array<i32>} : memref<25600xf32, #tpu.memory_space<vmem>>, vector<16xf32>,
        %parallel_loop3A_405 = vector.shape_cast %parallel_loop3A_404 : vector<16xf32> to vector<16xf32>
        %parallel_loop3A_406 = arith.addf %parallel_loop3A_400, %parallel_loop3A_405 : vector<16xf32>
        %parallel_loop3A_407 = arith.index_cast %parallel_loop3A_346 : i32 to index
        %parallel_loop3A_408 = arith.constant 48 : index
        %parallel_loop3A_409 = tpu.vector_load %arg8[%parallel_loop3A_407, %parallel_loop3A_408] {strides = array<i32>} : memref<128x128xf32, #tpu.memory_space<vmem>>, vector<1x16xf32>,
        %parallel_loop3A_410 = vector.shape_cast %parallel_loop3A_409 : vector<1x16xf32> to vector<16xf32>
        %parallel_loop3A_411 = vector.shape_cast %parallel_loop3A_406 : vector<16xf32> to vector<1x16xf32>
        tpu.vector_store %arg8[%parallel_loop3A_407, %parallel_loop3A_408], %parallel_loop3A_411 {strides = array<i32>} : memref<128x128xf32, #tpu.memory_space<vmem>>, vector<1x16xf32>,
        %parallel_loop3A_412 = arith.index_cast %parallel_loop3A_346 : i32 to index
        %parallel_loop3A_413 = arith.constant 64 : index
        %parallel_loop3A_414 = tpu.vector_load %arg8[%parallel_loop3A_412, %parallel_loop3A_413] {strides = array<i32>} : memref<128x128xf32, #tpu.memory_space<vmem>>, vector<1x16xf32>,
        %parallel_loop3A_415 = vector.shape_cast %parallel_loop3A_414 : vector<1x16xf32> to vector<16xf32>
        %parallel_loop3A_416 = arith.constant 64 : i32
        %parallel_loop3A_417 = arith.addi %parallel_loop3A_351, %parallel_loop3A_416 : i32
        %parallel_loop3A_418 = arith.index_cast %parallel_loop3A_417 : i32 to index
        %parallel_loop3A_419 = tpu.vector_load %arg7[%parallel_loop3A_418] {strides = array<i32>} : memref<25600xf32, #tpu.memory_space<vmem>>, vector<16xf32>,
        %parallel_loop3A_420 = vector.shape_cast %parallel_loop3A_419 : vector<16xf32> to vector<16xf32>
        %parallel_loop3A_421 = arith.addf %parallel_loop3A_415, %parallel_loop3A_420 : vector<16xf32>
        %parallel_loop3A_422 = arith.index_cast %parallel_loop3A_346 : i32 to index
        %parallel_loop3A_423 = arith.constant 64 : index
        %parallel_loop3A_424 = tpu.vector_load %arg8[%parallel_loop3A_422, %parallel_loop3A_423] {strides = array<i32>} : memref<128x128xf32, #tpu.memory_space<vmem>>, vector<1x16xf32>,
        %parallel_loop3A_425 = vector.shape_cast %parallel_loop3A_424 : vector<1x16xf32> to vector<16xf32>
        %parallel_loop3A_426 = vector.shape_cast %parallel_loop3A_421 : vector<16xf32> to vector<1x16xf32>
        tpu.vector_store %arg8[%parallel_loop3A_422, %parallel_loop3A_423], %parallel_loop3A_426 {strides = array<i32>} : memref<128x128xf32, #tpu.memory_space<vmem>>, vector<1x16xf32>,
        %parallel_loop3A_427 = arith.index_cast %parallel_loop3A_346 : i32 to index
        %parallel_loop3A_428 = arith.constant 80 : index
        %parallel_loop3A_429 = tpu.vector_load %arg8[%parallel_loop3A_427, %parallel_loop3A_428] {strides = array<i32>} : memref<128x128xf32, #tpu.memory_space<vmem>>, vector<1x16xf32>,
        %parallel_loop3A_430 = vector.shape_cast %parallel_loop3A_429 : vector<1x16xf32> to vector<16xf32>
        %parallel_loop3A_431 = arith.constant 80 : i32
        %parallel_loop3A_432 = arith.addi %parallel_loop3A_351, %parallel_loop3A_431 : i32
        %parallel_loop3A_433 = arith.index_cast %parallel_loop3A_432 : i32 to index
        %parallel_loop3A_434 = tpu.vector_load %arg7[%parallel_loop3A_433] {strides = array<i32>} : memref<25600xf32, #tpu.memory_space<vmem>>, vector<16xf32>,
        %parallel_loop3A_435 = vector.shape_cast %parallel_loop3A_434 : vector<16xf32> to vector<16xf32>
        %parallel_loop3A_436 = arith.addf %parallel_loop3A_430, %parallel_loop3A_435 : vector<16xf32>
        %parallel_loop3A_437 = arith.index_cast %parallel_loop3A_346 : i32 to index
        %parallel_loop3A_438 = arith.constant 80 : index
        %parallel_loop3A_439 = tpu.vector_load %arg8[%parallel_loop3A_437, %parallel_loop3A_438] {strides = array<i32>} : memref<128x128xf32, #tpu.memory_space<vmem>>, vector<1x16xf32>,
        %parallel_loop3A_440 = vector.shape_cast %parallel_loop3A_439 : vector<1x16xf32> to vector<16xf32>
        %parallel_loop3A_441 = vector.shape_cast %parallel_loop3A_436 : vector<16xf32> to vector<1x16xf32>
        tpu.vector_store %arg8[%parallel_loop3A_437, %parallel_loop3A_438], %parallel_loop3A_441 {strides = array<i32>} : memref<128x128xf32, #tpu.memory_space<vmem>>, vector<1x16xf32>,
        %parallel_loop3A_442 = arith.index_cast %parallel_loop3A_346 : i32 to index
        %parallel_loop3A_443 = arith.constant 96 : index
        %parallel_loop3A_444 = tpu.vector_load %arg8[%parallel_loop3A_442, %parallel_loop3A_443] {strides = array<i32>} : memref<128x128xf32, #tpu.memory_space<vmem>>, vector<1x16xf32>,
        %parallel_loop3A_445 = vector.shape_cast %parallel_loop3A_444 : vector<1x16xf32> to vector<16xf32>
        %parallel_loop3A_446 = arith.constant 96 : i32
        %parallel_loop3A_447 = arith.addi %parallel_loop3A_351, %parallel_loop3A_446 : i32
        %parallel_loop3A_448 = arith.index_cast %parallel_loop3A_447 : i32 to index
        %parallel_loop3A_449 = tpu.vector_load %arg7[%parallel_loop3A_448] {strides = array<i32>} : memref<25600xf32, #tpu.memory_space<vmem>>, vector<16xf32>,
        %parallel_loop3A_450 = vector.shape_cast %parallel_loop3A_449 : vector<16xf32> to vector<16xf32>
        %parallel_loop3A_451 = arith.addf %parallel_loop3A_445, %parallel_loop3A_450 : vector<16xf32>
        %parallel_loop3A_452 = arith.index_cast %parallel_loop3A_346 : i32 to index
        %parallel_loop3A_453 = arith.constant 96 : index
        %parallel_loop3A_454 = tpu.vector_load %arg8[%parallel_loop3A_452, %parallel_loop3A_453] {strides = array<i32>} : memref<128x128xf32, #tpu.memory_space<vmem>>, vector<1x16xf32>,
        %parallel_loop3A_455 = vector.shape_cast %parallel_loop3A_454 : vector<1x16xf32> to vector<16xf32>
        %parallel_loop3A_456 = vector.shape_cast %parallel_loop3A_451 : vector<16xf32> to vector<1x16xf32>
        tpu.vector_store %arg8[%parallel_loop3A_452, %parallel_loop3A_453], %parallel_loop3A_456 {strides = array<i32>} : memref<128x128xf32, #tpu.memory_space<vmem>>, vector<1x16xf32>,
        %parallel_loop3A_457 = arith.index_cast %parallel_loop3A_346 : i32 to index
        %parallel_loop3A_458 = arith.constant 112 : index
        %parallel_loop3A_459 = tpu.vector_load %arg8[%parallel_loop3A_457, %parallel_loop3A_458] {strides = array<i32>} : memref<128x128xf32, #tpu.memory_space<vmem>>, vector<1x16xf32>,
        %parallel_loop3A_460 = vector.shape_cast %parallel_loop3A_459 : vector<1x16xf32> to vector<16xf32>
        %parallel_loop3A_461 = arith.constant 112 : i32
        %parallel_loop3A_462 = arith.addi %parallel_loop3A_351, %parallel_loop3A_461 : i32
        %parallel_loop3A_463 = arith.index_cast %parallel_loop3A_462 : i32 to index
        %parallel_loop3A_464 = tpu.vector_load %arg7[%parallel_loop3A_463] {strides = array<i32>} : memref<25600xf32, #tpu.memory_space<vmem>>, vector<16xf32>,
        %parallel_loop3A_465 = vector.shape_cast %parallel_loop3A_464 : vector<16xf32> to vector<16xf32>
        %parallel_loop3A_466 = arith.addf %parallel_loop3A_460, %parallel_loop3A_465 : vector<16xf32>
        %parallel_loop3A_467 = arith.index_cast %parallel_loop3A_346 : i32 to index
        %parallel_loop3A_468 = arith.constant 112 : index
        %parallel_loop3A_469 = tpu.vector_load %arg8[%parallel_loop3A_467, %parallel_loop3A_468] {strides = array<i32>} : memref<128x128xf32, #tpu.memory_space<vmem>>, vector<1x16xf32>,
        %parallel_loop3A_470 = vector.shape_cast %parallel_loop3A_469 : vector<1x16xf32> to vector<16xf32>
        %parallel_loop3A_471 = vector.shape_cast %parallel_loop3A_466 : vector<16xf32> to vector<1x16xf32>
        tpu.vector_store %arg8[%parallel_loop3A_467, %parallel_loop3A_468], %parallel_loop3A_471 {strides = array<i32>} : memref<128x128xf32, #tpu.memory_space<vmem>>, vector<1x16xf32>,
      } {sc.loop_unroll_factor = 4 : i64, sc.parallel_access}
      %mul3A_215 = arith.constant 128 : i32
      %mul3A_216 = arith.muli %add3A_187, %mul3A_215 : i32
      %add3A_217 = arith.addi %mul3A_2, %mul3A_216 : i32
      %dma_start3A_218 = arith.constant 0 : i32
      %dma_start3A_219 = tpu.memref_slice %arg5[%add3A_217, %dma_start3A_218] : memref<204800x128xf32, #tpu.memory_space<hbm>> -> memref<128x128xf32, #tpu.memory_space<hbm>>
      %dma_start3A_220 = arith.constant 0 : i32
      %dma_start3A_221 = tpu.memref_slice %arg5[%add3A_217, %dma_start3A_220] : memref<204800x128xf32, #tpu.memory_space<hbm>> -> memref<128x128xf32, #tpu.memory_space<hbm>>
      tpu.enqueue_dma source(%arg8 : memref<128x128xf32, #tpu.memory_space<vmem>>) target(%dma_start3A_221 : memref<128x128xf32, #tpu.memory_space<hbm>>) target_semaphore(%arg16 : memref<!tpu.dma_semaphore, #tpu.memory_space<semaphore_mem>>)
      %mul3A_222 = arith.constant 4 : i32
      %mul3A_223 = arith.muli %scan3A_180, %mul3A_222 : i32
      %add3A_224 = arith.constant 4 : i32
      %add3A_225 = arith.addi %add3A_224, %mul3A_223 : i32
      %add3A_226 = arith.constant 1 : i32
      %add3A_227 = arith.addi %add3A_225, %add3A_226 : i32
      %sub3A_228 = arith.constant 2 : i32
      %sub3A_229 = arith.subi %add3A_227, %sub3A_228 : i32
      %mul3A_230 = arith.constant 128 : i32
      %mul3A_231 = arith.muli %sub3A_229, %mul3A_230 : i32
      %add3A_232 = arith.addi %mul3A_2, %mul3A_231 : i32
      %dma_wait3A_233 = arith.constant 0 : i32
      %dma_wait3A_234 = tpu.memref_slice %arg5[%add3A_232, %dma_wait3A_233] : memref<204800x128xf32, #tpu.memory_space<hbm>> -> memref<128x128xf32, #tpu.memory_space<hbm>>
      %dma_wait3A_235 = arith.constant 0 : i32
      %dma_wait3A_236 = tpu.memref_slice %arg5[%add3A_232, %dma_wait3A_235] : memref<204800x128xf32, #tpu.memory_space<hbm>> -> memref<128x128xf32, #tpu.memory_space<hbm>>
      tpu.wait_dma2 semaphore(%arg19 : memref<!tpu.dma_semaphore, #tpu.memory_space<semaphore_mem>>) src(%arg11 : memref<128x128xf32, #tpu.memory_space<vmem>>) dst(%dma_wait3A_236 : memref<128x128xf32, #tpu.memory_space<hbm>>)
      %add3A_237 = arith.constant 2 : i32
      %add3A_238 = arith.addi %add3A_227, %add3A_237 : i32
      %dma_start3A_239 = arith.constant 0 : i32
      %dma_start3A_240 = tpu.memref_slice %arg6[%add3A_238, %dma_start3A_239] : memref<50x128xi32, #tpu.memory_space<vmem>> -> memref<1x128xi32, #tpu.memory_space<vmem>>
      %dma_start3A_241 = tpu.memref_squeeze %dma_start3A_240 : memref<1x128xi32, #tpu.memory_space<vmem>> -> memref<128xi32, #tpu.memory_space<vmem>>
      %dma_start3A_242 = arith.constant 0 : i32
      %dma_start3A_243 = arith.constant 0 : i32
      %dma_start3A_244 = tpu.memref_slice %arg3[%dma_start3A_242, %dma_start3A_243] : memref<100000x128xf32, #tpu.memory_space<hbm>> -> memref<100000x128xf32, #tpu.memory_space<hbm>>
      tpu.enqueue_indirect_dma source(%dma_start3A_244 : memref<100000x128xf32, #tpu.memory_space<hbm>>) target(%arg11 : memref<128x128xf32, #tpu.memory_space<vmem>>) offsets(%dma_start3A_241 : memref<128xi32, #tpu.memory_space<vmem>>) semaphore(%arg15 : memref<!tpu.dma_semaphore, #tpu.memory_space<semaphore_mem>>)
      %dma_wait3A_245 = arith.constant 0 : i32
      %dma_wait3A_246 = tpu.memref_slice %arg6[%add3A_227, %dma_wait3A_245] : memref<50x128xi32, #tpu.memory_space<vmem>> -> memref<1x128xi32, #tpu.memory_space<vmem>>
      %dma_wait3A_247 = tpu.memref_squeeze %dma_wait3A_246 : memref<1x128xi32, #tpu.memory_space<vmem>> -> memref<128xi32, #tpu.memory_space<vmem>>
      %dma_wait3A_248 = arith.constant 0 : i32
      %dma_wait3A_249 = arith.constant 0 : i32
      %dma_wait3A_250 = tpu.memref_slice %arg3[%dma_wait3A_248, %dma_wait3A_249] : memref<100000x128xf32, #tpu.memory_space<hbm>> -> memref<100000x128xf32, #tpu.memory_space<hbm>>
      tpu.wait_indirect_dma semaphore(%arg13 : memref<!tpu.dma_semaphore, #tpu.memory_space<semaphore_mem>>) src(%dma_wait3A_250 : memref<100000x128xf32, #tpu.memory_space<hbm>>) dst(%arg9 : memref<128x128xf32, #tpu.memory_space<vmem>>)
      %mul3A_251 = arith.constant 128 : i32
      %mul3A_252 = arith.muli %add3A_227, %mul3A_251 : i32
      %parallel_loop3A_253 = arith.constant 0 : i32
      %parallel_loop3A_254 = arith.constant 128 : i32
      %parallel_loop3A_255 = arith.constant 1 : i32
      scf.for %parallel_loop3A_346 = %parallel_loop3A_253 to %parallel_loop3A_254 step %parallel_loop3A_255  : i32 {
        %parallel_loop3A_347 = arith.addi %mul3A_252, %parallel_loop3A_346 : i32
        %parallel_loop3A_348 = arith.constant 200 : i32
        %parallel_loop3A_349 = arith.remsi %parallel_loop3A_347, %parallel_loop3A_348 : i32
        %parallel_loop3A_350 = arith.constant 128 : i32
        %parallel_loop3A_351 = arith.muli %parallel_loop3A_349, %parallel_loop3A_350 : i32
        %parallel_loop3A_352 = arith.index_cast %parallel_loop3A_346 : i32 to index
        %parallel_loop3A_353 = arith.constant 0 : index
        %parallel_loop3A_354 = tpu.vector_load %arg9[%parallel_loop3A_352, %parallel_loop3A_353] {strides = array<i32>} : memref<128x128xf32, #tpu.memory_space<vmem>>, vector<1x16xf32>,
        %parallel_loop3A_355 = vector.shape_cast %parallel_loop3A_354 : vector<1x16xf32> to vector<16xf32>
        %parallel_loop3A_356 = arith.constant 0 : i32
        %parallel_loop3A_357 = arith.addi %parallel_loop3A_351, %parallel_loop3A_356 : i32
        %parallel_loop3A_358 = arith.index_cast %parallel_loop3A_357 : i32 to index
        %parallel_loop3A_359 = tpu.vector_load %arg7[%parallel_loop3A_358] {strides = array<i32>} : memref<25600xf32, #tpu.memory_space<vmem>>, vector<16xf32>,
        %parallel_loop3A_360 = vector.shape_cast %parallel_loop3A_359 : vector<16xf32> to vector<16xf32>
        %parallel_loop3A_361 = arith.addf %parallel_loop3A_355, %parallel_loop3A_360 : vector<16xf32>
        %parallel_loop3A_362 = arith.index_cast %parallel_loop3A_346 : i32 to index
        %parallel_loop3A_363 = arith.constant 0 : index
        %parallel_loop3A_364 = tpu.vector_load %arg9[%parallel_loop3A_362, %parallel_loop3A_363] {strides = array<i32>} : memref<128x128xf32, #tpu.memory_space<vmem>>, vector<1x16xf32>,
        %parallel_loop3A_365 = vector.shape_cast %parallel_loop3A_364 : vector<1x16xf32> to vector<16xf32>
        %parallel_loop3A_366 = vector.shape_cast %parallel_loop3A_361 : vector<16xf32> to vector<1x16xf32>
        tpu.vector_store %arg9[%parallel_loop3A_362, %parallel_loop3A_363], %parallel_loop3A_366 {strides = array<i32>} : memref<128x128xf32, #tpu.memory_space<vmem>>, vector<1x16xf32>,
        %parallel_loop3A_367 = arith.index_cast %parallel_loop3A_346 : i32 to index
        %parallel_loop3A_368 = arith.constant 16 : index
        %parallel_loop3A_369 = tpu.vector_load %arg9[%parallel_loop3A_367, %parallel_loop3A_368] {strides = array<i32>} : memref<128x128xf32, #tpu.memory_space<vmem>>, vector<1x16xf32>,
        %parallel_loop3A_370 = vector.shape_cast %parallel_loop3A_369 : vector<1x16xf32> to vector<16xf32>
        %parallel_loop3A_371 = arith.constant 16 : i32
        %parallel_loop3A_372 = arith.addi %parallel_loop3A_351, %parallel_loop3A_371 : i32
        %parallel_loop3A_373 = arith.index_cast %parallel_loop3A_372 : i32 to index
        %parallel_loop3A_374 = tpu.vector_load %arg7[%parallel_loop3A_373] {strides = array<i32>} : memref<25600xf32, #tpu.memory_space<vmem>>, vector<16xf32>,
        %parallel_loop3A_375 = vector.shape_cast %parallel_loop3A_374 : vector<16xf32> to vector<16xf32>
        %parallel_loop3A_376 = arith.addf %parallel_loop3A_370, %parallel_loop3A_375 : vector<16xf32>
        %parallel_loop3A_377 = arith.index_cast %parallel_loop3A_346 : i32 to index
        %parallel_loop3A_378 = arith.constant 16 : index
        %parallel_loop3A_379 = tpu.vector_load %arg9[%parallel_loop3A_377, %parallel_loop3A_378] {strides = array<i32>} : memref<128x128xf32, #tpu.memory_space<vmem>>, vector<1x16xf32>,
        %parallel_loop3A_380 = vector.shape_cast %parallel_loop3A_379 : vector<1x16xf32> to vector<16xf32>
        %parallel_loop3A_381 = vector.shape_cast %parallel_loop3A_376 : vector<16xf32> to vector<1x16xf32>
        tpu.vector_store %arg9[%parallel_loop3A_377, %parallel_loop3A_378], %parallel_loop3A_381 {strides = array<i32>} : memref<128x128xf32, #tpu.memory_space<vmem>>, vector<1x16xf32>,
        %parallel_loop3A_382 = arith.index_cast %parallel_loop3A_346 : i32 to index
        %parallel_loop3A_383 = arith.constant 32 : index
        %parallel_loop3A_384 = tpu.vector_load %arg9[%parallel_loop3A_382, %parallel_loop3A_383] {strides = array<i32>} : memref<128x128xf32, #tpu.memory_space<vmem>>, vector<1x16xf32>,
        %parallel_loop3A_385 = vector.shape_cast %parallel_loop3A_384 : vector<1x16xf32> to vector<16xf32>
        %parallel_loop3A_386 = arith.constant 32 : i32
        %parallel_loop3A_387 = arith.addi %parallel_loop3A_351, %parallel_loop3A_386 : i32
        %parallel_loop3A_388 = arith.index_cast %parallel_loop3A_387 : i32 to index
        %parallel_loop3A_389 = tpu.vector_load %arg7[%parallel_loop3A_388] {strides = array<i32>} : memref<25600xf32, #tpu.memory_space<vmem>>, vector<16xf32>,
        %parallel_loop3A_390 = vector.shape_cast %parallel_loop3A_389 : vector<16xf32> to vector<16xf32>
        %parallel_loop3A_391 = arith.addf %parallel_loop3A_385, %parallel_loop3A_390 : vector<16xf32>
        %parallel_loop3A_392 = arith.index_cast %parallel_loop3A_346 : i32 to index
        %parallel_loop3A_393 = arith.constant 32 : index
        %parallel_loop3A_394 = tpu.vector_load %arg9[%parallel_loop3A_392, %parallel_loop3A_393] {strides = array<i32>} : memref<128x128xf32, #tpu.memory_space<vmem>>, vector<1x16xf32>,
        %parallel_loop3A_395 = vector.shape_cast %parallel_loop3A_394 : vector<1x16xf32> to vector<16xf32>
        %parallel_loop3A_396 = vector.shape_cast %parallel_loop3A_391 : vector<16xf32> to vector<1x16xf32>
        tpu.vector_store %arg9[%parallel_loop3A_392, %parallel_loop3A_393], %parallel_loop3A_396 {strides = array<i32>} : memref<128x128xf32, #tpu.memory_space<vmem>>, vector<1x16xf32>,
        %parallel_loop3A_397 = arith.index_cast %parallel_loop3A_346 : i32 to index
        %parallel_loop3A_398 = arith.constant 48 : index
        %parallel_loop3A_399 = tpu.vector_load %arg9[%parallel_loop3A_397, %parallel_loop3A_398] {strides = array<i32>} : memref<128x128xf32, #tpu.memory_space<vmem>>, vector<1x16xf32>,
        %parallel_loop3A_400 = vector.shape_cast %parallel_loop3A_399 : vector<1x16xf32> to vector<16xf32>
        %parallel_loop3A_401 = arith.constant 48 : i32
        %parallel_loop3A_402 = arith.addi %parallel_loop3A_351, %parallel_loop3A_401 : i32
        %parallel_loop3A_403 = arith.index_cast %parallel_loop3A_402 : i32 to index
        %parallel_loop3A_404 = tpu.vector_load %arg7[%parallel_loop3A_403] {strides = array<i32>} : memref<25600xf32, #tpu.memory_space<vmem>>, vector<16xf32>,
        %parallel_loop3A_405 = vector.shape_cast %parallel_loop3A_404 : vector<16xf32> to vector<16xf32>
        %parallel_loop3A_406 = arith.addf %parallel_loop3A_400, %parallel_loop3A_405 : vector<16xf32>
        %parallel_loop3A_407 = arith.index_cast %parallel_loop3A_346 : i32 to index
        %parallel_loop3A_408 = arith.constant 48 : index
        %parallel_loop3A_409 = tpu.vector_load %arg9[%parallel_loop3A_407, %parallel_loop3A_408] {strides = array<i32>} : memref<128x128xf32, #tpu.memory_space<vmem>>, vector<1x16xf32>,
        %parallel_loop3A_410 = vector.shape_cast %parallel_loop3A_409 : vector<1x16xf32> to vector<16xf32>
        %parallel_loop3A_411 = vector.shape_cast %parallel_loop3A_406 : vector<16xf32> to vector<1x16xf32>
        tpu.vector_store %arg9[%parallel_loop3A_407, %parallel_loop3A_408], %parallel_loop3A_411 {strides = array<i32>} : memref<128x128xf32, #tpu.memory_space<vmem>>, vector<1x16xf32>,
        %parallel_loop3A_412 = arith.index_cast %parallel_loop3A_346 : i32 to index
        %parallel_loop3A_413 = arith.constant 64 : index
        %parallel_loop3A_414 = tpu.vector_load %arg9[%parallel_loop3A_412, %parallel_loop3A_413] {strides = array<i32>} : memref<128x128xf32, #tpu.memory_space<vmem>>, vector<1x16xf32>,
        %parallel_loop3A_415 = vector.shape_cast %parallel_loop3A_414 : vector<1x16xf32> to vector<16xf32>
        %parallel_loop3A_416 = arith.constant 64 : i32
        %parallel_loop3A_417 = arith.addi %parallel_loop3A_351, %parallel_loop3A_416 : i32
        %parallel_loop3A_418 = arith.index_cast %parallel_loop3A_417 : i32 to index
        %parallel_loop3A_419 = tpu.vector_load %arg7[%parallel_loop3A_418] {strides = array<i32>} : memref<25600xf32, #tpu.memory_space<vmem>>, vector<16xf32>,
        %parallel_loop3A_420 = vector.shape_cast %parallel_loop3A_419 : vector<16xf32> to vector<16xf32>
        %parallel_loop3A_421 = arith.addf %parallel_loop3A_415, %parallel_loop3A_420 : vector<16xf32>
        %parallel_loop3A_422 = arith.index_cast %parallel_loop3A_346 : i32 to index
        %parallel_loop3A_423 = arith.constant 64 : index
        %parallel_loop3A_424 = tpu.vector_load %arg9[%parallel_loop3A_422, %parallel_loop3A_423] {strides = array<i32>} : memref<128x128xf32, #tpu.memory_space<vmem>>, vector<1x16xf32>,
        %parallel_loop3A_425 = vector.shape_cast %parallel_loop3A_424 : vector<1x16xf32> to vector<16xf32>
        %parallel_loop3A_426 = vector.shape_cast %parallel_loop3A_421 : vector<16xf32> to vector<1x16xf32>
        tpu.vector_store %arg9[%parallel_loop3A_422, %parallel_loop3A_423], %parallel_loop3A_426 {strides = array<i32>} : memref<128x128xf32, #tpu.memory_space<vmem>>, vector<1x16xf32>,
        %parallel_loop3A_427 = arith.index_cast %parallel_loop3A_346 : i32 to index
        %parallel_loop3A_428 = arith.constant 80 : index
        %parallel_loop3A_429 = tpu.vector_load %arg9[%parallel_loop3A_427, %parallel_loop3A_428] {strides = array<i32>} : memref<128x128xf32, #tpu.memory_space<vmem>>, vector<1x16xf32>,
        %parallel_loop3A_430 = vector.shape_cast %parallel_loop3A_429 : vector<1x16xf32> to vector<16xf32>
        %parallel_loop3A_431 = arith.constant 80 : i32
        %parallel_loop3A_432 = arith.addi %parallel_loop3A_351, %parallel_loop3A_431 : i32
        %parallel_loop3A_433 = arith.index_cast %parallel_loop3A_432 : i32 to index
        %parallel_loop3A_434 = tpu.vector_load %arg7[%parallel_loop3A_433] {strides = array<i32>} : memref<25600xf32, #tpu.memory_space<vmem>>, vector<16xf32>,
        %parallel_loop3A_435 = vector.shape_cast %parallel_loop3A_434 : vector<16xf32> to vector<16xf32>
        %parallel_loop3A_436 = arith.addf %parallel_loop3A_430, %parallel_loop3A_435 : vector<16xf32>
        %parallel_loop3A_437 = arith.index_cast %parallel_loop3A_346 : i32 to index
        %parallel_loop3A_438 = arith.constant 80 : index
        %parallel_loop3A_439 = tpu.vector_load %arg9[%parallel_loop3A_437, %parallel_loop3A_438] {strides = array<i32>} : memref<128x128xf32, #tpu.memory_space<vmem>>, vector<1x16xf32>,
        %parallel_loop3A_440 = vector.shape_cast %parallel_loop3A_439 : vector<1x16xf32> to vector<16xf32>
        %parallel_loop3A_441 = vector.shape_cast %parallel_loop3A_436 : vector<16xf32> to vector<1x16xf32>
        tpu.vector_store %arg9[%parallel_loop3A_437, %parallel_loop3A_438], %parallel_loop3A_441 {strides = array<i32>} : memref<128x128xf32, #tpu.memory_space<vmem>>, vector<1x16xf32>,
        %parallel_loop3A_442 = arith.index_cast %parallel_loop3A_346 : i32 to index
        %parallel_loop3A_443 = arith.constant 96 : index
        %parallel_loop3A_444 = tpu.vector_load %arg9[%parallel_loop3A_442, %parallel_loop3A_443] {strides = array<i32>} : memref<128x128xf32, #tpu.memory_space<vmem>>, vector<1x16xf32>,
        %parallel_loop3A_445 = vector.shape_cast %parallel_loop3A_444 : vector<1x16xf32> to vector<16xf32>
        %parallel_loop3A_446 = arith.constant 96 : i32
        %parallel_loop3A_447 = arith.addi %parallel_loop3A_351, %parallel_loop3A_446 : i32
        %parallel_loop3A_448 = arith.index_cast %parallel_loop3A_447 : i32 to index
        %parallel_loop3A_449 = tpu.vector_load %arg7[%parallel_loop3A_448] {strides = array<i32>} : memref<25600xf32, #tpu.memory_space<vmem>>, vector<16xf32>,
        %parallel_loop3A_450 = vector.shape_cast %parallel_loop3A_449 : vector<16xf32> to vector<16xf32>
        %parallel_loop3A_451 = arith.addf %parallel_loop3A_445, %parallel_loop3A_450 : vector<16xf32>
        %parallel_loop3A_452 = arith.index_cast %parallel_loop3A_346 : i32 to index
        %parallel_loop3A_453 = arith.constant 96 : index
        %parallel_loop3A_454 = tpu.vector_load %arg9[%parallel_loop3A_452, %parallel_loop3A_453] {strides = array<i32>} : memref<128x128xf32, #tpu.memory_space<vmem>>, vector<1x16xf32>,
        %parallel_loop3A_455 = vector.shape_cast %parallel_loop3A_454 : vector<1x16xf32> to vector<16xf32>
        %parallel_loop3A_456 = vector.shape_cast %parallel_loop3A_451 : vector<16xf32> to vector<1x16xf32>
        tpu.vector_store %arg9[%parallel_loop3A_452, %parallel_loop3A_453], %parallel_loop3A_456 {strides = array<i32>} : memref<128x128xf32, #tpu.memory_space<vmem>>, vector<1x16xf32>,
        %parallel_loop3A_457 = arith.index_cast %parallel_loop3A_346 : i32 to index
        %parallel_loop3A_458 = arith.constant 112 : index
        %parallel_loop3A_459 = tpu.vector_load %arg9[%parallel_loop3A_457, %parallel_loop3A_458] {strides = array<i32>} : memref<128x128xf32, #tpu.memory_space<vmem>>, vector<1x16xf32>,
        %parallel_loop3A_460 = vector.shape_cast %parallel_loop3A_459 : vector<1x16xf32> to vector<16xf32>
        %parallel_loop3A_461 = arith.constant 112 : i32
        %parallel_loop3A_462 = arith.addi %parallel_loop3A_351, %parallel_loop3A_461 : i32
        %parallel_loop3A_463 = arith.index_cast %parallel_loop3A_462 : i32 to index
        %parallel_loop3A_464 = tpu.vector_load %arg7[%parallel_loop3A_463] {strides = array<i32>} : memref<25600xf32, #tpu.memory_space<vmem>>, vector<16xf32>,
        %parallel_loop3A_465 = vector.shape_cast %parallel_loop3A_464 : vector<16xf32> to vector<16xf32>
        %parallel_loop3A_466 = arith.addf %parallel_loop3A_460, %parallel_loop3A_465 : vector<16xf32>
        %parallel_loop3A_467 = arith.index_cast %parallel_loop3A_346 : i32 to index
        %parallel_loop3A_468 = arith.constant 112 : index
        %parallel_loop3A_469 = tpu.vector_load %arg9[%parallel_loop3A_467, %parallel_loop3A_468] {strides = array<i32>} : memref<128x128xf32, #tpu.memory_space<vmem>>, vector<1x16xf32>,
        %parallel_loop3A_470 = vector.shape_cast %parallel_loop3A_469 : vector<1x16xf32> to vector<16xf32>
        %parallel_loop3A_471 = vector.shape_cast %parallel_loop3A_466 : vector<16xf32> to vector<1x16xf32>
        tpu.vector_store %arg9[%parallel_loop3A_467, %parallel_loop3A_468], %parallel_loop3A_471 {strides = array<i32>} : memref<128x128xf32, #tpu.memory_space<vmem>>, vector<1x16xf32>,
      } {sc.loop_unroll_factor = 4 : i64, sc.parallel_access}
      %mul3A_256 = arith.constant 128 : i32
      %mul3A_257 = arith.muli %add3A_227, %mul3A_256 : i32
      %add3A_258 = arith.addi %mul3A_2, %mul3A_257 : i32
      %dma_start3A_259 = arith.constant 0 : i32
      %dma_start3A_260 = tpu.memref_slice %arg5[%add3A_258, %dma_start3A_259] : memref<204800x128xf32, #tpu.memory_space<hbm>> -> memref<128x128xf32, #tpu.memory_space<hbm>>
      %dma_start3A_261 = arith.constant 0 : i32
      %dma_start3A_262 = tpu.memref_slice %arg5[%add3A_258, %dma_start3A_261] : memref<204800x128xf32, #tpu.memory_space<hbm>> -> memref<128x128xf32, #tpu.memory_space<hbm>>
      tpu.enqueue_dma source(%arg9 : memref<128x128xf32, #tpu.memory_space<vmem>>) target(%dma_start3A_262 : memref<128x128xf32, #tpu.memory_space<hbm>>) target_semaphore(%arg17 : memref<!tpu.dma_semaphore, #tpu.memory_space<semaphore_mem>>)
      %mul3A_263 = arith.constant 4 : i32
      %mul3A_264 = arith.muli %scan3A_180, %mul3A_263 : i32
      %add3A_265 = arith.constant 4 : i32
      %add3A_266 = arith.addi %add3A_265, %mul3A_264 : i32
      %add3A_267 = arith.constant 2 : i32
      %add3A_268 = arith.addi %add3A_266, %add3A_267 : i32
      %sub3A_269 = arith.constant 2 : i32
      %sub3A_270 = arith.subi %add3A_268, %sub3A_269 : i32
      %mul3A_271 = arith.constant 128 : i32
      %mul3A_272 = arith.muli %sub3A_270, %mul3A_271 : i32
      %add3A_273 = arith.addi %mul3A_2, %mul3A_272 : i32
      %dma_wait3A_274 = arith.constant 0 : i32
      %dma_wait3A_275 = tpu.memref_slice %arg5[%add3A_273, %dma_wait3A_274] : memref<204800x128xf32, #tpu.memory_space<hbm>> -> memref<128x128xf32, #tpu.memory_space<hbm>>
      %dma_wait3A_276 = arith.constant 0 : i32
      %dma_wait3A_277 = tpu.memref_slice %arg5[%add3A_273, %dma_wait3A_276] : memref<204800x128xf32, #tpu.memory_space<hbm>> -> memref<128x128xf32, #tpu.memory_space<hbm>>
      tpu.wait_dma2 semaphore(%arg16 : memref<!tpu.dma_semaphore, #tpu.memory_space<semaphore_mem>>) src(%arg8 : memref<128x128xf32, #tpu.memory_space<vmem>>) dst(%dma_wait3A_277 : memref<128x128xf32, #tpu.memory_space<hbm>>)
      %add3A_278 = arith.constant 2 : i32
      %add3A_279 = arith.addi %add3A_268, %add3A_278 : i32
      %dma_start3A_280 = arith.constant 0 : i32
      %dma_start3A_281 = tpu.memref_slice %arg6[%add3A_279, %dma_start3A_280] : memref<50x128xi32, #tpu.memory_space<vmem>> -> memref<1x128xi32, #tpu.memory_space<vmem>>
      %dma_start3A_282 = tpu.memref_squeeze %dma_start3A_281 : memref<1x128xi32, #tpu.memory_space<vmem>> -> memref<128xi32, #tpu.memory_space<vmem>>
      %dma_start3A_283 = arith.constant 0 : i32
      %dma_start3A_284 = arith.constant 0 : i32
      %dma_start3A_285 = tpu.memref_slice %arg3[%dma_start3A_283, %dma_start3A_284] : memref<100000x128xf32, #tpu.memory_space<hbm>> -> memref<100000x128xf32, #tpu.memory_space<hbm>>
      tpu.enqueue_indirect_dma source(%dma_start3A_285 : memref<100000x128xf32, #tpu.memory_space<hbm>>) target(%arg8 : memref<128x128xf32, #tpu.memory_space<vmem>>) offsets(%dma_start3A_282 : memref<128xi32, #tpu.memory_space<vmem>>) semaphore(%arg12 : memref<!tpu.dma_semaphore, #tpu.memory_space<semaphore_mem>>)
      %dma_wait3A_286 = arith.constant 0 : i32
      %dma_wait3A_287 = tpu.memref_slice %arg6[%add3A_268, %dma_wait3A_286] : memref<50x128xi32, #tpu.memory_space<vmem>> -> memref<1x128xi32, #tpu.memory_space<vmem>>
      %dma_wait3A_288 = tpu.memref_squeeze %dma_wait3A_287 : memref<1x128xi32, #tpu.memory_space<vmem>> -> memref<128xi32, #tpu.memory_space<vmem>>
      %dma_wait3A_289 = arith.constant 0 : i32
      %dma_wait3A_290 = arith.constant 0 : i32
      %dma_wait3A_291 = tpu.memref_slice %arg3[%dma_wait3A_289, %dma_wait3A_290] : memref<100000x128xf32, #tpu.memory_space<hbm>> -> memref<100000x128xf32, #tpu.memory_space<hbm>>
      tpu.wait_indirect_dma semaphore(%arg14 : memref<!tpu.dma_semaphore, #tpu.memory_space<semaphore_mem>>) src(%dma_wait3A_291 : memref<100000x128xf32, #tpu.memory_space<hbm>>) dst(%arg10 : memref<128x128xf32, #tpu.memory_space<vmem>>)
      %mul3A_292 = arith.constant 128 : i32
      %mul3A_293 = arith.muli %add3A_268, %mul3A_292 : i32
      %parallel_loop3A_294 = arith.constant 0 : i32
      %parallel_loop3A_295 = arith.constant 128 : i32
      %parallel_loop3A_296 = arith.constant 1 : i32
      scf.for %parallel_loop3A_346 = %parallel_loop3A_294 to %parallel_loop3A_295 step %parallel_loop3A_296  : i32 {
        %parallel_loop3A_347 = arith.addi %mul3A_293, %parallel_loop3A_346 : i32
        %parallel_loop3A_348 = arith.constant 200 : i32
        %parallel_loop3A_349 = arith.remsi %parallel_loop3A_347, %parallel_loop3A_348 : i32
        %parallel_loop3A_350 = arith.constant 128 : i32
        %parallel_loop3A_351 = arith.muli %parallel_loop3A_349, %parallel_loop3A_350 : i32
        %parallel_loop3A_352 = arith.index_cast %parallel_loop3A_346 : i32 to index
        %parallel_loop3A_353 = arith.constant 0 : index
        %parallel_loop3A_354 = tpu.vector_load %arg10[%parallel_loop3A_352, %parallel_loop3A_353] {strides = array<i32>} : memref<128x128xf32, #tpu.memory_space<vmem>>, vector<1x16xf32>,
        %parallel_loop3A_355 = vector.shape_cast %parallel_loop3A_354 : vector<1x16xf32> to vector<16xf32>
        %parallel_loop3A_356 = arith.constant 0 : i32
        %parallel_loop3A_357 = arith.addi %parallel_loop3A_351, %parallel_loop3A_356 : i32
        %parallel_loop3A_358 = arith.index_cast %parallel_loop3A_357 : i32 to index
        %parallel_loop3A_359 = tpu.vector_load %arg7[%parallel_loop3A_358] {strides = array<i32>} : memref<25600xf32, #tpu.memory_space<vmem>>, vector<16xf32>,
        %parallel_loop3A_360 = vector.shape_cast %parallel_loop3A_359 : vector<16xf32> to vector<16xf32>
        %parallel_loop3A_361 = arith.addf %parallel_loop3A_355, %parallel_loop3A_360 : vector<16xf32>
        %parallel_loop3A_362 = arith.index_cast %parallel_loop3A_346 : i32 to index
        %parallel_loop3A_363 = arith.constant 0 : index
        %parallel_loop3A_364 = tpu.vector_load %arg10[%parallel_loop3A_362, %parallel_loop3A_363] {strides = array<i32>} : memref<128x128xf32, #tpu.memory_space<vmem>>, vector<1x16xf32>,
        %parallel_loop3A_365 = vector.shape_cast %parallel_loop3A_364 : vector<1x16xf32> to vector<16xf32>
        %parallel_loop3A_366 = vector.shape_cast %parallel_loop3A_361 : vector<16xf32> to vector<1x16xf32>
        tpu.vector_store %arg10[%parallel_loop3A_362, %parallel_loop3A_363], %parallel_loop3A_366 {strides = array<i32>} : memref<128x128xf32, #tpu.memory_space<vmem>>, vector<1x16xf32>,
        %parallel_loop3A_367 = arith.index_cast %parallel_loop3A_346 : i32 to index
        %parallel_loop3A_368 = arith.constant 16 : index
        %parallel_loop3A_369 = tpu.vector_load %arg10[%parallel_loop3A_367, %parallel_loop3A_368] {strides = array<i32>} : memref<128x128xf32, #tpu.memory_space<vmem>>, vector<1x16xf32>,
        %parallel_loop3A_370 = vector.shape_cast %parallel_loop3A_369 : vector<1x16xf32> to vector<16xf32>
        %parallel_loop3A_371 = arith.constant 16 : i32
        %parallel_loop3A_372 = arith.addi %parallel_loop3A_351, %parallel_loop3A_371 : i32
        %parallel_loop3A_373 = arith.index_cast %parallel_loop3A_372 : i32 to index
        %parallel_loop3A_374 = tpu.vector_load %arg7[%parallel_loop3A_373] {strides = array<i32>} : memref<25600xf32, #tpu.memory_space<vmem>>, vector<16xf32>,
        %parallel_loop3A_375 = vector.shape_cast %parallel_loop3A_374 : vector<16xf32> to vector<16xf32>
        %parallel_loop3A_376 = arith.addf %parallel_loop3A_370, %parallel_loop3A_375 : vector<16xf32>
        %parallel_loop3A_377 = arith.index_cast %parallel_loop3A_346 : i32 to index
        %parallel_loop3A_378 = arith.constant 16 : index
        %parallel_loop3A_379 = tpu.vector_load %arg10[%parallel_loop3A_377, %parallel_loop3A_378] {strides = array<i32>} : memref<128x128xf32, #tpu.memory_space<vmem>>, vector<1x16xf32>,
        %parallel_loop3A_380 = vector.shape_cast %parallel_loop3A_379 : vector<1x16xf32> to vector<16xf32>
        %parallel_loop3A_381 = vector.shape_cast %parallel_loop3A_376 : vector<16xf32> to vector<1x16xf32>
        tpu.vector_store %arg10[%parallel_loop3A_377, %parallel_loop3A_378], %parallel_loop3A_381 {strides = array<i32>} : memref<128x128xf32, #tpu.memory_space<vmem>>, vector<1x16xf32>,
        %parallel_loop3A_382 = arith.index_cast %parallel_loop3A_346 : i32 to index
        %parallel_loop3A_383 = arith.constant 32 : index
        %parallel_loop3A_384 = tpu.vector_load %arg10[%parallel_loop3A_382, %parallel_loop3A_383] {strides = array<i32>} : memref<128x128xf32, #tpu.memory_space<vmem>>, vector<1x16xf32>,
        %parallel_loop3A_385 = vector.shape_cast %parallel_loop3A_384 : vector<1x16xf32> to vector<16xf32>
        %parallel_loop3A_386 = arith.constant 32 : i32
        %parallel_loop3A_387 = arith.addi %parallel_loop3A_351, %parallel_loop3A_386 : i32
        %parallel_loop3A_388 = arith.index_cast %parallel_loop3A_387 : i32 to index
        %parallel_loop3A_389 = tpu.vector_load %arg7[%parallel_loop3A_388] {strides = array<i32>} : memref<25600xf32, #tpu.memory_space<vmem>>, vector<16xf32>,
        %parallel_loop3A_390 = vector.shape_cast %parallel_loop3A_389 : vector<16xf32> to vector<16xf32>
        %parallel_loop3A_391 = arith.addf %parallel_loop3A_385, %parallel_loop3A_390 : vector<16xf32>
        %parallel_loop3A_392 = arith.index_cast %parallel_loop3A_346 : i32 to index
        %parallel_loop3A_393 = arith.constant 32 : index
        %parallel_loop3A_394 = tpu.vector_load %arg10[%parallel_loop3A_392, %parallel_loop3A_393] {strides = array<i32>} : memref<128x128xf32, #tpu.memory_space<vmem>>, vector<1x16xf32>,
        %parallel_loop3A_395 = vector.shape_cast %parallel_loop3A_394 : vector<1x16xf32> to vector<16xf32>
        %parallel_loop3A_396 = vector.shape_cast %parallel_loop3A_391 : vector<16xf32> to vector<1x16xf32>
        tpu.vector_store %arg10[%parallel_loop3A_392, %parallel_loop3A_393], %parallel_loop3A_396 {strides = array<i32>} : memref<128x128xf32, #tpu.memory_space<vmem>>, vector<1x16xf32>,
        %parallel_loop3A_397 = arith.index_cast %parallel_loop3A_346 : i32 to index
        %parallel_loop3A_398 = arith.constant 48 : index
        %parallel_loop3A_399 = tpu.vector_load %arg10[%parallel_loop3A_397, %parallel_loop3A_398] {strides = array<i32>} : memref<128x128xf32, #tpu.memory_space<vmem>>, vector<1x16xf32>,
        %parallel_loop3A_400 = vector.shape_cast %parallel_loop3A_399 : vector<1x16xf32> to vector<16xf32>
        %parallel_loop3A_401 = arith.constant 48 : i32
        %parallel_loop3A_402 = arith.addi %parallel_loop3A_351, %parallel_loop3A_401 : i32
        %parallel_loop3A_403 = arith.index_cast %parallel_loop3A_402 : i32 to index
        %parallel_loop3A_404 = tpu.vector_load %arg7[%parallel_loop3A_403] {strides = array<i32>} : memref<25600xf32, #tpu.memory_space<vmem>>, vector<16xf32>,
        %parallel_loop3A_405 = vector.shape_cast %parallel_loop3A_404 : vector<16xf32> to vector<16xf32>
        %parallel_loop3A_406 = arith.addf %parallel_loop3A_400, %parallel_loop3A_405 : vector<16xf32>
        %parallel_loop3A_407 = arith.index_cast %parallel_loop3A_346 : i32 to index
        %parallel_loop3A_408 = arith.constant 48 : index
        %parallel_loop3A_409 = tpu.vector_load %arg10[%parallel_loop3A_407, %parallel_loop3A_408] {strides = array<i32>} : memref<128x128xf32, #tpu.memory_space<vmem>>, vector<1x16xf32>,
        %parallel_loop3A_410 = vector.shape_cast %parallel_loop3A_409 : vector<1x16xf32> to vector<16xf32>
        %parallel_loop3A_411 = vector.shape_cast %parallel_loop3A_406 : vector<16xf32> to vector<1x16xf32>
        tpu.vector_store %arg10[%parallel_loop3A_407, %parallel_loop3A_408], %parallel_loop3A_411 {strides = array<i32>} : memref<128x128xf32, #tpu.memory_space<vmem>>, vector<1x16xf32>,
        %parallel_loop3A_412 = arith.index_cast %parallel_loop3A_346 : i32 to index
        %parallel_loop3A_413 = arith.constant 64 : index
        %parallel_loop3A_414 = tpu.vector_load %arg10[%parallel_loop3A_412, %parallel_loop3A_413] {strides = array<i32>} : memref<128x128xf32, #tpu.memory_space<vmem>>, vector<1x16xf32>,
        %parallel_loop3A_415 = vector.shape_cast %parallel_loop3A_414 : vector<1x16xf32> to vector<16xf32>
        %parallel_loop3A_416 = arith.constant 64 : i32
        %parallel_loop3A_417 = arith.addi %parallel_loop3A_351, %parallel_loop3A_416 : i32
        %parallel_loop3A_418 = arith.index_cast %parallel_loop3A_417 : i32 to index
        %parallel_loop3A_419 = tpu.vector_load %arg7[%parallel_loop3A_418] {strides = array<i32>} : memref<25600xf32, #tpu.memory_space<vmem>>, vector<16xf32>,
        %parallel_loop3A_420 = vector.shape_cast %parallel_loop3A_419 : vector<16xf32> to vector<16xf32>
        %parallel_loop3A_421 = arith.addf %parallel_loop3A_415, %parallel_loop3A_420 : vector<16xf32>
        %parallel_loop3A_422 = arith.index_cast %parallel_loop3A_346 : i32 to index
        %parallel_loop3A_423 = arith.constant 64 : index
        %parallel_loop3A_424 = tpu.vector_load %arg10[%parallel_loop3A_422, %parallel_loop3A_423] {strides = array<i32>} : memref<128x128xf32, #tpu.memory_space<vmem>>, vector<1x16xf32>,
        %parallel_loop3A_425 = vector.shape_cast %parallel_loop3A_424 : vector<1x16xf32> to vector<16xf32>
        %parallel_loop3A_426 = vector.shape_cast %parallel_loop3A_421 : vector<16xf32> to vector<1x16xf32>
        tpu.vector_store %arg10[%parallel_loop3A_422, %parallel_loop3A_423], %parallel_loop3A_426 {strides = array<i32>} : memref<128x128xf32, #tpu.memory_space<vmem>>, vector<1x16xf32>,
        %parallel_loop3A_427 = arith.index_cast %parallel_loop3A_346 : i32 to index
        %parallel_loop3A_428 = arith.constant 80 : index
        %parallel_loop3A_429 = tpu.vector_load %arg10[%parallel_loop3A_427, %parallel_loop3A_428] {strides = array<i32>} : memref<128x128xf32, #tpu.memory_space<vmem>>, vector<1x16xf32>,
        %parallel_loop3A_430 = vector.shape_cast %parallel_loop3A_429 : vector<1x16xf32> to vector<16xf32>
        %parallel_loop3A_431 = arith.constant 80 : i32
        %parallel_loop3A_432 = arith.addi %parallel_loop3A_351, %parallel_loop3A_431 : i32
        %parallel_loop3A_433 = arith.index_cast %parallel_loop3A_432 : i32 to index
        %parallel_loop3A_434 = tpu.vector_load %arg7[%parallel_loop3A_433] {strides = array<i32>} : memref<25600xf32, #tpu.memory_space<vmem>>, vector<16xf32>,
        %parallel_loop3A_435 = vector.shape_cast %parallel_loop3A_434 : vector<16xf32> to vector<16xf32>
        %parallel_loop3A_436 = arith.addf %parallel_loop3A_430, %parallel_loop3A_435 : vector<16xf32>
        %parallel_loop3A_437 = arith.index_cast %parallel_loop3A_346 : i32 to index
        %parallel_loop3A_438 = arith.constant 80 : index
        %parallel_loop3A_439 = tpu.vector_load %arg10[%parallel_loop3A_437, %parallel_loop3A_438] {strides = array<i32>} : memref<128x128xf32, #tpu.memory_space<vmem>>, vector<1x16xf32>,
        %parallel_loop3A_440 = vector.shape_cast %parallel_loop3A_439 : vector<1x16xf32> to vector<16xf32>
        %parallel_loop3A_441 = vector.shape_cast %parallel_loop3A_436 : vector<16xf32> to vector<1x16xf32>
        tpu.vector_store %arg10[%parallel_loop3A_437, %parallel_loop3A_438], %parallel_loop3A_441 {strides = array<i32>} : memref<128x128xf32, #tpu.memory_space<vmem>>, vector<1x16xf32>,
        %parallel_loop3A_442 = arith.index_cast %parallel_loop3A_346 : i32 to index
        %parallel_loop3A_443 = arith.constant 96 : index
        %parallel_loop3A_444 = tpu.vector_load %arg10[%parallel_loop3A_442, %parallel_loop3A_443] {strides = array<i32>} : memref<128x128xf32, #tpu.memory_space<vmem>>, vector<1x16xf32>,
        %parallel_loop3A_445 = vector.shape_cast %parallel_loop3A_444 : vector<1x16xf32> to vector<16xf32>
        %parallel_loop3A_446 = arith.constant 96 : i32
        %parallel_loop3A_447 = arith.addi %parallel_loop3A_351, %parallel_loop3A_446 : i32
        %parallel_loop3A_448 = arith.index_cast %parallel_loop3A_447 : i32 to index
        %parallel_loop3A_449 = tpu.vector_load %arg7[%parallel_loop3A_448] {strides = array<i32>} : memref<25600xf32, #tpu.memory_space<vmem>>, vector<16xf32>,
        %parallel_loop3A_450 = vector.shape_cast %parallel_loop3A_449 : vector<16xf32> to vector<16xf32>
        %parallel_loop3A_451 = arith.addf %parallel_loop3A_445, %parallel_loop3A_450 : vector<16xf32>
        %parallel_loop3A_452 = arith.index_cast %parallel_loop3A_346 : i32 to index
        %parallel_loop3A_453 = arith.constant 96 : index
        %parallel_loop3A_454 = tpu.vector_load %arg10[%parallel_loop3A_452, %parallel_loop3A_453] {strides = array<i32>} : memref<128x128xf32, #tpu.memory_space<vmem>>, vector<1x16xf32>,
        %parallel_loop3A_455 = vector.shape_cast %parallel_loop3A_454 : vector<1x16xf32> to vector<16xf32>
        %parallel_loop3A_456 = vector.shape_cast %parallel_loop3A_451 : vector<16xf32> to vector<1x16xf32>
        tpu.vector_store %arg10[%parallel_loop3A_452, %parallel_loop3A_453], %parallel_loop3A_456 {strides = array<i32>} : memref<128x128xf32, #tpu.memory_space<vmem>>, vector<1x16xf32>,
        %parallel_loop3A_457 = arith.index_cast %parallel_loop3A_346 : i32 to index
        %parallel_loop3A_458 = arith.constant 112 : index
        %parallel_loop3A_459 = tpu.vector_load %arg10[%parallel_loop3A_457, %parallel_loop3A_458] {strides = array<i32>} : memref<128x128xf32, #tpu.memory_space<vmem>>, vector<1x16xf32>,
        %parallel_loop3A_460 = vector.shape_cast %parallel_loop3A_459 : vector<1x16xf32> to vector<16xf32>
        %parallel_loop3A_461 = arith.constant 112 : i32
        %parallel_loop3A_462 = arith.addi %parallel_loop3A_351, %parallel_loop3A_461 : i32
        %parallel_loop3A_463 = arith.index_cast %parallel_loop3A_462 : i32 to index
        %parallel_loop3A_464 = tpu.vector_load %arg7[%parallel_loop3A_463] {strides = array<i32>} : memref<25600xf32, #tpu.memory_space<vmem>>, vector<16xf32>,
        %parallel_loop3A_465 = vector.shape_cast %parallel_loop3A_464 : vector<16xf32> to vector<16xf32>
        %parallel_loop3A_466 = arith.addf %parallel_loop3A_460, %parallel_loop3A_465 : vector<16xf32>
        %parallel_loop3A_467 = arith.index_cast %parallel_loop3A_346 : i32 to index
        %parallel_loop3A_468 = arith.constant 112 : index
        %parallel_loop3A_469 = tpu.vector_load %arg10[%parallel_loop3A_467, %parallel_loop3A_468] {strides = array<i32>} : memref<128x128xf32, #tpu.memory_space<vmem>>, vector<1x16xf32>,
        %parallel_loop3A_470 = vector.shape_cast %parallel_loop3A_469 : vector<1x16xf32> to vector<16xf32>
        %parallel_loop3A_471 = vector.shape_cast %parallel_loop3A_466 : vector<16xf32> to vector<1x16xf32>
        tpu.vector_store %arg10[%parallel_loop3A_467, %parallel_loop3A_468], %parallel_loop3A_471 {strides = array<i32>} : memref<128x128xf32, #tpu.memory_space<vmem>>, vector<1x16xf32>,
      } {sc.loop_unroll_factor = 4 : i64, sc.parallel_access}
      %mul3A_297 = arith.constant 128 : i32
      %mul3A_298 = arith.muli %add3A_268, %mul3A_297 : i32
      %add3A_299 = arith.addi %mul3A_2, %mul3A_298 : i32
      %dma_start3A_300 = arith.constant 0 : i32
      %dma_start3A_301 = tpu.memref_slice %arg5[%add3A_299, %dma_start3A_300] : memref<204800x128xf32, #tpu.memory_space<hbm>> -> memref<128x128xf32, #tpu.memory_space<hbm>>
      %dma_start3A_302 = arith.constant 0 : i32
      %dma_start3A_303 = tpu.memref_slice %arg5[%add3A_299, %dma_start3A_302] : memref<204800x128xf32, #tpu.memory_space<hbm>> -> memref<128x128xf32, #tpu.memory_space<hbm>>
      tpu.enqueue_dma source(%arg10 : memref<128x128xf32, #tpu.memory_space<vmem>>) target(%dma_start3A_303 : memref<128x128xf32, #tpu.memory_space<hbm>>) target_semaphore(%arg18 : memref<!tpu.dma_semaphore, #tpu.memory_space<semaphore_mem>>)
      %mul3A_304 = arith.constant 4 : i32
      %mul3A_305 = arith.muli %scan3A_180, %mul3A_304 : i32
      %add3A_306 = arith.constant 4 : i32
      %add3A_307 = arith.addi %add3A_306, %mul3A_305 : i32
      %add3A_308 = arith.constant 3 : i32
      %add3A_309 = arith.addi %add3A_307, %add3A_308 : i32
      %sub3A_310 = arith.constant 2 : i32
      %sub3A_311 = arith.subi %add3A_309, %sub3A_310 : i32
      %mul3A_312 = arith.constant 128 : i32
      %mul3A_313 = arith.muli %sub3A_311, %mul3A_312 : i32
      %add3A_314 = arith.addi %mul3A_2, %mul3A_313 : i32
      %dma_wait3A_315 = arith.constant 0 : i32
      %dma_wait3A_316 = tpu.memref_slice %arg5[%add3A_314, %dma_wait3A_315] : memref<204800x128xf32, #tpu.memory_space<hbm>> -> memref<128x128xf32, #tpu.memory_space<hbm>>
      %dma_wait3A_317 = arith.constant 0 : i32
      %dma_wait3A_318 = tpu.memref_slice %arg5[%add3A_314, %dma_wait3A_317] : memref<204800x128xf32, #tpu.memory_space<hbm>> -> memref<128x128xf32, #tpu.memory_space<hbm>>
      tpu.wait_dma2 semaphore(%arg17 : memref<!tpu.dma_semaphore, #tpu.memory_space<semaphore_mem>>) src(%arg9 : memref<128x128xf32, #tpu.memory_space<vmem>>) dst(%dma_wait3A_318 : memref<128x128xf32, #tpu.memory_space<hbm>>)
      %add3A_319 = arith.constant 2 : i32
      %add3A_320 = arith.addi %add3A_309, %add3A_319 : i32
      %dma_start3A_321 = arith.constant 0 : i32
      %dma_start3A_322 = tpu.memref_slice %arg6[%add3A_320, %dma_start3A_321] : memref<50x128xi32, #tpu.memory_space<vmem>> -> memref<1x128xi32, #tpu.memory_space<vmem>>
      %dma_start3A_323 = tpu.memref_squeeze %dma_start3A_322 : memref<1x128xi32, #tpu.memory_space<vmem>> -> memref<128xi32, #tpu.memory_space<vmem>>
      %dma_start3A_324 = arith.constant 0 : i32
      %dma_start3A_325 = arith.constant 0 : i32
      %dma_start3A_326 = tpu.memref_slice %arg3[%dma_start3A_324, %dma_start3A_325] : memref<100000x128xf32, #tpu.memory_space<hbm>> -> memref<100000x128xf32, #tpu.memory_space<hbm>>
      tpu.enqueue_indirect_dma source(%dma_start3A_326 : memref<100000x128xf32, #tpu.memory_space<hbm>>) target(%arg9 : memref<128x128xf32, #tpu.memory_space<vmem>>) offsets(%dma_start3A_323 : memref<128xi32, #tpu.memory_space<vmem>>) semaphore(%arg13 : memref<!tpu.dma_semaphore, #tpu.memory_space<semaphore_mem>>)
      %dma_wait3A_327 = arith.constant 0 : i32
      %dma_wait3A_328 = tpu.memref_slice %arg6[%add3A_309, %dma_wait3A_327] : memref<50x128xi32, #tpu.memory_space<vmem>> -> memref<1x128xi32, #tpu.memory_space<vmem>>
      %dma_wait3A_329 = tpu.memref_squeeze %dma_wait3A_328 : memref<1x128xi32, #tpu.memory_space<vmem>> -> memref<128xi32, #tpu.memory_space<vmem>>
      %dma_wait3A_330 = arith.constant 0 : i32
      %dma_wait3A_331 = arith.constant 0 : i32
      %dma_wait3A_332 = tpu.memref_slice %arg3[%dma_wait3A_330, %dma_wait3A_331] : memref<100000x128xf32, #tpu.memory_space<hbm>> -> memref<100000x128xf32, #tpu.memory_space<hbm>>
      tpu.wait_indirect_dma semaphore(%arg15 : memref<!tpu.dma_semaphore, #tpu.memory_space<semaphore_mem>>) src(%dma_wait3A_332 : memref<100000x128xf32, #tpu.memory_space<hbm>>) dst(%arg11 : memref<128x128xf32, #tpu.memory_space<vmem>>)
      %mul3A_333 = arith.constant 128 : i32
      %mul3A_334 = arith.muli %add3A_309, %mul3A_333 : i32
      %parallel_loop3A_335 = arith.constant 0 : i32
      %parallel_loop3A_336 = arith.constant 128 : i32
      %parallel_loop3A_337 = arith.constant 1 : i32
      scf.for %parallel_loop3A_346 = %parallel_loop3A_335 to %parallel_loop3A_336 step %parallel_loop3A_337  : i32 {
        %parallel_loop3A_347 = arith.addi %mul3A_334, %parallel_loop3A_346 : i32
        %parallel_loop3A_348 = arith.constant 200 : i32
        %parallel_loop3A_349 = arith.remsi %parallel_loop3A_347, %parallel_loop3A_348 : i32
        %parallel_loop3A_350 = arith.constant 128 : i32
        %parallel_loop3A_351 = arith.muli %parallel_loop3A_349, %parallel_loop3A_350 : i32
        %parallel_loop3A_352 = arith.index_cast %parallel_loop3A_346 : i32 to index
        %parallel_loop3A_353 = arith.constant 0 : index
        %parallel_loop3A_354 = tpu.vector_load %arg11[%parallel_loop3A_352, %parallel_loop3A_353] {strides = array<i32>} : memref<128x128xf32, #tpu.memory_space<vmem>>, vector<1x16xf32>,
        %parallel_loop3A_355 = vector.shape_cast %parallel_loop3A_354 : vector<1x16xf32> to vector<16xf32>
        %parallel_loop3A_356 = arith.constant 0 : i32
        %parallel_loop3A_357 = arith.addi %parallel_loop3A_351, %parallel_loop3A_356 : i32
        %parallel_loop3A_358 = arith.index_cast %parallel_loop3A_357 : i32 to index
        %parallel_loop3A_359 = tpu.vector_load %arg7[%parallel_loop3A_358] {strides = array<i32>} : memref<25600xf32, #tpu.memory_space<vmem>>, vector<16xf32>,
        %parallel_loop3A_360 = vector.shape_cast %parallel_loop3A_359 : vector<16xf32> to vector<16xf32>
        %parallel_loop3A_361 = arith.addf %parallel_loop3A_355, %parallel_loop3A_360 : vector<16xf32>
        %parallel_loop3A_362 = arith.index_cast %parallel_loop3A_346 : i32 to index
        %parallel_loop3A_363 = arith.constant 0 : index
        %parallel_loop3A_364 = tpu.vector_load %arg11[%parallel_loop3A_362, %parallel_loop3A_363] {strides = array<i32>} : memref<128x128xf32, #tpu.memory_space<vmem>>, vector<1x16xf32>,
        %parallel_loop3A_365 = vector.shape_cast %parallel_loop3A_364 : vector<1x16xf32> to vector<16xf32>
        %parallel_loop3A_366 = vector.shape_cast %parallel_loop3A_361 : vector<16xf32> to vector<1x16xf32>
        tpu.vector_store %arg11[%parallel_loop3A_362, %parallel_loop3A_363], %parallel_loop3A_366 {strides = array<i32>} : memref<128x128xf32, #tpu.memory_space<vmem>>, vector<1x16xf32>,
        %parallel_loop3A_367 = arith.index_cast %parallel_loop3A_346 : i32 to index
        %parallel_loop3A_368 = arith.constant 16 : index
        %parallel_loop3A_369 = tpu.vector_load %arg11[%parallel_loop3A_367, %parallel_loop3A_368] {strides = array<i32>} : memref<128x128xf32, #tpu.memory_space<vmem>>, vector<1x16xf32>,
        %parallel_loop3A_370 = vector.shape_cast %parallel_loop3A_369 : vector<1x16xf32> to vector<16xf32>
        %parallel_loop3A_371 = arith.constant 16 : i32
        %parallel_loop3A_372 = arith.addi %parallel_loop3A_351, %parallel_loop3A_371 : i32
        %parallel_loop3A_373 = arith.index_cast %parallel_loop3A_372 : i32 to index
        %parallel_loop3A_374 = tpu.vector_load %arg7[%parallel_loop3A_373] {strides = array<i32>} : memref<25600xf32, #tpu.memory_space<vmem>>, vector<16xf32>,
        %parallel_loop3A_375 = vector.shape_cast %parallel_loop3A_374 : vector<16xf32> to vector<16xf32>
        %parallel_loop3A_376 = arith.addf %parallel_loop3A_370, %parallel_loop3A_375 : vector<16xf32>
        %parallel_loop3A_377 = arith.index_cast %parallel_loop3A_346 : i32 to index
        %parallel_loop3A_378 = arith.constant 16 : index
        %parallel_loop3A_379 = tpu.vector_load %arg11[%parallel_loop3A_377, %parallel_loop3A_378] {strides = array<i32>} : memref<128x128xf32, #tpu.memory_space<vmem>>, vector<1x16xf32>,
        %parallel_loop3A_380 = vector.shape_cast %parallel_loop3A_379 : vector<1x16xf32> to vector<16xf32>
        %parallel_loop3A_381 = vector.shape_cast %parallel_loop3A_376 : vector<16xf32> to vector<1x16xf32>
        tpu.vector_store %arg11[%parallel_loop3A_377, %parallel_loop3A_378], %parallel_loop3A_381 {strides = array<i32>} : memref<128x128xf32, #tpu.memory_space<vmem>>, vector<1x16xf32>,
        %parallel_loop3A_382 = arith.index_cast %parallel_loop3A_346 : i32 to index
        %parallel_loop3A_383 = arith.constant 32 : index
        %parallel_loop3A_384 = tpu.vector_load %arg11[%parallel_loop3A_382, %parallel_loop3A_383] {strides = array<i32>} : memref<128x128xf32, #tpu.memory_space<vmem>>, vector<1x16xf32>,
        %parallel_loop3A_385 = vector.shape_cast %parallel_loop3A_384 : vector<1x16xf32> to vector<16xf32>
        %parallel_loop3A_386 = arith.constant 32 : i32
        %parallel_loop3A_387 = arith.addi %parallel_loop3A_351, %parallel_loop3A_386 : i32
        %parallel_loop3A_388 = arith.index_cast %parallel_loop3A_387 : i32 to index
        %parallel_loop3A_389 = tpu.vector_load %arg7[%parallel_loop3A_388] {strides = array<i32>} : memref<25600xf32, #tpu.memory_space<vmem>>, vector<16xf32>,
        %parallel_loop3A_390 = vector.shape_cast %parallel_loop3A_389 : vector<16xf32> to vector<16xf32>
        %parallel_loop3A_391 = arith.addf %parallel_loop3A_385, %parallel_loop3A_390 : vector<16xf32>
        %parallel_loop3A_392 = arith.index_cast %parallel_loop3A_346 : i32 to index
        %parallel_loop3A_393 = arith.constant 32 : index
        %parallel_loop3A_394 = tpu.vector_load %arg11[%parallel_loop3A_392, %parallel_loop3A_393] {strides = array<i32>} : memref<128x128xf32, #tpu.memory_space<vmem>>, vector<1x16xf32>,
        %parallel_loop3A_395 = vector.shape_cast %parallel_loop3A_394 : vector<1x16xf32> to vector<16xf32>
        %parallel_loop3A_396 = vector.shape_cast %parallel_loop3A_391 : vector<16xf32> to vector<1x16xf32>
        tpu.vector_store %arg11[%parallel_loop3A_392, %parallel_loop3A_393], %parallel_loop3A_396 {strides = array<i32>} : memref<128x128xf32, #tpu.memory_space<vmem>>, vector<1x16xf32>,
        %parallel_loop3A_397 = arith.index_cast %parallel_loop3A_346 : i32 to index
        %parallel_loop3A_398 = arith.constant 48 : index
        %parallel_loop3A_399 = tpu.vector_load %arg11[%parallel_loop3A_397, %parallel_loop3A_398] {strides = array<i32>} : memref<128x128xf32, #tpu.memory_space<vmem>>, vector<1x16xf32>,
        %parallel_loop3A_400 = vector.shape_cast %parallel_loop3A_399 : vector<1x16xf32> to vector<16xf32>
        %parallel_loop3A_401 = arith.constant 48 : i32
        %parallel_loop3A_402 = arith.addi %parallel_loop3A_351, %parallel_loop3A_401 : i32
        %parallel_loop3A_403 = arith.index_cast %parallel_loop3A_402 : i32 to index
        %parallel_loop3A_404 = tpu.vector_load %arg7[%parallel_loop3A_403] {strides = array<i32>} : memref<25600xf32, #tpu.memory_space<vmem>>, vector<16xf32>,
        %parallel_loop3A_405 = vector.shape_cast %parallel_loop3A_404 : vector<16xf32> to vector<16xf32>
        %parallel_loop3A_406 = arith.addf %parallel_loop3A_400, %parallel_loop3A_405 : vector<16xf32>
        %parallel_loop3A_407 = arith.index_cast %parallel_loop3A_346 : i32 to index
        %parallel_loop3A_408 = arith.constant 48 : index
        %parallel_loop3A_409 = tpu.vector_load %arg11[%parallel_loop3A_407, %parallel_loop3A_408] {strides = array<i32>} : memref<128x128xf32, #tpu.memory_space<vmem>>, vector<1x16xf32>,
        %parallel_loop3A_410 = vector.shape_cast %parallel_loop3A_409 : vector<1x16xf32> to vector<16xf32>
        %parallel_loop3A_411 = vector.shape_cast %parallel_loop3A_406 : vector<16xf32> to vector<1x16xf32>
        tpu.vector_store %arg11[%parallel_loop3A_407, %parallel_loop3A_408], %parallel_loop3A_411 {strides = array<i32>} : memref<128x128xf32, #tpu.memory_space<vmem>>, vector<1x16xf32>,
        %parallel_loop3A_412 = arith.index_cast %parallel_loop3A_346 : i32 to index
        %parallel_loop3A_413 = arith.constant 64 : index
        %parallel_loop3A_414 = tpu.vector_load %arg11[%parallel_loop3A_412, %parallel_loop3A_413] {strides = array<i32>} : memref<128x128xf32, #tpu.memory_space<vmem>>, vector<1x16xf32>,
        %parallel_loop3A_415 = vector.shape_cast %parallel_loop3A_414 : vector<1x16xf32> to vector<16xf32>
        %parallel_loop3A_416 = arith.constant 64 : i32
        %parallel_loop3A_417 = arith.addi %parallel_loop3A_351, %parallel_loop3A_416 : i32
        %parallel_loop3A_418 = arith.index_cast %parallel_loop3A_417 : i32 to index
        %parallel_loop3A_419 = tpu.vector_load %arg7[%parallel_loop3A_418] {strides = array<i32>} : memref<25600xf32, #tpu.memory_space<vmem>>, vector<16xf32>,
        %parallel_loop3A_420 = vector.shape_cast %parallel_loop3A_419 : vector<16xf32> to vector<16xf32>
        %parallel_loop3A_421 = arith.addf %parallel_loop3A_415, %parallel_loop3A_420 : vector<16xf32>
        %parallel_loop3A_422 = arith.index_cast %parallel_loop3A_346 : i32 to index
        %parallel_loop3A_423 = arith.constant 64 : index
        %parallel_loop3A_424 = tpu.vector_load %arg11[%parallel_loop3A_422, %parallel_loop3A_423] {strides = array<i32>} : memref<128x128xf32, #tpu.memory_space<vmem>>, vector<1x16xf32>,
        %parallel_loop3A_425 = vector.shape_cast %parallel_loop3A_424 : vector<1x16xf32> to vector<16xf32>
        %parallel_loop3A_426 = vector.shape_cast %parallel_loop3A_421 : vector<16xf32> to vector<1x16xf32>
        tpu.vector_store %arg11[%parallel_loop3A_422, %parallel_loop3A_423], %parallel_loop3A_426 {strides = array<i32>} : memref<128x128xf32, #tpu.memory_space<vmem>>, vector<1x16xf32>,
        %parallel_loop3A_427 = arith.index_cast %parallel_loop3A_346 : i32 to index
        %parallel_loop3A_428 = arith.constant 80 : index
        %parallel_loop3A_429 = tpu.vector_load %arg11[%parallel_loop3A_427, %parallel_loop3A_428] {strides = array<i32>} : memref<128x128xf32, #tpu.memory_space<vmem>>, vector<1x16xf32>,
        %parallel_loop3A_430 = vector.shape_cast %parallel_loop3A_429 : vector<1x16xf32> to vector<16xf32>
        %parallel_loop3A_431 = arith.constant 80 : i32
        %parallel_loop3A_432 = arith.addi %parallel_loop3A_351, %parallel_loop3A_431 : i32
        %parallel_loop3A_433 = arith.index_cast %parallel_loop3A_432 : i32 to index
        %parallel_loop3A_434 = tpu.vector_load %arg7[%parallel_loop3A_433] {strides = array<i32>} : memref<25600xf32, #tpu.memory_space<vmem>>, vector<16xf32>,
        %parallel_loop3A_435 = vector.shape_cast %parallel_loop3A_434 : vector<16xf32> to vector<16xf32>
        %parallel_loop3A_436 = arith.addf %parallel_loop3A_430, %parallel_loop3A_435 : vector<16xf32>
        %parallel_loop3A_437 = arith.index_cast %parallel_loop3A_346 : i32 to index
        %parallel_loop3A_438 = arith.constant 80 : index
        %parallel_loop3A_439 = tpu.vector_load %arg11[%parallel_loop3A_437, %parallel_loop3A_438] {strides = array<i32>} : memref<128x128xf32, #tpu.memory_space<vmem>>, vector<1x16xf32>,
        %parallel_loop3A_440 = vector.shape_cast %parallel_loop3A_439 : vector<1x16xf32> to vector<16xf32>
        %parallel_loop3A_441 = vector.shape_cast %parallel_loop3A_436 : vector<16xf32> to vector<1x16xf32>
        tpu.vector_store %arg11[%parallel_loop3A_437, %parallel_loop3A_438], %parallel_loop3A_441 {strides = array<i32>} : memref<128x128xf32, #tpu.memory_space<vmem>>, vector<1x16xf32>,
        %parallel_loop3A_442 = arith.index_cast %parallel_loop3A_346 : i32 to index
        %parallel_loop3A_443 = arith.constant 96 : index
        %parallel_loop3A_444 = tpu.vector_load %arg11[%parallel_loop3A_442, %parallel_loop3A_443] {strides = array<i32>} : memref<128x128xf32, #tpu.memory_space<vmem>>, vector<1x16xf32>,
        %parallel_loop3A_445 = vector.shape_cast %parallel_loop3A_444 : vector<1x16xf32> to vector<16xf32>
        %parallel_loop3A_446 = arith.constant 96 : i32
        %parallel_loop3A_447 = arith.addi %parallel_loop3A_351, %parallel_loop3A_446 : i32
        %parallel_loop3A_448 = arith.index_cast %parallel_loop3A_447 : i32 to index
        %parallel_loop3A_449 = tpu.vector_load %arg7[%parallel_loop3A_448] {strides = array<i32>} : memref<25600xf32, #tpu.memory_space<vmem>>, vector<16xf32>,
        %parallel_loop3A_450 = vector.shape_cast %parallel_loop3A_449 : vector<16xf32> to vector<16xf32>
        %parallel_loop3A_451 = arith.addf %parallel_loop3A_445, %parallel_loop3A_450 : vector<16xf32>
        %parallel_loop3A_452 = arith.index_cast %parallel_loop3A_346 : i32 to index
        %parallel_loop3A_453 = arith.constant 96 : index
        %parallel_loop3A_454 = tpu.vector_load %arg11[%parallel_loop3A_452, %parallel_loop3A_453] {strides = array<i32>} : memref<128x128xf32, #tpu.memory_space<vmem>>, vector<1x16xf32>,
        %parallel_loop3A_455 = vector.shape_cast %parallel_loop3A_454 : vector<1x16xf32> to vector<16xf32>
        %parallel_loop3A_456 = vector.shape_cast %parallel_loop3A_451 : vector<16xf32> to vector<1x16xf32>
        tpu.vector_store %arg11[%parallel_loop3A_452, %parallel_loop3A_453], %parallel_loop3A_456 {strides = array<i32>} : memref<128x128xf32, #tpu.memory_space<vmem>>, vector<1x16xf32>,
        %parallel_loop3A_457 = arith.index_cast %parallel_loop3A_346 : i32 to index
        %parallel_loop3A_458 = arith.constant 112 : index
        %parallel_loop3A_459 = tpu.vector_load %arg11[%parallel_loop3A_457, %parallel_loop3A_458] {strides = array<i32>} : memref<128x128xf32, #tpu.memory_space<vmem>>, vector<1x16xf32>,
        %parallel_loop3A_460 = vector.shape_cast %parallel_loop3A_459 : vector<1x16xf32> to vector<16xf32>
        %parallel_loop3A_461 = arith.constant 112 : i32
        %parallel_loop3A_462 = arith.addi %parallel_loop3A_351, %parallel_loop3A_461 : i32
        %parallel_loop3A_463 = arith.index_cast %parallel_loop3A_462 : i32 to index
        %parallel_loop3A_464 = tpu.vector_load %arg7[%parallel_loop3A_463] {strides = array<i32>} : memref<25600xf32, #tpu.memory_space<vmem>>, vector<16xf32>,
        %parallel_loop3A_465 = vector.shape_cast %parallel_loop3A_464 : vector<16xf32> to vector<16xf32>
        %parallel_loop3A_466 = arith.addf %parallel_loop3A_460, %parallel_loop3A_465 : vector<16xf32>
        %parallel_loop3A_467 = arith.index_cast %parallel_loop3A_346 : i32 to index
        %parallel_loop3A_468 = arith.constant 112 : index
        %parallel_loop3A_469 = tpu.vector_load %arg11[%parallel_loop3A_467, %parallel_loop3A_468] {strides = array<i32>} : memref<128x128xf32, #tpu.memory_space<vmem>>, vector<1x16xf32>,
        %parallel_loop3A_470 = vector.shape_cast %parallel_loop3A_469 : vector<1x16xf32> to vector<16xf32>
        %parallel_loop3A_471 = vector.shape_cast %parallel_loop3A_466 : vector<16xf32> to vector<1x16xf32>
        tpu.vector_store %arg11[%parallel_loop3A_467, %parallel_loop3A_468], %parallel_loop3A_471 {strides = array<i32>} : memref<128x128xf32, #tpu.memory_space<vmem>>, vector<1x16xf32>,
      } {sc.loop_unroll_factor = 4 : i64, sc.parallel_access}
      %mul3A_338 = arith.constant 128 : i32
      %mul3A_339 = arith.muli %add3A_309, %mul3A_338 : i32
      %add3A_340 = arith.addi %mul3A_2, %mul3A_339 : i32
      %dma_start3A_341 = arith.constant 0 : i32
      %dma_start3A_342 = tpu.memref_slice %arg5[%add3A_340, %dma_start3A_341] : memref<204800x128xf32, #tpu.memory_space<hbm>> -> memref<128x128xf32, #tpu.memory_space<hbm>>
      %dma_start3A_343 = arith.constant 0 : i32
      %dma_start3A_344 = tpu.memref_slice %arg5[%add3A_340, %dma_start3A_343] : memref<204800x128xf32, #tpu.memory_space<hbm>> -> memref<128x128xf32, #tpu.memory_space<hbm>>
      tpu.enqueue_dma source(%arg11 : memref<128x128xf32, #tpu.memory_space<vmem>>) target(%dma_start3A_344 : memref<128x128xf32, #tpu.memory_space<hbm>>) target_semaphore(%arg19 : memref<!tpu.dma_semaphore, #tpu.memory_space<semaphore_mem>>)
      %scan3A_345 = arith.constant 0 : i32
      scf.yield %scan3A_345 : i32
    }
    %scan3A_123 = arith.constant 11 : i32
    %dma_wait3A_124 = arith.constant 48 : i32
    %dma_wait3A_125 = arith.constant 0 : i32
    %dma_wait3A_126 = tpu.memref_slice %arg6[%dma_wait3A_124, %dma_wait3A_125] : memref<50x128xi32, #tpu.memory_space<vmem>> -> memref<1x128xi32, #tpu.memory_space<vmem>>
    %dma_wait3A_127 = tpu.memref_squeeze %dma_wait3A_126 : memref<1x128xi32, #tpu.memory_space<vmem>> -> memref<128xi32, #tpu.memory_space<vmem>>
    %dma_wait3A_128 = arith.constant 0 : i32
    %dma_wait3A_129 = arith.constant 0 : i32
    %dma_wait3A_130 = tpu.memref_slice %arg3[%dma_wait3A_128, %dma_wait3A_129] : memref<100000x128xf32, #tpu.memory_space<hbm>> -> memref<100000x128xf32, #tpu.memory_space<hbm>>
    tpu.wait_indirect_dma semaphore(%arg12 : memref<!tpu.dma_semaphore, #tpu.memory_space<semaphore_mem>>) src(%dma_wait3A_130 : memref<100000x128xf32, #tpu.memory_space<hbm>>) dst(%arg8 : memref<128x128xf32, #tpu.memory_space<vmem>>)
    %parallel_loop3A_131 = arith.constant 0 : i32
    %parallel_loop3A_132 = arith.constant 128 : i32
    %parallel_loop3A_133 = arith.constant 1 : i32
    scf.for %parallel_loop3A_180 = %parallel_loop3A_131 to %parallel_loop3A_132 step %parallel_loop3A_133  : i32 {
      %parallel_loop3A_181 = arith.constant 6144 : i32
      %parallel_loop3A_182 = arith.addi %parallel_loop3A_181, %parallel_loop3A_180 : i32
      %parallel_loop3A_183 = arith.constant 200 : i32
      %parallel_loop3A_184 = arith.remsi %parallel_loop3A_182, %parallel_loop3A_183 : i32
      %parallel_loop3A_185 = arith.constant 128 : i32
      %parallel_loop3A_186 = arith.muli %parallel_loop3A_184, %parallel_loop3A_185 : i32
      %parallel_loop3A_187 = arith.index_cast %parallel_loop3A_180 : i32 to index
      %parallel_loop3A_188 = arith.constant 0 : index
      %parallel_loop3A_189 = tpu.vector_load %arg8[%parallel_loop3A_187, %parallel_loop3A_188] {strides = array<i32>} : memref<128x128xf32, #tpu.memory_space<vmem>>, vector<1x16xf32>,
      %parallel_loop3A_190 = vector.shape_cast %parallel_loop3A_189 : vector<1x16xf32> to vector<16xf32>
      %parallel_loop3A_191 = arith.constant 0 : i32
      %parallel_loop3A_192 = arith.addi %parallel_loop3A_186, %parallel_loop3A_191 : i32
      %parallel_loop3A_193 = arith.index_cast %parallel_loop3A_192 : i32 to index
      %parallel_loop3A_194 = tpu.vector_load %arg7[%parallel_loop3A_193] {strides = array<i32>} : memref<25600xf32, #tpu.memory_space<vmem>>, vector<16xf32>,
      %parallel_loop3A_195 = vector.shape_cast %parallel_loop3A_194 : vector<16xf32> to vector<16xf32>
      %parallel_loop3A_196 = arith.addf %parallel_loop3A_190, %parallel_loop3A_195 : vector<16xf32>
      %parallel_loop3A_197 = arith.index_cast %parallel_loop3A_180 : i32 to index
      %parallel_loop3A_198 = arith.constant 0 : index
      %parallel_loop3A_199 = tpu.vector_load %arg8[%parallel_loop3A_197, %parallel_loop3A_198] {strides = array<i32>} : memref<128x128xf32, #tpu.memory_space<vmem>>, vector<1x16xf32>,
      %parallel_loop3A_200 = vector.shape_cast %parallel_loop3A_199 : vector<1x16xf32> to vector<16xf32>
      %parallel_loop3A_201 = vector.shape_cast %parallel_loop3A_196 : vector<16xf32> to vector<1x16xf32>
      tpu.vector_store %arg8[%parallel_loop3A_197, %parallel_loop3A_198], %parallel_loop3A_201 {strides = array<i32>} : memref<128x128xf32, #tpu.memory_space<vmem>>, vector<1x16xf32>,
      %parallel_loop3A_202 = arith.index_cast %parallel_loop3A_180 : i32 to index
      %parallel_loop3A_203 = arith.constant 16 : index
      %parallel_loop3A_204 = tpu.vector_load %arg8[%parallel_loop3A_202, %parallel_loop3A_203] {strides = array<i32>} : memref<128x128xf32, #tpu.memory_space<vmem>>, vector<1x16xf32>,
      %parallel_loop3A_205 = vector.shape_cast %parallel_loop3A_204 : vector<1x16xf32> to vector<16xf32>
      %parallel_loop3A_206 = arith.constant 16 : i32
      %parallel_loop3A_207 = arith.addi %parallel_loop3A_186, %parallel_loop3A_206 : i32
      %parallel_loop3A_208 = arith.index_cast %parallel_loop3A_207 : i32 to index
      %parallel_loop3A_209 = tpu.vector_load %arg7[%parallel_loop3A_208] {strides = array<i32>} : memref<25600xf32, #tpu.memory_space<vmem>>, vector<16xf32>,
      %parallel_loop3A_210 = vector.shape_cast %parallel_loop3A_209 : vector<16xf32> to vector<16xf32>
      %parallel_loop3A_211 = arith.addf %parallel_loop3A_205, %parallel_loop3A_210 : vector<16xf32>
      %parallel_loop3A_212 = arith.index_cast %parallel_loop3A_180 : i32 to index
      %parallel_loop3A_213 = arith.constant 16 : index
      %parallel_loop3A_214 = tpu.vector_load %arg8[%parallel_loop3A_212, %parallel_loop3A_213] {strides = array<i32>} : memref<128x128xf32, #tpu.memory_space<vmem>>, vector<1x16xf32>,
      %parallel_loop3A_215 = vector.shape_cast %parallel_loop3A_214 : vector<1x16xf32> to vector<16xf32>
      %parallel_loop3A_216 = vector.shape_cast %parallel_loop3A_211 : vector<16xf32> to vector<1x16xf32>
      tpu.vector_store %arg8[%parallel_loop3A_212, %parallel_loop3A_213], %parallel_loop3A_216 {strides = array<i32>} : memref<128x128xf32, #tpu.memory_space<vmem>>, vector<1x16xf32>,
      %parallel_loop3A_217 = arith.index_cast %parallel_loop3A_180 : i32 to index
      %parallel_loop3A_218 = arith.constant 32 : index
      %parallel_loop3A_219 = tpu.vector_load %arg8[%parallel_loop3A_217, %parallel_loop3A_218] {strides = array<i32>} : memref<128x128xf32, #tpu.memory_space<vmem>>, vector<1x16xf32>,
      %parallel_loop3A_220 = vector.shape_cast %parallel_loop3A_219 : vector<1x16xf32> to vector<16xf32>
      %parallel_loop3A_221 = arith.constant 32 : i32
      %parallel_loop3A_222 = arith.addi %parallel_loop3A_186, %parallel_loop3A_221 : i32
      %parallel_loop3A_223 = arith.index_cast %parallel_loop3A_222 : i32 to index
      %parallel_loop3A_224 = tpu.vector_load %arg7[%parallel_loop3A_223] {strides = array<i32>} : memref<25600xf32, #tpu.memory_space<vmem>>, vector<16xf32>,
      %parallel_loop3A_225 = vector.shape_cast %parallel_loop3A_224 : vector<16xf32> to vector<16xf32>
      %parallel_loop3A_226 = arith.addf %parallel_loop3A_220, %parallel_loop3A_225 : vector<16xf32>
      %parallel_loop3A_227 = arith.index_cast %parallel_loop3A_180 : i32 to index
      %parallel_loop3A_228 = arith.constant 32 : index
      %parallel_loop3A_229 = tpu.vector_load %arg8[%parallel_loop3A_227, %parallel_loop3A_228] {strides = array<i32>} : memref<128x128xf32, #tpu.memory_space<vmem>>, vector<1x16xf32>,
      %parallel_loop3A_230 = vector.shape_cast %parallel_loop3A_229 : vector<1x16xf32> to vector<16xf32>
      %parallel_loop3A_231 = vector.shape_cast %parallel_loop3A_226 : vector<16xf32> to vector<1x16xf32>
      tpu.vector_store %arg8[%parallel_loop3A_227, %parallel_loop3A_228], %parallel_loop3A_231 {strides = array<i32>} : memref<128x128xf32, #tpu.memory_space<vmem>>, vector<1x16xf32>,
      %parallel_loop3A_232 = arith.index_cast %parallel_loop3A_180 : i32 to index
      %parallel_loop3A_233 = arith.constant 48 : index
      %parallel_loop3A_234 = tpu.vector_load %arg8[%parallel_loop3A_232, %parallel_loop3A_233] {strides = array<i32>} : memref<128x128xf32, #tpu.memory_space<vmem>>, vector<1x16xf32>,
      %parallel_loop3A_235 = vector.shape_cast %parallel_loop3A_234 : vector<1x16xf32> to vector<16xf32>
      %parallel_loop3A_236 = arith.constant 48 : i32
      %parallel_loop3A_237 = arith.addi %parallel_loop3A_186, %parallel_loop3A_236 : i32
      %parallel_loop3A_238 = arith.index_cast %parallel_loop3A_237 : i32 to index
      %parallel_loop3A_239 = tpu.vector_load %arg7[%parallel_loop3A_238] {strides = array<i32>} : memref<25600xf32, #tpu.memory_space<vmem>>, vector<16xf32>,
      %parallel_loop3A_240 = vector.shape_cast %parallel_loop3A_239 : vector<16xf32> to vector<16xf32>
      %parallel_loop3A_241 = arith.addf %parallel_loop3A_235, %parallel_loop3A_240 : vector<16xf32>
      %parallel_loop3A_242 = arith.index_cast %parallel_loop3A_180 : i32 to index
      %parallel_loop3A_243 = arith.constant 48 : index
      %parallel_loop3A_244 = tpu.vector_load %arg8[%parallel_loop3A_242, %parallel_loop3A_243] {strides = array<i32>} : memref<128x128xf32, #tpu.memory_space<vmem>>, vector<1x16xf32>,
      %parallel_loop3A_245 = vector.shape_cast %parallel_loop3A_244 : vector<1x16xf32> to vector<16xf32>
      %parallel_loop3A_246 = vector.shape_cast %parallel_loop3A_241 : vector<16xf32> to vector<1x16xf32>
      tpu.vector_store %arg8[%parallel_loop3A_242, %parallel_loop3A_243], %parallel_loop3A_246 {strides = array<i32>} : memref<128x128xf32, #tpu.memory_space<vmem>>, vector<1x16xf32>,
      %parallel_loop3A_247 = arith.index_cast %parallel_loop3A_180 : i32 to index
      %parallel_loop3A_248 = arith.constant 64 : index
      %parallel_loop3A_249 = tpu.vector_load %arg8[%parallel_loop3A_247, %parallel_loop3A_248] {strides = array<i32>} : memref<128x128xf32, #tpu.memory_space<vmem>>, vector<1x16xf32>,
      %parallel_loop3A_250 = vector.shape_cast %parallel_loop3A_249 : vector<1x16xf32> to vector<16xf32>
      %parallel_loop3A_251 = arith.constant 64 : i32
      %parallel_loop3A_252 = arith.addi %parallel_loop3A_186, %parallel_loop3A_251 : i32
      %parallel_loop3A_253 = arith.index_cast %parallel_loop3A_252 : i32 to index
      %parallel_loop3A_254 = tpu.vector_load %arg7[%parallel_loop3A_253] {strides = array<i32>} : memref<25600xf32, #tpu.memory_space<vmem>>, vector<16xf32>,
      %parallel_loop3A_255 = vector.shape_cast %parallel_loop3A_254 : vector<16xf32> to vector<16xf32>
      %parallel_loop3A_256 = arith.addf %parallel_loop3A_250, %parallel_loop3A_255 : vector<16xf32>
      %parallel_loop3A_257 = arith.index_cast %parallel_loop3A_180 : i32 to index
      %parallel_loop3A_258 = arith.constant 64 : index
      %parallel_loop3A_259 = tpu.vector_load %arg8[%parallel_loop3A_257, %parallel_loop3A_258] {strides = array<i32>} : memref<128x128xf32, #tpu.memory_space<vmem>>, vector<1x16xf32>,
      %parallel_loop3A_260 = vector.shape_cast %parallel_loop3A_259 : vector<1x16xf32> to vector<16xf32>
      %parallel_loop3A_261 = vector.shape_cast %parallel_loop3A_256 : vector<16xf32> to vector<1x16xf32>
      tpu.vector_store %arg8[%parallel_loop3A_257, %parallel_loop3A_258], %parallel_loop3A_261 {strides = array<i32>} : memref<128x128xf32, #tpu.memory_space<vmem>>, vector<1x16xf32>,
      %parallel_loop3A_262 = arith.index_cast %parallel_loop3A_180 : i32 to index
      %parallel_loop3A_263 = arith.constant 80 : index
      %parallel_loop3A_264 = tpu.vector_load %arg8[%parallel_loop3A_262, %parallel_loop3A_263] {strides = array<i32>} : memref<128x128xf32, #tpu.memory_space<vmem>>, vector<1x16xf32>,
      %parallel_loop3A_265 = vector.shape_cast %parallel_loop3A_264 : vector<1x16xf32> to vector<16xf32>
      %parallel_loop3A_266 = arith.constant 80 : i32
      %parallel_loop3A_267 = arith.addi %parallel_loop3A_186, %parallel_loop3A_266 : i32
      %parallel_loop3A_268 = arith.index_cast %parallel_loop3A_267 : i32 to index
      %parallel_loop3A_269 = tpu.vector_load %arg7[%parallel_loop3A_268] {strides = array<i32>} : memref<25600xf32, #tpu.memory_space<vmem>>, vector<16xf32>,
      %parallel_loop3A_270 = vector.shape_cast %parallel_loop3A_269 : vector<16xf32> to vector<16xf32>
      %parallel_loop3A_271 = arith.addf %parallel_loop3A_265, %parallel_loop3A_270 : vector<16xf32>
      %parallel_loop3A_272 = arith.index_cast %parallel_loop3A_180 : i32 to index
      %parallel_loop3A_273 = arith.constant 80 : index
      %parallel_loop3A_274 = tpu.vector_load %arg8[%parallel_loop3A_272, %parallel_loop3A_273] {strides = array<i32>} : memref<128x128xf32, #tpu.memory_space<vmem>>, vector<1x16xf32>,
      %parallel_loop3A_275 = vector.shape_cast %parallel_loop3A_274 : vector<1x16xf32> to vector<16xf32>
      %parallel_loop3A_276 = vector.shape_cast %parallel_loop3A_271 : vector<16xf32> to vector<1x16xf32>
      tpu.vector_store %arg8[%parallel_loop3A_272, %parallel_loop3A_273], %parallel_loop3A_276 {strides = array<i32>} : memref<128x128xf32, #tpu.memory_space<vmem>>, vector<1x16xf32>,
      %parallel_loop3A_277 = arith.index_cast %parallel_loop3A_180 : i32 to index
      %parallel_loop3A_278 = arith.constant 96 : index
      %parallel_loop3A_279 = tpu.vector_load %arg8[%parallel_loop3A_277, %parallel_loop3A_278] {strides = array<i32>} : memref<128x128xf32, #tpu.memory_space<vmem>>, vector<1x16xf32>,
      %parallel_loop3A_280 = vector.shape_cast %parallel_loop3A_279 : vector<1x16xf32> to vector<16xf32>
      %parallel_loop3A_281 = arith.constant 96 : i32
      %parallel_loop3A_282 = arith.addi %parallel_loop3A_186, %parallel_loop3A_281 : i32
      %parallel_loop3A_283 = arith.index_cast %parallel_loop3A_282 : i32 to index
      %parallel_loop3A_284 = tpu.vector_load %arg7[%parallel_loop3A_283] {strides = array<i32>} : memref<25600xf32, #tpu.memory_space<vmem>>, vector<16xf32>,
      %parallel_loop3A_285 = vector.shape_cast %parallel_loop3A_284 : vector<16xf32> to vector<16xf32>
      %parallel_loop3A_286 = arith.addf %parallel_loop3A_280, %parallel_loop3A_285 : vector<16xf32>
      %parallel_loop3A_287 = arith.index_cast %parallel_loop3A_180 : i32 to index
      %parallel_loop3A_288 = arith.constant 96 : index
      %parallel_loop3A_289 = tpu.vector_load %arg8[%parallel_loop3A_287, %parallel_loop3A_288] {strides = array<i32>} : memref<128x128xf32, #tpu.memory_space<vmem>>, vector<1x16xf32>,
      %parallel_loop3A_290 = vector.shape_cast %parallel_loop3A_289 : vector<1x16xf32> to vector<16xf32>
      %parallel_loop3A_291 = vector.shape_cast %parallel_loop3A_286 : vector<16xf32> to vector<1x16xf32>
      tpu.vector_store %arg8[%parallel_loop3A_287, %parallel_loop3A_288], %parallel_loop3A_291 {strides = array<i32>} : memref<128x128xf32, #tpu.memory_space<vmem>>, vector<1x16xf32>,
      %parallel_loop3A_292 = arith.index_cast %parallel_loop3A_180 : i32 to index
      %parallel_loop3A_293 = arith.constant 112 : index
      %parallel_loop3A_294 = tpu.vector_load %arg8[%parallel_loop3A_292, %parallel_loop3A_293] {strides = array<i32>} : memref<128x128xf32, #tpu.memory_space<vmem>>, vector<1x16xf32>,
      %parallel_loop3A_295 = vector.shape_cast %parallel_loop3A_294 : vector<1x16xf32> to vector<16xf32>
      %parallel_loop3A_296 = arith.constant 112 : i32
      %parallel_loop3A_297 = arith.addi %parallel_loop3A_186, %parallel_loop3A_296 : i32
      %parallel_loop3A_298 = arith.index_cast %parallel_loop3A_297 : i32 to index
      %parallel_loop3A_299 = tpu.vector_load %arg7[%parallel_loop3A_298] {strides = array<i32>} : memref<25600xf32, #tpu.memory_space<vmem>>, vector<16xf32>,
      %parallel_loop3A_300 = vector.shape_cast %parallel_loop3A_299 : vector<16xf32> to vector<16xf32>
      %parallel_loop3A_301 = arith.addf %parallel_loop3A_295, %parallel_loop3A_300 : vector<16xf32>
      %parallel_loop3A_302 = arith.index_cast %parallel_loop3A_180 : i32 to index
      %parallel_loop3A_303 = arith.constant 112 : index
      %parallel_loop3A_304 = tpu.vector_load %arg8[%parallel_loop3A_302, %parallel_loop3A_303] {strides = array<i32>} : memref<128x128xf32, #tpu.memory_space<vmem>>, vector<1x16xf32>,
      %parallel_loop3A_305 = vector.shape_cast %parallel_loop3A_304 : vector<1x16xf32> to vector<16xf32>
      %parallel_loop3A_306 = vector.shape_cast %parallel_loop3A_301 : vector<16xf32> to vector<1x16xf32>
      tpu.vector_store %arg8[%parallel_loop3A_302, %parallel_loop3A_303], %parallel_loop3A_306 {strides = array<i32>} : memref<128x128xf32, #tpu.memory_space<vmem>>, vector<1x16xf32>,
    } {sc.loop_unroll_factor = 4 : i64, sc.parallel_access}
    %add3A_134 = arith.constant 6144 : i32
    %add3A_135 = arith.addi %mul3A_2, %add3A_134 : i32
    %dma_start3A_136 = arith.constant 0 : i32
    %dma_start3A_137 = tpu.memref_slice %arg5[%add3A_135, %dma_start3A_136] : memref<204800x128xf32, #tpu.memory_space<hbm>> -> memref<128x128xf32, #tpu.memory_space<hbm>>
    %dma_start3A_138 = arith.constant 0 : i32
    %dma_start3A_139 = tpu.memref_slice %arg5[%add3A_135, %dma_start3A_138] : memref<204800x128xf32, #tpu.memory_space<hbm>> -> memref<128x128xf32, #tpu.memory_space<hbm>>
    tpu.enqueue_dma source(%arg8 : memref<128x128xf32, #tpu.memory_space<vmem>>) target(%dma_start3A_139 : memref<128x128xf32, #tpu.memory_space<hbm>>) target_semaphore(%arg16 : memref<!tpu.dma_semaphore, #tpu.memory_space<semaphore_mem>>)
    %add3A_140 = arith.constant 5888 : i32
    %add3A_141 = arith.addi %mul3A_2, %add3A_140 : i32
    %dma_wait3A_142 = arith.constant 0 : i32
    %dma_wait3A_143 = tpu.memref_slice %arg5[%add3A_141, %dma_wait3A_142] : memref<204800x128xf32, #tpu.memory_space<hbm>> -> memref<128x128xf32, #tpu.memory_space<hbm>>
    %dma_wait3A_144 = arith.constant 0 : i32
    %dma_wait3A_145 = tpu.memref_slice %arg5[%add3A_141, %dma_wait3A_144] : memref<204800x128xf32, #tpu.memory_space<hbm>> -> memref<128x128xf32, #tpu.memory_space<hbm>>
    tpu.wait_dma2 semaphore(%arg18 : memref<!tpu.dma_semaphore, #tpu.memory_space<semaphore_mem>>) src(%arg10 : memref<128x128xf32, #tpu.memory_space<vmem>>) dst(%dma_wait3A_145 : memref<128x128xf32, #tpu.memory_space<hbm>>)
    %dma_wait3A_146 = arith.constant 49 : i32
    %dma_wait3A_147 = arith.constant 0 : i32
    %dma_wait3A_148 = tpu.memref_slice %arg6[%dma_wait3A_146, %dma_wait3A_147] : memref<50x128xi32, #tpu.memory_space<vmem>> -> memref<1x128xi32, #tpu.memory_space<vmem>>
    %dma_wait3A_149 = tpu.memref_squeeze %dma_wait3A_148 : memref<1x128xi32, #tpu.memory_space<vmem>> -> memref<128xi32, #tpu.memory_space<vmem>>
    %dma_wait3A_150 = arith.constant 0 : i32
    %dma_wait3A_151 = arith.constant 0 : i32
    %dma_wait3A_152 = tpu.memref_slice %arg3[%dma_wait3A_150, %dma_wait3A_151] : memref<100000x128xf32, #tpu.memory_space<hbm>> -> memref<100000x128xf32, #tpu.memory_space<hbm>>
    tpu.wait_indirect_dma semaphore(%arg13 : memref<!tpu.dma_semaphore, #tpu.memory_space<semaphore_mem>>) src(%dma_wait3A_152 : memref<100000x128xf32, #tpu.memory_space<hbm>>) dst(%arg9 : memref<128x128xf32, #tpu.memory_space<vmem>>)
    %parallel_loop3A_153 = arith.constant 0 : i32
    %parallel_loop3A_154 = arith.constant 128 : i32
    %parallel_loop3A_155 = arith.constant 1 : i32
    scf.for %parallel_loop3A_180 = %parallel_loop3A_153 to %parallel_loop3A_154 step %parallel_loop3A_155  : i32 {
      %parallel_loop3A_181 = arith.constant 6272 : i32
      %parallel_loop3A_182 = arith.addi %parallel_loop3A_181, %parallel_loop3A_180 : i32
      %parallel_loop3A_183 = arith.constant 200 : i32
      %parallel_loop3A_184 = arith.remsi %parallel_loop3A_182, %parallel_loop3A_183 : i32
      %parallel_loop3A_185 = arith.constant 128 : i32
      %parallel_loop3A_186 = arith.muli %parallel_loop3A_184, %parallel_loop3A_185 : i32
      %parallel_loop3A_187 = arith.index_cast %parallel_loop3A_180 : i32 to index
      %parallel_loop3A_188 = arith.constant 0 : index
      %parallel_loop3A_189 = tpu.vector_load %arg9[%parallel_loop3A_187, %parallel_loop3A_188] {strides = array<i32>} : memref<128x128xf32, #tpu.memory_space<vmem>>, vector<1x16xf32>,
      %parallel_loop3A_190 = vector.shape_cast %parallel_loop3A_189 : vector<1x16xf32> to vector<16xf32>
      %parallel_loop3A_191 = arith.constant 0 : i32
      %parallel_loop3A_192 = arith.addi %parallel_loop3A_186, %parallel_loop3A_191 : i32
      %parallel_loop3A_193 = arith.index_cast %parallel_loop3A_192 : i32 to index
      %parallel_loop3A_194 = tpu.vector_load %arg7[%parallel_loop3A_193] {strides = array<i32>} : memref<25600xf32, #tpu.memory_space<vmem>>, vector<16xf32>,
      %parallel_loop3A_195 = vector.shape_cast %parallel_loop3A_194 : vector<16xf32> to vector<16xf32>
      %parallel_loop3A_196 = arith.addf %parallel_loop3A_190, %parallel_loop3A_195 : vector<16xf32>
      %parallel_loop3A_197 = arith.index_cast %parallel_loop3A_180 : i32 to index
      %parallel_loop3A_198 = arith.constant 0 : index
      %parallel_loop3A_199 = tpu.vector_load %arg9[%parallel_loop3A_197, %parallel_loop3A_198] {strides = array<i32>} : memref<128x128xf32, #tpu.memory_space<vmem>>, vector<1x16xf32>,
      %parallel_loop3A_200 = vector.shape_cast %parallel_loop3A_199 : vector<1x16xf32> to vector<16xf32>
      %parallel_loop3A_201 = vector.shape_cast %parallel_loop3A_196 : vector<16xf32> to vector<1x16xf32>
      tpu.vector_store %arg9[%parallel_loop3A_197, %parallel_loop3A_198], %parallel_loop3A_201 {strides = array<i32>} : memref<128x128xf32, #tpu.memory_space<vmem>>, vector<1x16xf32>,
      %parallel_loop3A_202 = arith.index_cast %parallel_loop3A_180 : i32 to index
      %parallel_loop3A_203 = arith.constant 16 : index
      %parallel_loop3A_204 = tpu.vector_load %arg9[%parallel_loop3A_202, %parallel_loop3A_203] {strides = array<i32>} : memref<128x128xf32, #tpu.memory_space<vmem>>, vector<1x16xf32>,
      %parallel_loop3A_205 = vector.shape_cast %parallel_loop3A_204 : vector<1x16xf32> to vector<16xf32>
      %parallel_loop3A_206 = arith.constant 16 : i32
      %parallel_loop3A_207 = arith.addi %parallel_loop3A_186, %parallel_loop3A_206 : i32
      %parallel_loop3A_208 = arith.index_cast %parallel_loop3A_207 : i32 to index
      %parallel_loop3A_209 = tpu.vector_load %arg7[%parallel_loop3A_208] {strides = array<i32>} : memref<25600xf32, #tpu.memory_space<vmem>>, vector<16xf32>,
      %parallel_loop3A_210 = vector.shape_cast %parallel_loop3A_209 : vector<16xf32> to vector<16xf32>
      %parallel_loop3A_211 = arith.addf %parallel_loop3A_205, %parallel_loop3A_210 : vector<16xf32>
      %parallel_loop3A_212 = arith.index_cast %parallel_loop3A_180 : i32 to index
      %parallel_loop3A_213 = arith.constant 16 : index
      %parallel_loop3A_214 = tpu.vector_load %arg9[%parallel_loop3A_212, %parallel_loop3A_213] {strides = array<i32>} : memref<128x128xf32, #tpu.memory_space<vmem>>, vector<1x16xf32>,
      %parallel_loop3A_215 = vector.shape_cast %parallel_loop3A_214 : vector<1x16xf32> to vector<16xf32>
      %parallel_loop3A_216 = vector.shape_cast %parallel_loop3A_211 : vector<16xf32> to vector<1x16xf32>
      tpu.vector_store %arg9[%parallel_loop3A_212, %parallel_loop3A_213], %parallel_loop3A_216 {strides = array<i32>} : memref<128x128xf32, #tpu.memory_space<vmem>>, vector<1x16xf32>,
      %parallel_loop3A_217 = arith.index_cast %parallel_loop3A_180 : i32 to index
      %parallel_loop3A_218 = arith.constant 32 : index
      %parallel_loop3A_219 = tpu.vector_load %arg9[%parallel_loop3A_217, %parallel_loop3A_218] {strides = array<i32>} : memref<128x128xf32, #tpu.memory_space<vmem>>, vector<1x16xf32>,
      %parallel_loop3A_220 = vector.shape_cast %parallel_loop3A_219 : vector<1x16xf32> to vector<16xf32>
      %parallel_loop3A_221 = arith.constant 32 : i32
      %parallel_loop3A_222 = arith.addi %parallel_loop3A_186, %parallel_loop3A_221 : i32
      %parallel_loop3A_223 = arith.index_cast %parallel_loop3A_222 : i32 to index
      %parallel_loop3A_224 = tpu.vector_load %arg7[%parallel_loop3A_223] {strides = array<i32>} : memref<25600xf32, #tpu.memory_space<vmem>>, vector<16xf32>,
      %parallel_loop3A_225 = vector.shape_cast %parallel_loop3A_224 : vector<16xf32> to vector<16xf32>
      %parallel_loop3A_226 = arith.addf %parallel_loop3A_220, %parallel_loop3A_225 : vector<16xf32>
      %parallel_loop3A_227 = arith.index_cast %parallel_loop3A_180 : i32 to index
      %parallel_loop3A_228 = arith.constant 32 : index
      %parallel_loop3A_229 = tpu.vector_load %arg9[%parallel_loop3A_227, %parallel_loop3A_228] {strides = array<i32>} : memref<128x128xf32, #tpu.memory_space<vmem>>, vector<1x16xf32>,
      %parallel_loop3A_230 = vector.shape_cast %parallel_loop3A_229 : vector<1x16xf32> to vector<16xf32>
      %parallel_loop3A_231 = vector.shape_cast %parallel_loop3A_226 : vector<16xf32> to vector<1x16xf32>
      tpu.vector_store %arg9[%parallel_loop3A_227, %parallel_loop3A_228], %parallel_loop3A_231 {strides = array<i32>} : memref<128x128xf32, #tpu.memory_space<vmem>>, vector<1x16xf32>,
      %parallel_loop3A_232 = arith.index_cast %parallel_loop3A_180 : i32 to index
      %parallel_loop3A_233 = arith.constant 48 : index
      %parallel_loop3A_234 = tpu.vector_load %arg9[%parallel_loop3A_232, %parallel_loop3A_233] {strides = array<i32>} : memref<128x128xf32, #tpu.memory_space<vmem>>, vector<1x16xf32>,
      %parallel_loop3A_235 = vector.shape_cast %parallel_loop3A_234 : vector<1x16xf32> to vector<16xf32>
      %parallel_loop3A_236 = arith.constant 48 : i32
      %parallel_loop3A_237 = arith.addi %parallel_loop3A_186, %parallel_loop3A_236 : i32
      %parallel_loop3A_238 = arith.index_cast %parallel_loop3A_237 : i32 to index
      %parallel_loop3A_239 = tpu.vector_load %arg7[%parallel_loop3A_238] {strides = array<i32>} : memref<25600xf32, #tpu.memory_space<vmem>>, vector<16xf32>,
      %parallel_loop3A_240 = vector.shape_cast %parallel_loop3A_239 : vector<16xf32> to vector<16xf32>
      %parallel_loop3A_241 = arith.addf %parallel_loop3A_235, %parallel_loop3A_240 : vector<16xf32>
      %parallel_loop3A_242 = arith.index_cast %parallel_loop3A_180 : i32 to index
      %parallel_loop3A_243 = arith.constant 48 : index
      %parallel_loop3A_244 = tpu.vector_load %arg9[%parallel_loop3A_242, %parallel_loop3A_243] {strides = array<i32>} : memref<128x128xf32, #tpu.memory_space<vmem>>, vector<1x16xf32>,
      %parallel_loop3A_245 = vector.shape_cast %parallel_loop3A_244 : vector<1x16xf32> to vector<16xf32>
      %parallel_loop3A_246 = vector.shape_cast %parallel_loop3A_241 : vector<16xf32> to vector<1x16xf32>
      tpu.vector_store %arg9[%parallel_loop3A_242, %parallel_loop3A_243], %parallel_loop3A_246 {strides = array<i32>} : memref<128x128xf32, #tpu.memory_space<vmem>>, vector<1x16xf32>,
      %parallel_loop3A_247 = arith.index_cast %parallel_loop3A_180 : i32 to index
      %parallel_loop3A_248 = arith.constant 64 : index
      %parallel_loop3A_249 = tpu.vector_load %arg9[%parallel_loop3A_247, %parallel_loop3A_248] {strides = array<i32>} : memref<128x128xf32, #tpu.memory_space<vmem>>, vector<1x16xf32>,
      %parallel_loop3A_250 = vector.shape_cast %parallel_loop3A_249 : vector<1x16xf32> to vector<16xf32>
      %parallel_loop3A_251 = arith.constant 64 : i32
      %parallel_loop3A_252 = arith.addi %parallel_loop3A_186, %parallel_loop3A_251 : i32
      %parallel_loop3A_253 = arith.index_cast %parallel_loop3A_252 : i32 to index
      %parallel_loop3A_254 = tpu.vector_load %arg7[%parallel_loop3A_253] {strides = array<i32>} : memref<25600xf32, #tpu.memory_space<vmem>>, vector<16xf32>,
      %parallel_loop3A_255 = vector.shape_cast %parallel_loop3A_254 : vector<16xf32> to vector<16xf32>
      %parallel_loop3A_256 = arith.addf %parallel_loop3A_250, %parallel_loop3A_255 : vector<16xf32>
      %parallel_loop3A_257 = arith.index_cast %parallel_loop3A_180 : i32 to index
      %parallel_loop3A_258 = arith.constant 64 : index
      %parallel_loop3A_259 = tpu.vector_load %arg9[%parallel_loop3A_257, %parallel_loop3A_258] {strides = array<i32>} : memref<128x128xf32, #tpu.memory_space<vmem>>, vector<1x16xf32>,
      %parallel_loop3A_260 = vector.shape_cast %parallel_loop3A_259 : vector<1x16xf32> to vector<16xf32>
      %parallel_loop3A_261 = vector.shape_cast %parallel_loop3A_256 : vector<16xf32> to vector<1x16xf32>
      tpu.vector_store %arg9[%parallel_loop3A_257, %parallel_loop3A_258], %parallel_loop3A_261 {strides = array<i32>} : memref<128x128xf32, #tpu.memory_space<vmem>>, vector<1x16xf32>,
      %parallel_loop3A_262 = arith.index_cast %parallel_loop3A_180 : i32 to index
      %parallel_loop3A_263 = arith.constant 80 : index
      %parallel_loop3A_264 = tpu.vector_load %arg9[%parallel_loop3A_262, %parallel_loop3A_263] {strides = array<i32>} : memref<128x128xf32, #tpu.memory_space<vmem>>, vector<1x16xf32>,
      %parallel_loop3A_265 = vector.shape_cast %parallel_loop3A_264 : vector<1x16xf32> to vector<16xf32>
      %parallel_loop3A_266 = arith.constant 80 : i32
      %parallel_loop3A_267 = arith.addi %parallel_loop3A_186, %parallel_loop3A_266 : i32
      %parallel_loop3A_268 = arith.index_cast %parallel_loop3A_267 : i32 to index
      %parallel_loop3A_269 = tpu.vector_load %arg7[%parallel_loop3A_268] {strides = array<i32>} : memref<25600xf32, #tpu.memory_space<vmem>>, vector<16xf32>,
      %parallel_loop3A_270 = vector.shape_cast %parallel_loop3A_269 : vector<16xf32> to vector<16xf32>
      %parallel_loop3A_271 = arith.addf %parallel_loop3A_265, %parallel_loop3A_270 : vector<16xf32>
      %parallel_loop3A_272 = arith.index_cast %parallel_loop3A_180 : i32 to index
      %parallel_loop3A_273 = arith.constant 80 : index
      %parallel_loop3A_274 = tpu.vector_load %arg9[%parallel_loop3A_272, %parallel_loop3A_273] {strides = array<i32>} : memref<128x128xf32, #tpu.memory_space<vmem>>, vector<1x16xf32>,
      %parallel_loop3A_275 = vector.shape_cast %parallel_loop3A_274 : vector<1x16xf32> to vector<16xf32>
      %parallel_loop3A_276 = vector.shape_cast %parallel_loop3A_271 : vector<16xf32> to vector<1x16xf32>
      tpu.vector_store %arg9[%parallel_loop3A_272, %parallel_loop3A_273], %parallel_loop3A_276 {strides = array<i32>} : memref<128x128xf32, #tpu.memory_space<vmem>>, vector<1x16xf32>,
      %parallel_loop3A_277 = arith.index_cast %parallel_loop3A_180 : i32 to index
      %parallel_loop3A_278 = arith.constant 96 : index
      %parallel_loop3A_279 = tpu.vector_load %arg9[%parallel_loop3A_277, %parallel_loop3A_278] {strides = array<i32>} : memref<128x128xf32, #tpu.memory_space<vmem>>, vector<1x16xf32>,
      %parallel_loop3A_280 = vector.shape_cast %parallel_loop3A_279 : vector<1x16xf32> to vector<16xf32>
      %parallel_loop3A_281 = arith.constant 96 : i32
      %parallel_loop3A_282 = arith.addi %parallel_loop3A_186, %parallel_loop3A_281 : i32
      %parallel_loop3A_283 = arith.index_cast %parallel_loop3A_282 : i32 to index
      %parallel_loop3A_284 = tpu.vector_load %arg7[%parallel_loop3A_283] {strides = array<i32>} : memref<25600xf32, #tpu.memory_space<vmem>>, vector<16xf32>,
      %parallel_loop3A_285 = vector.shape_cast %parallel_loop3A_284 : vector<16xf32> to vector<16xf32>
      %parallel_loop3A_286 = arith.addf %parallel_loop3A_280, %parallel_loop3A_285 : vector<16xf32>
      %parallel_loop3A_287 = arith.index_cast %parallel_loop3A_180 : i32 to index
      %parallel_loop3A_288 = arith.constant 96 : index
      %parallel_loop3A_289 = tpu.vector_load %arg9[%parallel_loop3A_287, %parallel_loop3A_288] {strides = array<i32>} : memref<128x128xf32, #tpu.memory_space<vmem>>, vector<1x16xf32>,
      %parallel_loop3A_290 = vector.shape_cast %parallel_loop3A_289 : vector<1x16xf32> to vector<16xf32>
      %parallel_loop3A_291 = vector.shape_cast %parallel_loop3A_286 : vector<16xf32> to vector<1x16xf32>
      tpu.vector_store %arg9[%parallel_loop3A_287, %parallel_loop3A_288], %parallel_loop3A_291 {strides = array<i32>} : memref<128x128xf32, #tpu.memory_space<vmem>>, vector<1x16xf32>,
      %parallel_loop3A_292 = arith.index_cast %parallel_loop3A_180 : i32 to index
      %parallel_loop3A_293 = arith.constant 112 : index
      %parallel_loop3A_294 = tpu.vector_load %arg9[%parallel_loop3A_292, %parallel_loop3A_293] {strides = array<i32>} : memref<128x128xf32, #tpu.memory_space<vmem>>, vector<1x16xf32>,
      %parallel_loop3A_295 = vector.shape_cast %parallel_loop3A_294 : vector<1x16xf32> to vector<16xf32>
      %parallel_loop3A_296 = arith.constant 112 : i32
      %parallel_loop3A_297 = arith.addi %parallel_loop3A_186, %parallel_loop3A_296 : i32
      %parallel_loop3A_298 = arith.index_cast %parallel_loop3A_297 : i32 to index
      %parallel_loop3A_299 = tpu.vector_load %arg7[%parallel_loop3A_298] {strides = array<i32>} : memref<25600xf32, #tpu.memory_space<vmem>>, vector<16xf32>,
      %parallel_loop3A_300 = vector.shape_cast %parallel_loop3A_299 : vector<16xf32> to vector<16xf32>
      %parallel_loop3A_301 = arith.addf %parallel_loop3A_295, %parallel_loop3A_300 : vector<16xf32>
      %parallel_loop3A_302 = arith.index_cast %parallel_loop3A_180 : i32 to index
      %parallel_loop3A_303 = arith.constant 112 : index
      %parallel_loop3A_304 = tpu.vector_load %arg9[%parallel_loop3A_302, %parallel_loop3A_303] {strides = array<i32>} : memref<128x128xf32, #tpu.memory_space<vmem>>, vector<1x16xf32>,
      %parallel_loop3A_305 = vector.shape_cast %parallel_loop3A_304 : vector<1x16xf32> to vector<16xf32>
      %parallel_loop3A_306 = vector.shape_cast %parallel_loop3A_301 : vector<16xf32> to vector<1x16xf32>
      tpu.vector_store %arg9[%parallel_loop3A_302, %parallel_loop3A_303], %parallel_loop3A_306 {strides = array<i32>} : memref<128x128xf32, #tpu.memory_space<vmem>>, vector<1x16xf32>,
    } {sc.loop_unroll_factor = 4 : i64, sc.parallel_access}
    %add3A_156 = arith.constant 6272 : i32
    %add3A_157 = arith.addi %mul3A_2, %add3A_156 : i32
    %dma_start3A_158 = arith.constant 0 : i32
    %dma_start3A_159 = tpu.memref_slice %arg5[%add3A_157, %dma_start3A_158] : memref<204800x128xf32, #tpu.memory_space<hbm>> -> memref<128x128xf32, #tpu.memory_space<hbm>>
    %dma_start3A_160 = arith.constant 0 : i32
    %dma_start3A_161 = tpu.memref_slice %arg5[%add3A_157, %dma_start3A_160] : memref<204800x128xf32, #tpu.memory_space<hbm>> -> memref<128x128xf32, #tpu.memory_space<hbm>>
    tpu.enqueue_dma source(%arg9 : memref<128x128xf32, #tpu.memory_space<vmem>>) target(%dma_start3A_161 : memref<128x128xf32, #tpu.memory_space<hbm>>) target_semaphore(%arg17 : memref<!tpu.dma_semaphore, #tpu.memory_space<semaphore_mem>>)
    %add3A_162 = arith.constant 6016 : i32
    %add3A_163 = arith.addi %mul3A_2, %add3A_162 : i32
    %dma_wait3A_164 = arith.constant 0 : i32
    %dma_wait3A_165 = tpu.memref_slice %arg5[%add3A_163, %dma_wait3A_164] : memref<204800x128xf32, #tpu.memory_space<hbm>> -> memref<128x128xf32, #tpu.memory_space<hbm>>
    %dma_wait3A_166 = arith.constant 0 : i32
    %dma_wait3A_167 = tpu.memref_slice %arg5[%add3A_163, %dma_wait3A_166] : memref<204800x128xf32, #tpu.memory_space<hbm>> -> memref<128x128xf32, #tpu.memory_space<hbm>>
    tpu.wait_dma2 semaphore(%arg19 : memref<!tpu.dma_semaphore, #tpu.memory_space<semaphore_mem>>) src(%arg11 : memref<128x128xf32, #tpu.memory_space<vmem>>) dst(%dma_wait3A_167 : memref<128x128xf32, #tpu.memory_space<hbm>>)
    %add3A_168 = arith.constant 6144 : i32
    %add3A_169 = arith.addi %mul3A_2, %add3A_168 : i32
    %dma_wait3A_170 = arith.constant 0 : i32
    %dma_wait3A_171 = tpu.memref_slice %arg5[%add3A_169, %dma_wait3A_170] : memref<204800x128xf32, #tpu.memory_space<hbm>> -> memref<128x128xf32, #tpu.memory_space<hbm>>
    %dma_wait3A_172 = arith.constant 0 : i32
    %dma_wait3A_173 = tpu.memref_slice %arg5[%add3A_169, %dma_wait3A_172] : memref<204800x128xf32, #tpu.memory_space<hbm>> -> memref<128x128xf32, #tpu.memory_space<hbm>>
    tpu.wait_dma2 semaphore(%arg16 : memref<!tpu.dma_semaphore, #tpu.memory_space<semaphore_mem>>) src(%arg8 : memref<128x128xf32, #tpu.memory_space<vmem>>) dst(%dma_wait3A_173 : memref<128x128xf32, #tpu.memory_space<hbm>>)
    %add3A_174 = arith.constant 6272 : i32
    %add3A_175 = arith.addi %mul3A_2, %add3A_174 : i32
    %dma_wait3A_176 = arith.constant 0 : i32
    %dma_wait3A_177 = tpu.memref_slice %arg5[%add3A_175, %dma_wait3A_176] : memref<204800x128xf32, #tpu.memory_space<hbm>> -> memref<128x128xf32, #tpu.memory_space<hbm>>
    %dma_wait3A_178 = arith.constant 0 : i32
    %dma_wait3A_179 = tpu.memref_slice %arg5[%add3A_175, %dma_wait3A_178] : memref<204800x128xf32, #tpu.memory_space<hbm>> -> memref<128x128xf32, #tpu.memory_space<hbm>>
    tpu.wait_dma2 semaphore(%arg17 : memref<!tpu.dma_semaphore, #tpu.memory_space<semaphore_mem>>) src(%arg9 : memref<128x128xf32, #tpu.memory_space<vmem>>) dst(%dma_wait3A_179 : memref<128x128xf32, #tpu.memory_space<hbm>>)
    return
  }
}

</mosaic_0001>

<sc_bundles>
// kernel: kernel.3.cloned.1.call-start
scs
__scs_entry_jumppad:
0x0: {  	(pc) =	sbr.rel $0x88, $3  }
0x1: {  	(tag) =	ssettag $0x0;
	lr =	simm.s32 $0x1  }
0x2: {  	[smem:$0x3F9E] =	sst lr;
	_ =	strace $0xD0000000  }
0x3: {  	_ = 	snop  }
0x4: {  	_ = 	snop  }
0x5: {  	_ = 	snop  }
0x6: {  	_ = 	snop  }
0x7: {  	_ = 	snop  }
__scs_overlays_trampoline_lowered:
0x8: {  	[smem:$0x3FAD] =	sst s0  }
0x9: {  	[smem:$0x3FAE] =	sst s1  }
0xa: {  	[smem:$0x3FAF] =	sst s2  }
0xb: {  	[smem:$0x3FB0] =	sst s3  }
0xc: {  	[smem:$0x3FB1] =	sst s4  }
0xd: {  	[smem:$0x3FB2] =	sst s5  }
0xe: {  	[smem:$0x3FB3] =	sst s6  }
0xf: {  	[smem:$0x3FB4] =	sst s7  }
0x10: {  	[smem:$0x3FB5] =	sst s8  }
0x11: {  	[smem:$0x3FB6] =	sst s9;
	s0 =	simm.s32 @!p0 $0x0  }
0x12: {  	s1 =	sld [smem:$0x3F9C];
	s0 =	simm.s32 @p0 $0x1  }
0x13: {  	[smem:$0x3FB7] =	sst s0;
	s0 =	simm.s32 @!p1 $0x0  }
0x14: {  	s2 =	sld [smem:$0x3F9B];
	s0 =	simm.s32 @p1 $0x1  }
0x15: {  	[smem:$0x3FB8] =	sst s0;
	s0 =	simm.s32 @!p2 $0x0  }
0x16: {  	s3 =	sld [smem:$0x3FDB];
	s0 =	simm.s32 @p2 $0x1  }
0x17: {  	s4 =	simm.s32 $0x1BF5;
	[smem:$0x3FBA] =	sst s0  }
0x18: {  	s0 =	sld [smem:$0x3F9D];
	_ =	swait.ge [sflag:s4], $0x0  }
0x19: {  	s7 =	sld [smem:$0x3F9E]  }
0x1a: {  	s8 =	sadd.s32 $0xFFFFE003, lr  }
0x1b: {  	s9 =	sadd.s32 $0xFFFFFEF7, lr;
	s5 =	simm.s32 $0xFFFFFFFF;
	p2 =	slt.u32 s8, $0xFFFFF086  }
0x1c: {  	p1 =	slt.u32 s9, $0xF7A;
	s5 =	simm.s32 @!p2 $0x0  }
0x1d: {  	s5 =	simm.s32 @p1 $0x1;
	p0 =	seq.s32 s7, s2  }
0x1e: {  	s7 =	smul.u32 @!p0 $0xF7A, s2;
	p2 =	seq.s32 @!p0 s5, $0x0  }
0x1f: {  	s9 =	smul.u32 $0xF7A, s1;
	s8 =	simm.s32 @!p0 $0x1BF5;
	p2 =	por !p2, p0  }
0x20: {  	[sflag:s8] =	ssyncset.s32 @!p0 $0xFFFFF086;
	s6 =	sadd.s32 @!p0 s3, s7;
	s7 =	simm.s32 @!p0 $0x108  }
0x21: {  	s3 =	sadd.s32 s3, s9;
	s6 =	sadd.s32 @!p0 $0x88, s6;
	s7 =	simm.s32 @p2 $0x1082  }
0x22: {  	[simem:s7], [sflag:s8] =	dma.local @!p0 [hbm:s6], $0xF7A  }
0x23: {  	s9 =	sor.u32 $0xD0000000, s2;
	s6 =	simm.s32 $0x108;
	_ =	swait.ge @!p0 [sflag:s8], $0x0  }
0x24: {  	s3 =	sadd.s32 $0x88, s3;
	s6 =	simm.s32 @!p1 $0x1082;
	[sflag:s4] =	ssyncset.s32 $0xFFFFF086  }
0x25: {  	[simem:s6], [sflag:s4] =	dma.local [hbm:s3], $0xF7A  }
0x26: {  	[smem:$0x3F9E] =	sst s1;
	(tag) =	ssettag s2;
	_ =	strace s9  }
0x27: {  	s1 =	sld [smem:$0x3FAE]  }
0x28: {  	s2 =	sld [smem:$0x3FAF]  }
0x29: {  	s4 =	sld [smem:$0x3FB1]  }
0x2a: {  	p0 =	seq.s32 s5, $0x0;
	s5 =	sld [smem:$0x3FB2]  }
0x2b: {  	s6 =	sld [smem:$0x3FB3]  }
0x2c: {  	s7 =	sld [smem:$0x3FB4]  }
0x2d: {  	s3 =	simm.s32 $0x108;
	s8 =	sld [smem:$0x3FB5]  }
0x2e: {  	s3 =	simm.s32 @!p0 $0x1082;
	s9 =	sld [smem:$0x3FB6]  }
0x2f: {  	lr =	sadd.s32 s0, s3;
	s0 =	sld [smem:$0x3FAD]  }
0x30: {  	s3 =	sld [smem:$0x3FB0]  }
0x31: {  	[smem:$0x3FB9] =	sst s10  }
0x32: {  	s10 =	sld [smem:$0x3FB7];
	_ =	sdelay $0x3  }
0x33: {  	p0 =	seq.s32 s10, $0x1;
	s10 =	sld [smem:$0x3FB9];
	_ =	sdelay $0x3  }
0x34: {  	[smem:$0x3FB9] =	sst s10  }
0x35: {  	s10 =	sld [smem:$0x3FB8];
	_ =	sdelay $0x3  }
0x36: {  	p1 =	seq.s32 s10, $0x1;
	s10 =	sld [smem:$0x3FB9];
	_ =	sdelay $0x3  }
0x37: {  	[smem:$0x3FB9] =	sst s10  }
0x38: {  	s10 =	sld [smem:$0x3FBA]  }
0x39: {  	_ = 	snop;
	(pc) =	sbr.ind lr, $3  }
0x3a: {  	_ = 	snop  }
0x3b: {  	_ = 	snop  }
0x3c: {  	p2 =	seq.s32 s10, $0x1;
	s10 =	sld [smem:$0x3FB9]  }
0x3d: {  	_ =	shalt  }
0x3e: {  	_ =	shalt  }
0x3f: {  	_ =	shalt  }
0x40: {  	_ =	shalt  }
0x41: {  	_ =	shalt  }
0x42: {  	_ =	shalt  }
0x43: {  	_ =	shalt  }
0x44: {  	_ =	shalt  }
0x45: {  	_ =	shalt  }
0x46: {  	_ =	shalt  }
0x47: {  	_ =	shalt  }
0x48: {  	_ =	shalt  }
0x49: {  	_ =	shalt  }
0x4a: {  	_ =	shalt  }
0x4b: {  	_ =	shalt  }
0x4c: {  	_ =	shalt  }
0x4d: {  	_ =	shalt  }
0x4e: {  	_ =	shalt  }
0x4f: {  	_ =	shalt  }
0x50: {  	_ =	shalt  }
0x51: {  	_ =	shalt  }
0x52: {  	_ =	shalt  }
0x53: {  	_ =	shalt  }
0x54: {  	_ =	shalt  }
0x55: {  	_ =	shalt  }
0x56: {  	_ =	shalt  }
0x57: {  	_ =	shalt  }
0x58: {  	_ =	shalt  }
0x59: {  	_ =	shalt  }
0x5a: {  	_ =	shalt  }
0x5b: {  	_ =	shalt  }
0x5c: {  	_ =	shalt  }
0x5d: {  	_ =	shalt  }
0x5e: {  	_ =	shalt  }
0x5f: {  	_ =	shalt  }
0x60: {  	_ =	shalt  }
0x61: {  	_ =	shalt  }
0x62: {  	_ =	shalt  }
0x63: {  	_ =	shalt  }
0x64: {  	_ =	shalt  }
0x65: {  	_ =	shalt  }
0x66: {  	_ =	shalt  }
0x67: {  	_ =	shalt  }
0x68: {  	_ =	shalt  }
0x69: {  	_ =	shalt  }
0x6a: {  	_ =	shalt  }
0x6b: {  	_ =	shalt  }
0x6c: {  	_ =	shalt  }
0x6d: {  	_ =	shalt  }
0x6e: {  	_ =	shalt  }
0x6f: {  	_ =	shalt  }
0x70: {  	_ =	shalt  }
0x71: {  	_ =	shalt  }
0x72: {  	_ =	shalt  }
0x73: {  	_ =	shalt  }
0x74: {  	_ =	shalt  }
0x75: {  	_ =	shalt  }
0x76: {  	_ =	shalt  }
0x77: {  	_ =	shalt  }
0x78: {  	_ =	shalt  }
0x79: {  	_ =	shalt  }
0x7a: {  	_ =	shalt  }
0x7b: {  	_ =	shalt  }
0x7c: {  	_ =	shalt  }
0x7d: {  	_ =	shalt  }
0x7e: {  	_ =	shalt  }
0x7f: {  	_ =	shalt  }
0x80: {  	_ =	shalt  }
0x81: {  	_ =	shalt  }
0x82: {  	_ =	shalt  }
0x83: {  	_ =	shalt  }
0x84: {  	_ =	shalt  }
0x85: {  	_ =	shalt  }
0x86: {  	_ =	shalt  }
0x87: {  	_ =	shalt  }
.Lfunc_end0:
.L_simem_size_0:
called_computation_lowered:
.L_overlay_start_0:
0x88: {  	s2 =	sld [smem:$0x3FD9]  }
0x89: {  	s3 =	sld [smem:$0x3FFE];
	_ =	sdelay $0x1  }
0x8a: {  	s1 =	srdreg.scid  }
0x8b: {  	s0 =	sand.u32 $0x1, s1  }
0x8c: {  	s17 =	sshll.u32 s0, $0xA;
	s2 =	sadd.s32 s3, s2  }
0x8d: {  	s2 =	sadd.s32 s2, s17  }
0x8e: {  	[smem:$0x3FC5] =	sst s2  }
0x8f: {  	_ = 	snop  }
0x90: {  	s2 =	sld [smem:$0x3FC8]  }
0x91: {  	s18 =	sld [smem:$0x3FC7]  }
0x92: {  	s4 =	sld [smem:$0x3FD0];
	(tm) =	ssettm $0x1  }
0x93: {  	s5 =	sld [smem:$0x3FFB];
	_ =	sdelay $0x3  }
0x94: {  	_ =	strace s5  }
0x95: {  	s5 =	sld [smem:$0x3FFC];
	_ =	sdelay $0x3  }
0x96: {  	_ =	strace s5  }
0x97: {  	s5 =	sld [smem:$0x3FFD];
	_ =	sdelay $0x3  }
0x98: {  	_ =	strace s5  }
0x99: {  	_ =	strace $0x8FFFFFFF  }
0x9a: {  	s19 =	sld [smem:$0x3FDB];
	_ =	sdelay $0x1  }
0x9b: {  	s6 =	simm.s32 $_scs_section_size  }
0x9c: {  	s7 =	simm.s32 $_size__tile_overlayer_lowered;
	s8 =	simm.s32 $_tile_overlayer_lowered  }
0x9d: {  	s22 =	simm.s32 $0x1BFF;
	s21 =	sshll.u32 s8, $0x1;
	s5 =	sadd.s32 s6, s19  }
0x9e: {  	s9 =	simm.s32 $0x0;
	s20 =	sshll.u32 s7, $0x1;
	s7 =	sadd.s32 s21, s5  }
0x9f: {  	[timem:s9], [sflag:s22] =	dma.local [hbm:s7], s20  }
0xa0: {  	_ =	swait.ge [sflag:s22], s20  }
0xa1: {  	s6 =	ssub.s32 $0x0, s20;
	[sflag:s22] =	ssyncset.done $0x0  }
0xa2: {  	[sflag:s22] =	ssyncadd.s32 s6;
	_ =	sdelay $0x1  }
0xa3: {  	s23 =	simm.s32 $0x1B8B  }
0xa4: {  	_ =	swait.ge [sflag:s23], $0x1  }
0xa5: {  	[sflag:s23] =	ssyncset.done $0x0  }
0xa6: {  	s25 =	simm.s32 $0x1B8E;
	s24 =	sld [smem:$0x3FFE];
	[sflag:s23] =	ssyncadd.s32 $0xFFFFFFFF  }
0xa7: {  	s26 =	simm.s32 $execute0_lowered;
	[smem:$0x3FD2] =	sst s25  }
0xa8: {  	s7 =	sshll.u32 s26, $0x1;
	_ =	strace $0x80000046;
	[dreg:$0x1] =	wrdreg $0xFFFFFFFF  }
0xa9: {  	s28 =	simm.s32 $_size_execute0_lowered;
	s5 =	sadd.s32 s5, s7;
	[dreg:$0x0] =	wrdreg $0x0  }
0xaa: {  	s7 =	sshll.u32 s28, $0x1;
	[dreg:$0x2] =	wrdreg s5  }
0xab: {  	[dreg:$0x3] =	wrdreg s7  }
0xac: {  	[dreg:$0x4] =	wrdreg $0xC0  }
0xad: {  	_ =	task [dreg:s9], $0x5FFFF  }
0xae: {  	[dreg:$0x1] =	wrdreg $0xFFFFFFFF  }
0xaf: {  	[dreg:$0x0] =	wrdreg $0x60  }
0xb0: {  	[dreg:$0x2] =	wrdreg s24  }
0xb1: {  	[dreg:$0x3] =	wrdreg s2  }
0xb2: {  	[dreg:$0x4] =	wrdreg s18  }
0xb3: {  	[dreg:$0x5] =	wrdreg s4  }
0xb4: {  	[dreg:$0x6] =	wrdreg $0x9  }
0xb5: {  	_ =	task.clear_ibuf [dreg:s9], $0x7FFFF;
	_ =	strace $0x90000046  }
0xb6: {  	s29 =	simm.s32 $0x9;
	_ =	strace $0x80000048  }
0xb7: {  	_ =	swait.ge [sflag:s29], $0x1  }
0xb8: {  	[sflag:s29] =	ssyncadd.s32 $0xFFFFFFFF  }
0xb9: {  	_ =	strace $0x90000048  }
0xba: {  	_ =	sfence  }
0xbb: {  	s30 =	sld [smem:$0x0];
	_ =	sdelay $0x2  }
0xbc: {  	s31 =	sshll.u32 s1, $0xD;
	s1 =	sshrl.u32 s1, $0x2  }
0xbd: {  	s3 =	sand.u32 $0x4000, s31;
	s1 =	sadd.s32 s1, s30  }
0xbe: {  	s0 =	sor.u32 s3, s0;
	s1 =	sshll.u32 s1, $0x11  }
0xbf: {  	s0 =	sor.u32 s1, s0  }
0xc0: {  	s0 =	sadd.s32 $0x8F2B, s0  }
0xc1: {  	[sflag:s0] =	ssyncadd.remote.s32 $0x1  }
0xc2: {  	_ =	sfence.sel $0xFFFF  }
0xc3: {  	[dreg:$0x0] =	wrdreg $0xFFFFFFFF;
	(pc) =	sbr.abs _section_cstart, $3  }
0xc4: {  	[dreg:$0x1] =	wrdreg $0xFFFFFFFF  }
0xc5: {  	_ =	task.clear_ibuf [dreg:s9], $0x2FFFF;
	_ =	strace $0x9FFFFFFF  }
0xc6: {  	(tm) =	ssettm $0x7FFFFFFF  }
0xc7: {  	_ =	shalt  }
tec
execute0_lowered:
.L_overlay_start_1:
0x0: {  	(tag) =	ssettag $0x1  }
0x1: {  	s0 =	rddreg [dreg:$0x0]  }
0x2: {  	s1 =	rddreg [dreg:$0x1]  }
0x3: {  	s2 =	srdreg.scid;
	s3 =	stileid.u32  }
0x4: {  	s4 =	rddreg [dreg:$0x3];
	s5 =	simm.s32 $0x0;
	s17 =	simm.s32 $0x80  }
0x5: {  	s30 =	simm.s32 $0x8000;
	s2 =	sand.u32 $0x1, s2;
	s3 =	sshll.u32 s3, $0x1  }
0x6: {  	s20 =	simm.s32 $0x1;
	s28 =	simm.s32 $0x5;
	s3 =	sor.u32 s2, s3  }
0x7: {  	[smem:$0x7FF] =	sst s5;
	s2 =	ssub.s32 $0x2, s2;
	s7 =	smul.u32 $0x19000, s3  }
0x8: {  	_ =	strace $0x80000047;
	s6 =	smul.u32 $0x380, s3;
	s8 =	sshrl.u32 s2, $0x1  }
0x9: {  	s9 =	smul.u32 $0xC8000, s3;
	s2 =	ssub.s32 s2, s8;
	s7 =	sadd.s32 s4, s7  }
0xa: {  	s0 =	sadd.s32 s6, s0;
	s29 =	smax.u32 s2, $0x1;
	[dreg:$0x5] =	wrdreg s7  }
0xb: {  	s22 =	sshrl.u32 s9, $0x3;
	s0 =	sadd.s32 $0x400, s0;
	[dreg:$0xc] =	wrdreg s29  }
0xc: {  	s23 =	sadd.s32 $0x800, s7;
	s24 =	sadd.s32 s4, s22;
	[dreg:$0x6] =	wrdreg s0  }
0xd: {  	s6 =	smul.u32 $0x1900, s3;
	[dreg:$0x7] =	wrdreg s23;
	s3 =	sadd.s32 $0x1000, s24  }
0xe: {  	s31 =	simm.s32 $0x6;
	s25 =	sadd.s32 $0x1800, s24;
	[dreg:$0x8] =	wrdreg s3  }
0xf: {  	s2 =	simm.s32 $0x0;
	s26 =	sadd.s32 $0x18000, s24;
	[dreg:$0x9] =	wrdreg s25  }
0x10: {  	s0 =	sadd.s32 $0x18800, s24;
	s23 =	simm.s32 $0x2;
	[dreg:$0xa] =	wrdreg s26  }
0x11: {  	[dreg:$0xb] =	wrdreg s0;
	s25 =	simm.s32 $0xC000;
	s0 =	simm.s32 $0x8  }
.LBB2_1:
0x12: {  	[dreg:$0xd] =	wrdreg s2  }
0x13: {  	s3 =	rddreg [dreg:$0x6];
	s7 =	simm.s32 $0x9  }
0x14: {  	[tilespmem:s5], [sflag:$0x9] =	stream.linear.gather [hbm4b:s3+s5], $0x1900, $0x38;
	[tilespmem:$0x18000] =	vst v63  }
0x15: {  	_ =	swait.ge [sflag:s7], $0x1900  }
0x16: {  	[sflag:s7] =	ssyncset.done $0x0  }
0x17: {  	[sflag:s7] =	ssyncadd.s32 $0xFFFFE700  }
0x18: {  	s8 =	simm.s32 $0x1C00;
	s29 =	rddreg [dreg:$0x2]  }
0x19: {  	[tilespmem:s8], [sflag:$0x9] =	stream.linear.gather [hbm4b:s29+s5], $0x6400, $0x38;
	[tilespmem:$0x18000] =	vst v63  }
0x1a: {  	_ =	swait.ge [sflag:s7], $0x6400  }
0x1b: {  	[sflag:s7] =	ssyncset.done $0x0  }
0x1c: {  	[sflag:s7] =	ssyncadd.s32 $0xFFFF9C00  }
0x1d: {  	[tilespmem:s30], [sflag:$0x1] =	stream.indirect.gather [hbm4b:s1+s17], $0x80, s5, s17, $0xb8;
	[tilespmem:$0x18000] =	vst v63  }
0x1e: {  	_ = 	snop  }
0x1f: {  	[tilespmem:s25], [sflag:$0x2] =	stream.indirect.gather [hbm4b:s1+s17], $0x80, s17, s17, $0xb8;
	[tilespmem:$0x18000] =	vst v63  }
0x20: {  	_ =	swait.ge [sflag:s20], $0x4000  }
0x21: {  	[sflag:s20] =	ssyncset.done $0x0  }
0x22: {  	s7 =	simm.s32 $0x8100;
	[sflag:s20] =	ssyncadd.s32 $0xFFFFC000  }
0x23: {  	s3 =	simm.s32 $0x1D00;
	v0 =	vld [tilespmem:s7+$0x80]  }
0x24: {  	v1 =	vld [tilespmem:s3+$0x80]  }
0x25: {  	v2 =	vld [tilespmem:s7+$0xFFFFFF80]  }
0x26: {  	v3 =	vld [tilespmem:s3+$0xFFFFFF80]  }
0x27: {  	v4 =	vld [tilespmem:s7+$0x0]  }
0x28: {  	v5 =	vld [tilespmem:s3+$0x0]  }
0x29: {  	v6 =	vld [tilespmem:s7+$0xFFFFFF00];
	v0 =	vadd.f32 v1, v0  }
0x2a: {  	v1 =	vld [tilespmem:s3+$0xFFFFFF00]  }
0x2b: {  	[tilespmem:s7+$0x80] =	vst v0;
	v0 =	vld [tilespmem:s7+$0x90]  }
0x2c: {  	v2 =	vadd.f32 v3, v2;
	v3 =	vld [tilespmem:s3+$0x90]  }
0x2d: {  	v7 =	vld [tilespmem:s7+$0xFFFFFF10]  }
0x2e: {  	[tilespmem:s7+$0xFFFFFF80] =	vst v2;
	v2 =	vadd.f32 v5, v4;
	v4 =	vld [tilespmem:s7+$0xFFFFFF90]  }
0x2f: {  	v5 =	vld [tilespmem:s3+$0xFFFFFF90];
	v1 =	vadd.f32 v1, v6  }
0x30: {  	[tilespmem:s7+$0x0] =	vst v2;
	v2 =	vld [tilespmem:s7+$0x10]  }
0x31: {  	v6 =	vld [tilespmem:s3+$0x10];
	[tilespmem:s7+$0xFFFFFF00] =	vst v1;
	v0 =	vadd.f32 v3, v0  }
0x32: {  	v1 =	vld [tilespmem:s3+$0xFFFFFF10]  }
0x33: {  	[tilespmem:s7+$0x90] =	vst v0;
	v0 =	vld [tilespmem:s7+$0xA0]  }
0x34: {  	v3 =	vadd.f32 v5, v4;
	v4 =	vld [tilespmem:s3+$0xA0]  }
0x35: {  	v5 =	vld [tilespmem:s7+$0xFFFFFF20]  }
0x36: {  	[tilespmem:s7+$0xFFFFFF90] =	vst v3;
	v2 =	vadd.f32 v6, v2;
	v3 =	vld [tilespmem:s7+$0xFFFFFFA0]  }
0x37: {  	v6 =	vld [tilespmem:s3+$0xFFFFFFA0];
	v1 =	vadd.f32 v1, v7  }
0x38: {  	[tilespmem:s7+$0x10] =	vst v2;
	v2 =	vld [tilespmem:s7+$0x20]  }
0x39: {  	v7 =	vld [tilespmem:s3+$0x20];
	[tilespmem:s7+$0xFFFFFF10] =	vst v1;
	v0 =	vadd.f32 v4, v0  }
0x3a: {  	v1 =	vld [tilespmem:s3+$0xFFFFFF20]  }
0x3b: {  	[tilespmem:s7+$0xA0] =	vst v0;
	v0 =	vld [tilespmem:s7+$0xB0]  }
0x3c: {  	v3 =	vadd.f32 v6, v3;
	v4 =	vld [tilespmem:s3+$0xB0]  }
0x3d: {  	v6 =	vld [tilespmem:s7+$0xFFFFFF30]  }
0x3e: {  	[tilespmem:s7+$0xFFFFFFA0] =	vst v3;
	v2 =	vadd.f32 v7, v2;
	v3 =	vld [tilespmem:s7+$0xFFFFFFB0]  }
0x3f: {  	v7 =	vld [tilespmem:s3+$0xFFFFFFB0];
	v1 =	vadd.f32 v1, v5  }
0x40: {  	[tilespmem:s7+$0x20] =	vst v2;
	v2 =	vld [tilespmem:s7+$0x30]  }
0x41: {  	v5 =	vld [tilespmem:s3+$0x30];
	[tilespmem:s7+$0xFFFFFF20] =	vst v1;
	v0 =	vadd.f32 v4, v0  }
0x42: {  	v1 =	vld [tilespmem:s3+$0xFFFFFF30]  }
0x43: {  	[tilespmem:s7+$0xB0] =	vst v0;
	v0 =	vld [tilespmem:s7+$0xC0]  }
0x44: {  	v3 =	vadd.f32 v7, v3;
	v4 =	vld [tilespmem:s3+$0xC0]  }
0x45: {  	v7 =	vld [tilespmem:s7+$0xFFFFFF40]  }
0x46: {  	[tilespmem:s7+$0xFFFFFFB0] =	vst v3;
	v2 =	vadd.f32 v5, v2;
	v3 =	vld [tilespmem:s7+$0xFFFFFFC0]  }
0x47: {  	v5 =	vld [tilespmem:s3+$0xFFFFFFC0];
	v1 =	vadd.f32 v1, v6  }
0x48: {  	[tilespmem:s7+$0x30] =	vst v2;
	v2 =	vld [tilespmem:s7+$0x40]  }
0x49: {  	v6 =	vld [tilespmem:s3+$0x40];
	[tilespmem:s7+$0xFFFFFF30] =	vst v1;
	v0 =	vadd.f32 v4, v0  }
0x4a: {  	v1 =	vld [tilespmem:s3+$0xFFFFFF40]  }
0x4b: {  	[tilespmem:s7+$0xC0] =	vst v0;
	v0 =	vld [tilespmem:s7+$0xD0]  }
0x4c: {  	v3 =	vadd.f32 v5, v3;
	v4 =	vld [tilespmem:s3+$0xD0]  }
0x4d: {  	v5 =	vld [tilespmem:s7+$0xFFFFFF50]  }
0x4e: {  	[tilespmem:s7+$0xFFFFFFC0] =	vst v3;
	v2 =	vadd.f32 v6, v2;
	v3 =	vld [tilespmem:s7+$0xFFFFFFD0]  }
0x4f: {  	v6 =	vld [tilespmem:s3+$0xFFFFFFD0];
	v1 =	vadd.f32 v1, v7  }
0x50: {  	[tilespmem:s7+$0x40] =	vst v2;
	v2 =	vld [tilespmem:s7+$0x50]  }
0x51: {  	v7 =	vld [tilespmem:s3+$0x50];
	[tilespmem:s7+$0xFFFFFF40] =	vst v1;
	v0 =	vadd.f32 v4, v0  }
0x52: {  	v1 =	vld [tilespmem:s3+$0xFFFFFF50]  }
0x53: {  	[tilespmem:s7+$0xD0] =	vst v0;
	v0 =	vld [tilespmem:s7+$0xE0]  }
0x54: {  	v3 =	vadd.f32 v6, v3;
	v4 =	vld [tilespmem:s3+$0xE0]  }
0x55: {  	v6 =	vld [tilespmem:s7+$0xFFFFFF60]  }
0x56: {  	[tilespmem:s7+$0xFFFFFFD0] =	vst v3;
	v2 =	vadd.f32 v7, v2;
	v3 =	vld [tilespmem:s7+$0xFFFFFFE0]  }
0x57: {  	v7 =	vld [tilespmem:s3+$0xFFFFFFE0];
	v1 =	vadd.f32 v1, v5  }
0x58: {  	[tilespmem:s7+$0x50] =	vst v2;
	v2 =	vld [tilespmem:s7+$0x60]  }
0x59: {  	v5 =	vld [tilespmem:s3+$0x60];
	[tilespmem:s7+$0xFFFFFF50] =	vst v1;
	v0 =	vadd.f32 v4, v0  }
0x5a: {  	v4 =	vld [tilespmem:s3+$0xFFFFFF60]  }
0x5b: {  	v8 =	vld [tilespmem:s7+$0xF0];
	[tilespmem:s7+$0xE0] =	vst v0  }
0x5c: {  	v1 =	vadd.f32 v7, v3;
	v7 =	vld [tilespmem:s3+$0xF0]  }
0x5d: {  	v0 =	vld [tilespmem:s7+$0xFFFFFF70]  }
0x5e: {  	[tilespmem:s7+$0xFFFFFFE0] =	vst v1;
	v2 =	vadd.f32 v5, v2;
	v1 =	vld [tilespmem:s7+$0xFFFFFFF0]  }
0x5f: {  	v3 =	vld [tilespmem:s3+$0xFFFFFFF0];
	v4 =	vadd.f32 v4, v6  }
0x60: {  	[tilespmem:s7+$0x60] =	vst v2;
	v2 =	vld [tilespmem:s7+$0x70]  }
0x61: {  	[tilespmem:s7+$0xFFFFFF60] =	vst v4;
	v4 =	vld [tilespmem:s3+$0x70];
	v6 =	vadd.f32 v7, v8  }
0x62: {  	s9 =	simm.s32 $0x8300;
	s8 =	simm.s32 $0x0;
	v5 =	vld [tilespmem:s3+$0xFFFFFF70]  }
.LBB2_2:
0x63: {  	v7 =	vld [tilespmem:s9+$0x80];
	[tilespmem:s7+$0xF0] =	vst v6;
	s3 =	sadd.s32 $0x200, s3  }
0x64: {  	s8 =	sadd.s32 $0x4, s8;
	v6 =	vld [tilespmem:s3+$0x80];
	v1 =	vadd.f32 v3, v1  }
0x65: {  	p0 =	slt.u32 s8, $0x7C;
	v3 =	vld [tilespmem:s3+$0xFFFFFF00]  }
0x66: {  	v8 =	vld [tilespmem:s9+$0xFFFFFF80];
	[tilespmem:s7+$0xFFFFFFF0] =	vst v1;
	v1 =	vadd.f32 v4, v2  }
0x67: {  	v2 =	vld [tilespmem:s3+$0xFFFFFF80];
	v0 =	vadd.f32 v5, v0  }
0x68: {  	v4 =	vld [tilespmem:s9+$0x0];
	[tilespmem:s7+$0x70] =	vst v1  }
0x69: {  	v1 =	vld [tilespmem:s3+$0x0];
	v5 =	vadd.f32 v6, v7;
	[tilespmem:s7+$0xFFFFFF70] =	vst v0;
	s7 =	smov.u32 s9  }
0x6a: {  	v0 =	vld [tilespmem:s9+$0xFFFFFF00]  }
0x6b: {  	[tilespmem:s9+$0x80] =	vst v5;
	v5 =	vld [tilespmem:s9+$0x90]  }
0x6c: {  	v2 =	vadd.f32 v2, v8;
	v6 =	vld [tilespmem:s3+$0x90]  }
0x6d: {  	v7 =	vld [tilespmem:s9+$0xFFFFFF10]  }
0x6e: {  	[tilespmem:s9+$0xFFFFFF80] =	vst v2;
	v2 =	vld [tilespmem:s9+$0xFFFFFF90];
	v1 =	vadd.f32 v1, v4  }
0x6f: {  	v0 =	vadd.f32 v3, v0;
	v3 =	vld [tilespmem:s3+$0xFFFFFF90]  }
0x70: {  	[tilespmem:s9+$0x0] =	vst v1;
	v1 =	vld [tilespmem:s9+$0x10]  }
0x71: {  	[tilespmem:s9+$0xFFFFFF00] =	vst v0;
	v0 =	vld [tilespmem:s3+$0x10];
	v4 =	vadd.f32 v6, v5  }
0x72: {  	v5 =	vld [tilespmem:s3+$0xFFFFFF10]  }
0x73: {  	[tilespmem:s9+$0x90] =	vst v4;
	v4 =	vld [tilespmem:s9+$0xA0]  }
0x74: {  	v2 =	vadd.f32 v3, v2;
	v3 =	vld [tilespmem:s3+$0xA0]  }
0x75: {  	v6 =	vld [tilespmem:s9+$0xFFFFFF20]  }
0x76: {  	[tilespmem:s9+$0xFFFFFF90] =	vst v2;
	v2 =	vld [tilespmem:s9+$0xFFFFFFA0];
	v0 =	vadd.f32 v0, v1  }
0x77: {  	v1 =	vadd.f32 v5, v7;
	v5 =	vld [tilespmem:s3+$0xFFFFFFA0]  }
0x78: {  	[tilespmem:s9+$0x10] =	vst v0;
	v0 =	vld [tilespmem:s9+$0x20]  }
0x79: {  	[tilespmem:s9+$0xFFFFFF10] =	vst v1;
	v1 =	vld [tilespmem:s3+$0x20];
	v3 =	vadd.f32 v3, v4  }
0x7a: {  	v4 =	vld [tilespmem:s3+$0xFFFFFF20]  }
0x7b: {  	[tilespmem:s9+$0xA0] =	vst v3;
	v3 =	vld [tilespmem:s9+$0xB0]  }
0x7c: {  	v2 =	vadd.f32 v5, v2;
	v5 =	vld [tilespmem:s3+$0xB0]  }
0x7d: {  	v7 =	vld [tilespmem:s9+$0xFFFFFF30]  }
0x7e: {  	[tilespmem:s9+$0xFFFFFFA0] =	vst v2;
	v2 =	vld [tilespmem:s9+$0xFFFFFFB0];
	v0 =	vadd.f32 v1, v0  }
0x7f: {  	v1 =	vadd.f32 v4, v6;
	v4 =	vld [tilespmem:s3+$0xFFFFFFB0]  }
0x80: {  	[tilespmem:s9+$0x20] =	vst v0;
	v0 =	vld [tilespmem:s9+$0x30]  }
0x81: {  	[tilespmem:s9+$0xFFFFFF20] =	vst v1;
	v1 =	vld [tilespmem:s3+$0x30];
	v3 =	vadd.f32 v5, v3  }
0x82: {  	v5 =	vld [tilespmem:s3+$0xFFFFFF30]  }
0x83: {  	[tilespmem:s9+$0xB0] =	vst v3;
	v3 =	vld [tilespmem:s9+$0xC0]  }
0x84: {  	v2 =	vadd.f32 v4, v2;
	v4 =	vld [tilespmem:s3+$0xC0]  }
0x85: {  	v6 =	vld [tilespmem:s9+$0xFFFFFF40]  }
0x86: {  	[tilespmem:s9+$0xFFFFFFB0] =	vst v2;
	v2 =	vld [tilespmem:s9+$0xFFFFFFC0];
	v0 =	vadd.f32 v1, v0  }
0x87: {  	v1 =	vadd.f32 v5, v7;
	v5 =	vld [tilespmem:s3+$0xFFFFFFC0]  }
0x88: {  	[tilespmem:s9+$0x30] =	vst v0;
	v0 =	vld [tilespmem:s9+$0x40]  }
0x89: {  	[tilespmem:s9+$0xFFFFFF30] =	vst v1;
	v1 =	vld [tilespmem:s3+$0x40];
	v3 =	vadd.f32 v4, v3  }
0x8a: {  	v4 =	vld [tilespmem:s3+$0xFFFFFF40]  }
0x8b: {  	[tilespmem:s9+$0xC0] =	vst v3;
	v3 =	vld [tilespmem:s9+$0xD0]  }
0x8c: {  	v2 =	vadd.f32 v5, v2;
	v5 =	vld [tilespmem:s3+$0xD0]  }
0x8d: {  	v7 =	vld [tilespmem:s9+$0xFFFFFF50]  }
0x8e: {  	[tilespmem:s9+$0xFFFFFFC0] =	vst v2;
	v2 =	vld [tilespmem:s9+$0xFFFFFFD0];
	v0 =	vadd.f32 v1, v0  }
0x8f: {  	v1 =	vadd.f32 v4, v6;
	v4 =	vld [tilespmem:s3+$0xFFFFFFD0]  }
0x90: {  	[tilespmem:s9+$0x40] =	vst v0;
	v0 =	vld [tilespmem:s9+$0x50]  }
0x91: {  	[tilespmem:s9+$0xFFFFFF40] =	vst v1;
	v1 =	vld [tilespmem:s3+$0x50];
	v3 =	vadd.f32 v5, v3  }
0x92: {  	v5 =	vld [tilespmem:s3+$0xFFFFFF50]  }
0x93: {  	[tilespmem:s9+$0xD0] =	vst v3;
	v3 =	vld [tilespmem:s9+$0xE0]  }
0x94: {  	v2 =	vadd.f32 v4, v2;
	v4 =	vld [tilespmem:s3+$0xE0]  }
0x95: {  	v6 =	vld [tilespmem:s9+$0xFFFFFF60]  }
0x96: {  	[tilespmem:s9+$0xFFFFFFD0] =	vst v2;
	v2 =	vld [tilespmem:s9+$0xFFFFFFE0];
	v0 =	vadd.f32 v1, v0  }
0x97: {  	v1 =	vadd.f32 v5, v7;
	v5 =	vld [tilespmem:s3+$0xFFFFFFE0]  }
0x98: {  	[tilespmem:s9+$0x50] =	vst v0;
	v7 =	vld [tilespmem:s9+$0x60]  }
0x99: {  	[tilespmem:s9+$0xFFFFFF50] =	vst v1;
	v8 =	vld [tilespmem:s3+$0x60];
	v0 =	vadd.f32 v4, v3  }
0x9a: {  	v3 =	vld [tilespmem:s3+$0xFFFFFF60]  }
0x9b: {  	[tilespmem:s9+$0xE0] =	vst v0;
	v9 =	vld [tilespmem:s9+$0xF0]  }
0x9c: {  	v1 =	vadd.f32 v5, v2;
	v5 =	vld [tilespmem:s3+$0xF0]  }
0x9d: {  	v0 =	vld [tilespmem:s9+$0xFFFFFF70]  }
.Ltmp0:
0x9e: {  	[tilespmem:s9+$0xFFFFFFE0] =	vst v1;
	v1 =	vld [tilespmem:s9+$0xFFFFFFF0];
	v2 =	vadd.f32 v8, v7;
	(pc) =	sbr.rel @p0 .LBB2_2-.Ltmp0, $4  }
0x9f: {  	v4 =	vadd.f32 v3, v6;
	v3 =	vld [tilespmem:s3+$0xFFFFFFF0]  }
0xa0: {  	[tilespmem:s9+$0x60] =	vst v2;
	v2 =	vld [tilespmem:s9+$0x70]  }
0xa1: {  	[tilespmem:s9+$0xFFFFFF60] =	vst v4;
	v4 =	vld [tilespmem:s3+$0x70];
	v6 =	vadd.f32 v5, v9  }
0xa2: {  	s9 =	sadd.s32 $0x200, s9;
	v5 =	vld [tilespmem:s3+$0xFFFFFF70]  }
0xa3: {  	_ =	sdelay $0x1  }
0xa4: {  	v1 =	vadd.f32 v3, v1  }
0xa5: {  	[tilespmem:s7+$0xF0] =	vst v6;
	v2 =	vadd.f32 v4, v2  }
0xa6: {  	[tilespmem:s7+$0xFFFFFFF0] =	vst v1;
	v0 =	vadd.f32 v5, v0  }
0xa7: {  	[tilespmem:s7+$0x70] =	vst v2  }
0xa8: {  	s24 =	simm.s32 $0x80;
	s2 =	simm.s32 $0x100;
	s26 =	simm.s32 $0x10000;
	[tilespmem:s7+$0xFFFFFF70] =	vst v0  }
0xa9: {  	s8 =	simm.s32 $0xFFFFFFBB;
	p0 =	por $0x1, $0x1;
	s3 =	rddreg [dreg:$0x5]  }
0xaa: {  	[hbm4b:s3+s5] =	stream.linear.scatter [tilespmem:s30], [sflag:$0x5], $0x4000, $0x38;
	[tilespmem:$0x18000] =	vst v63  }
0xab: {  	s9 =	simm.s32 $0x81;
	s11 =	simm.s32 $0xFFFFFFB9;
	s7 =	simm.s32 $0x83  }
0xac: {  	[tilespmem:s26], [sflag:$0x3] =	stream.indirect.gather [hbm4b:s1+s24], $0x80, s2, s24, $0xb8;
	[tilespmem:$0x18000] =	vst v63  }
0xad: {  	s12 =	simm.s32 $0xFFFFFFBA;
	s8 =	smov.u32 @p0 s7;
	_ =	swait.ge [sflag:s23], $0x4000  }
0xae: {  	s7 =	simm.s32 $0xC100;
	p0 =	por $0x1, $0x1;
	[sflag:s23] =	ssyncset.done $0x0  }
0xaf: {  	s8 =	sshll.u32 s8, $0x7;
	s11 =	smov.u32 @p0 s9;
	[sflag:s23] =	ssyncadd.s32 $0xFFFFC000  }
0xb0: {  	p0 =	por $0x1, $0x1;
	s10 =	sand.u32 $0x3FFFFF80, s8;
	s8 =	simm.s32 $0x82;
	v0 =	vld [tilespmem:s7+$0x80]  }
0xb1: {  	s29 =	simm.s32 $0xFFFFFFB8;
	s9 =	sshll.u32 s11, $0x7;
	s12 =	smov.u32 @p0 s8;
	v1 =	vld [tilespmem:s10+$0x1C00]  }
0xb2: {  	s3 =	smin.u32 s24, s29;
	s9 =	sand.u32 $0x3FFFFF80, s9;
	s8 =	sshll.u32 s12, $0x7;
	v2 =	vld [tilespmem:s7+$0xFFFFFF80]  }
0xb3: {  	s11 =	sshll.u32 s3, $0x7;
	s3 =	sand.u32 $0x3FFFFF80, s8;
	v3 =	vld [tilespmem:s9+$0x1C00]  }
0xb4: {  	v5 =	vld [tilespmem:s3+$0x1C00]  }
0xb5: {  	v6 =	vld [tilespmem:s7+$0x0]  }
0xb6: {  	s8 =	sand.u32 $0x3FFFFF80, s11;
	v4 =	vld [tilespmem:s7+$0xFFFFFF00]  }
0xb7: {  	v0 =	vadd.f32 v1, v0;
	v1 =	vld [tilespmem:s8+$0x1C00]  }
0xb8: {  	v7 =	vld [tilespmem:s7+$0xFFFFFF10]  }
0xb9: {  	v2 =	vadd.f32 v3, v2;
	[tilespmem:s7+$0x80] =	vst v0;
	v0 =	vld [tilespmem:s7+$0x90]  }
0xba: {  	v5 =	vadd.f32 v5, v6;
	v3 =	vld [tilespmem:s10+$0x1C10]  }
0xbb: {  	[tilespmem:s7+$0xFFFFFF80] =	vst v2;
	v2 =	vld [tilespmem:s7+$0xFFFFFF90]  }
0xbc: {  	[tilespmem:s7+$0x0] =	vst v5;
	v1 =	vadd.f32 v1, v4;
	v4 =	vld [tilespmem:s9+$0x1C10]  }
0xbd: {  	v5 =	vld [tilespmem:s3+$0x1C10]  }
0xbe: {  	[tilespmem:s7+$0xFFFFFF00] =	vst v1;
	v1 =	vld [tilespmem:s7+$0x10]  }
0xbf: {  	v0 =	vadd.f32 v3, v0;
	v3 =	vld [tilespmem:s8+$0x1C10];
	_ =	sdelay $0x1  }
0xc0: {  	[tilespmem:s7+$0x90] =	vst v0;
	v0 =	vld [tilespmem:s7+$0xA0];
	v2 =	vadd.f32 v4, v2  }
0xc1: {  	v4 =	vld [tilespmem:s10+$0x1C20]  }
0xc2: {  	[tilespmem:s7+$0xFFFFFF90] =	vst v2;
	v2 =	vld [tilespmem:s7+$0xFFFFFFA0];
	v1 =	vadd.f32 v5, v1  }
0xc3: {  	v3 =	vadd.f32 v3, v7;
	v6 =	vld [tilespmem:s9+$0x1C20]  }
0xc4: {  	v7 =	vld [tilespmem:s7+$0xFFFFFF20];
	[tilespmem:s7+$0x10] =	vst v1  }
0xc5: {  	[tilespmem:s7+$0xFFFFFF10] =	vst v3;
	v3 =	vld [tilespmem:s7+$0x20]  }
0xc6: {  	v1 =	vld [tilespmem:s3+$0x1C20];
	v0 =	vadd.f32 v4, v0  }
0xc7: {  	v4 =	vld [tilespmem:s8+$0x1C20]  }
0xc8: {  	[tilespmem:s7+$0xA0] =	vst v0;
	v0 =	vld [tilespmem:s7+$0xB0];
	v2 =	vadd.f32 v6, v2  }
0xc9: {  	v5 =	vld [tilespmem:s10+$0x1C30]  }
0xca: {  	[tilespmem:s7+$0xFFFFFFA0] =	vst v2;
	v2 =	vld [tilespmem:s7+$0xFFFFFFB0]  }
0xcb: {  	v1 =	vadd.f32 v1, v3;
	v6 =	vld [tilespmem:s9+$0x1C30]  }
0xcc: {  	v3 =	vld [tilespmem:s7+$0x30];
	v4 =	vadd.f32 v4, v7  }
0xcd: {  	v7 =	vld [tilespmem:s7+$0xFFFFFF30];
	[tilespmem:s7+$0x20] =	vst v1  }
0xce: {  	[tilespmem:s7+$0xFFFFFF20] =	vst v4;
	v1 =	vld [tilespmem:s3+$0x1C30];
	v0 =	vadd.f32 v5, v0  }
0xcf: {  	v4 =	vld [tilespmem:s8+$0x1C30]  }
0xd0: {  	[tilespmem:s7+$0xB0] =	vst v0;
	v0 =	vld [tilespmem:s7+$0xC0];
	v2 =	vadd.f32 v6, v2  }
0xd1: {  	v5 =	vld [tilespmem:s10+$0x1C40]  }
0xd2: {  	[tilespmem:s7+$0xFFFFFFB0] =	vst v2;
	v2 =	vld [tilespmem:s7+$0xFFFFFFC0]  }
0xd3: {  	v1 =	vadd.f32 v1, v3;
	v6 =	vld [tilespmem:s9+$0x1C40]  }
0xd4: {  	v3 =	vld [tilespmem:s7+$0x40];
	v4 =	vadd.f32 v4, v7  }
0xd5: {  	v7 =	vld [tilespmem:s7+$0xFFFFFF40];
	[tilespmem:s7+$0x30] =	vst v1  }
0xd6: {  	[tilespmem:s7+$0xFFFFFF30] =	vst v4;
	v1 =	vld [tilespmem:s3+$0x1C40];
	v0 =	vadd.f32 v5, v0  }
0xd7: {  	v4 =	vld [tilespmem:s8+$0x1C40]  }
0xd8: {  	[tilespmem:s7+$0xC0] =	vst v0;
	v0 =	vld [tilespmem:s7+$0xD0];
	v2 =	vadd.f32 v6, v2  }
0xd9: {  	v5 =	vld [tilespmem:s10+$0x1C50]  }
0xda: {  	[tilespmem:s7+$0xFFFFFFC0] =	vst v2;
	v2 =	vld [tilespmem:s7+$0xFFFFFFD0]  }
0xdb: {  	v1 =	vadd.f32 v1, v3;
	v3 =	vld [tilespmem:s7+$0x50]  }
0xdc: {  	v4 =	vadd.f32 v4, v7;
	v6 =	vld [tilespmem:s9+$0x1C50]  }
0xdd: {  	v7 =	vld [tilespmem:s7+$0xFFFFFF50];
	[tilespmem:s7+$0x40] =	vst v1  }
0xde: {  	[tilespmem:s7+$0xFFFFFF40] =	vst v4;
	v1 =	vld [tilespmem:s3+$0x1C50]  }
0xdf: {  	v0 =	vadd.f32 v5, v0;
	v4 =	vld [tilespmem:s8+$0x1C50];
	_ =	sdelay $0x1  }
0xe0: {  	[tilespmem:s7+$0xD0] =	vst v0;
	v0 =	vld [tilespmem:s7+$0xE0]  }
0xe1: {  	v2 =	vadd.f32 v6, v2;
	v5 =	vld [tilespmem:s10+$0x1C60]  }
0xe2: {  	v6 =	vld [tilespmem:s7+$0xFFFFFFE0]  }
0xe3: {  	[tilespmem:s7+$0xFFFFFFD0] =	vst v2;
	v1 =	vadd.f32 v1, v3;
	v3 =	vld [tilespmem:s7+$0x60];
	v2 =	vadd.f32 v4, v7  }
0xe4: {  	v4 =	vld [tilespmem:s9+$0x1C60]  }
0xe5: {  	v7 =	vld [tilespmem:s7+$0xFFFFFF60];
	[tilespmem:s7+$0xFFFFFF50] =	vst v2  }
0xe6: {  	p0 =	por $0x1, $0x1;
	[tilespmem:s7+$0x50] =	vst v1;
	v0 =	vadd.f32 v5, v0;
	v8 =	vld [tilespmem:s8+$0x1C60]  }
.Ltmp1:
0xe7: {  	v5 =	vld [tilespmem:s3+$0x1C60];
	(pc) =	sbr.rel @!p0 .LBB2_5-.Ltmp1, $4  }
0xe8: {  	v2 =	vld [tilespmem:s7+$0xF0];
	[tilespmem:s7+$0xE0] =	vst v0  }
0xe9: {  	v1 =	vadd.f32 v4, v6;
	v4 =	vld [tilespmem:s10+$0x1C70]  }
0xea: {  	v0 =	vld [tilespmem:s7+$0xFFFFFF70]  }
0xeb: {  	s11 =	simm.s32 $0x84;
	s10 =	simm.s32 $0xC100;
	[tilespmem:s7+$0xFFFFFFE0] =	vst v1;
	v1 =	vld [tilespmem:s7+$0xFFFFFFF0];
	v6 =	vadd.f32 v8, v7  }
.LBB2_4:
0xec: {  	s13 =	sadd.s32 $0x1, s11;
	s12 =	sadd.s32 $0x3, s11;
	s14 =	sadd.s32 $0xFFFFFF80, s11;
	v7 =	vld [tilespmem:s9+$0x1C70];
	v3 =	vadd.f32 v5, v3  }
0xed: {  	s9 =	sadd.s32 $0xFFFFFF3B, s11;
	p2 =	slt.u32 s12, $0xC8;
	p0 =	slt.u32 s14, $0x7C;
	[tilespmem:s7+$0xFFFFFF60] =	vst v6;
	v5 =	vld [tilespmem:s7+$0x70]  }
0xee: {  	p1 =	slt.u32 s13, $0xC8;
	s14 =	sadd.s32 $0x2, s11;
	s9 =	smov.u32 @p2 s12;
	v6 =	vld [tilespmem:s8+$0x1C70];
	[tilespmem:s7+$0x60] =	vst v3;
	v2 =	vadd.f32 v4, v2  }
0xef: {  	p2 =	slt.u32 s14, $0xC8;
	s7 =	sadd.s32 $0x200, s7;
	s8 =	sshll.u32 s9, $0x7;
	v3 =	vld [tilespmem:s3+$0x1C70]  }
0xf0: {  	s3 =	sadd.s32 $0xFFFFFF39, s11;
	s9 =	sadd.s32 $0xFFFFFF3A, s11;
	v4 =	vld [tilespmem:s7+$0x80];
	s12 =	sand.u32 $0x3FFFFF80, s8;
	[tilespmem:s10+$0xF0] =	vst v2  }
0xf1: {  	s8 =	sadd.s32 $0xFFFFFF38, s11;
	s3 =	smov.u32 @p1 s13;
	s9 =	smov.u32 @p2 s14;
	v2 =	vld [tilespmem:s12+$0x1C00];
	v1 =	vadd.f32 v7, v1  }
0xf2: {  	s8 =	smin.u32 s11, s8;
	s3 =	sshll.u32 s3, $0x7;
	s13 =	sshll.u32 s9, $0x7;
	v7 =	vld [tilespmem:s7+$0xFFFFFF00]  }
0xf3: {  	s8 =	sshll.u32 s8, $0x7;
	s9 =	sand.u32 $0x3FFFFF80, s3;
	s3 =	sand.u32 $0x3FFFFF80, s13;
	v8 =	vld [tilespmem:s7+$0xFFFFFF80];
	v0 =	vadd.f32 v6, v0;
	[tilespmem:s10+$0xFFFFFFF0] =	vst v1  }
0xf4: {  	s8 =	sand.u32 $0x3FFFFF80, s8;
	v1 =	vld [tilespmem:s9+$0x1C00];
	v3 =	vadd.f32 v3, v5  }
0xf5: {  	v5 =	vld [tilespmem:s3+$0x1C00];
	[tilespmem:s10+$0xFFFFFF70] =	vst v0  }
0xf6: {  	v0 =	vld [tilespmem:s8+$0x1C00];
	v2 =	vadd.f32 v2, v4;
	[tilespmem:s10+$0x70] =	vst v3;
	s10 =	smov.u32 s7  }
0xf7: {  	v3 =	vld [tilespmem:s7+$0x0]  }
0xf8: {  	[tilespmem:s7+$0x80] =	vst v2;
	v2 =	vld [tilespmem:s7+$0x90]  }
0xf9: {  	v1 =	vadd.f32 v1, v8;
	v4 =	vld [tilespmem:s12+$0x1C10]  }
0xfa: {  	v6 =	vld [tilespmem:s7+$0xFFFFFF10]  }
0xfb: {  	v0 =	vadd.f32 v0, v7;
	[tilespmem:s7+$0xFFFFFF80] =	vst v1;
	v1 =	vld [tilespmem:s7+$0xFFFFFF90]  }
0xfc: {  	v7 =	vld [tilespmem:s9+$0x1C10];
	v3 =	vadd.f32 v5, v3  }
0xfd: {  	[tilespmem:s7+$0xFFFFFF00] =	vst v0;
	v0 =	vld [tilespmem:s7+$0x10]  }
0xfe: {  	v5 =	vld [tilespmem:s8+$0x1C10];
	[tilespmem:s7+$0x0] =	vst v3;
	v2 =	vadd.f32 v4, v2  }
0xff: {  	v3 =	vld [tilespmem:s3+$0x1C10]  }
0x100: {  	[tilespmem:s7+$0x90] =	vst v2;
	v2 =	vld [tilespmem:s7+$0xA0]  }
0x101: {  	v1 =	vadd.f32 v7, v1;
	v4 =	vld [tilespmem:s12+$0x1C20]  }
0x102: {  	v7 =	vld [tilespmem:s7+$0xFFFFFF20]  }
0x103: {  	v5 =	vadd.f32 v5, v6;
	[tilespmem:s7+$0xFFFFFF90] =	vst v1;
	v1 =	vld [tilespmem:s7+$0xFFFFFFA0]  }
0x104: {  	v6 =	vld [tilespmem:s9+$0x1C20];
	v0 =	vadd.f32 v3, v0  }
0x105: {  	[tilespmem:s7+$0xFFFFFF10] =	vst v5;
	v3 =	vld [tilespmem:s7+$0x20]  }
0x106: {  	v5 =	vld [tilespmem:s8+$0x1C20];
	[tilespmem:s7+$0x10] =	vst v0;
	v0 =	vadd.f32 v4, v2  }
0x107: {  	v2 =	vld [tilespmem:s3+$0x1C20]  }
0x108: {  	[tilespmem:s7+$0xA0] =	vst v0;
	v0 =	vld [tilespmem:s7+$0xB0]  }
0x109: {  	v1 =	vadd.f32 v6, v1;
	v4 =	vld [tilespmem:s12+$0x1C30]  }
0x10a: {  	v6 =	vld [tilespmem:s7+$0xFFFFFF30]  }
0x10b: {  	v5 =	vadd.f32 v5, v7;
	[tilespmem:s7+$0xFFFFFFA0] =	vst v1;
	v1 =	vld [tilespmem:s7+$0xFFFFFFB0]  }
0x10c: {  	v7 =	vld [tilespmem:s9+$0x1C30];
	v2 =	vadd.f32 v2, v3  }
0x10d: {  	[tilespmem:s7+$0xFFFFFF20] =	vst v5;
	v3 =	vld [tilespmem:s7+$0x30]  }
0x10e: {  	v5 =	vld [tilespmem:s8+$0x1C30];
	[tilespmem:s7+$0x20] =	vst v2;
	v0 =	vadd.f32 v4, v0  }
0x10f: {  	v2 =	vld [tilespmem:s3+$0x1C30]  }
0x110: {  	[tilespmem:s7+$0xB0] =	vst v0;
	v0 =	vld [tilespmem:s7+$0xC0]  }
0x111: {  	v1 =	vadd.f32 v7, v1;
	v4 =	vld [tilespmem:s12+$0x1C40]  }
0x112: {  	v7 =	vld [tilespmem:s7+$0xFFFFFF40]  }
0x113: {  	v5 =	vadd.f32 v5, v6;
	[tilespmem:s7+$0xFFFFFFB0] =	vst v1;
	v1 =	vld [tilespmem:s7+$0xFFFFFFC0]  }
0x114: {  	v6 =	vld [tilespmem:s9+$0x1C40];
	v2 =	vadd.f32 v2, v3  }
0x115: {  	[tilespmem:s7+$0xFFFFFF30] =	vst v5;
	v3 =	vld [tilespmem:s7+$0x40]  }
0x116: {  	v5 =	vld [tilespmem:s8+$0x1C40];
	[tilespmem:s7+$0x30] =	vst v2;
	v0 =	vadd.f32 v4, v0  }
0x117: {  	v2 =	vld [tilespmem:s3+$0x1C40]  }
0x118: {  	[tilespmem:s7+$0xC0] =	vst v0;
	v0 =	vld [tilespmem:s7+$0xD0]  }
0x119: {  	v1 =	vadd.f32 v6, v1;
	v4 =	vld [tilespmem:s12+$0x1C50]  }
0x11a: {  	v6 =	vld [tilespmem:s7+$0xFFFFFF50]  }
0x11b: {  	v5 =	vadd.f32 v5, v7;
	[tilespmem:s7+$0xFFFFFFC0] =	vst v1;
	v1 =	vld [tilespmem:s7+$0xFFFFFFD0]  }
0x11c: {  	v7 =	vld [tilespmem:s9+$0x1C50];
	v2 =	vadd.f32 v2, v3  }
0x11d: {  	[tilespmem:s7+$0xFFFFFF40] =	vst v5;
	v3 =	vld [tilespmem:s7+$0x50]  }
0x11e: {  	v5 =	vld [tilespmem:s8+$0x1C50];
	[tilespmem:s7+$0x40] =	vst v2;
	v0 =	vadd.f32 v4, v0  }
0x11f: {  	v2 =	vld [tilespmem:s3+$0x1C50]  }
0x120: {  	[tilespmem:s7+$0xD0] =	vst v0;
	v0 =	vld [tilespmem:s7+$0xE0]  }
0x121: {  	v1 =	vadd.f32 v7, v1;
	v4 =	vld [tilespmem:s12+$0x1C60]  }
0x122: {  	v7 =	vld [tilespmem:s7+$0xFFFFFF60]  }
0x123: {  	v5 =	vadd.f32 v5, v6;
	[tilespmem:s7+$0xFFFFFFD0] =	vst v1;
	v1 =	vld [tilespmem:s7+$0xFFFFFFE0]  }
0x124: {  	v6 =	vld [tilespmem:s9+$0x1C60];
	v2 =	vadd.f32 v2, v3  }
0x125: {  	[tilespmem:s7+$0xFFFFFF50] =	vst v5;
	v3 =	vld [tilespmem:s7+$0x60]  }
0x126: {  	v8 =	vld [tilespmem:s8+$0x1C60];
	[tilespmem:s7+$0x50] =	vst v2;
	v0 =	vadd.f32 v4, v0  }
.Ltmp2:
0x127: {  	v5 =	vld [tilespmem:s3+$0x1C60];
	(pc) =	sbr.rel @p0 .LBB2_4-.Ltmp2, $4  }
0x128: {  	[tilespmem:s7+$0xE0] =	vst v0;
	v2 =	vld [tilespmem:s7+$0xF0]  }
0x129: {  	v1 =	vadd.f32 v6, v1;
	v4 =	vld [tilespmem:s12+$0x1C70]  }
0x12a: {  	v0 =	vld [tilespmem:s7+$0xFFFFFF70]  }
0x12b: {  	s11 =	sadd.s32 $0x4, s11;
	v6 =	vadd.f32 v8, v7;
	[tilespmem:s7+$0xFFFFFFE0] =	vst v1;
	v1 =	vld [tilespmem:s7+$0xFFFFFFF0]  }
.LBB2_5:
0x12c: {  	v7 =	vld [tilespmem:s9+$0x1C70];
	v3 =	vadd.f32 v5, v3  }
0x12d: {  	v5 =	vld [tilespmem:s7+$0x70];
	[tilespmem:s7+$0xFFFFFF60] =	vst v6  }
0x12e: {  	v6 =	vld [tilespmem:s8+$0x1C70];
	[tilespmem:s7+$0x60] =	vst v3  }
0x12f: {  	v3 =	vld [tilespmem:s3+$0x1C70];
	_ =	sdelay $0x1  }
0x130: {  	v2 =	vadd.f32 v4, v2  }
0x131: {  	v1 =	vadd.f32 v7, v1  }
0x132: {  	[tilespmem:s10+$0xF0] =	vst v2;
	v0 =	vadd.f32 v6, v0  }
0x133: {  	[tilespmem:s10+$0xFFFFFFF0] =	vst v1;
	v1 =	vadd.f32 v3, v5  }
0x134: {  	[tilespmem:s10+$0xFFFFFF70] =	vst v0  }
0x135: {  	[tilespmem:s10+$0x70] =	vst v1  }
0x136: {  	s24 =	rddreg [dreg:$0x7]  }
0x137: {  	[hbm4b:s24+s5] =	stream.linear.scatter [tilespmem:s25], [sflag:$0x6], $0x4000, $0x38;
	[tilespmem:$0x18000] =	vst v63  }
0x138: {  	s2 =	simm.s32 $0x180;
	s26 =	simm.s32 $0x14000;
	s29 =	simm.s32 $0x3  }
0x139: {  	[tilespmem:s26], [sflag:$0x4] =	stream.indirect.gather [hbm4b:s1+s17], $0x80, s2, s17, $0xb8;
	[tilespmem:$0x18000] =	vst v63  }
0x13a: {  	_ =	swait.ge [sflag:s29], $0x4000  }
0x13b: {  	[sflag:s29] =	ssyncset.done $0x0  }
0x13c: {  	s7 =	simm.s32 $0x10100;
	[sflag:s29] =	ssyncadd.s32 $0xFFFFC000  }
0x13d: {  	s3 =	simm.s32 $0x39F0;
	v0 =	vld [tilespmem:s7+$0x80]  }
0x13e: {  	v1 =	vld [tilespmem:s3+$0xFFFFFF90]  }
0x13f: {  	v2 =	vld [tilespmem:s7+$0xFFFFFF80]  }
0x140: {  	v3 =	vld [tilespmem:s3+$0xFFFFFE90]  }
0x141: {  	v4 =	vld [tilespmem:s7+$0x0]  }
0x142: {  	v5 =	vld [tilespmem:s3+$0xFFFFFF10]  }
0x143: {  	v6 =	vld [tilespmem:s7+$0xFFFFFF00];
	v0 =	vadd.f32 v1, v0  }
0x144: {  	v1 =	vld [tilespmem:s3+$0xFFFFFE10]  }
0x145: {  	[tilespmem:s7+$0x80] =	vst v0;
	v0 =	vld [tilespmem:s7+$0x90]  }
0x146: {  	v2 =	vadd.f32 v3, v2;
	v3 =	vld [tilespmem:s3+$0xFFFFFFA0]  }
0x147: {  	v7 =	vld [tilespmem:s7+$0xFFFFFF10]  }
0x148: {  	[tilespmem:s7+$0xFFFFFF80] =	vst v2;
	v2 =	vadd.f32 v5, v4;
	v4 =	vld [tilespmem:s7+$0xFFFFFF90]  }
0x149: {  	v5 =	vld [tilespmem:s3+$0xFFFFFEA0];
	v1 =	vadd.f32 v1, v6  }
0x14a: {  	[tilespmem:s7+$0x0] =	vst v2;
	v2 =	vld [tilespmem:s7+$0x10]  }
0x14b: {  	v6 =	vld [tilespmem:s3+$0xFFFFFF20];
	[tilespmem:s7+$0xFFFFFF00] =	vst v1;
	v0 =	vadd.f32 v3, v0  }
0x14c: {  	v1 =	vld [tilespmem:s3+$0xFFFFFE20]  }
0x14d: {  	[tilespmem:s7+$0x90] =	vst v0;
	v0 =	vld [tilespmem:s7+$0xA0]  }
0x14e: {  	v3 =	vadd.f32 v5, v4;
	v4 =	vld [tilespmem:s3+$0xFFFFFFB0]  }
0x14f: {  	v5 =	vld [tilespmem:s7+$0xFFFFFF20]  }
0x150: {  	[tilespmem:s7+$0xFFFFFF90] =	vst v3;
	v2 =	vadd.f32 v6, v2;
	v3 =	vld [tilespmem:s7+$0xFFFFFFA0]  }
0x151: {  	v6 =	vld [tilespmem:s3+$0xFFFFFEB0];
	v1 =	vadd.f32 v1, v7  }
0x152: {  	[tilespmem:s7+$0x10] =	vst v2;
	v2 =	vld [tilespmem:s7+$0x20]  }
0x153: {  	v7 =	vld [tilespmem:s3+$0xFFFFFF30];
	[tilespmem:s7+$0xFFFFFF10] =	vst v1;
	v0 =	vadd.f32 v4, v0  }
0x154: {  	v1 =	vld [tilespmem:s3+$0xFFFFFE30]  }
0x155: {  	[tilespmem:s7+$0xA0] =	vst v0;
	v0 =	vld [tilespmem:s7+$0xB0]  }
0x156: {  	v3 =	vadd.f32 v6, v3;
	v4 =	vld [tilespmem:s3+$0xFFFFFFC0]  }
0x157: {  	v6 =	vld [tilespmem:s7+$0xFFFFFF30]  }
0x158: {  	[tilespmem:s7+$0xFFFFFFA0] =	vst v3;
	v2 =	vadd.f32 v7, v2;
	v3 =	vld [tilespmem:s7+$0xFFFFFFB0]  }
0x159: {  	v7 =	vld [tilespmem:s3+$0xFFFFFEC0];
	v1 =	vadd.f32 v1, v5  }
0x15a: {  	[tilespmem:s7+$0x20] =	vst v2;
	v2 =	vld [tilespmem:s7+$0x30]  }
0x15b: {  	v5 =	vld [tilespmem:s3+$0xFFFFFF40];
	[tilespmem:s7+$0xFFFFFF20] =	vst v1;
	v0 =	vadd.f32 v4, v0  }
0x15c: {  	v1 =	vld [tilespmem:s3+$0xFFFFFE40]  }
0x15d: {  	[tilespmem:s7+$0xB0] =	vst v0;
	v0 =	vld [tilespmem:s7+$0xC0]  }
0x15e: {  	v3 =	vadd.f32 v7, v3;
	v4 =	vld [tilespmem:s3+$0xFFFFFFD0]  }
0x15f: {  	v7 =	vld [tilespmem:s7+$0xFFFFFF40]  }
0x160: {  	[tilespmem:s7+$0xFFFFFFB0] =	vst v3;
	v2 =	vadd.f32 v5, v2;
	v3 =	vld [tilespmem:s7+$0xFFFFFFC0]  }
0x161: {  	v5 =	vld [tilespmem:s3+$0xFFFFFED0];
	v1 =	vadd.f32 v1, v6  }
0x162: {  	[tilespmem:s7+$0x30] =	vst v2;
	v2 =	vld [tilespmem:s7+$0x40]  }
0x163: {  	v6 =	vld [tilespmem:s3+$0xFFFFFF50];
	[tilespmem:s7+$0xFFFFFF30] =	vst v1;
	v0 =	vadd.f32 v4, v0  }
0x164: {  	v1 =	vld [tilespmem:s3+$0xFFFFFE50]  }
0x165: {  	[tilespmem:s7+$0xC0] =	vst v0;
	v0 =	vld [tilespmem:s7+$0xD0]  }
0x166: {  	v3 =	vadd.f32 v5, v3;
	v4 =	vld [tilespmem:s3+$0xFFFFFFE0]  }
0x167: {  	v5 =	vld [tilespmem:s7+$0xFFFFFF50]  }
0x168: {  	[tilespmem:s7+$0xFFFFFFC0] =	vst v3;
	v2 =	vadd.f32 v6, v2;
	v3 =	vld [tilespmem:s7+$0xFFFFFFD0]  }
0x169: {  	v6 =	vld [tilespmem:s3+$0xFFFFFEE0];
	v1 =	vadd.f32 v1, v7  }
0x16a: {  	[tilespmem:s7+$0x40] =	vst v2;
	v2 =	vld [tilespmem:s7+$0x50]  }
0x16b: {  	v7 =	vld [tilespmem:s3+$0xFFFFFF60];
	[tilespmem:s7+$0xFFFFFF40] =	vst v1;
	v0 =	vadd.f32 v4, v0  }
0x16c: {  	v1 =	vld [tilespmem:s3+$0xFFFFFE60]  }
0x16d: {  	[tilespmem:s7+$0xD0] =	vst v0;
	v0 =	vld [tilespmem:s7+$0xE0]  }
0x16e: {  	v3 =	vadd.f32 v6, v3;
	v4 =	vld [tilespmem:s3+$0xFFFFFFF0]  }
0x16f: {  	v6 =	vld [tilespmem:s7+$0xFFFFFF60]  }
0x170: {  	[tilespmem:s7+$0xFFFFFFD0] =	vst v3;
	v2 =	vadd.f32 v7, v2;
	v3 =	vld [tilespmem:s7+$0xFFFFFFE0]  }
0x171: {  	v7 =	vld [tilespmem:s3+$0xFFFFFEF0];
	v1 =	vadd.f32 v1, v5  }
0x172: {  	[tilespmem:s7+$0x50] =	vst v2;
	v2 =	vld [tilespmem:s7+$0x60]  }
0x173: {  	v5 =	vld [tilespmem:s3+$0xFFFFFF70];
	[tilespmem:s7+$0xFFFFFF50] =	vst v1;
	v0 =	vadd.f32 v4, v0  }
0x174: {  	v4 =	vld [tilespmem:s3+$0xFFFFFE70]  }
0x175: {  	v8 =	vld [tilespmem:s7+$0xF0];
	[tilespmem:s7+$0xE0] =	vst v0  }
0x176: {  	v1 =	vadd.f32 v7, v3;
	v7 =	vld [tilespmem:s3+$0x0]  }
0x177: {  	v0 =	vld [tilespmem:s7+$0xFFFFFF70]  }
0x178: {  	[tilespmem:s7+$0xFFFFFFE0] =	vst v1;
	v2 =	vadd.f32 v5, v2;
	v1 =	vld [tilespmem:s7+$0xFFFFFFF0]  }
0x179: {  	v3 =	vld [tilespmem:s3+$0xFFFFFF00];
	v4 =	vadd.f32 v4, v6  }
0x17a: {  	[tilespmem:s7+$0x60] =	vst v2;
	v2 =	vld [tilespmem:s7+$0x70]  }
0x17b: {  	[tilespmem:s7+$0xFFFFFF60] =	vst v4;
	v4 =	vld [tilespmem:s3+$0xFFFFFF80];
	v6 =	vadd.f32 v7, v8  }
0x17c: {  	s9 =	simm.s32 $0x10300;
	s8 =	simm.s32 $0x0;
	v5 =	vld [tilespmem:s3+$0xFFFFFE80]  }
.LBB2_6:
0x17d: {  	v7 =	vld [tilespmem:s9+$0x80];
	[tilespmem:s7+$0xF0] =	vst v6;
	s3 =	sadd.s32 $0x200, s3  }
0x17e: {  	s8 =	sadd.s32 $0x4, s8;
	v6 =	vld [tilespmem:s3+$0xFFFFFF90];
	v1 =	vadd.f32 v3, v1  }
0x17f: {  	p0 =	slt.u32 s8, $0x7C;
	v3 =	vld [tilespmem:s3+$0xFFFFFE10]  }
0x180: {  	v8 =	vld [tilespmem:s9+$0xFFFFFF80];
	[tilespmem:s7+$0xFFFFFFF0] =	vst v1;
	v1 =	vadd.f32 v4, v2  }
0x181: {  	v2 =	vld [tilespmem:s3+$0xFFFFFE90];
	v0 =	vadd.f32 v5, v0  }
0x182: {  	v4 =	vld [tilespmem:s9+$0x0];
	[tilespmem:s7+$0x70] =	vst v1  }
0x183: {  	v1 =	vld [tilespmem:s3+$0xFFFFFF10];
	v5 =	vadd.f32 v6, v7;
	[tilespmem:s7+$0xFFFFFF70] =	vst v0;
	s7 =	smov.u32 s9  }
0x184: {  	v0 =	vld [tilespmem:s9+$0xFFFFFF00]  }
0x185: {  	[tilespmem:s9+$0x80] =	vst v5;
	v5 =	vld [tilespmem:s9+$0x90]  }
0x186: {  	v2 =	vadd.f32 v2, v8;
	v6 =	vld [tilespmem:s3+$0xFFFFFFA0]  }
0x187: {  	v7 =	vld [tilespmem:s9+$0xFFFFFF10]  }
0x188: {  	[tilespmem:s9+$0xFFFFFF80] =	vst v2;
	v2 =	vld [tilespmem:s9+$0xFFFFFF90];
	v1 =	vadd.f32 v1, v4  }
0x189: {  	v0 =	vadd.f32 v3, v0;
	v3 =	vld [tilespmem:s3+$0xFFFFFEA0]  }
0x18a: {  	[tilespmem:s9+$0x0] =	vst v1;
	v1 =	vld [tilespmem:s9+$0x10]  }
0x18b: {  	[tilespmem:s9+$0xFFFFFF00] =	vst v0;
	v0 =	vld [tilespmem:s3+$0xFFFFFF20];
	v4 =	vadd.f32 v6, v5  }
0x18c: {  	v5 =	vld [tilespmem:s3+$0xFFFFFE20]  }
0x18d: {  	[tilespmem:s9+$0x90] =	vst v4;
	v4 =	vld [tilespmem:s9+$0xA0]  }
0x18e: {  	v2 =	vadd.f32 v3, v2;
	v3 =	vld [tilespmem:s3+$0xFFFFFFB0]  }
0x18f: {  	v6 =	vld [tilespmem:s9+$0xFFFFFF20]  }
0x190: {  	[tilespmem:s9+$0xFFFFFF90] =	vst v2;
	v2 =	vld [tilespmem:s9+$0xFFFFFFA0];
	v0 =	vadd.f32 v0, v1  }
0x191: {  	v1 =	vadd.f32 v5, v7;
	v5 =	vld [tilespmem:s3+$0xFFFFFEB0]  }
0x192: {  	[tilespmem:s9+$0x10] =	vst v0;
	v0 =	vld [tilespmem:s9+$0x20]  }
0x193: {  	[tilespmem:s9+$0xFFFFFF10] =	vst v1;
	v1 =	vld [tilespmem:s3+$0xFFFFFF30];
	v3 =	vadd.f32 v3, v4  }
0x194: {  	v4 =	vld [tilespmem:s3+$0xFFFFFE30]  }
0x195: {  	[tilespmem:s9+$0xA0] =	vst v3;
	v3 =	vld [tilespmem:s9+$0xB0]  }
0x196: {  	v2 =	vadd.f32 v5, v2;
	v5 =	vld [tilespmem:s3+$0xFFFFFFC0]  }
0x197: {  	v7 =	vld [tilespmem:s9+$0xFFFFFF30]  }
0x198: {  	[tilespmem:s9+$0xFFFFFFA0] =	vst v2;
	v2 =	vld [tilespmem:s9+$0xFFFFFFB0];
	v0 =	vadd.f32 v1, v0  }
0x199: {  	v1 =	vadd.f32 v4, v6;
	v4 =	vld [tilespmem:s3+$0xFFFFFEC0]  }
0x19a: {  	[tilespmem:s9+$0x20] =	vst v0;
	v0 =	vld [tilespmem:s9+$0x30]  }
0x19b: {  	[tilespmem:s9+$0xFFFFFF20] =	vst v1;
	v1 =	vld [tilespmem:s3+$0xFFFFFF40];
	v3 =	vadd.f32 v5, v3  }
0x19c: {  	v5 =	vld [tilespmem:s3+$0xFFFFFE40]  }
0x19d: {  	[tilespmem:s9+$0xB0] =	vst v3;
	v3 =	vld [tilespmem:s9+$0xC0]  }
0x19e: {  	v2 =	vadd.f32 v4, v2;
	v4 =	vld [tilespmem:s3+$0xFFFFFFD0]  }
0x19f: {  	v6 =	vld [tilespmem:s9+$0xFFFFFF40]  }
0x1a0: {  	[tilespmem:s9+$0xFFFFFFB0] =	vst v2;
	v2 =	vld [tilespmem:s9+$0xFFFFFFC0];
	v0 =	vadd.f32 v1, v0  }
0x1a1: {  	v1 =	vadd.f32 v5, v7;
	v5 =	vld [tilespmem:s3+$0xFFFFFED0]  }
0x1a2: {  	[tilespmem:s9+$0x30] =	vst v0;
	v0 =	vld [tilespmem:s9+$0x40]  }
0x1a3: {  	[tilespmem:s9+$0xFFFFFF30] =	vst v1;
	v1 =	vld [tilespmem:s3+$0xFFFFFF50];
	v3 =	vadd.f32 v4, v3  }
0x1a4: {  	v4 =	vld [tilespmem:s3+$0xFFFFFE50]  }
0x1a5: {  	[tilespmem:s9+$0xC0] =	vst v3;
	v3 =	vld [tilespmem:s9+$0xD0]  }
0x1a6: {  	v2 =	vadd.f32 v5, v2;
	v5 =	vld [tilespmem:s3+$0xFFFFFFE0]  }
0x1a7: {  	v7 =	vld [tilespmem:s9+$0xFFFFFF50]  }
0x1a8: {  	[tilespmem:s9+$0xFFFFFFC0] =	vst v2;
	v2 =	vld [tilespmem:s9+$0xFFFFFFD0];
	v0 =	vadd.f32 v1, v0  }
0x1a9: {  	v1 =	vadd.f32 v4, v6;
	v4 =	vld [tilespmem:s3+$0xFFFFFEE0]  }
0x1aa: {  	[tilespmem:s9+$0x40] =	vst v0;
	v0 =	vld [tilespmem:s9+$0x50]  }
0x1ab: {  	[tilespmem:s9+$0xFFFFFF40] =	vst v1;
	v1 =	vld [tilespmem:s3+$0xFFFFFF60];
	v3 =	vadd.f32 v5, v3  }
0x1ac: {  	v5 =	vld [tilespmem:s3+$0xFFFFFE60]  }
0x1ad: {  	[tilespmem:s9+$0xD0] =	vst v3;
	v3 =	vld [tilespmem:s9+$0xE0]  }
0x1ae: {  	v2 =	vadd.f32 v4, v2;
	v4 =	vld [tilespmem:s3+$0xFFFFFFF0]  }
0x1af: {  	v6 =	vld [tilespmem:s9+$0xFFFFFF60]  }
0x1b0: {  	[tilespmem:s9+$0xFFFFFFD0] =	vst v2;
	v2 =	vld [tilespmem:s9+$0xFFFFFFE0];
	v0 =	vadd.f32 v1, v0  }
0x1b1: {  	v1 =	vadd.f32 v5, v7;
	v5 =	vld [tilespmem:s3+$0xFFFFFEF0]  }
0x1b2: {  	[tilespmem:s9+$0x50] =	vst v0;
	v7 =	vld [tilespmem:s9+$0x60]  }
0x1b3: {  	[tilespmem:s9+$0xFFFFFF50] =	vst v1;
	v8 =	vld [tilespmem:s3+$0xFFFFFF70];
	v0 =	vadd.f32 v4, v3  }
0x1b4: {  	v3 =	vld [tilespmem:s3+$0xFFFFFE70]  }
0x1b5: {  	[tilespmem:s9+$0xE0] =	vst v0;
	v9 =	vld [tilespmem:s9+$0xF0]  }
0x1b6: {  	v1 =	vadd.f32 v5, v2;
	v5 =	vld [tilespmem:s3+$0x0]  }
0x1b7: {  	v0 =	vld [tilespmem:s9+$0xFFFFFF70]  }
.Ltmp3:
0x1b8: {  	[tilespmem:s9+$0xFFFFFFE0] =	vst v1;
	v1 =	vld [tilespmem:s9+$0xFFFFFFF0];
	v2 =	vadd.f32 v8, v7;
	(pc) =	sbr.rel @p0 .LBB2_6-.Ltmp3, $4  }
0x1b9: {  	v4 =	vadd.f32 v3, v6;
	v3 =	vld [tilespmem:s3+$0xFFFFFF00]  }
0x1ba: {  	[tilespmem:s9+$0x60] =	vst v2;
	v2 =	vld [tilespmem:s9+$0x70]  }
0x1bb: {  	[tilespmem:s9+$0xFFFFFF60] =	vst v4;
	v4 =	vld [tilespmem:s3+$0xFFFFFF80];
	v6 =	vadd.f32 v5, v9  }
0x1bc: {  	s9 =	sadd.s32 $0x200, s9;
	v5 =	vld [tilespmem:s3+$0xFFFFFE80]  }
0x1bd: {  	_ =	sdelay $0x1  }
0x1be: {  	s2 =	simm.s32 $0x10000;
	s8 =	simm.s32 $0x0;
	v1 =	vadd.f32 v3, v1  }
0x1bf: {  	[tilespmem:s7+$0xF0] =	vst v6;
	s18 =	simm.s32 $0x200;
	s19 =	sor.u32 $0x183, s8;
	s9 =	sor.u32 $0x180, s8;
	v2 =	vadd.f32 v4, v2  }
0x1c0: {  	s12 =	sor.u32 $0x181, s8;
	s14 =	sor.u32 $0x182, s8;
	s10 =	sand.u32 $0xFFF8, s9;
	[tilespmem:s7+$0xFFFFFFF0] =	vst v1;
	v0 =	vadd.f32 v5, v0  }
0x1c1: {  	s22 =	sand.u32 $0xFFF8, s19;
	s13 =	sand.u32 $0xFFF8, s12;
	s10 =	sshrl.u32 s10, $0x3;
	[tilespmem:s7+$0x70] =	vst v2  }
0x1c2: {  	s15 =	sand.u32 $0xFFF8, s14;
	s10 =	smul.u32 $0x147B, s10;
	[tilespmem:s7+$0xFFFFFF70] =	vst v0;
	s7 =	sshrl.u32 s22, $0x3  }
0x1c3: {  	s13 =	sshrl.u32 s13, $0x3;
	s3 =	rddreg [dreg:$0x8];
	s11 =	smul.u32 $0x147B, s7  }
0x1c4: {  	[hbm4b:s3+s5] =	stream.linear.scatter [tilespmem:s2], [sflag:$0x7], $0x4000, $0x38;
	[tilespmem:$0x18000] =	vst v63  }
0x1c5: {  	s15 =	sshrl.u32 s15, $0x3;
	s13 =	smul.u32 $0x147B, s13;
	_ =	swait.ge [sflag:s28], $0x4000  }
0x1c6: {  	s26 =	smul.u32 $0x147B, s15;
	s11 =	sshrl.u32 s11, $0x11;
	[sflag:s28] =	ssyncset.done $0x0  }
0x1c7: {  	s21 =	simm.s32 $0x4;
	s11 =	smul.u32 $0xC8, s11;
	[sflag:s28] =	ssyncadd.s32 $0xFFFFC000  }
0x1c8: {  	[tilespmem:s30], [sflag:$0x1] =	stream.indirect.gather [hbm4b:s1+s17], $0x80, s18, s17, $0xb8;
	[tilespmem:$0x18000] =	vst v63  }
0x1c9: {  	s10 =	sshrl.u32 s10, $0x11;
	s24 =	sshrl.u32 s13, $0x11;
	_ =	swait.ge [sflag:s21], $0x4000  }
0x1ca: {  	s10 =	smul.u32 $0xC8, s10;
	s3 =	ssub.s32 s19, s11;
	[sflag:s21] =	ssyncset.done $0x0  }
0x1cb: {  	s7 =	simm.s32 $0x14100;
	s3 =	sand.u32 $0xFFFF, s3;
	[sflag:s21] =	ssyncadd.s32 $0xFFFFC000  }
0x1cc: {  	s10 =	ssub.s32 s9, s10;
	s11 =	smul.u32 $0xC8, s24;
	s9 =	sshll.u32 s3, $0x7;
	v0 =	vld [tilespmem:s7+$0x80]  }
0x1cd: {  	s29 =	sshrl.u32 s26, $0x11;
	s10 =	sand.u32 $0xFFFF, s10;
	v1 =	vld [tilespmem:s9+$0x1C00]  }
0x1ce: {  	s10 =	sshll.u32 s10, $0x7;
	s3 =	smul.u32 $0xC8, s29;
	s11 =	ssub.s32 s12, s11;
	v2 =	vld [tilespmem:s7+$0xFFFFFF00]  }
0x1cf: {  	s11 =	sand.u32 $0xFFFF, s11;
	v3 =	vld [tilespmem:s10+$0x1C00]  }
0x1d0: {  	s3 =	ssub.s32 s14, s3;
	v4 =	vld [tilespmem:s7+$0xFFFFFF80];
	s11 =	sshll.u32 s11, $0x7  }
0x1d1: {  	s3 =	sand.u32 $0xFFFF, s3;
	v5 =	vld [tilespmem:s11+$0x1C00]  }
0x1d2: {  	v6 =	vld [tilespmem:s7+$0x0];
	s3 =	sshll.u32 s3, $0x7;
	v0 =	vadd.f32 v1, v0  }
0x1d3: {  	v1 =	vld [tilespmem:s3+$0x1C00]  }
0x1d4: {  	v2 =	vadd.f32 v3, v2;
	[tilespmem:s7+$0x80] =	vst v0;
	v0 =	vld [tilespmem:s7+$0x90]  }
0x1d5: {  	v3 =	vld [tilespmem:s9+$0x1C10]  }
0x1d6: {  	[tilespmem:s7+$0xFFFFFF00] =	vst v2;
	v2 =	vadd.f32 v5, v4;
	v4 =	vld [tilespmem:s7+$0xFFFFFF10]  }
0x1d7: {  	v5 =	vld [tilespmem:s10+$0x1C10]  }
0x1d8: {  	[tilespmem:s7+$0xFFFFFF80] =	vst v2;
	v2 =	vld [tilespmem:s7+$0xFFFFFF90];
	v1 =	vadd.f32 v1, v6  }
0x1d9: {  	v6 =	vld [tilespmem:s11+$0x1C10]  }
0x1da: {  	[tilespmem:s7+$0x0] =	vst v1;
	v1 =	vld [tilespmem:s7+$0x10];
	v0 =	vadd.f32 v3, v0  }
0x1db: {  	v3 =	vld [tilespmem:s3+$0x1C10]  }
0x1dc: {  	v4 =	vadd.f32 v5, v4;
	[tilespmem:s7+$0x90] =	vst v0;
	v0 =	vld [tilespmem:s7+$0xA0]  }
0x1dd: {  	v5 =	vld [tilespmem:s9+$0x1C20]  }
0x1de: {  	[tilespmem:s7+$0xFFFFFF10] =	vst v4;
	v2 =	vadd.f32 v6, v2;
	v4 =	vld [tilespmem:s7+$0xFFFFFF20]  }
0x1df: {  	v6 =	vld [tilespmem:s10+$0x1C20]  }
0x1e0: {  	[tilespmem:s7+$0xFFFFFF90] =	vst v2;
	v2 =	vld [tilespmem:s7+$0xFFFFFFA0];
	v1 =	vadd.f32 v3, v1  }
0x1e1: {  	v3 =	vld [tilespmem:s11+$0x1C20]  }
0x1e2: {  	[tilespmem:s7+$0x10] =	vst v1;
	v1 =	vld [tilespmem:s7+$0x20];
	v0 =	vadd.f32 v5, v0  }
0x1e3: {  	v5 =	vld [tilespmem:s3+$0x1C20]  }
0x1e4: {  	v4 =	vadd.f32 v6, v4;
	[tilespmem:s7+$0xA0] =	vst v0;
	v0 =	vld [tilespmem:s7+$0xB0]  }
0x1e5: {  	v6 =	vld [tilespmem:s9+$0x1C30]  }
0x1e6: {  	[tilespmem:s7+$0xFFFFFF20] =	vst v4;
	v2 =	vadd.f32 v3, v2;
	v3 =	vld [tilespmem:s7+$0xFFFFFF30]  }
0x1e7: {  	v4 =	vld [tilespmem:s10+$0x1C30]  }
0x1e8: {  	[tilespmem:s7+$0xFFFFFFA0] =	vst v2;
	v2 =	vld [tilespmem:s7+$0xFFFFFFB0];
	v1 =	vadd.f32 v5, v1  }
0x1e9: {  	v5 =	vld [tilespmem:s11+$0x1C30]  }
0x1ea: {  	[tilespmem:s7+$0x20] =	vst v1;
	v1 =	vld [tilespmem:s7+$0x30];
	v0 =	vadd.f32 v6, v0  }
0x1eb: {  	v6 =	vld [tilespmem:s3+$0x1C30]  }
0x1ec: {  	v3 =	vadd.f32 v4, v3;
	[tilespmem:s7+$0xB0] =	vst v0;
	v0 =	vld [tilespmem:s7+$0xC0]  }
0x1ed: {  	v4 =	vld [tilespmem:s9+$0x1C40]  }
0x1ee: {  	[tilespmem:s7+$0xFFFFFF30] =	vst v3;
	v2 =	vadd.f32 v5, v2;
	v3 =	vld [tilespmem:s7+$0xFFFFFF40]  }
0x1ef: {  	v5 =	vld [tilespmem:s10+$0x1C40]  }
0x1f0: {  	[tilespmem:s7+$0xFFFFFFB0] =	vst v2;
	v2 =	vld [tilespmem:s7+$0xFFFFFFC0];
	v1 =	vadd.f32 v6, v1  }
0x1f1: {  	v6 =	vld [tilespmem:s11+$0x1C40]  }
0x1f2: {  	[tilespmem:s7+$0x30] =	vst v1;
	v1 =	vld [tilespmem:s7+$0x40];
	v0 =	vadd.f32 v4, v0  }
0x1f3: {  	v4 =	vld [tilespmem:s3+$0x1C40]  }
0x1f4: {  	v3 =	vadd.f32 v5, v3;
	[tilespmem:s7+$0xC0] =	vst v0;
	v0 =	vld [tilespmem:s7+$0xD0]  }
0x1f5: {  	v5 =	vld [tilespmem:s9+$0x1C50]  }
0x1f6: {  	[tilespmem:s7+$0xFFFFFF40] =	vst v3;
	v2 =	vadd.f32 v6, v2;
	v3 =	vld [tilespmem:s7+$0xFFFFFF50]  }
0x1f7: {  	v6 =	vld [tilespmem:s10+$0x1C50]  }
0x1f8: {  	v7 =	vld [tilespmem:s7+$0xFFFFFFD0];
	[tilespmem:s7+$0xFFFFFFC0] =	vst v2;
	v1 =	vadd.f32 v4, v1  }
0x1f9: {  	v8 =	vld [tilespmem:s11+$0x1C50]  }
0x1fa: {  	[tilespmem:s7+$0x40] =	vst v1;
	v0 =	vadd.f32 v5, v0;
	v5 =	vld [tilespmem:s7+$0x50]  }
0x1fb: {  	v9 =	vld [tilespmem:s3+$0x1C50]  }
0x1fc: {  	v2 =	vld [tilespmem:s7+$0xE0];
	v1 =	vadd.f32 v6, v3;
	[tilespmem:s7+$0xD0] =	vst v0  }
0x1fd: {  	v4 =	vld [tilespmem:s9+$0x1C60]  }
0x1fe: {  	[tilespmem:s7+$0xFFFFFF50] =	vst v1;
	v0 =	vadd.f32 v8, v7;
	v1 =	vld [tilespmem:s7+$0xFFFFFF60]  }
0x1ff: {  	v3 =	vld [tilespmem:s10+$0x1C60]  }
0x200: {  	s12 =	simm.s32 $0x14100;
	[tilespmem:s7+$0xFFFFFFD0] =	vst v0;
	v0 =	vld [tilespmem:s7+$0xFFFFFFE0];
	v5 =	vadd.f32 v9, v5  }
.LBB2_8:
0x201: {  	s8 =	sadd.s32 $0x4, s8;
	v6 =	vld [tilespmem:s11+$0x1C60]  }
0x202: {  	s15 =	sor.u32 $0x180, s8;
	s13 =	sor.u32 $0x181, s8;
	s16 =	sor.u32 $0x183, s8;
	[tilespmem:s7+$0x50] =	vst v5;
	v5 =	vld [tilespmem:s7+$0x60];
	v2 =	vadd.f32 v4, v2  }
0x203: {  	s14 =	sor.u32 $0x182, s8;
	s18 =	sand.u32 $0xFFF8, s15;
	s19 =	sand.u32 $0xFFF8, s16;
	v4 =	vld [tilespmem:s3+$0x1C60]  }
0x204: {  	s21 =	sand.u32 $0xFFF8, s13;
	s22 =	sand.u32 $0xFFF8, s14;
	s19 =	sshrl.u32 s19, $0x3;
	v1 =	vadd.f32 v3, v1;
	[tilespmem:s7+$0xE0] =	vst v2;
	v2 =	vld [tilespmem:s7+$0xF0]  }
0x205: {  	s18 =	sshrl.u32 s18, $0x3;
	s21 =	sshrl.u32 s21, $0x3;
	s19 =	smul.u32 $0x147B, s19;
	v3 =	vld [tilespmem:s9+$0x1C70]  }
0x206: {  	p0 =	slt.u32 s8, $0x7C;
	s9 =	smul.u32 $0x147B, s18;
	s18 =	sshrl.u32 s22, $0x3;
	[tilespmem:s7+$0xFFFFFF60] =	vst v1;
	v1 =	vld [tilespmem:s7+$0xFFFFFF70];
	v0 =	vadd.f32 v6, v0  }
0x207: {  	s21 =	smul.u32 $0x147B, s21;
	s19 =	sshrl.u32 s19, $0x11;
	v6 =	vld [tilespmem:s10+$0x1C70]  }
0x208: {  	s9 =	sshrl.u32 s9, $0x11;
	s10 =	smul.u32 $0xC8, s19;
	[tilespmem:s7+$0xFFFFFFE0] =	vst v0;
	v0 =	vld [tilespmem:s7+$0xFFFFFFF0];
	v4 =	vadd.f32 v4, v5  }
0x209: {  	s18 =	smul.u32 $0x147B, s18;
	s19 =	sshrl.u32 s21, $0x11;
	v5 =	vld [tilespmem:s11+$0x1C70]  }
0x20a: {  	s9 =	smul.u32 $0xC8, s9;
	s10 =	ssub.s32 s16, s10;
	[tilespmem:s7+$0x60] =	vst v4;
	v4 =	vld [tilespmem:s7+$0x70];
	v2 =	vadd.f32 v3, v2  }
0x20b: {  	s11 =	sshrl.u32 s18, $0x11;
	s7 =	sadd.s32 $0x200, s7;
	s10 =	sand.u32 $0xFFFF, s10;
	v3 =	vld [tilespmem:s3+$0x1C70]  }
0x20c: {  	s3 =	ssub.s32 s15, s9;
	s15 =	smul.u32 $0xC8, s19;
	v7 =	vld [tilespmem:s7+$0x80];
	s9 =	sshll.u32 s10, $0x7;
	v1 =	vadd.f32 v6, v1;
	[tilespmem:s12+$0xF0] =	vst v2  }
0x20d: {  	s11 =	smul.u32 $0xC8, s11;
	s3 =	sand.u32 $0xFFFF, s3;
	v2 =	vld [tilespmem:s9+$0x1C00]  }
0x20e: {  	s10 =	sshll.u32 s3, $0x7;
	s3 =	ssub.s32 s13, s15;
	v6 =	vld [tilespmem:s7+$0xFFFFFF00];
	[tilespmem:s12+$0xFFFFFF70] =	vst v1;
	v0 =	vadd.f32 v5, v0  }
0x20f: {  	s13 =	ssub.s32 s14, s11;
	s3 =	sand.u32 $0xFFFF, s3;
	v1 =	vld [tilespmem:s10+$0x1C00]  }
0x210: {  	s11 =	sshll.u32 s3, $0x7;
	s3 =	sand.u32 $0xFFFF, s13;
	v5 =	vld [tilespmem:s7+$0xFFFFFF80];
	[tilespmem:s12+$0xFFFFFFF0] =	vst v0;
	v0 =	vadd.f32 v3, v4  }
0x211: {  	s3 =	sshll.u32 s3, $0x7;
	v3 =	vld [tilespmem:s11+$0x1C00]  }
0x212: {  	v4 =	vld [tilespmem:s3+$0x1C00];
	v2 =	vadd.f32 v2, v7;
	[tilespmem:s12+$0x70] =	vst v0;
	s12 =	smov.u32 s7  }
0x213: {  	v0 =	vld [tilespmem:s7+$0x0]  }
0x214: {  	v1 =	vadd.f32 v1, v6;
	[tilespmem:s7+$0x80] =	vst v2;
	v2 =	vld [tilespmem:s7+$0x90]  }
0x215: {  	v6 =	vld [tilespmem:s9+$0x1C10]  }
0x216: {  	[tilespmem:s7+$0xFFFFFF00] =	vst v1;
	v1 =	vld [tilespmem:s7+$0xFFFFFF10];
	v3 =	vadd.f32 v3, v5  }
0x217: {  	v5 =	vld [tilespmem:s10+$0x1C10]  }
0x218: {  	[tilespmem:s7+$0xFFFFFF80] =	vst v3;
	v3 =	vld [tilespmem:s7+$0xFFFFFF90];
	v0 =	vadd.f32 v4, v0  }
0x219: {  	v4 =	vld [tilespmem:s11+$0x1C10]  }
0x21a: {  	[tilespmem:s7+$0x0] =	vst v0;
	v0 =	vld [tilespmem:s7+$0x10];
	v2 =	vadd.f32 v6, v2  }
0x21b: {  	v6 =	vld [tilespmem:s3+$0x1C10]  }
0x21c: {  	v1 =	vadd.f32 v5, v1;
	[tilespmem:s7+$0x90] =	vst v2;
	v2 =	vld [tilespmem:s7+$0xA0]  }
0x21d: {  	v5 =	vld [tilespmem:s9+$0x1C20]  }
0x21e: {  	[tilespmem:s7+$0xFFFFFF10] =	vst v1;
	v1 =	vld [tilespmem:s7+$0xFFFFFF20];
	v3 =	vadd.f32 v4, v3  }
0x21f: {  	v4 =	vld [tilespmem:s10+$0x1C20]  }
0x220: {  	[tilespmem:s7+$0xFFFFFF90] =	vst v3;
	v3 =	vld [tilespmem:s7+$0xFFFFFFA0];
	v0 =	vadd.f32 v6, v0  }
0x221: {  	v6 =	vld [tilespmem:s11+$0x1C20]  }
0x222: {  	[tilespmem:s7+$0x10] =	vst v0;
	v0 =	vld [tilespmem:s7+$0x20];
	v2 =	vadd.f32 v5, v2  }
0x223: {  	v5 =	vld [tilespmem:s3+$0x1C20]  }
0x224: {  	v1 =	vadd.f32 v4, v1;
	[tilespmem:s7+$0xA0] =	vst v2;
	v2 =	vld [tilespmem:s7+$0xB0]  }
0x225: {  	v4 =	vld [tilespmem:s9+$0x1C30]  }
0x226: {  	[tilespmem:s7+$0xFFFFFF20] =	vst v1;
	v1 =	vld [tilespmem:s7+$0xFFFFFF30];
	v3 =	vadd.f32 v6, v3  }
0x227: {  	v6 =	vld [tilespmem:s10+$0x1C30]  }
0x228: {  	[tilespmem:s7+$0xFFFFFFA0] =	vst v3;
	v3 =	vld [tilespmem:s7+$0xFFFFFFB0];
	v0 =	vadd.f32 v5, v0  }
0x229: {  	v5 =	vld [tilespmem:s11+$0x1C30]  }
0x22a: {  	[tilespmem:s7+$0x20] =	vst v0;
	v0 =	vld [tilespmem:s7+$0x30];
	v2 =	vadd.f32 v4, v2  }
0x22b: {  	v4 =	vld [tilespmem:s3+$0x1C30]  }
0x22c: {  	v1 =	vadd.f32 v6, v1;
	[tilespmem:s7+$0xB0] =	vst v2;
	v2 =	vld [tilespmem:s7+$0xC0]  }
0x22d: {  	v6 =	vld [tilespmem:s9+$0x1C40]  }
0x22e: {  	[tilespmem:s7+$0xFFFFFF30] =	vst v1;
	v1 =	vld [tilespmem:s7+$0xFFFFFF40];
	v3 =	vadd.f32 v5, v3  }
0x22f: {  	v5 =	vld [tilespmem:s10+$0x1C40]  }
0x230: {  	[tilespmem:s7+$0xFFFFFFB0] =	vst v3;
	v3 =	vld [tilespmem:s7+$0xFFFFFFC0];
	v0 =	vadd.f32 v4, v0  }
0x231: {  	v4 =	vld [tilespmem:s11+$0x1C40]  }
0x232: {  	[tilespmem:s7+$0x30] =	vst v0;
	v0 =	vld [tilespmem:s7+$0x40];
	v2 =	vadd.f32 v6, v2  }
0x233: {  	v6 =	vld [tilespmem:s3+$0x1C40]  }
0x234: {  	v1 =	vadd.f32 v5, v1;
	[tilespmem:s7+$0xC0] =	vst v2;
	v2 =	vld [tilespmem:s7+$0xD0]  }
0x235: {  	v5 =	vld [tilespmem:s9+$0x1C50]  }
0x236: {  	[tilespmem:s7+$0xFFFFFF40] =	vst v1;
	v1 =	vld [tilespmem:s7+$0xFFFFFF50];
	v3 =	vadd.f32 v4, v3  }
0x237: {  	v4 =	vld [tilespmem:s10+$0x1C50]  }
0x238: {  	[tilespmem:s7+$0xFFFFFFC0] =	vst v3;
	v3 =	vld [tilespmem:s7+$0xFFFFFFD0];
	v0 =	vadd.f32 v6, v0  }
0x239: {  	v6 =	vld [tilespmem:s11+$0x1C50]  }
0x23a: {  	[tilespmem:s7+$0x40] =	vst v0;
	v7 =	vld [tilespmem:s7+$0x50];
	v0 =	vadd.f32 v5, v2  }
0x23b: {  	v5 =	vld [tilespmem:s3+$0x1C50]  }
.Ltmp4:
0x23c: {  	v1 =	vadd.f32 v4, v1;
	[tilespmem:s7+$0xD0] =	vst v0;
	v2 =	vld [tilespmem:s7+$0xE0];
	(pc) =	sbr.rel @p0 .LBB2_8-.Ltmp4, $4  }
0x23d: {  	v4 =	vld [tilespmem:s9+$0x1C60]  }
0x23e: {  	[tilespmem:s7+$0xFFFFFF50] =	vst v1;
	v1 =	vld [tilespmem:s7+$0xFFFFFF60];
	v0 =	vadd.f32 v6, v3  }
0x23f: {  	v3 =	vld [tilespmem:s10+$0x1C60]  }
0x240: {  	[tilespmem:s7+$0xFFFFFFD0] =	vst v0;
	v0 =	vld [tilespmem:s7+$0xFFFFFFE0];
	v5 =	vadd.f32 v5, v7  }
0x241: {  	v6 =	vld [tilespmem:s11+$0x1C60]  }
0x242: {  	v53 =	vld [tilespmem:s7+$0x60];
	[tilespmem:s7+$0x50] =	vst v5  }
0x243: {  	v54 =	vld [tilespmem:s3+$0x1C60]  }
0x244: {  	v55 =	vld [tilespmem:s7+$0xF0]  }
0x245: {  	v57 =	vld [tilespmem:s7+$0xFFFFFF70];
	v2 =	vadd.f32 v4, v2  }
0x246: {  	v60 =	vld [tilespmem:s7+$0xFFFFFFF0];
	v1 =	vadd.f32 v3, v1  }
0x247: {  	v62 =	vld [tilespmem:s7+$0x70];
	[tilespmem:s7+$0xE0] =	vst v2;
	v0 =	vadd.f32 v6, v0  }
0x248: {  	v56 =	vld [tilespmem:s9+$0x1C70];
	[tilespmem:s7+$0xFFFFFF60] =	vst v1;
	v59 =	vadd.f32 v54, v53  }
0x249: {  	v58 =	vld [tilespmem:s10+$0x1C70];
	[tilespmem:s7+$0xFFFFFFE0] =	vst v0  }
0x24a: {  	v61 =	vld [tilespmem:s11+$0x1C70];
	[tilespmem:s7+$0x60] =	vst v59  }
0x24b: {  	v7 =	vld [tilespmem:s3+$0x1C70];
	_ =	sdelay $0x1  }
0x24c: {  	v2 =	vadd.f32 v56, v55  }
0x24d: {  	v1 =	vadd.f32 v58, v57  }
0x24e: {  	[tilespmem:s12+$0xF0] =	vst v2;
	v63 =	vadd.f32 v61, v60  }
0x24f: {  	[tilespmem:s12+$0xFFFFFF70] =	vst v1;
	v0 =	vadd.f32 v7, v62  }
0x250: {  	[tilespmem:s12+$0xFFFFFFF0] =	vst v63  }
0x251: {  	s16 =	simm.s32 $0x0;
	s2 =	simm.s32 $0x14000;
	[tilespmem:s12+$0x70] =	vst v0  }
0x252: {  	s21 =	simm.s32 $0x280;
	s24 =	simm.s32 $0x11DF0;
	s26 =	rddreg [dreg:$0x9]  }
0x253: {  	[hbm4b:s26+s16] =	stream.linear.scatter [tilespmem:s2], [sflag:$0x8], $0x4000, $0x38;
	[tilespmem:$0x18000] =	vst v63  }
0x254: {  	s29 =	simm.s32 $0x200;
	s9 =	simm.s32 $0x19DF0;
	_ =	swait.ge [sflag:s31], $0x4000  }
0x255: {  	s10 =	simm.s32 $0x300;
	s11 =	simm.s32 $0x1DDF0;
	[sflag:s31] =	ssyncset.done $0x0  }
0x256: {  	s12 =	simm.s32 $0x380;
	s26 =	simm.s32 $0x15DF0;
	[sflag:s31] =	ssyncadd.s32 $0xFFFFC000  }
0x257: {  	[tilespmem:s25], [sflag:$0x2] =	stream.indirect.gather [hbm4b:s1+s17], $0x80, s21, s17, $0xb8;
	[tilespmem:$0x18000] =	vst v63  }
.LBB2_10:
0x258: {  	s3 =	simm.s32 $0x7  }
0x259: {  	s25 =	smulhi.u32 $0x51EB851F, s29;
	_ =	swait.ge [sflag:s3], $0x4000  }
0x25a: {  	s7 =	sshll.u32 s16, $0x9;
	s8 =	simm.s32 $0x10000;
	[sflag:s3] =	ssyncset.done $0x0  }
0x25b: {  	s13 =	sadd.s32 $0x300, s7;
	[sflag:s3] =	ssyncadd.s32 $0xFFFFC000;
	s3 =	sshrl.u32 s25, $0x6  }
0x25c: {  	[tilespmem:s8], [sflag:$0x3] =	stream.indirect.gather [hbm4b:s1+s17], $0x80, s13, s17, $0xb8;
	[tilespmem:$0x18000] =	vst v63  }
0x25d: {  	s3 =	smul.u32 $0xFFFE7000, s3;
	_ =	swait.ge [sflag:s20], $0x4000  }
0x25e: {  	[sflag:s20] =	ssyncset.done $0x0  }
0x25f: {  	s14 =	simm.s32 $0x8100;
	s3 =	sshra.s32 s3, $0x2;
	[sflag:s20] =	ssyncadd.s32 $0xFFFFC000  }
0x260: {  	s15 =	sadd.s32 s3, s24;
	v0 =	vld [tilespmem:s14+$0x80]  }
0x261: {  	v1 =	vld [tilespmem:s15+$0xFFFFFF90]  }
0x262: {  	v2 =	vld [tilespmem:s15+$0xFFFFFE10]  }
0x263: {  	v5 =	vld [tilespmem:s14+$0xFFFFFF00]  }
0x264: {  	v3 =	vld [tilespmem:s15+$0xFFFFFE90]  }
0x265: {  	v4 =	vld [tilespmem:s15+$0xFFFFFF10]  }
0x266: {  	v6 =	vld [tilespmem:s14+$0x0]  }
0x267: {  	v0 =	vadd.f32 v1, v0;
	v1 =	vld [tilespmem:s14+$0xFFFFFF80]  }
0x268: {  	v2 =	vadd.f32 v2, v5;
	v5 =	vld [tilespmem:s14+$0xFFFFFF10]  }
0x269: {  	[tilespmem:s14+$0x80] =	vst v0;
	v0 =	vld [tilespmem:s14+$0x90]  }
0x26a: {  	[tilespmem:s14+$0xFFFFFF00] =	vst v2;
	v7 =	vld [tilespmem:s15+$0xFFFFFFA0]  }
0x26b: {  	v2 =	vadd.f32 v4, v6;
	v6 =	vld [tilespmem:s15+$0xFFFFFE20]  }
0x26c: {  	v4 =	vld [tilespmem:s14+$0x10];
	v1 =	vadd.f32 v3, v1  }
0x26d: {  	[tilespmem:s14+$0x0] =	vst v2;
	v3 =	vld [tilespmem:s14+$0xFFFFFF90]  }
0x26e: {  	v2 =	vld [tilespmem:s15+$0xFFFFFF20];
	[tilespmem:s14+$0xFFFFFF80] =	vst v1  }
0x26f: {  	v0 =	vadd.f32 v7, v0;
	v1 =	vld [tilespmem:s15+$0xFFFFFEA0]  }
0x270: {  	v5 =	vadd.f32 v6, v5;
	v6 =	vld [tilespmem:s14+$0xFFFFFF20]  }
0x271: {  	[tilespmem:s14+$0x90] =	vst v0;
	v0 =	vld [tilespmem:s14+$0xA0]  }
0x272: {  	[tilespmem:s14+$0xFFFFFF10] =	vst v5;
	v7 =	vld [tilespmem:s15+$0xFFFFFFB0]  }
0x273: {  	v2 =	vadd.f32 v2, v4;
	v5 =	vld [tilespmem:s15+$0xFFFFFE30]  }
0x274: {  	v4 =	vld [tilespmem:s14+$0x20];
	v1 =	vadd.f32 v1, v3  }
0x275: {  	[tilespmem:s14+$0x10] =	vst v2;
	v3 =	vld [tilespmem:s14+$0xFFFFFFA0]  }
0x276: {  	v2 =	vld [tilespmem:s15+$0xFFFFFF30];
	[tilespmem:s14+$0xFFFFFF90] =	vst v1  }
0x277: {  	v0 =	vadd.f32 v7, v0;
	v1 =	vld [tilespmem:s15+$0xFFFFFEB0]  }
0x278: {  	v5 =	vadd.f32 v5, v6;
	v6 =	vld [tilespmem:s14+$0xFFFFFF30]  }
0x279: {  	[tilespmem:s14+$0xA0] =	vst v0;
	v0 =	vld [tilespmem:s14+$0xB0]  }
0x27a: {  	[tilespmem:s14+$0xFFFFFF20] =	vst v5;
	v7 =	vld [tilespmem:s15+$0xFFFFFFC0]  }
0x27b: {  	v2 =	vadd.f32 v2, v4;
	v5 =	vld [tilespmem:s15+$0xFFFFFE40]  }
0x27c: {  	v4 =	vld [tilespmem:s14+$0x30];
	v1 =	vadd.f32 v1, v3  }
0x27d: {  	[tilespmem:s14+$0x20] =	vst v2;
	v3 =	vld [tilespmem:s14+$0xFFFFFFB0]  }
0x27e: {  	v2 =	vld [tilespmem:s15+$0xFFFFFF40];
	[tilespmem:s14+$0xFFFFFFA0] =	vst v1  }
0x27f: {  	v0 =	vadd.f32 v7, v0;
	v1 =	vld [tilespmem:s15+$0xFFFFFEC0]  }
0x280: {  	v5 =	vadd.f32 v5, v6;
	v6 =	vld [tilespmem:s14+$0xFFFFFF40]  }
0x281: {  	[tilespmem:s14+$0xB0] =	vst v0;
	v0 =	vld [tilespmem:s14+$0xC0]  }
0x282: {  	v7 =	vld [tilespmem:s15+$0xFFFFFFD0]  }
0x283: {  	[tilespmem:s14+$0xFFFFFF30] =	vst v5;
	v2 =	vadd.f32 v2, v4;
	v4 =	vld [tilespmem:s14+$0x40]  }
0x284: {  	v5 =	vld [tilespmem:s15+$0xFFFFFE50];
	v1 =	vadd.f32 v1, v3  }
0x285: {  	[tilespmem:s14+$0x30] =	vst v2;
	v3 =	vld [tilespmem:s14+$0xFFFFFFC0]  }
0x286: {  	v2 =	vld [tilespmem:s15+$0xFFFFFF50];
	[tilespmem:s14+$0xFFFFFFB0] =	vst v1  }
0x287: {  	v0 =	vadd.f32 v7, v0;
	v1 =	vld [tilespmem:s15+$0xFFFFFED0];
	_ =	sdelay $0x1  }
0x288: {  	[tilespmem:s14+$0xC0] =	vst v0;
	v0 =	vld [tilespmem:s14+$0xD0]  }
0x289: {  	v5 =	vadd.f32 v5, v6;
	v7 =	vld [tilespmem:s15+$0xFFFFFFE0]  }
0x28a: {  	v6 =	vld [tilespmem:s14+$0xFFFFFF50]  }
0x28b: {  	[tilespmem:s14+$0xFFFFFF40] =	vst v5;
	v2 =	vadd.f32 v2, v4;
	v4 =	vld [tilespmem:s14+$0x50];
	v1 =	vadd.f32 v1, v3  }
0x28c: {  	v5 =	vld [tilespmem:s15+$0xFFFFFE60]  }
0x28d: {  	v3 =	vld [tilespmem:s14+$0xFFFFFFD0];
	[tilespmem:s14+$0xFFFFFFC0] =	vst v1  }
0x28e: {  	[tilespmem:s14+$0x40] =	vst v2;
	v0 =	vadd.f32 v7, v0;
	v1 =	vld [tilespmem:s15+$0xFFFFFEE0]  }
0x28f: {  	v7 =	vld [tilespmem:s15+$0xFFFFFF60]  }
0x290: {  	v8 =	vld [tilespmem:s14+$0xE0];
	[tilespmem:s14+$0xD0] =	vst v0  }
0x291: {  	v0 =	vadd.f32 v5, v6;
	v9 =	vld [tilespmem:s15+$0xFFFFFFF0]  }
0x292: {  	v2 =	vld [tilespmem:s14+$0xFFFFFF60]  }
0x293: {  	[tilespmem:s14+$0xFFFFFF50] =	vst v0;
	v0 =	vld [tilespmem:s14+$0x60];
	v3 =	vadd.f32 v1, v3  }
0x294: {  	v1 =	vld [tilespmem:s14+$0xFFFFFFE0];
	v4 =	vadd.f32 v7, v4  }
0x295: {  	v6 =	vld [tilespmem:s15+$0xFFFFFE70];
	[tilespmem:s14+$0xFFFFFFD0] =	vst v3  }
0x296: {  	[tilespmem:s14+$0x50] =	vst v4;
	v3 =	vadd.f32 v9, v8;
	v7 =	vld [tilespmem:s15+$0xFFFFFEF0]  }
0x297: {  	v5 =	vld [tilespmem:s15+$0xFFFFFF70]  }
0x298: {  	s2 =	simm.s32 $0xC000;
	s18 =	sadd.s32 $0x4, s29;
	s19 =	smov.u32 s24;
	[tilespmem:s14+$0xE0] =	vst v3;
	v3 =	vld [tilespmem:s14+$0xF0]  }
0x299: {  	s22 =	simm.s32 $0x8100;
	s25 =	simm.s32 $0x0;
	s3 =	sadd.s32 $0x200, s7;
	v4 =	vld [tilespmem:s15+$0x0]  }
.LBB2_11:
0x29a: {  	s8 =	smulhi.u32 $0x51EB851F, s18;
	s25 =	sadd.s32 $0x4, s25;
	v2 =	vadd.f32 v6, v2;
	v6 =	vld [tilespmem:s14+$0xFFFFFF70]  }
0x29b: {  	p0 =	slt.u32 s25, $0x7C;
	v1 =	vadd.f32 v7, v1;
	v7 =	vld [tilespmem:s14+$0xFFFFFFF0]  }
0x29c: {  	s8 =	sshrl.u32 s8, $0x6;
	[tilespmem:s14+$0xFFFFFF60] =	vst v2;
	v0 =	vadd.f32 v5, v0;
	v2 =	vld [tilespmem:s14+$0x70]  }
0x29d: {  	s8 =	smul.u32 $0xFFFE7000, s8;
	v5 =	vld [tilespmem:s15+$0xFFFFFE80];
	[tilespmem:s14+$0xFFFFFFE0] =	vst v1  }
0x29e: {  	v1 =	vld [tilespmem:s15+$0xFFFFFF00];
	[tilespmem:s14+$0x60] =	vst v0;
	v0 =	vadd.f32 v4, v3  }
0x29f: {  	s19 =	sadd.s32 $0x200, s19;
	s14 =	sadd.s32 $0x200, s14;
	s8 =	sshra.s32 s8, $0x2;
	v3 =	vld [tilespmem:s15+$0xFFFFFF80]  }
0x2a0: {  	s15 =	sadd.s32 s8, s19;
	v4 =	vld [tilespmem:s14+$0x80];
	[tilespmem:s22+$0xF0] =	vst v0  }
0x2a1: {  	v0 =	vld [tilespmem:s15+$0xFFFFFF90]  }
0x2a2: {  	v8 =	vld [tilespmem:s15+$0xFFFFFE10];
	v5 =	vadd.f32 v5, v6  }
0x2a3: {  	v6 =	vld [tilespmem:s15+$0xFFFFFE90];
	v1 =	vadd.f32 v1, v7  }
0x2a4: {  	v7 =	vld [tilespmem:s15+$0xFFFFFF10];
	[tilespmem:s22+$0xFFFFFF70] =	vst v5;
	v2 =	vadd.f32 v3, v2  }
0x2a5: {  	v3 =	vld [tilespmem:s14+$0xFFFFFF00];
	[tilespmem:s22+$0xFFFFFFF0] =	vst v1  }
0x2a6: {  	v1 =	vld [tilespmem:s14+$0xFFFFFF80];
	v0 =	vadd.f32 v0, v4;
	[tilespmem:s22+$0x70] =	vst v2;
	s22 =	smov.u32 s14  }
0x2a7: {  	v2 =	vld [tilespmem:s14+$0x0]  }
0x2a8: {  	[tilespmem:s14+$0x80] =	vst v0;
	v0 =	vld [tilespmem:s14+$0x90]  }
0x2a9: {  	v4 =	vld [tilespmem:s15+$0xFFFFFFA0]  }
0x2aa: {  	v3 =	vadd.f32 v8, v3;
	v5 =	vld [tilespmem:s14+$0xFFFFFF10]  }
0x2ab: {  	v1 =	vadd.f32 v6, v1;
	v6 =	vld [tilespmem:s14+$0xFFFFFF90]  }
0x2ac: {  	[tilespmem:s14+$0xFFFFFF00] =	vst v3;
	v2 =	vadd.f32 v7, v2;
	v3 =	vld [tilespmem:s14+$0x10]  }
0x2ad: {  	v7 =	vld [tilespmem:s15+$0xFFFFFE20];
	[tilespmem:s14+$0xFFFFFF80] =	vst v1  }
0x2ae: {  	v1 =	vld [tilespmem:s15+$0xFFFFFEA0];
	[tilespmem:s14+$0x0] =	vst v2;
	v0 =	vadd.f32 v4, v0  }
0x2af: {  	v2 =	vld [tilespmem:s15+$0xFFFFFF20]  }
0x2b0: {  	[tilespmem:s14+$0x90] =	vst v0;
	v0 =	vld [tilespmem:s14+$0xA0]  }
0x2b1: {  	v4 =	vld [tilespmem:s15+$0xFFFFFFB0]  }
0x2b2: {  	v5 =	vadd.f32 v7, v5;
	v7 =	vld [tilespmem:s14+$0xFFFFFF20]  }
0x2b3: {  	v1 =	vadd.f32 v1, v6;
	v6 =	vld [tilespmem:s14+$0xFFFFFFA0]  }
0x2b4: {  	[tilespmem:s14+$0xFFFFFF10] =	vst v5;
	v2 =	vadd.f32 v2, v3;
	v3 =	vld [tilespmem:s14+$0x20]  }
0x2b5: {  	v5 =	vld [tilespmem:s15+$0xFFFFFE30];
	[tilespmem:s14+$0xFFFFFF90] =	vst v1  }
0x2b6: {  	v1 =	vld [tilespmem:s15+$0xFFFFFEB0];
	[tilespmem:s14+$0x10] =	vst v2;
	v0 =	vadd.f32 v4, v0  }
0x2b7: {  	v2 =	vld [tilespmem:s15+$0xFFFFFF30]  }
0x2b8: {  	[tilespmem:s14+$0xA0] =	vst v0;
	v0 =	vld [tilespmem:s14+$0xB0]  }
0x2b9: {  	v4 =	vld [tilespmem:s15+$0xFFFFFFC0]  }
0x2ba: {  	v5 =	vadd.f32 v5, v7;
	v7 =	vld [tilespmem:s14+$0xFFFFFF30]  }
0x2bb: {  	v1 =	vadd.f32 v1, v6;
	v6 =	vld [tilespmem:s14+$0xFFFFFFB0]  }
0x2bc: {  	[tilespmem:s14+$0xFFFFFF20] =	vst v5;
	v2 =	vadd.f32 v2, v3;
	v3 =	vld [tilespmem:s14+$0x30]  }
0x2bd: {  	v5 =	vld [tilespmem:s15+$0xFFFFFE40];
	[tilespmem:s14+$0xFFFFFFA0] =	vst v1  }
0x2be: {  	v1 =	vld [tilespmem:s15+$0xFFFFFEC0];
	[tilespmem:s14+$0x20] =	vst v2;
	v0 =	vadd.f32 v4, v0  }
0x2bf: {  	v2 =	vld [tilespmem:s15+$0xFFFFFF40]  }
0x2c0: {  	[tilespmem:s14+$0xB0] =	vst v0;
	v0 =	vld [tilespmem:s14+$0xC0]  }
0x2c1: {  	v4 =	vld [tilespmem:s15+$0xFFFFFFD0]  }
0x2c2: {  	v5 =	vadd.f32 v5, v7;
	v7 =	vld [tilespmem:s14+$0xFFFFFF40]  }
0x2c3: {  	v1 =	vadd.f32 v1, v6;
	v6 =	vld [tilespmem:s14+$0xFFFFFFC0]  }
0x2c4: {  	[tilespmem:s14+$0xFFFFFF30] =	vst v5;
	v2 =	vadd.f32 v2, v3;
	v3 =	vld [tilespmem:s14+$0x40]  }
0x2c5: {  	v5 =	vld [tilespmem:s15+$0xFFFFFE50];
	[tilespmem:s14+$0xFFFFFFB0] =	vst v1  }
0x2c6: {  	v1 =	vld [tilespmem:s15+$0xFFFFFED0];
	[tilespmem:s14+$0x30] =	vst v2;
	v0 =	vadd.f32 v4, v0  }
0x2c7: {  	v2 =	vld [tilespmem:s15+$0xFFFFFF50]  }
0x2c8: {  	[tilespmem:s14+$0xC0] =	vst v0;
	v0 =	vld [tilespmem:s14+$0xD0]  }
0x2c9: {  	v4 =	vld [tilespmem:s15+$0xFFFFFFE0]  }
0x2ca: {  	v5 =	vadd.f32 v5, v7;
	v7 =	vld [tilespmem:s14+$0xFFFFFF50]  }
0x2cb: {  	v1 =	vadd.f32 v1, v6;
	v6 =	vld [tilespmem:s14+$0xFFFFFFD0]  }
0x2cc: {  	[tilespmem:s14+$0xFFFFFF40] =	vst v5;
	v2 =	vadd.f32 v2, v3;
	v3 =	vld [tilespmem:s14+$0x50]  }
0x2cd: {  	v5 =	vld [tilespmem:s15+$0xFFFFFE60];
	[tilespmem:s14+$0xFFFFFFC0] =	vst v1  }
0x2ce: {  	v1 =	vld [tilespmem:s15+$0xFFFFFEE0];
	[tilespmem:s14+$0x40] =	vst v2;
	v0 =	vadd.f32 v4, v0  }
0x2cf: {  	v4 =	vld [tilespmem:s15+$0xFFFFFF60]  }
0x2d0: {  	[tilespmem:s14+$0xD0] =	vst v0;
	v8 =	vld [tilespmem:s14+$0xE0]  }
0x2d1: {  	v9 =	vld [tilespmem:s15+$0xFFFFFFF0]  }
0x2d2: {  	v0 =	vadd.f32 v5, v7;
	v2 =	vld [tilespmem:s14+$0xFFFFFF60]  }
0x2d3: {  	v5 =	vadd.f32 v1, v6;
	v1 =	vld [tilespmem:s14+$0xFFFFFFE0]  }
0x2d4: {  	[tilespmem:s14+$0xFFFFFF50] =	vst v0;
	v3 =	vadd.f32 v4, v3;
	v0 =	vld [tilespmem:s14+$0x60]  }
.Ltmp5:
0x2d5: {  	v6 =	vld [tilespmem:s15+$0xFFFFFE70];
	[tilespmem:s14+$0xFFFFFFD0] =	vst v5;
	(pc) =	sbr.rel @p0 .LBB2_11-.Ltmp5, $4  }
0x2d6: {  	v7 =	vld [tilespmem:s15+$0xFFFFFEF0];
	[tilespmem:s14+$0x50] =	vst v3;
	v3 =	vadd.f32 v9, v8  }
0x2d7: {  	v5 =	vld [tilespmem:s15+$0xFFFFFF70]  }
0x2d8: {  	[tilespmem:s14+$0xE0] =	vst v3;
	v3 =	vld [tilespmem:s14+$0xF0]  }
0x2d9: {  	s18 =	sadd.s32 $0x4, s18;
	v4 =	vld [tilespmem:s15+$0x0]  }
0x2da: {  	v2 =	vadd.f32 v6, v2;
	v6 =	vld [tilespmem:s14+$0xFFFFFF70]  }
0x2db: {  	v1 =	vadd.f32 v7, v1;
	v7 =	vld [tilespmem:s14+$0xFFFFFFF0]  }
0x2dc: {  	[tilespmem:s14+$0xFFFFFF60] =	vst v2;
	v0 =	vadd.f32 v5, v0;
	v2 =	vld [tilespmem:s14+$0x70]  }
0x2dd: {  	v5 =	vld [tilespmem:s15+$0xFFFFFE80];
	[tilespmem:s14+$0xFFFFFFE0] =	vst v1  }
0x2de: {  	v1 =	vld [tilespmem:s15+$0xFFFFFF00];
	[tilespmem:s14+$0x60] =	vst v0  }
0x2df: {  	v0 =	vld [tilespmem:s15+$0xFFFFFF80];
	_ =	sdelay $0x1  }
0x2e0: {  	v3 =	vadd.f32 v4, v3  }
0x2e1: {  	v4 =	vadd.f32 v5, v6  }
0x2e2: {  	[tilespmem:s22+$0xF0] =	vst v3;
	v1 =	vadd.f32 v1, v7  }
0x2e3: {  	s3 =	sadd.s32 s6, s3;
	[tilespmem:s22+$0xFFFFFF70] =	vst v4;
	v0 =	vadd.f32 v0, v2  }
0x2e4: {  	s3 =	sshll.u32 s3, $0x4;
	[tilespmem:s22+$0xFFFFFFF0] =	vst v1  }
0x2e5: {  	s3 =	sadd.s32 s4, s3;
	[tilespmem:s22+$0x70] =	vst v0  }
0x2e6: {  	[hbm4b:s3+s5] =	stream.linear.scatter [tilespmem:s30], [sflag:$0x5], $0x4000, $0x38;
	[tilespmem:$0x18000] =	vst v63  }
0x2e7: {  	s30 =	smulhi.u32 $0x51EB851F, s21;
	_ =	swait.ge [sflag:s0], $0x4000  }
0x2e8: {  	s8 =	simm.s32 $0x14000;
	[sflag:s0] =	ssyncset.done $0x0  }
0x2e9: {  	s14 =	sadd.s32 $0x380, s7;
	s3 =	sshrl.u32 s30, $0x6;
	[sflag:s0] =	ssyncadd.s32 $0xFFFFC000  }
0x2ea: {  	[tilespmem:s8], [sflag:$0x4] =	stream.indirect.gather [hbm4b:s1+s17], $0x80, s14, s17, $0xb8;
	[tilespmem:$0x18000] =	vst v63  }
0x2eb: {  	s3 =	smul.u32 $0xFFFE7000, s3;
	_ =	swait.ge [sflag:s23], $0x4000  }
0x2ec: {  	[sflag:s23] =	ssyncset.done $0x0  }
0x2ed: {  	s15 =	simm.s32 $0xC100;
	s3 =	sshra.s32 s3, $0x2;
	[sflag:s23] =	ssyncadd.s32 $0xFFFFC000  }
0x2ee: {  	s3 =	sadd.s32 s3, s26;
	v0 =	vld [tilespmem:s15+$0x80]  }
0x2ef: {  	v1 =	vld [tilespmem:s3+$0xFFFFFF90]  }
0x2f0: {  	v2 =	vld [tilespmem:s3+$0xFFFFFE10]  }
0x2f1: {  	v5 =	vld [tilespmem:s15+$0xFFFFFF00]  }
0x2f2: {  	v3 =	vld [tilespmem:s3+$0xFFFFFE90]  }
0x2f3: {  	v4 =	vld [tilespmem:s3+$0xFFFFFF10]  }
0x2f4: {  	v6 =	vld [tilespmem:s15+$0x0]  }
0x2f5: {  	v0 =	vadd.f32 v1, v0;
	v1 =	vld [tilespmem:s15+$0xFFFFFF80]  }
0x2f6: {  	v2 =	vadd.f32 v2, v5;
	v5 =	vld [tilespmem:s15+$0xFFFFFF10]  }
0x2f7: {  	[tilespmem:s15+$0x80] =	vst v0;
	v0 =	vld [tilespmem:s15+$0x90]  }
0x2f8: {  	[tilespmem:s15+$0xFFFFFF00] =	vst v2;
	v7 =	vld [tilespmem:s3+$0xFFFFFFA0]  }
0x2f9: {  	v2 =	vadd.f32 v4, v6;
	v6 =	vld [tilespmem:s3+$0xFFFFFE20]  }
0x2fa: {  	v4 =	vld [tilespmem:s15+$0x10];
	v1 =	vadd.f32 v3, v1  }
0x2fb: {  	[tilespmem:s15+$0x0] =	vst v2;
	v3 =	vld [tilespmem:s15+$0xFFFFFF90]  }
0x2fc: {  	v2 =	vld [tilespmem:s3+$0xFFFFFF20];
	[tilespmem:s15+$0xFFFFFF80] =	vst v1  }
0x2fd: {  	v0 =	vadd.f32 v7, v0;
	v1 =	vld [tilespmem:s3+$0xFFFFFEA0]  }
0x2fe: {  	v5 =	vadd.f32 v6, v5;
	v6 =	vld [tilespmem:s15+$0xFFFFFF20]  }
0x2ff: {  	[tilespmem:s15+$0x90] =	vst v0;
	v0 =	vld [tilespmem:s15+$0xA0]  }
0x300: {  	[tilespmem:s15+$0xFFFFFF10] =	vst v5;
	v7 =	vld [tilespmem:s3+$0xFFFFFFB0]  }
0x301: {  	v2 =	vadd.f32 v2, v4;
	v5 =	vld [tilespmem:s3+$0xFFFFFE30]  }
0x302: {  	v4 =	vld [tilespmem:s15+$0x20];
	v1 =	vadd.f32 v1, v3  }
0x303: {  	[tilespmem:s15+$0x10] =	vst v2;
	v3 =	vld [tilespmem:s15+$0xFFFFFFA0]  }
0x304: {  	v2 =	vld [tilespmem:s3+$0xFFFFFF30];
	[tilespmem:s15+$0xFFFFFF90] =	vst v1  }
0x305: {  	v0 =	vadd.f32 v7, v0;
	v1 =	vld [tilespmem:s3+$0xFFFFFEB0]  }
0x306: {  	v5 =	vadd.f32 v5, v6;
	v6 =	vld [tilespmem:s15+$0xFFFFFF30]  }
0x307: {  	[tilespmem:s15+$0xA0] =	vst v0;
	v0 =	vld [tilespmem:s15+$0xB0]  }
0x308: {  	[tilespmem:s15+$0xFFFFFF20] =	vst v5;
	v7 =	vld [tilespmem:s3+$0xFFFFFFC0]  }
0x309: {  	v2 =	vadd.f32 v2, v4;
	v5 =	vld [tilespmem:s3+$0xFFFFFE40]  }
0x30a: {  	v4 =	vld [tilespmem:s15+$0x30];
	v1 =	vadd.f32 v1, v3  }
0x30b: {  	[tilespmem:s15+$0x20] =	vst v2;
	v3 =	vld [tilespmem:s15+$0xFFFFFFB0]  }
0x30c: {  	v2 =	vld [tilespmem:s3+$0xFFFFFF40];
	[tilespmem:s15+$0xFFFFFFA0] =	vst v1  }
0x30d: {  	v0 =	vadd.f32 v7, v0;
	v1 =	vld [tilespmem:s3+$0xFFFFFEC0]  }
0x30e: {  	v5 =	vadd.f32 v5, v6;
	v6 =	vld [tilespmem:s15+$0xFFFFFF40]  }
0x30f: {  	[tilespmem:s15+$0xB0] =	vst v0;
	v0 =	vld [tilespmem:s15+$0xC0]  }
0x310: {  	v7 =	vld [tilespmem:s3+$0xFFFFFFD0]  }
0x311: {  	[tilespmem:s15+$0xFFFFFF30] =	vst v5;
	v2 =	vadd.f32 v2, v4;
	v4 =	vld [tilespmem:s15+$0x40]  }
0x312: {  	v5 =	vld [tilespmem:s3+$0xFFFFFE50];
	v1 =	vadd.f32 v1, v3  }
0x313: {  	[tilespmem:s15+$0x30] =	vst v2;
	v3 =	vld [tilespmem:s15+$0xFFFFFFC0]  }
0x314: {  	v2 =	vld [tilespmem:s3+$0xFFFFFF50];
	[tilespmem:s15+$0xFFFFFFB0] =	vst v1  }
0x315: {  	v0 =	vadd.f32 v7, v0;
	v1 =	vld [tilespmem:s3+$0xFFFFFED0];
	_ =	sdelay $0x1  }
0x316: {  	[tilespmem:s15+$0xC0] =	vst v0;
	v0 =	vld [tilespmem:s15+$0xD0]  }
0x317: {  	v5 =	vadd.f32 v5, v6;
	v7 =	vld [tilespmem:s3+$0xFFFFFFE0]  }
0x318: {  	v6 =	vld [tilespmem:s15+$0xFFFFFF50]  }
0x319: {  	[tilespmem:s15+$0xFFFFFF40] =	vst v5;
	v2 =	vadd.f32 v2, v4;
	v4 =	vld [tilespmem:s15+$0x50];
	v1 =	vadd.f32 v1, v3  }
0x31a: {  	v5 =	vld [tilespmem:s3+$0xFFFFFE60]  }
0x31b: {  	v3 =	vld [tilespmem:s15+$0xFFFFFFD0];
	[tilespmem:s15+$0xFFFFFFC0] =	vst v1  }
0x31c: {  	[tilespmem:s15+$0x40] =	vst v2;
	v0 =	vadd.f32 v7, v0;
	v1 =	vld [tilespmem:s3+$0xFFFFFEE0]  }
0x31d: {  	v7 =	vld [tilespmem:s3+$0xFFFFFF60]  }
0x31e: {  	v8 =	vld [tilespmem:s15+$0xE0];
	[tilespmem:s15+$0xD0] =	vst v0  }
0x31f: {  	v0 =	vadd.f32 v5, v6;
	v9 =	vld [tilespmem:s3+$0xFFFFFFF0]  }
0x320: {  	v2 =	vld [tilespmem:s15+$0xFFFFFF60]  }
0x321: {  	[tilespmem:s15+$0xFFFFFF50] =	vst v0;
	v0 =	vld [tilespmem:s15+$0x60];
	v3 =	vadd.f32 v1, v3  }
0x322: {  	v1 =	vld [tilespmem:s15+$0xFFFFFFE0];
	v4 =	vadd.f32 v7, v4  }
0x323: {  	v6 =	vld [tilespmem:s3+$0xFFFFFE70];
	[tilespmem:s15+$0xFFFFFFD0] =	vst v3  }
0x324: {  	[tilespmem:s15+$0x50] =	vst v4;
	v3 =	vadd.f32 v9, v8;
	v7 =	vld [tilespmem:s3+$0xFFFFFEF0]  }
0x325: {  	v5 =	vld [tilespmem:s3+$0xFFFFFF70]  }
0x326: {  	s18 =	simm.s32 $0x0;
	s19 =	sadd.s32 $0x4, s21;
	[tilespmem:s15+$0xE0] =	vst v3;
	v3 =	vld [tilespmem:s15+$0xF0]  }
0x327: {  	s25 =	simm.s32 $0xC100;
	s22 =	sadd.s32 $0x280, s7;
	s8 =	smov.u32 s26;
	v4 =	vld [tilespmem:s3+$0x0]  }
.LBB2_13:
0x328: {  	s30 =	smulhi.u32 $0x51EB851F, s19;
	s18 =	sadd.s32 $0x4, s18;
	v2 =	vadd.f32 v6, v2;
	v6 =	vld [tilespmem:s15+$0xFFFFFF70]  }
0x329: {  	p0 =	slt.u32 s18, $0x7C;
	v1 =	vadd.f32 v7, v1;
	v7 =	vld [tilespmem:s15+$0xFFFFFFF0]  }
0x32a: {  	s30 =	sshrl.u32 s30, $0x6;
	[tilespmem:s15+$0xFFFFFF60] =	vst v2;
	v0 =	vadd.f32 v5, v0;
	v2 =	vld [tilespmem:s15+$0x70]  }
0x32b: {  	s30 =	smul.u32 $0xFFFE7000, s30;
	v5 =	vld [tilespmem:s3+$0xFFFFFE80];
	[tilespmem:s15+$0xFFFFFFE0] =	vst v1  }
0x32c: {  	v1 =	vld [tilespmem:s3+$0xFFFFFF00];
	[tilespmem:s15+$0x60] =	vst v0;
	v0 =	vadd.f32 v4, v3  }
0x32d: {  	s8 =	sadd.s32 $0x200, s8;
	s15 =	sadd.s32 $0x200, s15;
	s30 =	sshra.s32 s30, $0x2;
	v3 =	vld [tilespmem:s3+$0xFFFFFF80]  }
0x32e: {  	s3 =	sadd.s32 s30, s8;
	v4 =	vld [tilespmem:s15+$0x80];
	[tilespmem:s25+$0xF0] =	vst v0  }
0x32f: {  	v0 =	vld [tilespmem:s3+$0xFFFFFF90]  }
0x330: {  	v8 =	vld [tilespmem:s3+$0xFFFFFE10];
	v5 =	vadd.f32 v5, v6  }
0x331: {  	v6 =	vld [tilespmem:s3+$0xFFFFFE90];
	v1 =	vadd.f32 v1, v7  }
0x332: {  	v7 =	vld [tilespmem:s3+$0xFFFFFF10];
	[tilespmem:s25+$0xFFFFFF70] =	vst v5;
	v2 =	vadd.f32 v3, v2  }
0x333: {  	v3 =	vld [tilespmem:s15+$0xFFFFFF00];
	[tilespmem:s25+$0xFFFFFFF0] =	vst v1  }
0x334: {  	v1 =	vld [tilespmem:s15+$0xFFFFFF80];
	v0 =	vadd.f32 v0, v4;
	[tilespmem:s25+$0x70] =	vst v2;
	s25 =	smov.u32 s15  }
0x335: {  	v2 =	vld [tilespmem:s15+$0x0]  }
0x336: {  	[tilespmem:s15+$0x80] =	vst v0;
	v0 =	vld [tilespmem:s15+$0x90]  }
0x337: {  	v4 =	vld [tilespmem:s3+$0xFFFFFFA0]  }
0x338: {  	v3 =	vadd.f32 v8, v3;
	v5 =	vld [tilespmem:s15+$0xFFFFFF10]  }
0x339: {  	v1 =	vadd.f32 v6, v1;
	v6 =	vld [tilespmem:s15+$0xFFFFFF90]  }
0x33a: {  	[tilespmem:s15+$0xFFFFFF00] =	vst v3;
	v2 =	vadd.f32 v7, v2;
	v3 =	vld [tilespmem:s15+$0x10]  }
0x33b: {  	v7 =	vld [tilespmem:s3+$0xFFFFFE20];
	[tilespmem:s15+$0xFFFFFF80] =	vst v1  }
0x33c: {  	v1 =	vld [tilespmem:s3+$0xFFFFFEA0];
	[tilespmem:s15+$0x0] =	vst v2;
	v0 =	vadd.f32 v4, v0  }
0x33d: {  	v2 =	vld [tilespmem:s3+$0xFFFFFF20]  }
0x33e: {  	[tilespmem:s15+$0x90] =	vst v0;
	v0 =	vld [tilespmem:s15+$0xA0]  }
0x33f: {  	v4 =	vld [tilespmem:s3+$0xFFFFFFB0]  }
0x340: {  	v5 =	vadd.f32 v7, v5;
	v7 =	vld [tilespmem:s15+$0xFFFFFF20]  }
0x341: {  	v1 =	vadd.f32 v1, v6;
	v6 =	vld [tilespmem:s15+$0xFFFFFFA0]  }
0x342: {  	[tilespmem:s15+$0xFFFFFF10] =	vst v5;
	v2 =	vadd.f32 v2, v3;
	v3 =	vld [tilespmem:s15+$0x20]  }
0x343: {  	v5 =	vld [tilespmem:s3+$0xFFFFFE30];
	[tilespmem:s15+$0xFFFFFF90] =	vst v1  }
0x344: {  	v1 =	vld [tilespmem:s3+$0xFFFFFEB0];
	[tilespmem:s15+$0x10] =	vst v2;
	v0 =	vadd.f32 v4, v0  }
0x345: {  	v2 =	vld [tilespmem:s3+$0xFFFFFF30]  }
0x346: {  	[tilespmem:s15+$0xA0] =	vst v0;
	v0 =	vld [tilespmem:s15+$0xB0]  }
0x347: {  	v4 =	vld [tilespmem:s3+$0xFFFFFFC0]  }
0x348: {  	v5 =	vadd.f32 v5, v7;
	v7 =	vld [tilespmem:s15+$0xFFFFFF30]  }
0x349: {  	v1 =	vadd.f32 v1, v6;
	v6 =	vld [tilespmem:s15+$0xFFFFFFB0]  }
0x34a: {  	[tilespmem:s15+$0xFFFFFF20] =	vst v5;
	v2 =	vadd.f32 v2, v3;
	v3 =	vld [tilespmem:s15+$0x30]  }
0x34b: {  	v5 =	vld [tilespmem:s3+$0xFFFFFE40];
	[tilespmem:s15+$0xFFFFFFA0] =	vst v1  }
0x34c: {  	v1 =	vld [tilespmem:s3+$0xFFFFFEC0];
	[tilespmem:s15+$0x20] =	vst v2;
	v0 =	vadd.f32 v4, v0  }
0x34d: {  	v2 =	vld [tilespmem:s3+$0xFFFFFF40]  }
0x34e: {  	[tilespmem:s15+$0xB0] =	vst v0;
	v0 =	vld [tilespmem:s15+$0xC0]  }
0x34f: {  	v4 =	vld [tilespmem:s3+$0xFFFFFFD0]  }
0x350: {  	v5 =	vadd.f32 v5, v7;
	v7 =	vld [tilespmem:s15+$0xFFFFFF40]  }
0x351: {  	v1 =	vadd.f32 v1, v6;
	v6 =	vld [tilespmem:s15+$0xFFFFFFC0]  }
0x352: {  	[tilespmem:s15+$0xFFFFFF30] =	vst v5;
	v2 =	vadd.f32 v2, v3;
	v3 =	vld [tilespmem:s15+$0x40]  }
0x353: {  	v5 =	vld [tilespmem:s3+$0xFFFFFE50];
	[tilespmem:s15+$0xFFFFFFB0] =	vst v1  }
0x354: {  	v1 =	vld [tilespmem:s3+$0xFFFFFED0];
	[tilespmem:s15+$0x30] =	vst v2;
	v0 =	vadd.f32 v4, v0  }
0x355: {  	v2 =	vld [tilespmem:s3+$0xFFFFFF50]  }
0x356: {  	[tilespmem:s15+$0xC0] =	vst v0;
	v0 =	vld [tilespmem:s15+$0xD0]  }
0x357: {  	v4 =	vld [tilespmem:s3+$0xFFFFFFE0]  }
0x358: {  	v5 =	vadd.f32 v5, v7;
	v7 =	vld [tilespmem:s15+$0xFFFFFF50]  }
0x359: {  	v1 =	vadd.f32 v1, v6;
	v6 =	vld [tilespmem:s15+$0xFFFFFFD0]  }
0x35a: {  	[tilespmem:s15+$0xFFFFFF40] =	vst v5;
	v2 =	vadd.f32 v2, v3;
	v3 =	vld [tilespmem:s15+$0x50]  }
0x35b: {  	v5 =	vld [tilespmem:s3+$0xFFFFFE60];
	[tilespmem:s15+$0xFFFFFFC0] =	vst v1  }
0x35c: {  	v1 =	vld [tilespmem:s3+$0xFFFFFEE0];
	[tilespmem:s15+$0x40] =	vst v2;
	v0 =	vadd.f32 v4, v0  }
0x35d: {  	v4 =	vld [tilespmem:s3+$0xFFFFFF60]  }
0x35e: {  	[tilespmem:s15+$0xD0] =	vst v0;
	v8 =	vld [tilespmem:s15+$0xE0]  }
0x35f: {  	v9 =	vld [tilespmem:s3+$0xFFFFFFF0]  }
0x360: {  	v0 =	vadd.f32 v5, v7;
	v2 =	vld [tilespmem:s15+$0xFFFFFF60]  }
0x361: {  	v5 =	vadd.f32 v1, v6;
	v1 =	vld [tilespmem:s15+$0xFFFFFFE0]  }
0x362: {  	[tilespmem:s15+$0xFFFFFF50] =	vst v0;
	v3 =	vadd.f32 v4, v3;
	v0 =	vld [tilespmem:s15+$0x60]  }
.Ltmp6:
0x363: {  	v6 =	vld [tilespmem:s3+$0xFFFFFE70];
	[tilespmem:s15+$0xFFFFFFD0] =	vst v5;
	(pc) =	sbr.rel @p0 .LBB2_13-.Ltmp6, $4  }
0x364: {  	v7 =	vld [tilespmem:s3+$0xFFFFFEF0];
	[tilespmem:s15+$0x50] =	vst v3;
	v3 =	vadd.f32 v9, v8  }
0x365: {  	v5 =	vld [tilespmem:s3+$0xFFFFFF70]  }
0x366: {  	[tilespmem:s15+$0xE0] =	vst v3;
	v3 =	vld [tilespmem:s15+$0xF0]  }
0x367: {  	s19 =	sadd.s32 $0x4, s19;
	v4 =	vld [tilespmem:s3+$0x0]  }
0x368: {  	v2 =	vadd.f32 v6, v2;
	v6 =	vld [tilespmem:s15+$0xFFFFFF70]  }
0x369: {  	v1 =	vadd.f32 v7, v1;
	v7 =	vld [tilespmem:s15+$0xFFFFFFF0]  }
0x36a: {  	[tilespmem:s15+$0xFFFFFF60] =	vst v2;
	v0 =	vadd.f32 v5, v0;
	v2 =	vld [tilespmem:s15+$0x70]  }
0x36b: {  	v5 =	vld [tilespmem:s3+$0xFFFFFE80];
	[tilespmem:s15+$0xFFFFFFE0] =	vst v1  }
0x36c: {  	v1 =	vld [tilespmem:s3+$0xFFFFFF00];
	[tilespmem:s15+$0x60] =	vst v0  }
0x36d: {  	v0 =	vld [tilespmem:s3+$0xFFFFFF80];
	_ =	sdelay $0x1  }
0x36e: {  	v3 =	vadd.f32 v4, v3  }
0x36f: {  	v4 =	vadd.f32 v5, v6  }
0x370: {  	[tilespmem:s25+$0xF0] =	vst v3;
	v1 =	vadd.f32 v1, v7  }
0x371: {  	s18 =	sadd.s32 s6, s22;
	[tilespmem:s25+$0xFFFFFF70] =	vst v4;
	v0 =	vadd.f32 v0, v2  }
0x372: {  	s3 =	sshll.u32 s18, $0x4;
	[tilespmem:s25+$0xFFFFFFF0] =	vst v1  }
0x373: {  	s7 =	sand.u32 $0x3FFFFE00, s7;
	s3 =	sadd.s32 s4, s3;
	[tilespmem:s25+$0x70] =	vst v0  }
0x374: {  	[hbm4b:s3+s5] =	stream.linear.scatter [tilespmem:s2], [sflag:$0x6], $0x4000, $0x38;
	[tilespmem:$0x18000] =	vst v63  }
0x375: {  	s8 =	smulhi.u32 $0x51EB851F, s10;
	_ =	swait.ge [sflag:s28], $0x4000  }
0x376: {  	s30 =	simm.s32 $0x8000;
	s19 =	sadd.s32 $0x400, s7;
	[sflag:s28] =	ssyncset.done $0x0  }
0x377: {  	s22 =	sshrl.u32 s8, $0x6;
	s25 =	simm.s32 $0x3;
	[sflag:s28] =	ssyncadd.s32 $0xFFFFC000  }
0x378: {  	[tilespmem:s30], [sflag:$0x1] =	stream.indirect.gather [hbm4b:s1+s17], $0x80, s19, s17, $0xb8;
	[tilespmem:$0x18000] =	vst v63  }
0x379: {  	s3 =	smul.u32 $0xFFFE7000, s22;
	_ =	swait.ge [sflag:s25], $0x4000  }
0x37a: {  	[sflag:s25] =	ssyncset.done $0x0  }
0x37b: {  	s15 =	simm.s32 $0x10100;
	s3 =	sshra.s32 s3, $0x2;
	[sflag:s25] =	ssyncadd.s32 $0xFFFFC000  }
0x37c: {  	s3 =	sadd.s32 s3, s9;
	v0 =	vld [tilespmem:s15+$0x80]  }
0x37d: {  	v1 =	vld [tilespmem:s3+$0xFFFFFF90]  }
0x37e: {  	v2 =	vld [tilespmem:s3+$0xFFFFFE10]  }
0x37f: {  	v5 =	vld [tilespmem:s15+$0xFFFFFF00]  }
0x380: {  	v3 =	vld [tilespmem:s3+$0xFFFFFE90]  }
0x381: {  	v4 =	vld [tilespmem:s3+$0xFFFFFF10]  }
0x382: {  	v6 =	vld [tilespmem:s15+$0x0]  }
0x383: {  	v0 =	vadd.f32 v1, v0;
	v1 =	vld [tilespmem:s15+$0xFFFFFF80]  }
0x384: {  	v2 =	vadd.f32 v2, v5;
	v5 =	vld [tilespmem:s15+$0xFFFFFF10]  }
0x385: {  	[tilespmem:s15+$0x80] =	vst v0;
	v0 =	vld [tilespmem:s15+$0x90]  }
0x386: {  	[tilespmem:s15+$0xFFFFFF00] =	vst v2;
	v7 =	vld [tilespmem:s3+$0xFFFFFFA0]  }
0x387: {  	v2 =	vadd.f32 v4, v6;
	v6 =	vld [tilespmem:s3+$0xFFFFFE20]  }
0x388: {  	v4 =	vld [tilespmem:s15+$0x10];
	v1 =	vadd.f32 v3, v1  }
0x389: {  	[tilespmem:s15+$0x0] =	vst v2;
	v3 =	vld [tilespmem:s15+$0xFFFFFF90]  }
0x38a: {  	v2 =	vld [tilespmem:s3+$0xFFFFFF20];
	[tilespmem:s15+$0xFFFFFF80] =	vst v1  }
0x38b: {  	v0 =	vadd.f32 v7, v0;
	v1 =	vld [tilespmem:s3+$0xFFFFFEA0]  }
0x38c: {  	v5 =	vadd.f32 v6, v5;
	v6 =	vld [tilespmem:s15+$0xFFFFFF20]  }
0x38d: {  	[tilespmem:s15+$0x90] =	vst v0;
	v0 =	vld [tilespmem:s15+$0xA0]  }
0x38e: {  	[tilespmem:s15+$0xFFFFFF10] =	vst v5;
	v7 =	vld [tilespmem:s3+$0xFFFFFFB0]  }
0x38f: {  	v2 =	vadd.f32 v2, v4;
	v5 =	vld [tilespmem:s3+$0xFFFFFE30]  }
0x390: {  	v4 =	vld [tilespmem:s15+$0x20];
	v1 =	vadd.f32 v1, v3  }
0x391: {  	[tilespmem:s15+$0x10] =	vst v2;
	v3 =	vld [tilespmem:s15+$0xFFFFFFA0]  }
0x392: {  	v2 =	vld [tilespmem:s3+$0xFFFFFF30];
	[tilespmem:s15+$0xFFFFFF90] =	vst v1  }
0x393: {  	v0 =	vadd.f32 v7, v0;
	v1 =	vld [tilespmem:s3+$0xFFFFFEB0]  }
0x394: {  	v5 =	vadd.f32 v5, v6;
	v6 =	vld [tilespmem:s15+$0xFFFFFF30]  }
0x395: {  	[tilespmem:s15+$0xA0] =	vst v0;
	v0 =	vld [tilespmem:s15+$0xB0]  }
0x396: {  	[tilespmem:s15+$0xFFFFFF20] =	vst v5;
	v7 =	vld [tilespmem:s3+$0xFFFFFFC0]  }
0x397: {  	v2 =	vadd.f32 v2, v4;
	v5 =	vld [tilespmem:s3+$0xFFFFFE40]  }
0x398: {  	v4 =	vld [tilespmem:s15+$0x30];
	v1 =	vadd.f32 v1, v3  }
0x399: {  	[tilespmem:s15+$0x20] =	vst v2;
	v3 =	vld [tilespmem:s15+$0xFFFFFFB0]  }
0x39a: {  	v2 =	vld [tilespmem:s3+$0xFFFFFF40];
	[tilespmem:s15+$0xFFFFFFA0] =	vst v1  }
0x39b: {  	v0 =	vadd.f32 v7, v0;
	v1 =	vld [tilespmem:s3+$0xFFFFFEC0]  }
0x39c: {  	v5 =	vadd.f32 v5, v6;
	v6 =	vld [tilespmem:s15+$0xFFFFFF40]  }
0x39d: {  	[tilespmem:s15+$0xB0] =	vst v0;
	v0 =	vld [tilespmem:s15+$0xC0]  }
0x39e: {  	v7 =	vld [tilespmem:s3+$0xFFFFFFD0]  }
0x39f: {  	[tilespmem:s15+$0xFFFFFF30] =	vst v5;
	v2 =	vadd.f32 v2, v4;
	v4 =	vld [tilespmem:s15+$0x40]  }
0x3a0: {  	v5 =	vld [tilespmem:s3+$0xFFFFFE50];
	v1 =	vadd.f32 v1, v3  }
0x3a1: {  	[tilespmem:s15+$0x30] =	vst v2;
	v3 =	vld [tilespmem:s15+$0xFFFFFFC0]  }
0x3a2: {  	v2 =	vld [tilespmem:s3+$0xFFFFFF50];
	[tilespmem:s15+$0xFFFFFFB0] =	vst v1  }
0x3a3: {  	v0 =	vadd.f32 v7, v0;
	v1 =	vld [tilespmem:s3+$0xFFFFFED0];
	_ =	sdelay $0x1  }
0x3a4: {  	[tilespmem:s15+$0xC0] =	vst v0;
	v0 =	vld [tilespmem:s15+$0xD0]  }
0x3a5: {  	v5 =	vadd.f32 v5, v6;
	v7 =	vld [tilespmem:s3+$0xFFFFFFE0]  }
0x3a6: {  	v6 =	vld [tilespmem:s15+$0xFFFFFF50]  }
0x3a7: {  	[tilespmem:s15+$0xFFFFFF40] =	vst v5;
	v2 =	vadd.f32 v2, v4;
	v4 =	vld [tilespmem:s15+$0x50];
	v1 =	vadd.f32 v1, v3  }
0x3a8: {  	v5 =	vld [tilespmem:s3+$0xFFFFFE60]  }
0x3a9: {  	v3 =	vld [tilespmem:s15+$0xFFFFFFD0];
	[tilespmem:s15+$0xFFFFFFC0] =	vst v1  }
0x3aa: {  	[tilespmem:s15+$0x40] =	vst v2;
	v0 =	vadd.f32 v7, v0;
	v1 =	vld [tilespmem:s3+$0xFFFFFEE0]  }
0x3ab: {  	v7 =	vld [tilespmem:s3+$0xFFFFFF60]  }
0x3ac: {  	v8 =	vld [tilespmem:s15+$0xE0];
	[tilespmem:s15+$0xD0] =	vst v0  }
0x3ad: {  	v0 =	vadd.f32 v5, v6;
	v9 =	vld [tilespmem:s3+$0xFFFFFFF0]  }
0x3ae: {  	v2 =	vld [tilespmem:s15+$0xFFFFFF60]  }
0x3af: {  	[tilespmem:s15+$0xFFFFFF50] =	vst v0;
	v0 =	vld [tilespmem:s15+$0x60];
	v3 =	vadd.f32 v1, v3  }
0x3b0: {  	v1 =	vld [tilespmem:s15+$0xFFFFFFE0];
	v4 =	vadd.f32 v7, v4  }
0x3b1: {  	v6 =	vld [tilespmem:s3+$0xFFFFFE70];
	[tilespmem:s15+$0xFFFFFFD0] =	vst v3  }
0x3b2: {  	[tilespmem:s15+$0x50] =	vst v4;
	v3 =	vadd.f32 v9, v8;
	v7 =	vld [tilespmem:s3+$0xFFFFFEF0]  }
0x3b3: {  	v5 =	vld [tilespmem:s3+$0xFFFFFF70]  }
0x3b4: {  	s8 =	smov.u32 s9;
	[tilespmem:s15+$0xE0] =	vst v3;
	v3 =	vld [tilespmem:s15+$0xF0]  }
0x3b5: {  	s18 =	simm.s32 $0x0;
	s22 =	simm.s32 $0x10100;
	s19 =	sadd.s32 $0x4, s10;
	v4 =	vld [tilespmem:s3+$0x0]  }
.LBB2_15:
0x3b6: {  	s25 =	smulhi.u32 $0x51EB851F, s19;
	s18 =	sadd.s32 $0x4, s18;
	v2 =	vadd.f32 v6, v2;
	v6 =	vld [tilespmem:s15+$0xFFFFFF70]  }
0x3b7: {  	p0 =	slt.u32 s18, $0x7C;
	v1 =	vadd.f32 v7, v1;
	v7 =	vld [tilespmem:s15+$0xFFFFFFF0]  }
0x3b8: {  	s25 =	sshrl.u32 s25, $0x6;
	[tilespmem:s15+$0xFFFFFF60] =	vst v2;
	v0 =	vadd.f32 v5, v0;
	v2 =	vld [tilespmem:s15+$0x70]  }
0x3b9: {  	s25 =	smul.u32 $0xFFFE7000, s25;
	v5 =	vld [tilespmem:s3+$0xFFFFFE80];
	[tilespmem:s15+$0xFFFFFFE0] =	vst v1  }
0x3ba: {  	v1 =	vld [tilespmem:s3+$0xFFFFFF00];
	[tilespmem:s15+$0x60] =	vst v0;
	v0 =	vadd.f32 v4, v3  }
0x3bb: {  	s8 =	sadd.s32 $0x200, s8;
	s15 =	sadd.s32 $0x200, s15;
	s25 =	sshra.s32 s25, $0x2;
	v3 =	vld [tilespmem:s3+$0xFFFFFF80]  }
0x3bc: {  	s3 =	sadd.s32 s25, s8;
	v4 =	vld [tilespmem:s15+$0x80];
	[tilespmem:s22+$0xF0] =	vst v0  }
0x3bd: {  	v0 =	vld [tilespmem:s3+$0xFFFFFF90]  }
0x3be: {  	v8 =	vld [tilespmem:s3+$0xFFFFFE10];
	v5 =	vadd.f32 v5, v6  }
0x3bf: {  	v6 =	vld [tilespmem:s3+$0xFFFFFE90];
	v1 =	vadd.f32 v1, v7  }
0x3c0: {  	v7 =	vld [tilespmem:s3+$0xFFFFFF10];
	[tilespmem:s22+$0xFFFFFF70] =	vst v5;
	v2 =	vadd.f32 v3, v2  }
0x3c1: {  	v3 =	vld [tilespmem:s15+$0xFFFFFF00];
	[tilespmem:s22+$0xFFFFFFF0] =	vst v1  }
0x3c2: {  	v1 =	vld [tilespmem:s15+$0xFFFFFF80];
	v0 =	vadd.f32 v0, v4;
	[tilespmem:s22+$0x70] =	vst v2;
	s22 =	smov.u32 s15  }
0x3c3: {  	v2 =	vld [tilespmem:s15+$0x0]  }
0x3c4: {  	[tilespmem:s15+$0x80] =	vst v0;
	v0 =	vld [tilespmem:s15+$0x90]  }
0x3c5: {  	v4 =	vld [tilespmem:s3+$0xFFFFFFA0]  }
0x3c6: {  	v3 =	vadd.f32 v8, v3;
	v5 =	vld [tilespmem:s15+$0xFFFFFF10]  }
0x3c7: {  	v1 =	vadd.f32 v6, v1;
	v6 =	vld [tilespmem:s15+$0xFFFFFF90]  }
0x3c8: {  	[tilespmem:s15+$0xFFFFFF00] =	vst v3;
	v2 =	vadd.f32 v7, v2;
	v3 =	vld [tilespmem:s15+$0x10]  }
0x3c9: {  	v7 =	vld [tilespmem:s3+$0xFFFFFE20];
	[tilespmem:s15+$0xFFFFFF80] =	vst v1  }
0x3ca: {  	v1 =	vld [tilespmem:s3+$0xFFFFFEA0];
	[tilespmem:s15+$0x0] =	vst v2;
	v0 =	vadd.f32 v4, v0  }
0x3cb: {  	v2 =	vld [tilespmem:s3+$0xFFFFFF20]  }
0x3cc: {  	[tilespmem:s15+$0x90] =	vst v0;
	v0 =	vld [tilespmem:s15+$0xA0]  }
0x3cd: {  	v4 =	vld [tilespmem:s3+$0xFFFFFFB0]  }
0x3ce: {  	v5 =	vadd.f32 v7, v5;
	v7 =	vld [tilespmem:s15+$0xFFFFFF20]  }
0x3cf: {  	v1 =	vadd.f32 v1, v6;
	v6 =	vld [tilespmem:s15+$0xFFFFFFA0]  }
0x3d0: {  	[tilespmem:s15+$0xFFFFFF10] =	vst v5;
	v2 =	vadd.f32 v2, v3;
	v3 =	vld [tilespmem:s15+$0x20]  }
0x3d1: {  	v5 =	vld [tilespmem:s3+$0xFFFFFE30];
	[tilespmem:s15+$0xFFFFFF90] =	vst v1  }
0x3d2: {  	v1 =	vld [tilespmem:s3+$0xFFFFFEB0];
	[tilespmem:s15+$0x10] =	vst v2;
	v0 =	vadd.f32 v4, v0  }
0x3d3: {  	v2 =	vld [tilespmem:s3+$0xFFFFFF30]  }
0x3d4: {  	[tilespmem:s15+$0xA0] =	vst v0;
	v0 =	vld [tilespmem:s15+$0xB0]  }
0x3d5: {  	v4 =	vld [tilespmem:s3+$0xFFFFFFC0]  }
0x3d6: {  	v5 =	vadd.f32 v5, v7;
	v7 =	vld [tilespmem:s15+$0xFFFFFF30]  }
0x3d7: {  	v1 =	vadd.f32 v1, v6;
	v6 =	vld [tilespmem:s15+$0xFFFFFFB0]  }
0x3d8: {  	[tilespmem:s15+$0xFFFFFF20] =	vst v5;
	v2 =	vadd.f32 v2, v3;
	v3 =	vld [tilespmem:s15+$0x30]  }
0x3d9: {  	v5 =	vld [tilespmem:s3+$0xFFFFFE40];
	[tilespmem:s15+$0xFFFFFFA0] =	vst v1  }
0x3da: {  	v1 =	vld [tilespmem:s3+$0xFFFFFEC0];
	[tilespmem:s15+$0x20] =	vst v2;
	v0 =	vadd.f32 v4, v0  }
0x3db: {  	v2 =	vld [tilespmem:s3+$0xFFFFFF40]  }
0x3dc: {  	[tilespmem:s15+$0xB0] =	vst v0;
	v0 =	vld [tilespmem:s15+$0xC0]  }
0x3dd: {  	v4 =	vld [tilespmem:s3+$0xFFFFFFD0]  }
0x3de: {  	v5 =	vadd.f32 v5, v7;
	v7 =	vld [tilespmem:s15+$0xFFFFFF40]  }
0x3df: {  	v1 =	vadd.f32 v1, v6;
	v6 =	vld [tilespmem:s15+$0xFFFFFFC0]  }
0x3e0: {  	[tilespmem:s15+$0xFFFFFF30] =	vst v5;
	v2 =	vadd.f32 v2, v3;
	v3 =	vld [tilespmem:s15+$0x40]  }
0x3e1: {  	v5 =	vld [tilespmem:s3+$0xFFFFFE50];
	[tilespmem:s15+$0xFFFFFFB0] =	vst v1  }
0x3e2: {  	v1 =	vld [tilespmem:s3+$0xFFFFFED0];
	[tilespmem:s15+$0x30] =	vst v2;
	v0 =	vadd.f32 v4, v0  }
0x3e3: {  	v2 =	vld [tilespmem:s3+$0xFFFFFF50]  }
0x3e4: {  	[tilespmem:s15+$0xC0] =	vst v0;
	v0 =	vld [tilespmem:s15+$0xD0]  }
0x3e5: {  	v4 =	vld [tilespmem:s3+$0xFFFFFFE0]  }
0x3e6: {  	v5 =	vadd.f32 v5, v7;
	v7 =	vld [tilespmem:s15+$0xFFFFFF50]  }
0x3e7: {  	v1 =	vadd.f32 v1, v6;
	v6 =	vld [tilespmem:s15+$0xFFFFFFD0]  }
0x3e8: {  	[tilespmem:s15+$0xFFFFFF40] =	vst v5;
	v2 =	vadd.f32 v2, v3;
	v3 =	vld [tilespmem:s15+$0x50]  }
0x3e9: {  	v5 =	vld [tilespmem:s3+$0xFFFFFE60];
	[tilespmem:s15+$0xFFFFFFC0] =	vst v1  }
0x3ea: {  	v1 =	vld [tilespmem:s3+$0xFFFFFEE0];
	[tilespmem:s15+$0x40] =	vst v2;
	v0 =	vadd.f32 v4, v0  }
0x3eb: {  	v4 =	vld [tilespmem:s3+$0xFFFFFF60]  }
0x3ec: {  	[tilespmem:s15+$0xD0] =	vst v0;
	v8 =	vld [tilespmem:s15+$0xE0]  }
0x3ed: {  	v9 =	vld [tilespmem:s3+$0xFFFFFFF0]  }
0x3ee: {  	v0 =	vadd.f32 v5, v7;
	v2 =	vld [tilespmem:s15+$0xFFFFFF60]  }
0x3ef: {  	v5 =	vadd.f32 v1, v6;
	v1 =	vld [tilespmem:s15+$0xFFFFFFE0]  }
0x3f0: {  	[tilespmem:s15+$0xFFFFFF50] =	vst v0;
	v3 =	vadd.f32 v4, v3;
	v0 =	vld [tilespmem:s15+$0x60]  }
.Ltmp7:
0x3f1: {  	v6 =	vld [tilespmem:s3+$0xFFFFFE70];
	[tilespmem:s15+$0xFFFFFFD0] =	vst v5;
	(pc) =	sbr.rel @p0 .LBB2_15-.Ltmp7, $4  }
0x3f2: {  	v7 =	vld [tilespmem:s3+$0xFFFFFEF0];
	[tilespmem:s15+$0x50] =	vst v3;
	v3 =	vadd.f32 v9, v8  }
0x3f3: {  	v5 =	vld [tilespmem:s3+$0xFFFFFF70]  }
0x3f4: {  	[tilespmem:s15+$0xE0] =	vst v3;
	v3 =	vld [tilespmem:s15+$0xF0]  }
0x3f5: {  	s19 =	sadd.s32 $0x4, s19;
	v4 =	vld [tilespmem:s3+$0x0]  }
0x3f6: {  	v2 =	vadd.f32 v6, v2;
	v6 =	vld [tilespmem:s15+$0xFFFFFF70]  }
0x3f7: {  	v1 =	vadd.f32 v7, v1;
	v7 =	vld [tilespmem:s15+$0xFFFFFFF0]  }
0x3f8: {  	[tilespmem:s15+$0xFFFFFF60] =	vst v2;
	v0 =	vadd.f32 v5, v0;
	v2 =	vld [tilespmem:s15+$0x70]  }
0x3f9: {  	v5 =	vld [tilespmem:s3+$0xFFFFFE80];
	[tilespmem:s15+$0xFFFFFFE0] =	vst v1  }
0x3fa: {  	v1 =	vld [tilespmem:s3+$0xFFFFFF00];
	[tilespmem:s15+$0x60] =	vst v0  }
0x3fb: {  	v0 =	vld [tilespmem:s3+$0xFFFFFF80];
	_ =	sdelay $0x1  }
0x3fc: {  	v3 =	vadd.f32 v4, v3  }
0x3fd: {  	v4 =	vadd.f32 v5, v6  }
0x3fe: {  	[tilespmem:s22+$0xF0] =	vst v3;
	v1 =	vadd.f32 v1, v7  }
0x3ff: {  	s13 =	sadd.s32 s6, s13;
	[tilespmem:s22+$0xFFFFFF70] =	vst v4;
	v0 =	vadd.f32 v0, v2  }
0x400: {  	s3 =	sshll.u32 s13, $0x4;
	[tilespmem:s22+$0xFFFFFFF0] =	vst v1  }
0x401: {  	s2 =	simm.s32 $0x10000;
	s18 =	smulhi.u32 $0x51EB851F, s12;
	s3 =	sadd.s32 s4, s3;
	[tilespmem:s22+$0x70] =	vst v0  }
0x402: {  	[hbm4b:s3+s5] =	stream.linear.scatter [tilespmem:s2], [sflag:$0x7], $0x4000, $0x38;
	[tilespmem:$0x18000] =	vst v63  }
0x403: {  	_ =	swait.ge [sflag:s31], $0x4000  }
0x404: {  	s25 =	simm.s32 $0xC000;
	s19 =	sshrl.u32 s18, $0x6;
	[sflag:s31] =	ssyncset.done $0x0  }
0x405: {  	s15 =	sadd.s32 $0x480, s7;
	s22 =	simm.s32 $0x4;
	[sflag:s31] =	ssyncadd.s32 $0xFFFFC000  }
0x406: {  	[tilespmem:s25], [sflag:$0x2] =	stream.indirect.gather [hbm4b:s1+s17], $0x80, s15, s17, $0xb8;
	[tilespmem:$0x18000] =	vst v63  }
0x407: {  	s3 =	smul.u32 $0xFFFE7000, s19;
	_ =	swait.ge [sflag:s22], $0x4000  }
0x408: {  	[sflag:s22] =	ssyncset.done $0x0  }
0x409: {  	s7 =	simm.s32 $0x14100;
	s3 =	sshra.s32 s3, $0x2;
	[sflag:s22] =	ssyncadd.s32 $0xFFFFC000  }
0x40a: {  	s3 =	sadd.s32 s3, s11;
	v0 =	vld [tilespmem:s7+$0x80]  }
0x40b: {  	v1 =	vld [tilespmem:s3+$0xFFFFFF90]  }
0x40c: {  	v2 =	vld [tilespmem:s3+$0xFFFFFE10]  }
0x40d: {  	v5 =	vld [tilespmem:s7+$0xFFFFFF00]  }
0x40e: {  	v3 =	vld [tilespmem:s3+$0xFFFFFE90]  }
0x40f: {  	v4 =	vld [tilespmem:s3+$0xFFFFFF10]  }
0x410: {  	v6 =	vld [tilespmem:s7+$0x0]  }
0x411: {  	v0 =	vadd.f32 v1, v0;
	v1 =	vld [tilespmem:s7+$0xFFFFFF80]  }
0x412: {  	v2 =	vadd.f32 v2, v5;
	v5 =	vld [tilespmem:s7+$0xFFFFFF10]  }
0x413: {  	[tilespmem:s7+$0x80] =	vst v0;
	v0 =	vld [tilespmem:s7+$0x90]  }
0x414: {  	[tilespmem:s7+$0xFFFFFF00] =	vst v2;
	v7 =	vld [tilespmem:s3+$0xFFFFFFA0]  }
0x415: {  	v2 =	vadd.f32 v4, v6;
	v6 =	vld [tilespmem:s3+$0xFFFFFE20]  }
0x416: {  	v4 =	vld [tilespmem:s7+$0x10];
	v1 =	vadd.f32 v3, v1  }
0x417: {  	[tilespmem:s7+$0x0] =	vst v2;
	v3 =	vld [tilespmem:s7+$0xFFFFFF90]  }
0x418: {  	v2 =	vld [tilespmem:s3+$0xFFFFFF20];
	[tilespmem:s7+$0xFFFFFF80] =	vst v1  }
0x419: {  	v0 =	vadd.f32 v7, v0;
	v1 =	vld [tilespmem:s3+$0xFFFFFEA0]  }
0x41a: {  	v5 =	vadd.f32 v6, v5;
	v6 =	vld [tilespmem:s7+$0xFFFFFF20]  }
0x41b: {  	[tilespmem:s7+$0x90] =	vst v0;
	v0 =	vld [tilespmem:s7+$0xA0]  }
0x41c: {  	[tilespmem:s7+$0xFFFFFF10] =	vst v5;
	v7 =	vld [tilespmem:s3+$0xFFFFFFB0]  }
0x41d: {  	v2 =	vadd.f32 v2, v4;
	v5 =	vld [tilespmem:s3+$0xFFFFFE30]  }
0x41e: {  	v4 =	vld [tilespmem:s7+$0x20];
	v1 =	vadd.f32 v1, v3  }
0x41f: {  	[tilespmem:s7+$0x10] =	vst v2;
	v3 =	vld [tilespmem:s7+$0xFFFFFFA0]  }
0x420: {  	v2 =	vld [tilespmem:s3+$0xFFFFFF30];
	[tilespmem:s7+$0xFFFFFF90] =	vst v1  }
0x421: {  	v0 =	vadd.f32 v7, v0;
	v1 =	vld [tilespmem:s3+$0xFFFFFEB0]  }
0x422: {  	v5 =	vadd.f32 v5, v6;
	v6 =	vld [tilespmem:s7+$0xFFFFFF30]  }
0x423: {  	[tilespmem:s7+$0xA0] =	vst v0;
	v0 =	vld [tilespmem:s7+$0xB0]  }
0x424: {  	[tilespmem:s7+$0xFFFFFF20] =	vst v5;
	v7 =	vld [tilespmem:s3+$0xFFFFFFC0]  }
0x425: {  	v2 =	vadd.f32 v2, v4;
	v5 =	vld [tilespmem:s3+$0xFFFFFE40]  }
0x426: {  	v4 =	vld [tilespmem:s7+$0x30];
	v1 =	vadd.f32 v1, v3  }
0x427: {  	[tilespmem:s7+$0x20] =	vst v2;
	v3 =	vld [tilespmem:s7+$0xFFFFFFB0]  }
0x428: {  	v2 =	vld [tilespmem:s3+$0xFFFFFF40];
	[tilespmem:s7+$0xFFFFFFA0] =	vst v1  }
0x429: {  	v0 =	vadd.f32 v7, v0;
	v1 =	vld [tilespmem:s3+$0xFFFFFEC0]  }
0x42a: {  	v5 =	vadd.f32 v5, v6;
	v6 =	vld [tilespmem:s7+$0xFFFFFF40]  }
0x42b: {  	[tilespmem:s7+$0xB0] =	vst v0;
	v0 =	vld [tilespmem:s7+$0xC0]  }
0x42c: {  	v7 =	vld [tilespmem:s3+$0xFFFFFFD0]  }
0x42d: {  	[tilespmem:s7+$0xFFFFFF30] =	vst v5;
	v2 =	vadd.f32 v2, v4;
	v4 =	vld [tilespmem:s7+$0x40]  }
0x42e: {  	v5 =	vld [tilespmem:s3+$0xFFFFFE50];
	v1 =	vadd.f32 v1, v3  }
0x42f: {  	[tilespmem:s7+$0x30] =	vst v2;
	v3 =	vld [tilespmem:s7+$0xFFFFFFC0]  }
0x430: {  	v2 =	vld [tilespmem:s3+$0xFFFFFF50];
	[tilespmem:s7+$0xFFFFFFB0] =	vst v1  }
0x431: {  	v0 =	vadd.f32 v7, v0;
	v1 =	vld [tilespmem:s3+$0xFFFFFED0];
	_ =	sdelay $0x1  }
0x432: {  	[tilespmem:s7+$0xC0] =	vst v0;
	v0 =	vld [tilespmem:s7+$0xD0]  }
0x433: {  	v5 =	vadd.f32 v5, v6;
	v7 =	vld [tilespmem:s3+$0xFFFFFFE0]  }
0x434: {  	v6 =	vld [tilespmem:s7+$0xFFFFFF50]  }
0x435: {  	[tilespmem:s7+$0xFFFFFF40] =	vst v5;
	v2 =	vadd.f32 v2, v4;
	v4 =	vld [tilespmem:s7+$0x50];
	v1 =	vadd.f32 v1, v3  }
0x436: {  	v5 =	vld [tilespmem:s3+$0xFFFFFE60]  }
0x437: {  	v3 =	vld [tilespmem:s7+$0xFFFFFFD0];
	[tilespmem:s7+$0xFFFFFFC0] =	vst v1  }
0x438: {  	[tilespmem:s7+$0x40] =	vst v2;
	v0 =	vadd.f32 v7, v0;
	v1 =	vld [tilespmem:s3+$0xFFFFFEE0]  }
0x439: {  	v7 =	vld [tilespmem:s3+$0xFFFFFF60]  }
0x43a: {  	v8 =	vld [tilespmem:s7+$0xE0];
	[tilespmem:s7+$0xD0] =	vst v0  }
0x43b: {  	v0 =	vadd.f32 v5, v6;
	v9 =	vld [tilespmem:s3+$0xFFFFFFF0]  }
0x43c: {  	v2 =	vld [tilespmem:s7+$0xFFFFFF60]  }
0x43d: {  	[tilespmem:s7+$0xFFFFFF50] =	vst v0;
	v0 =	vld [tilespmem:s7+$0x60];
	v3 =	vadd.f32 v1, v3  }
0x43e: {  	v1 =	vld [tilespmem:s7+$0xFFFFFFE0];
	v4 =	vadd.f32 v7, v4  }
0x43f: {  	v6 =	vld [tilespmem:s3+$0xFFFFFE70];
	[tilespmem:s7+$0xFFFFFFD0] =	vst v3  }
0x440: {  	[tilespmem:s7+$0x50] =	vst v4;
	v3 =	vadd.f32 v9, v8;
	v7 =	vld [tilespmem:s3+$0xFFFFFEF0]  }
0x441: {  	v5 =	vld [tilespmem:s3+$0xFFFFFF70]  }
0x442: {  	s8 =	smov.u32 s11;
	[tilespmem:s7+$0xE0] =	vst v3;
	v3 =	vld [tilespmem:s7+$0xF0]  }
0x443: {  	s18 =	sadd.s32 $0x4, s12;
	s13 =	simm.s32 $0x14100;
	s15 =	simm.s32 $0x0;
	v4 =	vld [tilespmem:s3+$0x0]  }
.LBB2_17:
0x444: {  	s19 =	smulhi.u32 $0x51EB851F, s18;
	s15 =	sadd.s32 $0x4, s15;
	v2 =	vadd.f32 v6, v2;
	v6 =	vld [tilespmem:s7+$0xFFFFFF70]  }
0x445: {  	p0 =	slt.u32 s15, $0x7C;
	v1 =	vadd.f32 v7, v1;
	v7 =	vld [tilespmem:s7+$0xFFFFFFF0]  }
0x446: {  	s19 =	sshrl.u32 s19, $0x6;
	[tilespmem:s7+$0xFFFFFF60] =	vst v2;
	v0 =	vadd.f32 v5, v0;
	v2 =	vld [tilespmem:s7+$0x70]  }
0x447: {  	s19 =	smul.u32 $0xFFFE7000, s19;
	v5 =	vld [tilespmem:s3+$0xFFFFFE80];
	[tilespmem:s7+$0xFFFFFFE0] =	vst v1  }
0x448: {  	v1 =	vld [tilespmem:s3+$0xFFFFFF00];
	[tilespmem:s7+$0x60] =	vst v0;
	v0 =	vadd.f32 v4, v3  }
0x449: {  	s8 =	sadd.s32 $0x200, s8;
	s7 =	sadd.s32 $0x200, s7;
	s19 =	sshra.s32 s19, $0x2;
	v3 =	vld [tilespmem:s3+$0xFFFFFF80]  }
0x44a: {  	s3 =	sadd.s32 s19, s8;
	v4 =	vld [tilespmem:s7+$0x80];
	[tilespmem:s13+$0xF0] =	vst v0  }
0x44b: {  	v0 =	vld [tilespmem:s3+$0xFFFFFF90]  }
0x44c: {  	v8 =	vld [tilespmem:s3+$0xFFFFFE10];
	v5 =	vadd.f32 v5, v6  }
0x44d: {  	v6 =	vld [tilespmem:s3+$0xFFFFFE90];
	v1 =	vadd.f32 v1, v7  }
0x44e: {  	v7 =	vld [tilespmem:s3+$0xFFFFFF10];
	[tilespmem:s13+$0xFFFFFF70] =	vst v5;
	v2 =	vadd.f32 v3, v2  }
0x44f: {  	v3 =	vld [tilespmem:s7+$0xFFFFFF00];
	[tilespmem:s13+$0xFFFFFFF0] =	vst v1  }
0x450: {  	v1 =	vld [tilespmem:s7+$0xFFFFFF80];
	v0 =	vadd.f32 v0, v4;
	[tilespmem:s13+$0x70] =	vst v2;
	s13 =	smov.u32 s7  }
0x451: {  	v2 =	vld [tilespmem:s7+$0x0]  }
0x452: {  	[tilespmem:s7+$0x80] =	vst v0;
	v0 =	vld [tilespmem:s7+$0x90]  }
0x453: {  	v4 =	vld [tilespmem:s3+$0xFFFFFFA0]  }
0x454: {  	v3 =	vadd.f32 v8, v3;
	v5 =	vld [tilespmem:s7+$0xFFFFFF10]  }
0x455: {  	v1 =	vadd.f32 v6, v1;
	v6 =	vld [tilespmem:s7+$0xFFFFFF90]  }
0x456: {  	[tilespmem:s7+$0xFFFFFF00] =	vst v3;
	v2 =	vadd.f32 v7, v2;
	v3 =	vld [tilespmem:s7+$0x10]  }
0x457: {  	v7 =	vld [tilespmem:s3+$0xFFFFFE20];
	[tilespmem:s7+$0xFFFFFF80] =	vst v1  }
0x458: {  	v1 =	vld [tilespmem:s3+$0xFFFFFEA0];
	[tilespmem:s7+$0x0] =	vst v2;
	v0 =	vadd.f32 v4, v0  }
0x459: {  	v2 =	vld [tilespmem:s3+$0xFFFFFF20]  }
0x45a: {  	[tilespmem:s7+$0x90] =	vst v0;
	v0 =	vld [tilespmem:s7+$0xA0]  }
0x45b: {  	v4 =	vld [tilespmem:s3+$0xFFFFFFB0]  }
0x45c: {  	v5 =	vadd.f32 v7, v5;
	v7 =	vld [tilespmem:s7+$0xFFFFFF20]  }
0x45d: {  	v1 =	vadd.f32 v1, v6;
	v6 =	vld [tilespmem:s7+$0xFFFFFFA0]  }
0x45e: {  	[tilespmem:s7+$0xFFFFFF10] =	vst v5;
	v2 =	vadd.f32 v2, v3;
	v3 =	vld [tilespmem:s7+$0x20]  }
0x45f: {  	v5 =	vld [tilespmem:s3+$0xFFFFFE30];
	[tilespmem:s7+$0xFFFFFF90] =	vst v1  }
0x460: {  	v1 =	vld [tilespmem:s3+$0xFFFFFEB0];
	[tilespmem:s7+$0x10] =	vst v2;
	v0 =	vadd.f32 v4, v0  }
0x461: {  	v2 =	vld [tilespmem:s3+$0xFFFFFF30]  }
0x462: {  	[tilespmem:s7+$0xA0] =	vst v0;
	v0 =	vld [tilespmem:s7+$0xB0]  }
0x463: {  	v4 =	vld [tilespmem:s3+$0xFFFFFFC0]  }
0x464: {  	v5 =	vadd.f32 v5, v7;
	v7 =	vld [tilespmem:s7+$0xFFFFFF30]  }
0x465: {  	v1 =	vadd.f32 v1, v6;
	v6 =	vld [tilespmem:s7+$0xFFFFFFB0]  }
0x466: {  	[tilespmem:s7+$0xFFFFFF20] =	vst v5;
	v2 =	vadd.f32 v2, v3;
	v3 =	vld [tilespmem:s7+$0x30]  }
0x467: {  	v5 =	vld [tilespmem:s3+$0xFFFFFE40];
	[tilespmem:s7+$0xFFFFFFA0] =	vst v1  }
0x468: {  	v1 =	vld [tilespmem:s3+$0xFFFFFEC0];
	[tilespmem:s7+$0x20] =	vst v2;
	v0 =	vadd.f32 v4, v0  }
0x469: {  	v2 =	vld [tilespmem:s3+$0xFFFFFF40]  }
0x46a: {  	[tilespmem:s7+$0xB0] =	vst v0;
	v0 =	vld [tilespmem:s7+$0xC0]  }
0x46b: {  	v4 =	vld [tilespmem:s3+$0xFFFFFFD0]  }
0x46c: {  	v5 =	vadd.f32 v5, v7;
	v7 =	vld [tilespmem:s7+$0xFFFFFF40]  }
0x46d: {  	v1 =	vadd.f32 v1, v6;
	v6 =	vld [tilespmem:s7+$0xFFFFFFC0]  }
0x46e: {  	[tilespmem:s7+$0xFFFFFF30] =	vst v5;
	v2 =	vadd.f32 v2, v3;
	v3 =	vld [tilespmem:s7+$0x40]  }
0x46f: {  	v5 =	vld [tilespmem:s3+$0xFFFFFE50];
	[tilespmem:s7+$0xFFFFFFB0] =	vst v1  }
0x470: {  	v1 =	vld [tilespmem:s3+$0xFFFFFED0];
	[tilespmem:s7+$0x30] =	vst v2;
	v0 =	vadd.f32 v4, v0  }
0x471: {  	v2 =	vld [tilespmem:s3+$0xFFFFFF50]  }
0x472: {  	[tilespmem:s7+$0xC0] =	vst v0;
	v0 =	vld [tilespmem:s7+$0xD0]  }
0x473: {  	v4 =	vld [tilespmem:s3+$0xFFFFFFE0]  }
0x474: {  	v5 =	vadd.f32 v5, v7;
	v7 =	vld [tilespmem:s7+$0xFFFFFF50]  }
0x475: {  	v1 =	vadd.f32 v1, v6;
	v6 =	vld [tilespmem:s7+$0xFFFFFFD0]  }
0x476: {  	[tilespmem:s7+$0xFFFFFF40] =	vst v5;
	v2 =	vadd.f32 v2, v3;
	v3 =	vld [tilespmem:s7+$0x50]  }
0x477: {  	v5 =	vld [tilespmem:s3+$0xFFFFFE60];
	[tilespmem:s7+$0xFFFFFFC0] =	vst v1  }
0x478: {  	v1 =	vld [tilespmem:s3+$0xFFFFFEE0];
	[tilespmem:s7+$0x40] =	vst v2;
	v0 =	vadd.f32 v4, v0  }
0x479: {  	v4 =	vld [tilespmem:s3+$0xFFFFFF60]  }
0x47a: {  	[tilespmem:s7+$0xD0] =	vst v0;
	v8 =	vld [tilespmem:s7+$0xE0]  }
0x47b: {  	v9 =	vld [tilespmem:s3+$0xFFFFFFF0]  }
0x47c: {  	v0 =	vadd.f32 v5, v7;
	v2 =	vld [tilespmem:s7+$0xFFFFFF60]  }
0x47d: {  	v5 =	vadd.f32 v1, v6;
	v1 =	vld [tilespmem:s7+$0xFFFFFFE0]  }
0x47e: {  	[tilespmem:s7+$0xFFFFFF50] =	vst v0;
	v3 =	vadd.f32 v4, v3;
	v0 =	vld [tilespmem:s7+$0x60]  }
.Ltmp8:
0x47f: {  	v6 =	vld [tilespmem:s3+$0xFFFFFE70];
	[tilespmem:s7+$0xFFFFFFD0] =	vst v5;
	(pc) =	sbr.rel @p0 .LBB2_17-.Ltmp8, $4  }
0x480: {  	v7 =	vld [tilespmem:s3+$0xFFFFFEF0];
	[tilespmem:s7+$0x50] =	vst v3;
	v3 =	vadd.f32 v9, v8  }
0x481: {  	v5 =	vld [tilespmem:s3+$0xFFFFFF70]  }
0x482: {  	[tilespmem:s7+$0xE0] =	vst v3;
	v3 =	vld [tilespmem:s7+$0xF0]  }
0x483: {  	s18 =	sadd.s32 $0x4, s18;
	v4 =	vld [tilespmem:s3+$0x0]  }
0x484: {  	v2 =	vadd.f32 v6, v2;
	v59 =	vld [tilespmem:s7+$0xFFFFFF70]  }
0x485: {  	v60 =	vld [tilespmem:s7+$0xFFFFFFF0];
	v1 =	vadd.f32 v7, v1  }
0x486: {  	v61 =	vld [tilespmem:s7+$0x70];
	[tilespmem:s7+$0xFFFFFF60] =	vst v2;
	v0 =	vadd.f32 v5, v0  }
0x487: {  	v62 =	vld [tilespmem:s3+$0xFFFFFE80];
	[tilespmem:s7+$0xFFFFFFE0] =	vst v1  }
0x488: {  	v1 =	vld [tilespmem:s3+$0xFFFFFF00];
	[tilespmem:s7+$0x60] =	vst v0  }
0x489: {  	v0 =	vld [tilespmem:s3+$0xFFFFFF80];
	_ =	sdelay $0x1  }
0x48a: {  	s16 =	sadd.s32 $0x1, s16;
	v3 =	vadd.f32 v4, v3  }
0x48b: {  	s22 =	sadd.s32 s6, s14;
	p0 =	sne.s32 s16, $0xB;
	v63 =	vadd.f32 v62, v59  }
.Ltmp9:
0x48c: {  	s2 =	simm.s32 $0x14000;
	s24 =	sadd.s32 $0x10000, s24;
	[tilespmem:s13+$0xF0] =	vst v3;
	v1 =	vadd.f32 v1, v60;
	(pc) =	sbr.rel @p0 .LBB2_10-.Ltmp9, $4  }
0x48d: {  	s29 =	sadd.s32 $0x200, s29;
	s26 =	sadd.s32 $0x10000, s26;
	s21 =	sadd.s32 $0x200, s21;
	[tilespmem:s13+$0xFFFFFF70] =	vst v63;
	v0 =	vadd.f32 v0, v61  }
0x48e: {  	s9 =	sadd.s32 $0x10000, s9;
	s10 =	sadd.s32 $0x200, s10;
	s3 =	sshll.u32 s22, $0x4;
	[tilespmem:s13+$0xFFFFFFF0] =	vst v1  }
0x48f: {  	s11 =	sadd.s32 $0x10000, s11;
	s12 =	sadd.s32 $0x200, s12;
	s3 =	sadd.s32 s4, s3;
	[tilespmem:s13+$0x70] =	vst v0  }
0x490: {  	[hbm4b:s3+s5] =	stream.linear.scatter [tilespmem:s2], [sflag:$0x8], $0x4000, $0x38;
	[tilespmem:$0x18000] =	vst v63  }
0x491: {  	s8 =	simm.s32 $0x0  }
0x492: {  	s3 =	sor.u32 $0x1803, s8  }
0x493: {  	_ =	swait.ge [sflag:s20], $0x4000;
	s7 =	sand.u32 $0xFFF8, s3  }
0x494: {  	[sflag:s20] =	ssyncset.done $0x0;
	s9 =	sor.u32 $0x1800, s8;
	s7 =	sshrl.u32 s7, $0x3  }
0x495: {  	s12 =	sor.u32 $0x1801, s8;
	s10 =	sand.u32 $0xFFF8, s9;
	s11 =	smul.u32 $0x147B, s7  }
0x496: {  	s14 =	sor.u32 $0x1802, s8;
	[sflag:s20] =	ssyncadd.s32 $0xFFFFC000;
	s10 =	sshrl.u32 s10, $0x3  }
0x497: {  	s13 =	sand.u32 $0xFFF8, s12;
	s10 =	smul.u32 $0x147B, s10;
	s11 =	sshrl.u32 s11, $0x11  }
0x498: {  	s15 =	sand.u32 $0xFFF8, s14;
	s13 =	sshrl.u32 s13, $0x3;
	s11 =	smul.u32 $0xC8, s11  }
0x499: {  	s15 =	sshrl.u32 s15, $0x3;
	s13 =	smul.u32 $0x147B, s13;
	s10 =	sshrl.u32 s10, $0x11  }
0x49a: {  	s7 =	simm.s32 $0x8100;
	s10 =	smul.u32 $0xC8, s10;
	s3 =	ssub.s32 s3, s11  }
0x49b: {  	s26 =	smul.u32 $0x147B, s15;
	s24 =	sshrl.u32 s13, $0x11;
	s3 =	sand.u32 $0xFFFF, s3  }
0x49c: {  	v0 =	vld [tilespmem:s7+$0x80];
	s10 =	ssub.s32 s9, s10;
	s11 =	smul.u32 $0xC8, s24;
	s9 =	sshll.u32 s3, $0x7  }
0x49d: {  	s29 =	sshrl.u32 s26, $0x11;
	s10 =	sand.u32 $0xFFFF, s10;
	v1 =	vld [tilespmem:s9+$0x1C00]  }
0x49e: {  	v2 =	vld [tilespmem:s7+$0xFFFFFF00];
	s3 =	smul.u32 $0xC8, s29;
	s10 =	sshll.u32 s10, $0x7;
	s11 =	ssub.s32 s12, s11  }
0x49f: {  	v3 =	vld [tilespmem:s10+$0x1C00];
	s11 =	sand.u32 $0xFFFF, s11  }
0x4a0: {  	v4 =	vld [tilespmem:s7+$0xFFFFFF80];
	s3 =	ssub.s32 s14, s3;
	s11 =	sshll.u32 s11, $0x7  }
0x4a1: {  	s3 =	sand.u32 $0xFFFF, s3;
	v5 =	vld [tilespmem:s11+$0x1C00]  }
0x4a2: {  	v6 =	vld [tilespmem:s7+$0x0];
	s3 =	sshll.u32 s3, $0x7;
	v0 =	vadd.f32 v1, v0  }
0x4a3: {  	v1 =	vld [tilespmem:s3+$0x1C00]  }
0x4a4: {  	v2 =	vadd.f32 v3, v2;
	[tilespmem:s7+$0x80] =	vst v0;
	v0 =	vld [tilespmem:s7+$0x90]  }
0x4a5: {  	v3 =	vld [tilespmem:s9+$0x1C10]  }
0x4a6: {  	[tilespmem:s7+$0xFFFFFF00] =	vst v2;
	v2 =	vadd.f32 v5, v4;
	v4 =	vld [tilespmem:s7+$0xFFFFFF10]  }
0x4a7: {  	v5 =	vld [tilespmem:s10+$0x1C10]  }
0x4a8: {  	[tilespmem:s7+$0xFFFFFF80] =	vst v2;
	v2 =	vld [tilespmem:s7+$0xFFFFFF90];
	v1 =	vadd.f32 v1, v6  }
0x4a9: {  	v6 =	vld [tilespmem:s11+$0x1C10]  }
0x4aa: {  	[tilespmem:s7+$0x0] =	vst v1;
	v1 =	vld [tilespmem:s7+$0x10];
	v0 =	vadd.f32 v3, v0  }
0x4ab: {  	v3 =	vld [tilespmem:s3+$0x1C10]  }
0x4ac: {  	v4 =	vadd.f32 v5, v4;
	[tilespmem:s7+$0x90] =	vst v0;
	v0 =	vld [tilespmem:s7+$0xA0]  }
0x4ad: {  	v5 =	vld [tilespmem:s9+$0x1C20]  }
0x4ae: {  	[tilespmem:s7+$0xFFFFFF10] =	vst v4;
	v2 =	vadd.f32 v6, v2;
	v4 =	vld [tilespmem:s7+$0xFFFFFF20]  }
0x4af: {  	v6 =	vld [tilespmem:s10+$0x1C20]  }
0x4b0: {  	[tilespmem:s7+$0xFFFFFF90] =	vst v2;
	v2 =	vld [tilespmem:s7+$0xFFFFFFA0];
	v1 =	vadd.f32 v3, v1  }
0x4b1: {  	v3 =	vld [tilespmem:s11+$0x1C20]  }
0x4b2: {  	[tilespmem:s7+$0x10] =	vst v1;
	v1 =	vld [tilespmem:s7+$0x20];
	v0 =	vadd.f32 v5, v0  }
0x4b3: {  	v5 =	vld [tilespmem:s3+$0x1C20]  }
0x4b4: {  	v4 =	vadd.f32 v6, v4;
	[tilespmem:s7+$0xA0] =	vst v0;
	v0 =	vld [tilespmem:s7+$0xB0]  }
0x4b5: {  	v6 =	vld [tilespmem:s9+$0x1C30]  }
0x4b6: {  	[tilespmem:s7+$0xFFFFFF20] =	vst v4;
	v2 =	vadd.f32 v3, v2;
	v3 =	vld [tilespmem:s7+$0xFFFFFF30]  }
0x4b7: {  	v4 =	vld [tilespmem:s10+$0x1C30]  }
0x4b8: {  	[tilespmem:s7+$0xFFFFFFA0] =	vst v2;
	v2 =	vld [tilespmem:s7+$0xFFFFFFB0];
	v1 =	vadd.f32 v5, v1  }
0x4b9: {  	v5 =	vld [tilespmem:s11+$0x1C30]  }
0x4ba: {  	[tilespmem:s7+$0x20] =	vst v1;
	v1 =	vld [tilespmem:s7+$0x30];
	v0 =	vadd.f32 v6, v0  }
0x4bb: {  	v6 =	vld [tilespmem:s3+$0x1C30]  }
0x4bc: {  	v3 =	vadd.f32 v4, v3;
	[tilespmem:s7+$0xB0] =	vst v0;
	v0 =	vld [tilespmem:s7+$0xC0]  }
0x4bd: {  	v4 =	vld [tilespmem:s9+$0x1C40]  }
0x4be: {  	[tilespmem:s7+$0xFFFFFF30] =	vst v3;
	v2 =	vadd.f32 v5, v2;
	v3 =	vld [tilespmem:s7+$0xFFFFFF40]  }
0x4bf: {  	v5 =	vld [tilespmem:s10+$0x1C40]  }
0x4c0: {  	[tilespmem:s7+$0xFFFFFFB0] =	vst v2;
	v2 =	vld [tilespmem:s7+$0xFFFFFFC0];
	v1 =	vadd.f32 v6, v1  }
0x4c1: {  	v6 =	vld [tilespmem:s11+$0x1C40]  }
0x4c2: {  	[tilespmem:s7+$0x30] =	vst v1;
	v1 =	vld [tilespmem:s7+$0x40];
	v0 =	vadd.f32 v4, v0  }
0x4c3: {  	v4 =	vld [tilespmem:s3+$0x1C40]  }
0x4c4: {  	v3 =	vadd.f32 v5, v3;
	[tilespmem:s7+$0xC0] =	vst v0;
	v0 =	vld [tilespmem:s7+$0xD0]  }
0x4c5: {  	v5 =	vld [tilespmem:s9+$0x1C50]  }
0x4c6: {  	[tilespmem:s7+$0xFFFFFF40] =	vst v3;
	v2 =	vadd.f32 v6, v2;
	v3 =	vld [tilespmem:s7+$0xFFFFFF50]  }
0x4c7: {  	v6 =	vld [tilespmem:s10+$0x1C50]  }
0x4c8: {  	v7 =	vld [tilespmem:s7+$0xFFFFFFD0];
	[tilespmem:s7+$0xFFFFFFC0] =	vst v2;
	v1 =	vadd.f32 v4, v1  }
0x4c9: {  	v8 =	vld [tilespmem:s11+$0x1C50]  }
0x4ca: {  	[tilespmem:s7+$0x40] =	vst v1;
	v0 =	vadd.f32 v5, v0;
	v5 =	vld [tilespmem:s7+$0x50]  }
0x4cb: {  	v9 =	vld [tilespmem:s3+$0x1C50]  }
0x4cc: {  	v2 =	vld [tilespmem:s7+$0xE0];
	v1 =	vadd.f32 v6, v3;
	[tilespmem:s7+$0xD0] =	vst v0  }
0x4cd: {  	v4 =	vld [tilespmem:s9+$0x1C60]  }
0x4ce: {  	[tilespmem:s7+$0xFFFFFF50] =	vst v1;
	v0 =	vadd.f32 v8, v7;
	v1 =	vld [tilespmem:s7+$0xFFFFFF60]  }
0x4cf: {  	v3 =	vld [tilespmem:s10+$0x1C60]  }
0x4d0: {  	s12 =	simm.s32 $0x8100;
	[tilespmem:s7+$0xFFFFFFD0] =	vst v0;
	v0 =	vld [tilespmem:s7+$0xFFFFFFE0];
	v5 =	vadd.f32 v9, v5  }
.LBB2_20:
0x4d1: {  	s8 =	sadd.s32 $0x4, s8;
	v6 =	vld [tilespmem:s11+$0x1C60]  }
0x4d2: {  	s15 =	sor.u32 $0x1800, s8;
	s13 =	sor.u32 $0x1801, s8;
	s16 =	sor.u32 $0x1803, s8;
	[tilespmem:s7+$0x50] =	vst v5;
	v5 =	vld [tilespmem:s7+$0x60];
	v2 =	vadd.f32 v4, v2  }
0x4d3: {  	s14 =	sor.u32 $0x1802, s8;
	s18 =	sand.u32 $0xFFF8, s15;
	s19 =	sand.u32 $0xFFF8, s16;
	v4 =	vld [tilespmem:s3+$0x1C60]  }
0x4d4: {  	s21 =	sand.u32 $0xFFF8, s13;
	s22 =	sand.u32 $0xFFF8, s14;
	s19 =	sshrl.u32 s19, $0x3;
	v1 =	vadd.f32 v3, v1;
	[tilespmem:s7+$0xE0] =	vst v2;
	v2 =	vld [tilespmem:s7+$0xF0]  }
0x4d5: {  	s18 =	sshrl.u32 s18, $0x3;
	s21 =	sshrl.u32 s21, $0x3;
	s19 =	smul.u32 $0x147B, s19;
	v3 =	vld [tilespmem:s9+$0x1C70]  }
0x4d6: {  	p0 =	slt.u32 s8, $0x7C;
	s9 =	smul.u32 $0x147B, s18;
	s18 =	sshrl.u32 s22, $0x3;
	[tilespmem:s7+$0xFFFFFF60] =	vst v1;
	v1 =	vld [tilespmem:s7+$0xFFFFFF70];
	v0 =	vadd.f32 v6, v0  }
0x4d7: {  	s21 =	smul.u32 $0x147B, s21;
	s19 =	sshrl.u32 s19, $0x11;
	v6 =	vld [tilespmem:s10+$0x1C70]  }
0x4d8: {  	s9 =	sshrl.u32 s9, $0x11;
	s10 =	smul.u32 $0xC8, s19;
	[tilespmem:s7+$0xFFFFFFE0] =	vst v0;
	v0 =	vld [tilespmem:s7+$0xFFFFFFF0];
	v4 =	vadd.f32 v4, v5  }
0x4d9: {  	s18 =	smul.u32 $0x147B, s18;
	s19 =	sshrl.u32 s21, $0x11;
	v5 =	vld [tilespmem:s11+$0x1C70]  }
0x4da: {  	s9 =	smul.u32 $0xC8, s9;
	s10 =	ssub.s32 s16, s10;
	[tilespmem:s7+$0x60] =	vst v4;
	v4 =	vld [tilespmem:s7+$0x70];
	v2 =	vadd.f32 v3, v2  }
0x4db: {  	s11 =	sshrl.u32 s18, $0x11;
	s7 =	sadd.s32 $0x200, s7;
	s10 =	sand.u32 $0xFFFF, s10;
	v3 =	vld [tilespmem:s3+$0x1C70]  }
0x4dc: {  	s3 =	ssub.s32 s15, s9;
	s15 =	smul.u32 $0xC8, s19;
	v7 =	vld [tilespmem:s7+$0x80];
	s9 =	sshll.u32 s10, $0x7;
	v1 =	vadd.f32 v6, v1;
	[tilespmem:s12+$0xF0] =	vst v2  }
0x4dd: {  	s11 =	smul.u32 $0xC8, s11;
	s3 =	sand.u32 $0xFFFF, s3;
	v2 =	vld [tilespmem:s9+$0x1C00]  }
0x4de: {  	s10 =	sshll.u32 s3, $0x7;
	s3 =	ssub.s32 s13, s15;
	v6 =	vld [tilespmem:s7+$0xFFFFFF00];
	[tilespmem:s12+$0xFFFFFF70] =	vst v1;
	v0 =	vadd.f32 v5, v0  }
0x4df: {  	s13 =	ssub.s32 s14, s11;
	s3 =	sand.u32 $0xFFFF, s3;
	v1 =	vld [tilespmem:s10+$0x1C00]  }
0x4e0: {  	s11 =	sshll.u32 s3, $0x7;
	s3 =	sand.u32 $0xFFFF, s13;
	v5 =	vld [tilespmem:s7+$0xFFFFFF80];
	[tilespmem:s12+$0xFFFFFFF0] =	vst v0;
	v0 =	vadd.f32 v3, v4  }
0x4e1: {  	s3 =	sshll.u32 s3, $0x7;
	v3 =	vld [tilespmem:s11+$0x1C00]  }
0x4e2: {  	v4 =	vld [tilespmem:s3+$0x1C00];
	v2 =	vadd.f32 v2, v7;
	[tilespmem:s12+$0x70] =	vst v0;
	s12 =	smov.u32 s7  }
0x4e3: {  	v0 =	vld [tilespmem:s7+$0x0]  }
0x4e4: {  	v1 =	vadd.f32 v1, v6;
	[tilespmem:s7+$0x80] =	vst v2;
	v2 =	vld [tilespmem:s7+$0x90]  }
0x4e5: {  	v6 =	vld [tilespmem:s9+$0x1C10]  }
0x4e6: {  	[tilespmem:s7+$0xFFFFFF00] =	vst v1;
	v1 =	vld [tilespmem:s7+$0xFFFFFF10];
	v3 =	vadd.f32 v3, v5  }
0x4e7: {  	v5 =	vld [tilespmem:s10+$0x1C10]  }
0x4e8: {  	[tilespmem:s7+$0xFFFFFF80] =	vst v3;
	v3 =	vld [tilespmem:s7+$0xFFFFFF90];
	v0 =	vadd.f32 v4, v0  }
0x4e9: {  	v4 =	vld [tilespmem:s11+$0x1C10]  }
0x4ea: {  	[tilespmem:s7+$0x0] =	vst v0;
	v0 =	vld [tilespmem:s7+$0x10];
	v2 =	vadd.f32 v6, v2  }
0x4eb: {  	v6 =	vld [tilespmem:s3+$0x1C10]  }
0x4ec: {  	v1 =	vadd.f32 v5, v1;
	[tilespmem:s7+$0x90] =	vst v2;
	v2 =	vld [tilespmem:s7+$0xA0]  }
0x4ed: {  	v5 =	vld [tilespmem:s9+$0x1C20]  }
0x4ee: {  	[tilespmem:s7+$0xFFFFFF10] =	vst v1;
	v1 =	vld [tilespmem:s7+$0xFFFFFF20];
	v3 =	vadd.f32 v4, v3  }
0x4ef: {  	v4 =	vld [tilespmem:s10+$0x1C20]  }
0x4f0: {  	[tilespmem:s7+$0xFFFFFF90] =	vst v3;
	v3 =	vld [tilespmem:s7+$0xFFFFFFA0];
	v0 =	vadd.f32 v6, v0  }
0x4f1: {  	v6 =	vld [tilespmem:s11+$0x1C20]  }
0x4f2: {  	[tilespmem:s7+$0x10] =	vst v0;
	v0 =	vld [tilespmem:s7+$0x20];
	v2 =	vadd.f32 v5, v2  }
0x4f3: {  	v5 =	vld [tilespmem:s3+$0x1C20]  }
0x4f4: {  	v1 =	vadd.f32 v4, v1;
	[tilespmem:s7+$0xA0] =	vst v2;
	v2 =	vld [tilespmem:s7+$0xB0]  }
0x4f5: {  	v4 =	vld [tilespmem:s9+$0x1C30]  }
0x4f6: {  	[tilespmem:s7+$0xFFFFFF20] =	vst v1;
	v1 =	vld [tilespmem:s7+$0xFFFFFF30];
	v3 =	vadd.f32 v6, v3  }
0x4f7: {  	v6 =	vld [tilespmem:s10+$0x1C30]  }
0x4f8: {  	[tilespmem:s7+$0xFFFFFFA0] =	vst v3;
	v3 =	vld [tilespmem:s7+$0xFFFFFFB0];
	v0 =	vadd.f32 v5, v0  }
0x4f9: {  	v5 =	vld [tilespmem:s11+$0x1C30]  }
0x4fa: {  	[tilespmem:s7+$0x20] =	vst v0;
	v0 =	vld [tilespmem:s7+$0x30];
	v2 =	vadd.f32 v4, v2  }
0x4fb: {  	v4 =	vld [tilespmem:s3+$0x1C30]  }
0x4fc: {  	v1 =	vadd.f32 v6, v1;
	[tilespmem:s7+$0xB0] =	vst v2;
	v2 =	vld [tilespmem:s7+$0xC0]  }
0x4fd: {  	v6 =	vld [tilespmem:s9+$0x1C40]  }
0x4fe: {  	[tilespmem:s7+$0xFFFFFF30] =	vst v1;
	v1 =	vld [tilespmem:s7+$0xFFFFFF40];
	v3 =	vadd.f32 v5, v3  }
0x4ff: {  	v5 =	vld [tilespmem:s10+$0x1C40]  }
0x500: {  	[tilespmem:s7+$0xFFFFFFB0] =	vst v3;
	v3 =	vld [tilespmem:s7+$0xFFFFFFC0];
	v0 =	vadd.f32 v4, v0  }
0x501: {  	v4 =	vld [tilespmem:s11+$0x1C40]  }
0x502: {  	[tilespmem:s7+$0x30] =	vst v0;
	v0 =	vld [tilespmem:s7+$0x40];
	v2 =	vadd.f32 v6, v2  }
0x503: {  	v6 =	vld [tilespmem:s3+$0x1C40]  }
0x504: {  	v1 =	vadd.f32 v5, v1;
	[tilespmem:s7+$0xC0] =	vst v2;
	v2 =	vld [tilespmem:s7+$0xD0]  }
0x505: {  	v5 =	vld [tilespmem:s9+$0x1C50]  }
0x506: {  	[tilespmem:s7+$0xFFFFFF40] =	vst v1;
	v1 =	vld [tilespmem:s7+$0xFFFFFF50];
	v3 =	vadd.f32 v4, v3  }
0x507: {  	v4 =	vld [tilespmem:s10+$0x1C50]  }
0x508: {  	[tilespmem:s7+$0xFFFFFFC0] =	vst v3;
	v3 =	vld [tilespmem:s7+$0xFFFFFFD0];
	v0 =	vadd.f32 v6, v0  }
0x509: {  	v6 =	vld [tilespmem:s11+$0x1C50]  }
0x50a: {  	[tilespmem:s7+$0x40] =	vst v0;
	v7 =	vld [tilespmem:s7+$0x50];
	v0 =	vadd.f32 v5, v2  }
0x50b: {  	v5 =	vld [tilespmem:s3+$0x1C50]  }
.Ltmp10:
0x50c: {  	v1 =	vadd.f32 v4, v1;
	[tilespmem:s7+$0xD0] =	vst v0;
	v2 =	vld [tilespmem:s7+$0xE0];
	(pc) =	sbr.rel @p0 .LBB2_20-.Ltmp10, $4  }
0x50d: {  	v4 =	vld [tilespmem:s9+$0x1C60]  }
0x50e: {  	[tilespmem:s7+$0xFFFFFF50] =	vst v1;
	v1 =	vld [tilespmem:s7+$0xFFFFFF60];
	v0 =	vadd.f32 v6, v3  }
0x50f: {  	v3 =	vld [tilespmem:s10+$0x1C60]  }
0x510: {  	[tilespmem:s7+$0xFFFFFFD0] =	vst v0;
	v0 =	vld [tilespmem:s7+$0xFFFFFFE0];
	v5 =	vadd.f32 v5, v7  }
0x511: {  	v6 =	vld [tilespmem:s11+$0x1C60]  }
0x512: {  	[tilespmem:s7+$0x50] =	vst v5;
	v5 =	vld [tilespmem:s7+$0x60];
	v2 =	vadd.f32 v4, v2  }
0x513: {  	v4 =	vld [tilespmem:s3+$0x1C60]  }
0x514: {  	v1 =	vadd.f32 v3, v1;
	[tilespmem:s7+$0xE0] =	vst v2;
	v2 =	vld [tilespmem:s7+$0xF0]  }
0x515: {  	v3 =	vld [tilespmem:s9+$0x1C70]  }
0x516: {  	[tilespmem:s7+$0xFFFFFF60] =	vst v1;
	v0 =	vadd.f32 v6, v0;
	v1 =	vld [tilespmem:s7+$0xFFFFFF70]  }
0x517: {  	v6 =	vld [tilespmem:s10+$0x1C70]  }
0x518: {  	[tilespmem:s7+$0xFFFFFFE0] =	vst v0;
	v0 =	vadd.f32 v4, v5;
	v4 =	vld [tilespmem:s7+$0xFFFFFFF0]  }
0x519: {  	v5 =	vld [tilespmem:s11+$0x1C70]  }
0x51a: {  	[tilespmem:s7+$0x60] =	vst v0;
	v0 =	vld [tilespmem:s7+$0x70]  }
0x51b: {  	v7 =	vld [tilespmem:s3+$0x1C70];
	_ =	sdelay $0x1  }
0x51c: {  	v2 =	vadd.f32 v3, v2  }
0x51d: {  	v1 =	vadd.f32 v6, v1  }
0x51e: {  	[tilespmem:s12+$0xF0] =	vst v2;
	v2 =	vadd.f32 v5, v4  }
0x51f: {  	s8 =	simm.s32 $0x0;
	[tilespmem:s12+$0xFFFFFF70] =	vst v1;
	v0 =	vadd.f32 v7, v0  }
0x520: {  	s2 =	simm.s32 $0x7;
	s18 =	sor.u32 $0x1880, s8;
	s22 =	sor.u32 $0x1881, s8;
	[tilespmem:s12+$0xFFFFFFF0] =	vst v2  }
0x521: {  	s14 =	sor.u32 $0x1882, s8;
	s13 =	sand.u32 $0xFFF8, s22;
	[tilespmem:s12+$0x70] =	vst v0;
	s12 =	sor.u32 $0x1883, s8  }
0x522: {  	s13 =	sshrl.u32 s13, $0x3;
	s11 =	rddreg [dreg:$0xa];
	s16 =	sand.u32 $0xFFF8, s12  }
0x523: {  	[hbm4b:s11+s5] =	stream.linear.scatter [tilespmem:s30], [sflag:$0x5], $0x4000, $0x38;
	[tilespmem:$0x18000] =	vst v63  }
0x524: {  	s15 =	sand.u32 $0xFFF8, s14;
	s13 =	smul.u32 $0x147B, s13;
	s7 =	sshrl.u32 s16, $0x3  }
0x525: {  	s19 =	sand.u32 $0xFFF8, s18;
	s15 =	sshrl.u32 s15, $0x3;
	s21 =	smul.u32 $0x147B, s7  }
0x526: {  	s26 =	smul.u32 $0x147B, s15;
	s10 =	sshrl.u32 s19, $0x3;
	_ =	swait.ge [sflag:s2], $0x4000  }
0x527: {  	s10 =	smul.u32 $0x147B, s10;
	[sflag:s2] =	ssyncset.done $0x0;
	s11 =	sshrl.u32 s21, $0x11  }
0x528: {  	[sflag:s2] =	ssyncadd.s32 $0xFFFFC000;
	s11 =	smul.u32 $0xC8, s11  }
0x529: {  	s24 =	sshrl.u32 s13, $0x11;
	s10 =	sshrl.u32 s10, $0x11;
	_ =	swait.ge [sflag:s23], $0x4000  }
0x52a: {  	s10 =	smul.u32 $0xC8, s10;
	[sflag:s23] =	ssyncset.done $0x0;
	s3 =	ssub.s32 s12, s11  }
0x52b: {  	s7 =	simm.s32 $0xC100;
	[sflag:s23] =	ssyncadd.s32 $0xFFFFC000;
	s3 =	sand.u32 $0xFFFF, s3  }
0x52c: {  	s10 =	ssub.s32 s18, s10;
	s11 =	smul.u32 $0xC8, s24;
	v0 =	vld [tilespmem:s7+$0x80];
	s9 =	sshll.u32 s3, $0x7  }
0x52d: {  	s29 =	sshrl.u32 s26, $0x11;
	s10 =	sand.u32 $0xFFFF, s10;
	v1 =	vld [tilespmem:s9+$0x1C00]  }
0x52e: {  	s10 =	sshll.u32 s10, $0x7;
	v2 =	vld [tilespmem:s7+$0xFFFFFF00];
	s3 =	smul.u32 $0xC8, s29;
	s11 =	ssub.s32 s22, s11  }
0x52f: {  	v3 =	vld [tilespmem:s10+$0x1C00];
	s11 =	sand.u32 $0xFFFF, s11  }
0x530: {  	v4 =	vld [tilespmem:s7+$0xFFFFFF80];
	s3 =	ssub.s32 s14, s3;
	s11 =	sshll.u32 s11, $0x7  }
0x531: {  	s3 =	sand.u32 $0xFFFF, s3;
	v5 =	vld [tilespmem:s11+$0x1C00]  }
0x532: {  	v6 =	vld [tilespmem:s7+$0x0];
	s3 =	sshll.u32 s3, $0x7;
	v0 =	vadd.f32 v1, v0  }
0x533: {  	v1 =	vld [tilespmem:s3+$0x1C00]  }
0x534: {  	v2 =	vadd.f32 v3, v2;
	[tilespmem:s7+$0x80] =	vst v0;
	v0 =	vld [tilespmem:s7+$0x90]  }
0x535: {  	v3 =	vld [tilespmem:s9+$0x1C10]  }
0x536: {  	[tilespmem:s7+$0xFFFFFF00] =	vst v2;
	v2 =	vadd.f32 v5, v4;
	v4 =	vld [tilespmem:s7+$0xFFFFFF10]  }
0x537: {  	v5 =	vld [tilespmem:s10+$0x1C10]  }
0x538: {  	[tilespmem:s7+$0xFFFFFF80] =	vst v2;
	v2 =	vld [tilespmem:s7+$0xFFFFFF90];
	v1 =	vadd.f32 v1, v6  }
0x539: {  	v6 =	vld [tilespmem:s11+$0x1C10]  }
0x53a: {  	[tilespmem:s7+$0x0] =	vst v1;
	v1 =	vld [tilespmem:s7+$0x10];
	v0 =	vadd.f32 v3, v0  }
0x53b: {  	v3 =	vld [tilespmem:s3+$0x1C10]  }
0x53c: {  	v4 =	vadd.f32 v5, v4;
	[tilespmem:s7+$0x90] =	vst v0;
	v0 =	vld [tilespmem:s7+$0xA0]  }
0x53d: {  	v5 =	vld [tilespmem:s9+$0x1C20]  }
0x53e: {  	[tilespmem:s7+$0xFFFFFF10] =	vst v4;
	v4 =	vld [tilespmem:s7+$0xFFFFFF20];
	v2 =	vadd.f32 v6, v2  }
0x53f: {  	v6 =	vld [tilespmem:s10+$0x1C20]  }
0x540: {  	[tilespmem:s7+$0xFFFFFF90] =	vst v2;
	v2 =	vld [tilespmem:s7+$0xFFFFFFA0];
	v1 =	vadd.f32 v3, v1  }
0x541: {  	v3 =	vld [tilespmem:s11+$0x1C20]  }
0x542: {  	[tilespmem:s7+$0x10] =	vst v1;
	v1 =	vld [tilespmem:s7+$0x20];
	v0 =	vadd.f32 v5, v0  }
0x543: {  	v5 =	vld [tilespmem:s3+$0x1C20]  }
0x544: {  	v4 =	vadd.f32 v6, v4;
	[tilespmem:s7+$0xA0] =	vst v0;
	v0 =	vld [tilespmem:s7+$0xB0]  }
0x545: {  	v6 =	vld [tilespmem:s9+$0x1C30]  }
0x546: {  	[tilespmem:s7+$0xFFFFFF20] =	vst v4;
	v2 =	vadd.f32 v3, v2;
	v3 =	vld [tilespmem:s7+$0xFFFFFF30]  }
0x547: {  	v4 =	vld [tilespmem:s10+$0x1C30]  }
0x548: {  	[tilespmem:s7+$0xFFFFFFA0] =	vst v2;
	v2 =	vld [tilespmem:s7+$0xFFFFFFB0];
	v1 =	vadd.f32 v5, v1  }
0x549: {  	v5 =	vld [tilespmem:s11+$0x1C30]  }
0x54a: {  	[tilespmem:s7+$0x20] =	vst v1;
	v1 =	vld [tilespmem:s7+$0x30];
	v0 =	vadd.f32 v6, v0  }
0x54b: {  	v6 =	vld [tilespmem:s3+$0x1C30]  }
0x54c: {  	v3 =	vadd.f32 v4, v3;
	[tilespmem:s7+$0xB0] =	vst v0;
	v0 =	vld [tilespmem:s7+$0xC0]  }
0x54d: {  	v4 =	vld [tilespmem:s9+$0x1C40]  }
0x54e: {  	[tilespmem:s7+$0xFFFFFF30] =	vst v3;
	v3 =	vld [tilespmem:s7+$0xFFFFFF40];
	v2 =	vadd.f32 v5, v2  }
0x54f: {  	v5 =	vld [tilespmem:s10+$0x1C40]  }
0x550: {  	[tilespmem:s7+$0xFFFFFFB0] =	vst v2;
	v2 =	vld [tilespmem:s7+$0xFFFFFFC0];
	v1 =	vadd.f32 v6, v1  }
0x551: {  	v6 =	vld [tilespmem:s11+$0x1C40]  }
0x552: {  	[tilespmem:s7+$0x30] =	vst v1;
	v1 =	vld [tilespmem:s7+$0x40];
	v0 =	vadd.f32 v4, v0  }
0x553: {  	v4 =	vld [tilespmem:s3+$0x1C40]  }
0x554: {  	v3 =	vadd.f32 v5, v3;
	[tilespmem:s7+$0xC0] =	vst v0;
	v0 =	vld [tilespmem:s7+$0xD0]  }
0x555: {  	v5 =	vld [tilespmem:s9+$0x1C50]  }
0x556: {  	[tilespmem:s7+$0xFFFFFF40] =	vst v3;
	v3 =	vld [tilespmem:s7+$0xFFFFFF50];
	v2 =	vadd.f32 v6, v2  }
0x557: {  	v6 =	vld [tilespmem:s10+$0x1C50]  }
0x558: {  	v7 =	vld [tilespmem:s7+$0xFFFFFFD0];
	[tilespmem:s7+$0xFFFFFFC0] =	vst v2;
	v1 =	vadd.f32 v4, v1  }
0x559: {  	v8 =	vld [tilespmem:s11+$0x1C50]  }
0x55a: {  	[tilespmem:s7+$0x40] =	vst v1;
	v0 =	vadd.f32 v5, v0;
	v5 =	vld [tilespmem:s7+$0x50]  }
0x55b: {  	v9 =	vld [tilespmem:s3+$0x1C50]  }
0x55c: {  	v2 =	vld [tilespmem:s7+$0xE0];
	v1 =	vadd.f32 v6, v3;
	[tilespmem:s7+$0xD0] =	vst v0  }
0x55d: {  	v4 =	vld [tilespmem:s9+$0x1C60]  }
0x55e: {  	[tilespmem:s7+$0xFFFFFF50] =	vst v1;
	v1 =	vld [tilespmem:s7+$0xFFFFFF60];
	v0 =	vadd.f32 v8, v7  }
0x55f: {  	v3 =	vld [tilespmem:s10+$0x1C60]  }
0x560: {  	s12 =	simm.s32 $0xC100;
	[tilespmem:s7+$0xFFFFFFD0] =	vst v0;
	v0 =	vld [tilespmem:s7+$0xFFFFFFE0];
	v5 =	vadd.f32 v9, v5  }
.LBB2_22:
0x561: {  	s8 =	sadd.s32 $0x4, s8;
	v6 =	vld [tilespmem:s11+$0x1C60]  }
0x562: {  	s15 =	sor.u32 $0x1880, s8;
	s13 =	sor.u32 $0x1881, s8;
	s16 =	sor.u32 $0x1883, s8;
	[tilespmem:s7+$0x50] =	vst v5;
	v5 =	vld [tilespmem:s7+$0x60];
	v2 =	vadd.f32 v4, v2  }
0x563: {  	s14 =	sor.u32 $0x1882, s8;
	s18 =	sand.u32 $0xFFF8, s15;
	s19 =	sand.u32 $0xFFF8, s16;
	v4 =	vld [tilespmem:s3+$0x1C60]  }
0x564: {  	s21 =	sand.u32 $0xFFF8, s13;
	s22 =	sand.u32 $0xFFF8, s14;
	s19 =	sshrl.u32 s19, $0x3;
	v1 =	vadd.f32 v3, v1;
	[tilespmem:s7+$0xE0] =	vst v2;
	v2 =	vld [tilespmem:s7+$0xF0]  }
0x565: {  	s18 =	sshrl.u32 s18, $0x3;
	s21 =	sshrl.u32 s21, $0x3;
	s19 =	smul.u32 $0x147B, s19;
	v3 =	vld [tilespmem:s9+$0x1C70]  }
0x566: {  	p0 =	slt.u32 s8, $0x7C;
	s9 =	smul.u32 $0x147B, s18;
	s18 =	sshrl.u32 s22, $0x3;
	[tilespmem:s7+$0xFFFFFF60] =	vst v1;
	v1 =	vld [tilespmem:s7+$0xFFFFFF70];
	v0 =	vadd.f32 v6, v0  }
0x567: {  	s21 =	smul.u32 $0x147B, s21;
	s19 =	sshrl.u32 s19, $0x11;
	v6 =	vld [tilespmem:s10+$0x1C70]  }
0x568: {  	s9 =	sshrl.u32 s9, $0x11;
	s10 =	smul.u32 $0xC8, s19;
	[tilespmem:s7+$0xFFFFFFE0] =	vst v0;
	v0 =	vld [tilespmem:s7+$0xFFFFFFF0];
	v4 =	vadd.f32 v4, v5  }
0x569: {  	s18 =	smul.u32 $0x147B, s18;
	s19 =	sshrl.u32 s21, $0x11;
	v5 =	vld [tilespmem:s11+$0x1C70]  }
0x56a: {  	s9 =	smul.u32 $0xC8, s9;
	s10 =	ssub.s32 s16, s10;
	[tilespmem:s7+$0x60] =	vst v4;
	v4 =	vld [tilespmem:s7+$0x70];
	v2 =	vadd.f32 v3, v2  }
0x56b: {  	s11 =	sshrl.u32 s18, $0x11;
	s7 =	sadd.s32 $0x200, s7;
	s10 =	sand.u32 $0xFFFF, s10;
	v3 =	vld [tilespmem:s3+$0x1C70]  }
0x56c: {  	s3 =	ssub.s32 s15, s9;
	s15 =	smul.u32 $0xC8, s19;
	v7 =	vld [tilespmem:s7+$0x80];
	s9 =	sshll.u32 s10, $0x7;
	v1 =	vadd.f32 v6, v1;
	[tilespmem:s12+$0xF0] =	vst v2  }
0x56d: {  	s11 =	smul.u32 $0xC8, s11;
	s3 =	sand.u32 $0xFFFF, s3;
	v2 =	vld [tilespmem:s9+$0x1C00]  }
0x56e: {  	s10 =	sshll.u32 s3, $0x7;
	s3 =	ssub.s32 s13, s15;
	v6 =	vld [tilespmem:s7+$0xFFFFFF00];
	[tilespmem:s12+$0xFFFFFF70] =	vst v1;
	v0 =	vadd.f32 v5, v0  }
0x56f: {  	s13 =	ssub.s32 s14, s11;
	s3 =	sand.u32 $0xFFFF, s3;
	v1 =	vld [tilespmem:s10+$0x1C00]  }
0x570: {  	s11 =	sshll.u32 s3, $0x7;
	s3 =	sand.u32 $0xFFFF, s13;
	v5 =	vld [tilespmem:s7+$0xFFFFFF80];
	[tilespmem:s12+$0xFFFFFFF0] =	vst v0;
	v0 =	vadd.f32 v3, v4  }
0x571: {  	s3 =	sshll.u32 s3, $0x7;
	v3 =	vld [tilespmem:s11+$0x1C00]  }
0x572: {  	v4 =	vld [tilespmem:s3+$0x1C00];
	v2 =	vadd.f32 v2, v7;
	[tilespmem:s12+$0x70] =	vst v0;
	s12 =	smov.u32 s7  }
0x573: {  	v0 =	vld [tilespmem:s7+$0x0]  }
0x574: {  	v1 =	vadd.f32 v1, v6;
	[tilespmem:s7+$0x80] =	vst v2;
	v2 =	vld [tilespmem:s7+$0x90]  }
0x575: {  	v6 =	vld [tilespmem:s9+$0x1C10]  }
0x576: {  	[tilespmem:s7+$0xFFFFFF00] =	vst v1;
	v1 =	vld [tilespmem:s7+$0xFFFFFF10];
	v3 =	vadd.f32 v3, v5  }
0x577: {  	v5 =	vld [tilespmem:s10+$0x1C10]  }
0x578: {  	[tilespmem:s7+$0xFFFFFF80] =	vst v3;
	v3 =	vld [tilespmem:s7+$0xFFFFFF90];
	v0 =	vadd.f32 v4, v0  }
0x579: {  	v4 =	vld [tilespmem:s11+$0x1C10]  }
0x57a: {  	[tilespmem:s7+$0x0] =	vst v0;
	v0 =	vld [tilespmem:s7+$0x10];
	v2 =	vadd.f32 v6, v2  }
0x57b: {  	v6 =	vld [tilespmem:s3+$0x1C10]  }
0x57c: {  	v1 =	vadd.f32 v5, v1;
	[tilespmem:s7+$0x90] =	vst v2;
	v2 =	vld [tilespmem:s7+$0xA0]  }
0x57d: {  	v5 =	vld [tilespmem:s9+$0x1C20]  }
0x57e: {  	[tilespmem:s7+$0xFFFFFF10] =	vst v1;
	v1 =	vld [tilespmem:s7+$0xFFFFFF20];
	v3 =	vadd.f32 v4, v3  }
0x57f: {  	v4 =	vld [tilespmem:s10+$0x1C20]  }
0x580: {  	[tilespmem:s7+$0xFFFFFF90] =	vst v3;
	v3 =	vld [tilespmem:s7+$0xFFFFFFA0];
	v0 =	vadd.f32 v6, v0  }
0x581: {  	v6 =	vld [tilespmem:s11+$0x1C20]  }
0x582: {  	[tilespmem:s7+$0x10] =	vst v0;
	v0 =	vld [tilespmem:s7+$0x20];
	v2 =	vadd.f32 v5, v2  }
0x583: {  	v5 =	vld [tilespmem:s3+$0x1C20]  }
0x584: {  	v1 =	vadd.f32 v4, v1;
	[tilespmem:s7+$0xA0] =	vst v2;
	v2 =	vld [tilespmem:s7+$0xB0]  }
0x585: {  	v4 =	vld [tilespmem:s9+$0x1C30]  }
0x586: {  	[tilespmem:s7+$0xFFFFFF20] =	vst v1;
	v1 =	vld [tilespmem:s7+$0xFFFFFF30];
	v3 =	vadd.f32 v6, v3  }
0x587: {  	v6 =	vld [tilespmem:s10+$0x1C30]  }
0x588: {  	[tilespmem:s7+$0xFFFFFFA0] =	vst v3;
	v3 =	vld [tilespmem:s7+$0xFFFFFFB0];
	v0 =	vadd.f32 v5, v0  }
0x589: {  	v5 =	vld [tilespmem:s11+$0x1C30]  }
0x58a: {  	[tilespmem:s7+$0x20] =	vst v0;
	v0 =	vld [tilespmem:s7+$0x30];
	v2 =	vadd.f32 v4, v2  }
0x58b: {  	v4 =	vld [tilespmem:s3+$0x1C30]  }
0x58c: {  	v1 =	vadd.f32 v6, v1;
	[tilespmem:s7+$0xB0] =	vst v2;
	v2 =	vld [tilespmem:s7+$0xC0]  }
0x58d: {  	v6 =	vld [tilespmem:s9+$0x1C40]  }
0x58e: {  	[tilespmem:s7+$0xFFFFFF30] =	vst v1;
	v1 =	vld [tilespmem:s7+$0xFFFFFF40];
	v3 =	vadd.f32 v5, v3  }
0x58f: {  	v5 =	vld [tilespmem:s10+$0x1C40]  }
0x590: {  	[tilespmem:s7+$0xFFFFFFB0] =	vst v3;
	v3 =	vld [tilespmem:s7+$0xFFFFFFC0];
	v0 =	vadd.f32 v4, v0  }
0x591: {  	v4 =	vld [tilespmem:s11+$0x1C40]  }
0x592: {  	[tilespmem:s7+$0x30] =	vst v0;
	v0 =	vld [tilespmem:s7+$0x40];
	v2 =	vadd.f32 v6, v2  }
0x593: {  	v6 =	vld [tilespmem:s3+$0x1C40]  }
0x594: {  	v1 =	vadd.f32 v5, v1;
	[tilespmem:s7+$0xC0] =	vst v2;
	v2 =	vld [tilespmem:s7+$0xD0]  }
0x595: {  	v5 =	vld [tilespmem:s9+$0x1C50]  }
0x596: {  	[tilespmem:s7+$0xFFFFFF40] =	vst v1;
	v1 =	vld [tilespmem:s7+$0xFFFFFF50];
	v3 =	vadd.f32 v4, v3  }
0x597: {  	v4 =	vld [tilespmem:s10+$0x1C50]  }
0x598: {  	[tilespmem:s7+$0xFFFFFFC0] =	vst v3;
	v3 =	vld [tilespmem:s7+$0xFFFFFFD0];
	v0 =	vadd.f32 v6, v0  }
0x599: {  	v6 =	vld [tilespmem:s11+$0x1C50]  }
0x59a: {  	[tilespmem:s7+$0x40] =	vst v0;
	v7 =	vld [tilespmem:s7+$0x50];
	v0 =	vadd.f32 v5, v2  }
0x59b: {  	v5 =	vld [tilespmem:s3+$0x1C50]  }
.Ltmp11:
0x59c: {  	v1 =	vadd.f32 v4, v1;
	[tilespmem:s7+$0xD0] =	vst v0;
	v2 =	vld [tilespmem:s7+$0xE0];
	(pc) =	sbr.rel @p0 .LBB2_22-.Ltmp11, $4  }
0x59d: {  	v4 =	vld [tilespmem:s9+$0x1C60]  }
0x59e: {  	[tilespmem:s7+$0xFFFFFF50] =	vst v1;
	v1 =	vld [tilespmem:s7+$0xFFFFFF60];
	v0 =	vadd.f32 v6, v3  }
0x59f: {  	v3 =	vld [tilespmem:s10+$0x1C60]  }
0x5a0: {  	[tilespmem:s7+$0xFFFFFFD0] =	vst v0;
	v0 =	vld [tilespmem:s7+$0xFFFFFFE0];
	v5 =	vadd.f32 v5, v7  }
0x5a1: {  	v6 =	vld [tilespmem:s11+$0x1C60]  }
0x5a2: {  	v53 =	vld [tilespmem:s7+$0x60];
	[tilespmem:s7+$0x50] =	vst v5  }
0x5a3: {  	v54 =	vld [tilespmem:s3+$0x1C60]  }
0x5a4: {  	v55 =	vld [tilespmem:s7+$0xF0]  }
0x5a5: {  	v57 =	vld [tilespmem:s7+$0xFFFFFF70];
	v2 =	vadd.f32 v4, v2  }
0x5a6: {  	v60 =	vld [tilespmem:s7+$0xFFFFFFF0];
	v1 =	vadd.f32 v3, v1  }
0x5a7: {  	v62 =	vld [tilespmem:s7+$0x70];
	[tilespmem:s7+$0xE0] =	vst v2;
	v0 =	vadd.f32 v6, v0  }
0x5a8: {  	v56 =	vld [tilespmem:s9+$0x1C70];
	[tilespmem:s7+$0xFFFFFF60] =	vst v1;
	v59 =	vadd.f32 v54, v53  }
0x5a9: {  	v58 =	vld [tilespmem:s10+$0x1C70];
	[tilespmem:s7+$0xFFFFFFE0] =	vst v0  }
0x5aa: {  	v61 =	vld [tilespmem:s11+$0x1C70];
	[tilespmem:s7+$0x60] =	vst v59  }
0x5ab: {  	v7 =	vld [tilespmem:s3+$0x1C70];
	_ =	sdelay $0x1  }
0x5ac: {  	v2 =	vadd.f32 v56, v55  }
0x5ad: {  	v1 =	vadd.f32 v58, v57  }
0x5ae: {  	[tilespmem:s12+$0xF0] =	vst v2;
	v63 =	vadd.f32 v61, v60  }
0x5af: {  	[tilespmem:s12+$0xFFFFFF70] =	vst v1;
	v0 =	vadd.f32 v7, v62  }
0x5b0: {  	[tilespmem:s12+$0xFFFFFFF0] =	vst v63  }
0x5b1: {  	[tilespmem:s12+$0x70] =	vst v0  }
0x5b2: {  	s26 =	rddreg [dreg:$0xb]  }
0x5b3: {  	[hbm4b:s26+s5] =	stream.linear.scatter [tilespmem:s25], [sflag:$0x6], $0x4000, $0x38;
	[tilespmem:$0x18000] =	vst v63  }
0x5b4: {  	_ =	swait.ge [sflag:s0], $0x4000  }
0x5b5: {  	[sflag:s0] =	ssyncset.done $0x0  }
0x5b6: {  	[sflag:s0] =	ssyncadd.s32 $0xFFFFC000  }
0x5b7: {  	_ =	swait.ge [sflag:s28], $0x4000  }
0x5b8: {  	[sflag:s28] =	ssyncset.done $0x0  }
0x5b9: {  	[sflag:s28] =	ssyncadd.s32 $0xFFFFC000  }
0x5ba: {  	_ =	swait.ge [sflag:s31], $0x4000  }
0x5bb: {  	s2 =	rddreg [dreg:$0xd]  }
0x5bc: {  	s29 =	rddreg [dreg:$0xc];
	s2 =	sadd.s32 $0x1, s2  }
0x5bd: {  	p0 =	sne.s32 s2, s29  }
.Ltmp12:
0x5be: {  	_ = 	snop;
	(pc) =	sbr.rel @p0 .LBB2_1-.Ltmp12, $3  }
0x5bf: {  	_ =	sdelay $0x1  }
0x5c0: {  	[sflag:s31] =	ssyncset.done $0x0  }
0x5c1: {  	[sflag:s31] =	ssyncadd.s32 $0xFFFFC000  }
0x5c2: {  	_ =	sfence.sel $0x180000  }
0x5c3: {  	[bflag:$0x0] =	sbarrier.arrive $0xFFFF  }
0x5c4: {  	_ =	strace $0x90000047  }
0x5c5: {  	s0 =	stileid.u32;
	[bflag:$0x2] =	sbarrier.arrive $0xFFFF  }
0x5c6: {  	p0 =	sne.s32 s0, $0x0;
	s0 =	rddreg [dreg:$0x4]  }
0x5c7: {  	s0 =	sadd.s32 @!p0 $0x100000, s0  }
0x5c8: {  	[sflag:s0] =	ssyncadd.tile.s32 @!p0 $0x1;
	_ =	shalt  }
.Lfunc_end2:
_tile_overlayer_lowered:
.L_overlay_start_2:
0x5c9: {  	(tag) =	ssettag $0x2  }
0x5ca: {  	s0 =	rddreg [dreg:$0x0];
	s2 =	stileid.u32  }
0x5cb: {  	s1 =	rddreg [dreg:$0x1];
	p0 =	sne.s32 s2, $0x0  }
0x5cc: {  	s3 =	rddreg [dreg:$0x2];
	[bflag:$0x3] =	sbarrier.arrive $0xFFFF;
	s2 =	simm.s32 @!p0 $0x1C09  }
0x5cd: {  	[timem:s3], [sflag:s2] =	dma.local @!p0 [hbm:s0], s1  }
0x5ce: {  	s0 =	simm.s32 @!p0 $0x9  }
0x5cf: {  	_ =	swait.ge @!p0 [sflag:s0], s1  }
0x5d0: {  	s1 =	ssub.s32 @!p0 $0x0, s1;
	[sflag:s0] =	ssyncset.done @!p0 $0x0  }
0x5d1: {  	[sflag:s0] =	ssyncadd.s32 @!p0 s1  }
0x5d2: {  	[bflag:$0x3] =	sbarrier.arrive $0xFFFF  }
0x5d3: {  	_ =	shalt  }

</sc_bundles>
